<compile_context>
chip_gen: v7x
topology: tpu7x:2x2x1
jax: 0.10.2.dev20260603
libtpu: 0.0.44.dev20260713+nightly
codegen_flags: <defaults>
</compile_context>

<pallas_src>
import functools

import jax
import jax.numpy as jnp
from jax import lax
from jax.experimental import pallas as pl
from jax.experimental.pallas import tpu as pltpu
from jax.experimental.pallas import tpu_sc as plsc

N = 10000
E = 320000
C = 128
NU = 1024
EPS = 1e-5

NC = 2
NS = 16
NW = NC * NS
EPW = E // NW
KCH = 125
NCHUNK = EPW // KCH
NP = 10240
RPT = NP // NS
CW = 16



GSZ = 8
NGRP = NCHUNK // GSZ
RING = 2
PRE = 1
LAG = RING - PRE


def _seg_body(with_cnt, *refs):
    if with_cnt:
        (h_hbm, src_hbm, dst_hbm, zrow_hbm, zcnt_hbm, ones_hbm,
         agg_out, cnt_out,
         si, di, rows_v, ones_v, agg_sh, cnt_sh, gsem, ssem, isem) = refs
    else:
        (h_hbm, src_hbm, dst_hbm, zrow_hbm,
         agg_out,
         si, di, rows_v, agg_sh, gsem, ssem, isem) = refs
    c = lax.axis_index("c")
    s = lax.axis_index("s")
    wid = s * NC + c

    base = pl.multiple_of(s * RPT, 8)
    pltpu.sync_copy(zrow_hbm, agg_sh.at[pl.ds(base, RPT)])
    if with_cnt:
        pltpu.sync_copy(zcnt_hbm, cnt_sh.at[pl.ds(base, RPT)])
        pltpu.sync_copy(ones_hbm, ones_v)

    pltpu.sync_copy(src_hbm.at[wid, pl.ds(0, GSZ)], si.at[0])
    pltpu.sync_copy(dst_hbm.at[wid, pl.ds(0, GSZ)], di.at[0])
    pltpu.async_copy(src_hbm.at[wid, pl.ds(GSZ, GSZ)], si.at[1], isem.at[1])
    pltpu.async_copy(dst_hbm.at[wid, pl.ds(GSZ, GSZ)], di.at[1], isem.at[1])
    plsc.subcore_barrier()
    for j in range(PRE):
        pltpu.async_copy(h_hbm.at[si.at[0, j]], rows_v.at[j], gsem.at[j])

    def group(g, carry):
        p = g % 2
        for b in range(GSZ):
            q = (g * GSZ + b) % RING
            pltpu.make_async_copy(h_hbm.at[si.at[p, b]], rows_v.at[q],
                                  gsem.at[q]).wait()

            nb = (b + PRE) % RING
            bn = b + PRE
            if b >= LAG:
                pltpu.make_async_copy(rows_v.at[nb], agg_sh.at[di.at[p, b]],
                                      ssem.at[nb]).wait()
            else:
                @pl.when(g >= 1)
                def _():
                    pltpu.make_async_copy(rows_v.at[nb],
                                          agg_sh.at[di.at[p, b]],
                                          ssem.at[nb]).wait()
            if b == PRE:
                @pl.when((g >= 1) & (g + 1 < NGRP))
                def _():
                    nxt = pl.multiple_of((g + 1) * GSZ, 8)
                    pltpu.async_copy(src_hbm.at[wid, pl.ds(nxt, GSZ)],
                                     si.at[1 - p], isem.at[1 - p])
                    pltpu.async_copy(dst_hbm.at[wid, pl.ds(nxt, GSZ)],
                                     di.at[1 - p], isem.at[1 - p])
            if bn < GSZ:
                pltpu.async_copy(h_hbm.at[si.at[p, bn]], rows_v.at[nb],
                                 gsem.at[nb])
            elif bn - GSZ == 0:
                @pl.when(g + 1 < NGRP)
                def _():
                    pltpu.make_async_copy(src_hbm.at[wid, pl.ds(0, GSZ)],
                                          si.at[1 - p], isem.at[1 - p]).wait()
                    pltpu.make_async_copy(dst_hbm.at[wid, pl.ds(0, GSZ)],
                                          di.at[1 - p], isem.at[1 - p]).wait()
                    pltpu.async_copy(h_hbm.at[si.at[1 - p, 0]],
                                     rows_v.at[nb], gsem.at[nb])
            else:
                @pl.when(g + 1 < NGRP)
                def _():
                    pltpu.async_copy(h_hbm.at[si.at[1 - p, bn - GSZ]],
                                     rows_v.at[nb], gsem.at[nb])

            pltpu.async_copy(rows_v.at[q], agg_sh.at[di.at[p, b]],
                             ssem.at[q], add=True)
            if with_cnt:
                pltpu.sync_copy(ones_v, cnt_sh.at[di.at[p, b]], add=True)
        return carry

    lax.fori_loop(0, NGRP, group, 0)

    for j in range(NCHUNK - LAG, NCHUNK):
        pltpu.make_async_copy(rows_v.at[j % RING], agg_sh.at[di.at[1, 0]],
                              ssem.at[j % RING]).wait()
    plsc.subcore_barrier()

    pltpu.sync_copy(agg_sh.at[pl.ds(base, RPT)],
                    agg_out.at[c, pl.ds(base, RPT)])
    if with_cnt:
        pltpu.sync_copy(cnt_sh.at[pl.ds(base, RPT)],
                        cnt_out.at[c, pl.ds(base, RPT)])


def _make_seg_kernel(with_cnt):
    out_type = [jax.ShapeDtypeStruct((NC, NP, C), jnp.float32)]
    scratch = [
        pltpu.VMEM((2, GSZ, KCH), jnp.int32),
        pltpu.VMEM((2, GSZ, KCH), jnp.int32),
        pltpu.VMEM((RING, KCH, C), jnp.float32),
    ]
    if with_cnt:
        out_type.append(jax.ShapeDtypeStruct((NC, NP), jnp.float32))
        scratch.append(pltpu.VMEM((KCH,), jnp.float32))
    scratch.append(pltpu.VMEM_SHARED((NP, C), jnp.float32))
    if with_cnt:
        scratch.append(pltpu.VMEM_SHARED((NP,), jnp.float32))
    scratch += [
        pltpu.SemaphoreType.DMA((RING,)),
        pltpu.SemaphoreType.DMA((RING,)),
        pltpu.SemaphoreType.DMA((2,)),
    ]
    return pl.kernel(
        functools.partial(_seg_body, with_cnt),
        out_type=tuple(out_type),
        mesh=plsc.VectorSubcoreMesh(core_axis_name="c", subcore_axis_name="s"),
        scratch_types=tuple(scratch),
    )


_seg_cnt_kernel = _make_seg_kernel(True)
_seg_kernel = _make_seg_kernel(False)



_UPW = NU // NW


def _gather_body(h_hbm, uidx_hbm, out_hbm, idx_v, rows_v, sem):
    c = lax.axis_index("c")
    s = lax.axis_index("s")
    wid = s * NC + c
    pltpu.sync_copy(uidx_hbm.at[wid], idx_v)
    pltpu.async_copy(h_hbm.at[idx_v], rows_v, sem).wait()
    pltpu.sync_copy(rows_v, out_hbm.at[pl.ds(pl.multiple_of(wid * _UPW, 8), _UPW)])


_gather_kernel = pl.kernel(
    _gather_body,
    out_type=jax.ShapeDtypeStruct((NU, C), jnp.float32),
    mesh=plsc.VectorSubcoreMesh(core_axis_name="c", subcore_axis_name="s"),
    scratch_types=(
        pltpu.VMEM((_UPW,), jnp.int32),
        pltpu.VMEM((_UPW, C), jnp.float32),
        pltpu.SemaphoreType.DMA,
    ),
)



def _bn_relu(z, g, b):
    m = jnp.mean(z, axis=0, keepdims=True)
    d = z - m
    v = jnp.mean(d * d, axis=0, keepdims=True)
    return jnp.maximum(d * lax.rsqrt(v + EPS) * g + b, 0.0)


def _tc_layer1_body(aggp, cntp, h, wlT, bl, wrT, g, b, out, cnt_out):
    cnt = jnp.maximum(cntp[0][:N] + cntp[1][:N], 1.0)[:, None]
    cnt_out[...] = cnt
    mean = (aggp[0][:N] + aggp[1][:N]) / cnt
    z = (jnp.dot(mean, wlT[...], preferred_element_type=jnp.float32)
         + bl[...]
         + jnp.dot(h[...], wrT[...], preferred_element_type=jnp.float32))
    out[...] = _bn_relu(z, g[...], b[...])


_tc_layer1 = pl.pallas_call(
    _tc_layer1_body,
    out_shape=(
        jax.ShapeDtypeStruct((N, C), jnp.float32),
        jax.ShapeDtypeStruct((N, 1), jnp.float32),
    ),
)


def _tc_layer_body(aggp, cnt, h, wlT, bl, wrT, g, b, out):
    mean = (aggp[0][:N] + aggp[1][:N]) / cnt[...]
    z = (jnp.dot(mean, wlT[...], preferred_element_type=jnp.float32)
         + bl[...]
         + jnp.dot(h[...], wrT[...], preferred_element_type=jnp.float32))
    out[...] = _bn_relu(z, g[...], b[...])


_tc_layer = pl.pallas_call(
    _tc_layer_body,
    out_shape=jax.ShapeDtypeStruct((N, C), jnp.float32),
)


def _tc_layer3_body(aggp, cnt, h, wlT, bl, wrT, g, b,
                    mask, w1T, b1, g2, bt2, w2T, b2, h_out, atom_out):
    mean = (aggp[0][:N] + aggp[1][:N]) / cnt[...]
    z = (jnp.dot(mean, wlT[...], preferred_element_type=jnp.float32)
         + bl[...]
         + jnp.dot(h[...], wrT[...], preferred_element_type=jnp.float32))
    h3 = _bn_relu(z, g[...], b[...])
    h_out[...] = h3
    a = _bn_relu(
        jnp.dot(h3, w1T[...], preferred_element_type=jnp.float32) + b1[...],
        g2[...], bt2[...])
    atom_out[...] = (
        jnp.dot(a, w2T[...], preferred_element_type=jnp.float32) + b2[...]
    ) * mask[...]


_tc_layer3 = pl.pallas_call(
    _tc_layer3_body,
    out_shape=(
        jax.ShapeDtypeStruct((N, C), jnp.float32),
        jax.ShapeDtypeStruct((N, C), jnp.float32),
    ),
)



def kernel(x, edge_index, atom_mask, u_index, Wl, bl, Wr, gamma, beta,
           W1, b1, g2, bt2, W2, b2):
    src3 = edge_index[0].reshape(NW, NCHUNK, KCH)
    dst3 = edge_index[1].reshape(NW, NCHUNK, KCH)
    zrow = jnp.zeros((RPT, C), jnp.float32)
    zcnt = jnp.zeros((RPT,), jnp.float32)
    ones_k = jnp.ones((KCH,), jnp.float32)
    u3 = u_index.reshape(NW, _UPW)

    aggp, cntp = _seg_cnt_kernel(x, src3, dst3, zrow, zcnt, ones_k)
    h1, cnt = _tc_layer1(aggp, cntp, x,
                         Wl[0].T, bl[0], Wr[0].T, gamma[0], beta[0])
    aggp2, = _seg_kernel(h1, src3, dst3, zrow)
    h2 = _tc_layer(aggp2, cnt, h1, Wl[1].T, bl[1], Wr[1].T, gamma[1], beta[1])
    aggp3, = _seg_kernel(h2, src3, dst3, zrow)
    h3, atom = _tc_layer3(aggp3, cnt, h2, Wl[2].T, bl[2], Wr[2].T,
                          gamma[2], beta[2],
                          atom_mask, W1.T, b1, g2, bt2, W2.T, b2)
    state = _gather_kernel(h3, u3)
    return (h3, atom, state)

# --- scband reference (transcript-rebuilt; emitter-appended) ---
"""Pipeline reference for scband-svnet-37692632990117 (READ-ONLY COPY).

The authoritative reference and input builder live on the scoring server;
editing this copy changes nothing except your own understanding.
"""

import jax, jax.numpy as jnp
import numpy as np

N = 10000
E = 320000
IN_C = 128
OUT_C = 128
L = 3
NU = 1024
EPS = 1e-5


def setup_inputs(seed: int = 0):
    key = jax.random.key(seed)
    ks = jax.random.split(key, 16)
    s = 1.0 / np.sqrt(IN_C)
    inp = {}
    inp["x"] = jax.random.normal(ks[0], (N, IN_C), dtype=jnp.float32)
    inp["edge_index"] = jax.random.randint(ks[1], (2, E), 0, N, dtype=jnp.int32)
    inp["atom_mask"] = jax.random.uniform(ks[2], (N, 1), dtype=jnp.float32)
    inp["u_index"] = jax.random.randint(ks[3], (NU,), 0, N, dtype=jnp.int32)
    inp["Wl"] = jax.random.normal(ks[4], (L, IN_C, IN_C), dtype=jnp.float32) * s
    inp["bl"] = jnp.zeros((L, IN_C), dtype=jnp.float32)
    inp["Wr"] = jax.random.normal(ks[5], (L, IN_C, IN_C), dtype=jnp.float32) * s
    inp["gamma"] = jnp.ones((L, IN_C), dtype=jnp.float32)
    inp["beta"] = jnp.zeros((L, IN_C), dtype=jnp.float32)
    inp["W1"] = jax.random.normal(ks[6], (IN_C, IN_C), dtype=jnp.float32) * s
    inp["b1"] = jnp.zeros((IN_C,), dtype=jnp.float32)
    inp["g2"] = jnp.ones((IN_C,), dtype=jnp.float32)
    inp["bt2"] = jnp.zeros((IN_C,), dtype=jnp.float32)
    inp["W2"] = jax.random.normal(ks[7], (OUT_C, IN_C), dtype=jnp.float32) * s
    inp["b2"] = jnp.zeros((OUT_C,), dtype=jnp.float32)
    return inp


def _bn(h, g, b):
    # BatchNorm1d in training mode: biased batch statistics
    m = jnp.mean(h, axis=0)
    v = jnp.var(h, axis=0)
    return (h - m) / jnp.sqrt(v + EPS) * g + b


def reference(x, edge_index, atom_mask, u_index, Wl, bl, Wr, gamma, beta, W1, b1, g2, bt2, W2, b2):
    src = edge_index[0]
    dst = edge_index[1]
    cnt = jax.ops.segment_sum(jnp.ones((E, 1), dtype=x.dtype), dst, num_segments=N)
    cnt = jnp.maximum(cnt, 1.0)
    h = x
    for l in range(L):
        # SAGEConv (mean aggr): out = lin_l(mean_{j in N(i)} h_j) + lin_r(h_i)
        agg = jax.ops.segment_sum(h[src], dst, num_segments=N)
        mean = agg / cnt
        h = mean @ Wl[l].T + bl[l] + h @ Wr[l].T
        h = _bn(h, gamma[l], beta[l])
        h = jax.nn.relu(h)
    state = h[u_index]
    a = _bn(h @ W1.T + b1, g2, bt2)
    a = jax.nn.relu(a)
    atom = (a @ W2.T + b2) * atom_mask
    return (h, atom, state)

if __name__ == "__main__":
    import jax
    _d = setup_inputs()
    print(jax.jit(kernel)(*tuple(_d.values())))

</pallas_src>

<mosaic_0001>
#map = affine_map<(d0, d1) -> (0, 0)>
module attributes {stable_mosaic.version = 14 : i64} {
  func.func @_gather_body(%arg0: i32, %arg1: i32, %arg2: memref<10000x128xf32, #tpu.memory_space<hbm>>, %arg3: memref<32x32xi32, #tpu.memory_space<hbm>>, %arg4: memref<1024x128xf32, #tpu.memory_space<hbm>>, %arg5: memref<32xi32, #tpu.memory_space<vmem>>, %arg6: memref<32x128xf32, #tpu.memory_space<vmem>>, %arg7: memref<!tpu.dma_semaphore, #tpu.memory_space<semaphore_mem>>) attributes {dimension_semantics = [#tpu.dimension_semantics<core_parallel>, #tpu.dimension_semantics<subcore_parallel>], iteration_bounds = array<i64: 2, 16>, scalar_prefetch = 0 : i64, scratch_operands = 3 : i64, tpu.core_type = #tpu.core_type<sc_vector_subcore>, window_params = [{transform_indices = #map}, {transform_indices = #map}, {transform_indices = #map}]} {
    %mul3A = arith.constant 2 : i32
    %mul3A_0 = arith.muli %arg1, %mul3A : i32
    %add3A = arith.addi %mul3A_0, %arg0 : i32
    "tpu.region"() ({
      %run_scoped3A = tpu.sem_alloc : memref<!tpu.dma_semaphore, #tpu.memory_space<semaphore_mem>>
      %dma_start3A_7 = arith.constant 0 : i32
      %dma_start3A_8 = tpu.memref_slice %arg3[%add3A, %dma_start3A_7] : memref<32x32xi32, #tpu.memory_space<hbm>> -> memref<1x32xi32, #tpu.memory_space<hbm>>
      %dma_start3A_9 = tpu.memref_squeeze %dma_start3A_8 : memref<1x32xi32, #tpu.memory_space<hbm>> -> memref<32xi32, #tpu.memory_space<hbm>>
      %dma_start3A_10 = arith.constant 0 : i32
      %dma_start3A_11 = tpu.memref_slice %arg3[%add3A, %dma_start3A_10] : memref<32x32xi32, #tpu.memory_space<hbm>> -> memref<1x32xi32, #tpu.memory_space<hbm>>
      %dma_start3A_12 = tpu.memref_squeeze %dma_start3A_11 : memref<1x32xi32, #tpu.memory_space<hbm>> -> memref<32xi32, #tpu.memory_space<hbm>>
      tpu.enqueue_dma source(%dma_start3A_12 : memref<32xi32, #tpu.memory_space<hbm>>) target(%arg5 : memref<32xi32, #tpu.memory_space<vmem>>) target_semaphore(%run_scoped3A : memref<!tpu.dma_semaphore, #tpu.memory_space<semaphore_mem>>)
      %dma_wait3A_13 = arith.constant 0 : i32
      %dma_wait3A_14 = tpu.memref_slice %arg3[%add3A, %dma_wait3A_13] : memref<32x32xi32, #tpu.memory_space<hbm>> -> memref<1x32xi32, #tpu.memory_space<hbm>>
      %dma_wait3A_15 = tpu.memref_squeeze %dma_wait3A_14 : memref<1x32xi32, #tpu.memory_space<hbm>> -> memref<32xi32, #tpu.memory_space<hbm>>
      %dma_wait3A_16 = arith.constant 0 : i32
      %dma_wait3A_17 = tpu.memref_slice %arg3[%add3A, %dma_wait3A_16] : memref<32x32xi32, #tpu.memory_space<hbm>> -> memref<1x32xi32, #tpu.memory_space<hbm>>
      %dma_wait3A_18 = tpu.memref_squeeze %dma_wait3A_17 : memref<1x32xi32, #tpu.memory_space<hbm>> -> memref<32xi32, #tpu.memory_space<hbm>>
      tpu.wait_dma2 semaphore(%run_scoped3A : memref<!tpu.dma_semaphore, #tpu.memory_space<semaphore_mem>>) src(%dma_wait3A_18 : memref<32xi32, #tpu.memory_space<hbm>>) dst(%arg5 : memref<32xi32, #tpu.memory_space<vmem>>)
      tpu.yield
    }) : () -> ()
    %dma_start3A = arith.constant 0 : i32
    %dma_start3A_1 = arith.constant 0 : i32
    %dma_start3A_2 = tpu.memref_slice %arg2[%dma_start3A, %dma_start3A_1] : memref<10000x128xf32, #tpu.memory_space<hbm>> -> memref<10000x128xf32, #tpu.memory_space<hbm>>
    tpu.enqueue_indirect_dma source(%dma_start3A_2 : memref<10000x128xf32, #tpu.memory_space<hbm>>) target(%arg6 : memref<32x128xf32, #tpu.memory_space<vmem>>) offsets(%arg5 : memref<32xi32, #tpu.memory_space<vmem>>) semaphore(%arg7 : memref<!tpu.dma_semaphore, #tpu.memory_space<semaphore_mem>>)
    %dma_wait3A = arith.constant 0 : i32
    %dma_wait3A_3 = arith.constant 0 : i32
    %dma_wait3A_4 = tpu.memref_slice %arg2[%dma_wait3A, %dma_wait3A_3] : memref<10000x128xf32, #tpu.memory_space<hbm>> -> memref<10000x128xf32, #tpu.memory_space<hbm>>
    tpu.wait_indirect_dma semaphore(%arg7 : memref<!tpu.dma_semaphore, #tpu.memory_space<semaphore_mem>>) src(%dma_wait3A_4 : memref<10000x128xf32, #tpu.memory_space<hbm>>) dst(%arg6 : memref<32x128xf32, #tpu.memory_space<vmem>>)
    %mul3A_5 = arith.constant 32 : i32
    %mul3A_6 = arith.muli %add3A, %mul3A_5 : i32
    %multiple_of3A = tpu.assume_multiple %mul3A_6, 8 : i32
    "tpu.region"() ({
      %run_scoped3A = tpu.sem_alloc : memref<!tpu.dma_semaphore, #tpu.memory_space<semaphore_mem>>
      %dma_start3A_7 = arith.constant 0 : i32
      %dma_start3A_8 = tpu.memref_slice %arg4[%multiple_of3A, %dma_start3A_7] : memref<1024x128xf32, #tpu.memory_space<hbm>> -> memref<32x128xf32, #tpu.memory_space<hbm>>
      %dma_start3A_9 = arith.constant 0 : i32
      %dma_start3A_10 = tpu.memref_slice %arg4[%multiple_of3A, %dma_start3A_9] : memref<1024x128xf32, #tpu.memory_space<hbm>> -> memref<32x128xf32, #tpu.memory_space<hbm>>
      tpu.enqueue_dma source(%arg6 : memref<32x128xf32, #tpu.memory_space<vmem>>) target(%dma_start3A_10 : memref<32x128xf32, #tpu.memory_space<hbm>>) target_semaphore(%run_scoped3A : memref<!tpu.dma_semaphore, #tpu.memory_space<semaphore_mem>>)
      %dma_wait3A_11 = arith.constant 0 : i32
      %dma_wait3A_12 = tpu.memref_slice %arg4[%multiple_of3A, %dma_wait3A_11] : memref<1024x128xf32, #tpu.memory_space<hbm>> -> memref<32x128xf32, #tpu.memory_space<hbm>>
      %dma_wait3A_13 = arith.constant 0 : i32
      %dma_wait3A_14 = tpu.memref_slice %arg4[%multiple_of3A, %dma_wait3A_13] : memref<1024x128xf32, #tpu.memory_space<hbm>> -> memref<32x128xf32, #tpu.memory_space<hbm>>
      tpu.wait_dma2 semaphore(%run_scoped3A : memref<!tpu.dma_semaphore, #tpu.memory_space<semaphore_mem>>) src(%arg6 : memref<32x128xf32, #tpu.memory_space<vmem>>) dst(%dma_wait3A_14 : memref<32x128xf32, #tpu.memory_space<hbm>>)
      tpu.yield
    }) : () -> ()
    return
  }
}

#map = affine_map<(d0, d1) -> (0, 0)>
#map1 = affine_map<(d0, d1) -> (0, 0, 0)>
#map2 = affine_map<(d0, d1) -> (0)>
module attributes {stable_mosaic.version = 14 : i64} {
  func.func @_seg_body(%arg0: i32, %arg1: i32, %arg2: memref<10000x128xf32, #tpu.memory_space<hbm>>, %arg3: memref<32x80x125xi32, #tpu.memory_space<hbm>>, %arg4: memref<32x80x125xi32, #tpu.memory_space<hbm>>, %arg5: memref<640x128xf32, #tpu.memory_space<hbm>>, %arg6: memref<640xf32, #tpu.memory_space<hbm>>, %arg7: memref<125xf32, #tpu.memory_space<hbm>>, %arg8: memref<2x10240x128xf32, #tpu.memory_space<hbm>>, %arg9: memref<2x10240xf32, #tpu.memory_space<hbm>>, %arg10: memref<2x8x125xi32, #tpu.memory_space<vmem>>, %arg11: memref<2x8x125xi32, #tpu.memory_space<vmem>>, %arg12: memref<2x125x128xf32, #tpu.memory_space<vmem>>, %arg13: memref<125xf32, #tpu.memory_space<vmem>>, %arg14: memref<10240x128xf32, #tpu.memory_space<vmem_shared>>, %arg15: memref<10240xf32, #tpu.memory_space<vmem_shared>>, %arg16: memref<2x!tpu.dma_semaphore, #tpu.memory_space<semaphore_mem>>, %arg17: memref<2x!tpu.dma_semaphore, #tpu.memory_space<semaphore_mem>>, %arg18: memref<2x!tpu.dma_semaphore, #tpu.memory_space<semaphore_mem>>) attributes {dimension_semantics = [#tpu.dimension_semantics<core_parallel>, #tpu.dimension_semantics<subcore_parallel>], iteration_bounds = array<i64: 2, 16>, scalar_prefetch = 0 : i64, scratch_operands = 9 : i64, tpu.core_type = #tpu.core_type<sc_vector_subcore>, window_params = [{transform_indices = #map}, {transform_indices = #map1}, {transform_indices = #map1}, {transform_indices = #map}, {transform_indices = #map2}, {transform_indices = #map2}, {transform_indices = #map1}, {transform_indices = #map}]} {
    %mul3A = arith.constant 2 : i32
    %mul3A_0 = arith.muli %arg1, %mul3A : i32
    %add3A = arith.addi %mul3A_0, %arg0 : i32
    %mul3A_1 = arith.constant 640 : i32
    %mul3A_2 = arith.muli %arg1, %mul3A_1 : i32
    %multiple_of3A = tpu.assume_multiple %mul3A_2, 8 : i32
    "tpu.region"() ({
      %run_scoped3A_80 = tpu.sem_alloc : memref<!tpu.dma_semaphore, #tpu.memory_space<semaphore_mem>>
      %dma_start3A_81 = arith.constant 0 : i32
      %dma_start3A_82 = tpu.memref_slice %arg14[%multiple_of3A, %dma_start3A_81] : memref<10240x128xf32, #tpu.memory_space<vmem_shared>> -> memref<640x128xf32, #tpu.memory_space<vmem_shared>>
      tpu.enqueue_dma source(%arg5 : memref<640x128xf32, #tpu.memory_space<hbm>>) target(%dma_start3A_82 : memref<640x128xf32, #tpu.memory_space<vmem_shared>>) target_semaphore(%run_scoped3A_80 : memref<!tpu.dma_semaphore, #tpu.memory_space<semaphore_mem>>)
      %dma_wait3A_83 = arith.constant 0 : i32
      %dma_wait3A_84 = tpu.memref_slice %arg14[%multiple_of3A, %dma_wait3A_83] : memref<10240x128xf32, #tpu.memory_space<vmem_shared>> -> memref<640x128xf32, #tpu.memory_space<vmem_shared>>
      tpu.wait_dma2 semaphore(%run_scoped3A_80 : memref<!tpu.dma_semaphore, #tpu.memory_space<semaphore_mem>>) src(%arg5 : memref<640x128xf32, #tpu.memory_space<hbm>>) dst(%dma_wait3A_84 : memref<640x128xf32, #tpu.memory_space<vmem_shared>>)
      tpu.yield
    }) : () -> ()
    "tpu.region"() ({
      %run_scoped3A_80 = tpu.sem_alloc : memref<!tpu.dma_semaphore, #tpu.memory_space<semaphore_mem>>
      %dma_start3A_81 = tpu.memref_slice %arg15[%multiple_of3A] : memref<10240xf32, #tpu.memory_space<vmem_shared>> -> memref<640xf32, #tpu.memory_space<vmem_shared>>
      tpu.enqueue_dma source(%arg6 : memref<640xf32, #tpu.memory_space<hbm>>) target(%dma_start3A_81 : memref<640xf32, #tpu.memory_space<vmem_shared>>) target_semaphore(%run_scoped3A_80 : memref<!tpu.dma_semaphore, #tpu.memory_space<semaphore_mem>>)
      %dma_wait3A_82 = tpu.memref_slice %arg15[%multiple_of3A] : memref<10240xf32, #tpu.memory_space<vmem_shared>> -> memref<640xf32, #tpu.memory_space<vmem_shared>>
      tpu.wait_dma2 semaphore(%run_scoped3A_80 : memref<!tpu.dma_semaphore, #tpu.memory_space<semaphore_mem>>) src(%arg6 : memref<640xf32, #tpu.memory_space<hbm>>) dst(%dma_wait3A_82 : memref<640xf32, #tpu.memory_space<vmem_shared>>)
      tpu.yield
    }) : () -> ()
    "tpu.region"() ({
      %run_scoped3A_80 = tpu.sem_alloc : memref<!tpu.dma_semaphore, #tpu.memory_space<semaphore_mem>>
      tpu.enqueue_dma source(%arg7 : memref<125xf32, #tpu.memory_space<hbm>>) target(%arg13 : memref<125xf32, #tpu.memory_space<vmem>>) target_semaphore(%run_scoped3A_80 : memref<!tpu.dma_semaphore, #tpu.memory_space<semaphore_mem>>)
      tpu.wait_dma2 semaphore(%run_scoped3A_80 : memref<!tpu.dma_semaphore, #tpu.memory_space<semaphore_mem>>) src(%arg7 : memref<125xf32, #tpu.memory_space<hbm>>) dst(%arg13 : memref<125xf32, #tpu.memory_space<vmem>>)
      tpu.yield
    }) : () -> ()
    %run_scoped3A = arith.constant 0 : i32
    "tpu.region"() ({
      %run_scoped3A_80 = tpu.sem_alloc : memref<!tpu.dma_semaphore, #tpu.memory_space<semaphore_mem>>
      %dma_start3A_81 = arith.constant 0 : i32
      %dma_start3A_82 = arith.constant 0 : i32
      %dma_start3A_83 = tpu.memref_slice %arg10[%run_scoped3A, %dma_start3A_81, %dma_start3A_82] : memref<2x8x125xi32, #tpu.memory_space<vmem>> -> memref<1x8x125xi32, #tpu.memory_space<vmem>>
      %dma_start3A_84 = tpu.memref_squeeze %dma_start3A_83 : memref<1x8x125xi32, #tpu.memory_space<vmem>> -> memref<8x125xi32, #tpu.memory_space<vmem>>
      %dma_start3A_85 = arith.constant 0 : i32
      %dma_start3A_86 = arith.constant 0 : i32
      %dma_start3A_87 = tpu.memref_slice %arg3[%add3A, %dma_start3A_85, %dma_start3A_86] : memref<32x80x125xi32, #tpu.memory_space<hbm>> -> memref<1x8x125xi32, #tpu.memory_space<hbm>>
      %dma_start3A_88 = tpu.memref_squeeze %dma_start3A_87 : memref<1x8x125xi32, #tpu.memory_space<hbm>> -> memref<8x125xi32, #tpu.memory_space<hbm>>
      %dma_start3A_89 = arith.constant 0 : i32
      %dma_start3A_90 = arith.constant 0 : i32
      %dma_start3A_91 = tpu.memref_slice %arg10[%run_scoped3A, %dma_start3A_89, %dma_start3A_90] : memref<2x8x125xi32, #tpu.memory_space<vmem>> -> memref<1x8x125xi32, #tpu.memory_space<vmem>>
      %dma_start3A_92 = tpu.memref_squeeze %dma_start3A_91 : memref<1x8x125xi32, #tpu.memory_space<vmem>> -> memref<8x125xi32, #tpu.memory_space<vmem>>
      %dma_start3A_93 = arith.constant 0 : i32
      %dma_start3A_94 = arith.constant 0 : i32
      %dma_start3A_95 = tpu.memref_slice %arg3[%add3A, %dma_start3A_93, %dma_start3A_94] : memref<32x80x125xi32, #tpu.memory_space<hbm>> -> memref<1x8x125xi32, #tpu.memory_space<hbm>>
      %dma_start3A_96 = tpu.memref_squeeze %dma_start3A_95 : memref<1x8x125xi32, #tpu.memory_space<hbm>> -> memref<8x125xi32, #tpu.memory_space<hbm>>
      tpu.enqueue_dma source(%dma_start3A_96 : memref<8x125xi32, #tpu.memory_space<hbm>>) target(%dma_start3A_92 : memref<8x125xi32, #tpu.memory_space<vmem>>) target_semaphore(%run_scoped3A_80 : memref<!tpu.dma_semaphore, #tpu.memory_space<semaphore_mem>>)
      %dma_wait3A_97 = arith.constant 0 : i32
      %dma_wait3A_98 = arith.constant 0 : i32
      %dma_wait3A_99 = tpu.memref_slice %arg10[%run_scoped3A, %dma_wait3A_97, %dma_wait3A_98] : memref<2x8x125xi32, #tpu.memory_space<vmem>> -> memref<1x8x125xi32, #tpu.memory_space<vmem>>
      %dma_wait3A_100 = tpu.memref_squeeze %dma_wait3A_99 : memref<1x8x125xi32, #tpu.memory_space<vmem>> -> memref<8x125xi32, #tpu.memory_space<vmem>>
      %dma_wait3A_101 = arith.constant 0 : i32
      %dma_wait3A_102 = arith.constant 0 : i32
      %dma_wait3A_103 = tpu.memref_slice %arg3[%add3A, %dma_wait3A_101, %dma_wait3A_102] : memref<32x80x125xi32, #tpu.memory_space<hbm>> -> memref<1x8x125xi32, #tpu.memory_space<hbm>>
      %dma_wait3A_104 = tpu.memref_squeeze %dma_wait3A_103 : memref<1x8x125xi32, #tpu.memory_space<hbm>> -> memref<8x125xi32, #tpu.memory_space<hbm>>
      %dma_wait3A_105 = arith.constant 0 : i32
      %dma_wait3A_106 = arith.constant 0 : i32
      %dma_wait3A_107 = tpu.memref_slice %arg10[%run_scoped3A, %dma_wait3A_105, %dma_wait3A_106] : memref<2x8x125xi32, #tpu.memory_space<vmem>> -> memref<1x8x125xi32, #tpu.memory_space<vmem>>
      %dma_wait3A_108 = tpu.memref_squeeze %dma_wait3A_107 : memref<1x8x125xi32, #tpu.memory_space<vmem>> -> memref<8x125xi32, #tpu.memory_space<vmem>>
      %dma_wait3A_109 = arith.constant 0 : i32
      %dma_wait3A_110 = arith.constant 0 : i32
      %dma_wait3A_111 = tpu.memref_slice %arg3[%add3A, %dma_wait3A_109, %dma_wait3A_110] : memref<32x80x125xi32, #tpu.memory_space<hbm>> -> memref<1x8x125xi32, #tpu.memory_space<hbm>>
      %dma_wait3A_112 = tpu.memref_squeeze %dma_wait3A_111 : memref<1x8x125xi32, #tpu.memory_space<hbm>> -> memref<8x125xi32, #tpu.memory_space<hbm>>
      tpu.wait_dma2 semaphore(%run_scoped3A_80 : memref<!tpu.dma_semaphore, #tpu.memory_space<semaphore_mem>>) src(%dma_wait3A_112 : memref<8x125xi32, #tpu.memory_space<hbm>>) dst(%dma_wait3A_108 : memref<8x125xi32, #tpu.memory_space<vmem>>)
      tpu.yield
    }) : () -> ()
    %run_scoped3A_3 = arith.constant 0 : i32
    "tpu.region"() ({
      %run_scoped3A_80 = tpu.sem_alloc : memref<!tpu.dma_semaphore, #tpu.memory_space<semaphore_mem>>
      %dma_start3A_81 = arith.constant 0 : i32
      %dma_start3A_82 = arith.constant 0 : i32
      %dma_start3A_83 = tpu.memref_slice %arg11[%run_scoped3A_3, %dma_start3A_81, %dma_start3A_82] : memref<2x8x125xi32, #tpu.memory_space<vmem>> -> memref<1x8x125xi32, #tpu.memory_space<vmem>>
      %dma_start3A_84 = tpu.memref_squeeze %dma_start3A_83 : memref<1x8x125xi32, #tpu.memory_space<vmem>> -> memref<8x125xi32, #tpu.memory_space<vmem>>
      %dma_start3A_85 = arith.constant 0 : i32
      %dma_start3A_86 = arith.constant 0 : i32
      %dma_start3A_87 = tpu.memref_slice %arg4[%add3A, %dma_start3A_85, %dma_start3A_86] : memref<32x80x125xi32, #tpu.memory_space<hbm>> -> memref<1x8x125xi32, #tpu.memory_space<hbm>>
      %dma_start3A_88 = tpu.memref_squeeze %dma_start3A_87 : memref<1x8x125xi32, #tpu.memory_space<hbm>> -> memref<8x125xi32, #tpu.memory_space<hbm>>
      %dma_start3A_89 = arith.constant 0 : i32
      %dma_start3A_90 = arith.constant 0 : i32
      %dma_start3A_91 = tpu.memref_slice %arg11[%run_scoped3A_3, %dma_start3A_89, %dma_start3A_90] : memref<2x8x125xi32, #tpu.memory_space<vmem>> -> memref<1x8x125xi32, #tpu.memory_space<vmem>>
      %dma_start3A_92 = tpu.memref_squeeze %dma_start3A_91 : memref<1x8x125xi32, #tpu.memory_space<vmem>> -> memref<8x125xi32, #tpu.memory_space<vmem>>
      %dma_start3A_93 = arith.constant 0 : i32
      %dma_start3A_94 = arith.constant 0 : i32
      %dma_start3A_95 = tpu.memref_slice %arg4[%add3A, %dma_start3A_93, %dma_start3A_94] : memref<32x80x125xi32, #tpu.memory_space<hbm>> -> memref<1x8x125xi32, #tpu.memory_space<hbm>>
      %dma_start3A_96 = tpu.memref_squeeze %dma_start3A_95 : memref<1x8x125xi32, #tpu.memory_space<hbm>> -> memref<8x125xi32, #tpu.memory_space<hbm>>
      tpu.enqueue_dma source(%dma_start3A_96 : memref<8x125xi32, #tpu.memory_space<hbm>>) target(%dma_start3A_92 : memref<8x125xi32, #tpu.memory_space<vmem>>) target_semaphore(%run_scoped3A_80 : memref<!tpu.dma_semaphore, #tpu.memory_space<semaphore_mem>>)
      %dma_wait3A_97 = arith.constant 0 : i32
      %dma_wait3A_98 = arith.constant 0 : i32
      %dma_wait3A_99 = tpu.memref_slice %arg11[%run_scoped3A_3, %dma_wait3A_97, %dma_wait3A_98] : memref<2x8x125xi32, #tpu.memory_space<vmem>> -> memref<1x8x125xi32, #tpu.memory_space<vmem>>
      %dma_wait3A_100 = tpu.memref_squeeze %dma_wait3A_99 : memref<1x8x125xi32, #tpu.memory_space<vmem>> -> memref<8x125xi32, #tpu.memory_space<vmem>>
      %dma_wait3A_101 = arith.constant 0 : i32
      %dma_wait3A_102 = arith.constant 0 : i32
      %dma_wait3A_103 = tpu.memref_slice %arg4[%add3A, %dma_wait3A_101, %dma_wait3A_102] : memref<32x80x125xi32, #tpu.memory_space<hbm>> -> memref<1x8x125xi32, #tpu.memory_space<hbm>>
      %dma_wait3A_104 = tpu.memref_squeeze %dma_wait3A_103 : memref<1x8x125xi32, #tpu.memory_space<hbm>> -> memref<8x125xi32, #tpu.memory_space<hbm>>
      %dma_wait3A_105 = arith.constant 0 : i32
      %dma_wait3A_106 = arith.constant 0 : i32
      %dma_wait3A_107 = tpu.memref_slice %arg11[%run_scoped3A_3, %dma_wait3A_105, %dma_wait3A_106] : memref<2x8x125xi32, #tpu.memory_space<vmem>> -> memref<1x8x125xi32, #tpu.memory_space<vmem>>
      %dma_wait3A_108 = tpu.memref_squeeze %dma_wait3A_107 : memref<1x8x125xi32, #tpu.memory_space<vmem>> -> memref<8x125xi32, #tpu.memory_space<vmem>>
      %dma_wait3A_109 = arith.constant 0 : i32
      %dma_wait3A_110 = arith.constant 0 : i32
      %dma_wait3A_111 = tpu.memref_slice %arg4[%add3A, %dma_wait3A_109, %dma_wait3A_110] : memref<32x80x125xi32, #tpu.memory_space<hbm>> -> memref<1x8x125xi32, #tpu.memory_space<hbm>>
      %dma_wait3A_112 = tpu.memref_squeeze %dma_wait3A_111 : memref<1x8x125xi32, #tpu.memory_space<hbm>> -> memref<8x125xi32, #tpu.memory_space<hbm>>
      tpu.wait_dma2 semaphore(%run_scoped3A_80 : memref<!tpu.dma_semaphore, #tpu.memory_space<semaphore_mem>>) src(%dma_wait3A_112 : memref<8x125xi32, #tpu.memory_space<hbm>>) dst(%dma_wait3A_108 : memref<8x125xi32, #tpu.memory_space<vmem>>)
      tpu.yield
    }) : () -> ()
    %dma_start3A = arith.constant 1 : i32
    %dma_start3A_4 = arith.constant 1 : i32
    %dma_start3A_5 = arith.constant 0 : i32
    %dma_start3A_6 = arith.constant 0 : i32
    %dma_start3A_7 = tpu.memref_slice %arg10[%dma_start3A, %dma_start3A_5, %dma_start3A_6] : memref<2x8x125xi32, #tpu.memory_space<vmem>> -> memref<1x8x125xi32, #tpu.memory_space<vmem>>
    %dma_start3A_8 = tpu.memref_squeeze %dma_start3A_7 : memref<1x8x125xi32, #tpu.memory_space<vmem>> -> memref<8x125xi32, #tpu.memory_space<vmem>>
    %dma_start3A_9 = arith.constant 8 : i32
    %dma_start3A_10 = arith.constant 0 : i32
    %dma_start3A_11 = tpu.memref_slice %arg3[%add3A, %dma_start3A_9, %dma_start3A_10] : memref<32x80x125xi32, #tpu.memory_space<hbm>> -> memref<1x8x125xi32, #tpu.memory_space<hbm>>
    %dma_start3A_12 = tpu.memref_squeeze %dma_start3A_11 : memref<1x8x125xi32, #tpu.memory_space<hbm>> -> memref<8x125xi32, #tpu.memory_space<hbm>>
    %dma_start3A_13 = tpu.memref_slice %arg18[%dma_start3A_4] : memref<2x!tpu.dma_semaphore, #tpu.memory_space<semaphore_mem>> -> memref<1x!tpu.dma_semaphore, #tpu.memory_space<semaphore_mem>>
    %dma_start3A_14 = tpu.memref_squeeze %dma_start3A_13 : memref<1x!tpu.dma_semaphore, #tpu.memory_space<semaphore_mem>> -> memref<!tpu.dma_semaphore, #tpu.memory_space<semaphore_mem>>
    %dma_start3A_15 = arith.constant 0 : i32
    %dma_start3A_16 = arith.constant 0 : i32
    %dma_start3A_17 = tpu.memref_slice %arg10[%dma_start3A, %dma_start3A_15, %dma_start3A_16] : memref<2x8x125xi32, #tpu.memory_space<vmem>> -> memref<1x8x125xi32, #tpu.memory_space<vmem>>
    %dma_start3A_18 = tpu.memref_squeeze %dma_start3A_17 : memref<1x8x125xi32, #tpu.memory_space<vmem>> -> memref<8x125xi32, #tpu.memory_space<vmem>>
    %dma_start3A_19 = arith.constant 8 : i32
    %dma_start3A_20 = arith.constant 0 : i32
    %dma_start3A_21 = tpu.memref_slice %arg3[%add3A, %dma_start3A_19, %dma_start3A_20] : memref<32x80x125xi32, #tpu.memory_space<hbm>> -> memref<1x8x125xi32, #tpu.memory_space<hbm>>
    %dma_start3A_22 = tpu.memref_squeeze %dma_start3A_21 : memref<1x8x125xi32, #tpu.memory_space<hbm>> -> memref<8x125xi32, #tpu.memory_space<hbm>>
    tpu.enqueue_dma source(%dma_start3A_22 : memref<8x125xi32, #tpu.memory_space<hbm>>) target(%dma_start3A_18 : memref<8x125xi32, #tpu.memory_space<vmem>>) target_semaphore(%dma_start3A_14 : memref<!tpu.dma_semaphore, #tpu.memory_space<semaphore_mem>>)
    %dma_start3A_23 = arith.constant 1 : i32
    %dma_start3A_24 = arith.constant 1 : i32
    %dma_start3A_25 = arith.constant 0 : i32
    %dma_start3A_26 = arith.constant 0 : i32
    %dma_start3A_27 = tpu.memref_slice %arg11[%dma_start3A_23, %dma_start3A_25, %dma_start3A_26] : memref<2x8x125xi32, #tpu.memory_space<vmem>> -> memref<1x8x125xi32, #tpu.memory_space<vmem>>
    %dma_start3A_28 = tpu.memref_squeeze %dma_start3A_27 : memref<1x8x125xi32, #tpu.memory_space<vmem>> -> memref<8x125xi32, #tpu.memory_space<vmem>>
    %dma_start3A_29 = arith.constant 8 : i32
    %dma_start3A_30 = arith.constant 0 : i32
    %dma_start3A_31 = tpu.memref_slice %arg4[%add3A, %dma_start3A_29, %dma_start3A_30] : memref<32x80x125xi32, #tpu.memory_space<hbm>> -> memref<1x8x125xi32, #tpu.memory_space<hbm>>
    %dma_start3A_32 = tpu.memref_squeeze %dma_start3A_31 : memref<1x8x125xi32, #tpu.memory_space<hbm>> -> memref<8x125xi32, #tpu.memory_space<hbm>>
    %dma_start3A_33 = tpu.memref_slice %arg18[%dma_start3A_24] : memref<2x!tpu.dma_semaphore, #tpu.memory_space<semaphore_mem>> -> memref<1x!tpu.dma_semaphore, #tpu.memory_space<semaphore_mem>>
    %dma_start3A_34 = tpu.memref_squeeze %dma_start3A_33 : memref<1x!tpu.dma_semaphore, #tpu.memory_space<semaphore_mem>> -> memref<!tpu.dma_semaphore, #tpu.memory_space<semaphore_mem>>
    %dma_start3A_35 = arith.constant 0 : i32
    %dma_start3A_36 = arith.constant 0 : i32
    %dma_start3A_37 = tpu.memref_slice %arg11[%dma_start3A_23, %dma_start3A_35, %dma_start3A_36] : memref<2x8x125xi32, #tpu.memory_space<vmem>> -> memref<1x8x125xi32, #tpu.memory_space<vmem>>
    %dma_start3A_38 = tpu.memref_squeeze %dma_start3A_37 : memref<1x8x125xi32, #tpu.memory_space<vmem>> -> memref<8x125xi32, #tpu.memory_space<vmem>>
    %dma_start3A_39 = arith.constant 8 : i32
    %dma_start3A_40 = arith.constant 0 : i32
    %dma_start3A_41 = tpu.memref_slice %arg4[%add3A, %dma_start3A_39, %dma_start3A_40] : memref<32x80x125xi32, #tpu.memory_space<hbm>> -> memref<1x8x125xi32, #tpu.memory_space<hbm>>
    %dma_start3A_42 = tpu.memref_squeeze %dma_start3A_41 : memref<1x8x125xi32, #tpu.memory_space<hbm>> -> memref<8x125xi32, #tpu.memory_space<hbm>>
    tpu.enqueue_dma source(%dma_start3A_42 : memref<8x125xi32, #tpu.memory_space<hbm>>) target(%dma_start3A_38 : memref<8x125xi32, #tpu.memory_space<vmem>>) target_semaphore(%dma_start3A_34 : memref<!tpu.dma_semaphore, #tpu.memory_space<semaphore_mem>>)
    %barrier3A = arith.constant 0 : index
    tpu.barrier barrier_id(%barrier3A)
    %dma_start3A_43 = arith.constant 0 : i32
    %dma_start3A_44 = arith.constant 0 : i32
    %dma_start3A_45 = arith.constant 0 : i32
    %dma_start3A_46 = arith.constant 0 : i32
    %dma_start3A_47 = arith.constant 0 : i32
    %dma_start3A_48 = arith.constant 0 : i32
    %dma_start3A_49 = tpu.memref_slice %arg12[%dma_start3A_45, %dma_start3A_47, %dma_start3A_48] : memref<2x125x128xf32, #tpu.memory_space<vmem>> -> memref<1x125x128xf32, #tpu.memory_space<vmem>>
    %dma_start3A_50 = tpu.memref_squeeze %dma_start3A_49 : memref<1x125x128xf32, #tpu.memory_space<vmem>> -> memref<125x128xf32, #tpu.memory_space<vmem>>
    %dma_start3A_51 = arith.constant 0 : i32
    %dma_start3A_52 = tpu.memref_slice %arg10[%dma_start3A_43, %dma_start3A_44, %dma_start3A_51] : memref<2x8x125xi32, #tpu.memory_space<vmem>> -> memref<1x1x125xi32, #tpu.memory_space<vmem>>
    %dma_start3A_53 = tpu.memref_squeeze %dma_start3A_52 : memref<1x1x125xi32, #tpu.memory_space<vmem>> -> memref<125xi32, #tpu.memory_space<vmem>>
    %dma_start3A_54 = arith.constant 0 : i32
    %dma_start3A_55 = arith.constant 0 : i32
    %dma_start3A_56 = tpu.memref_slice %arg2[%dma_start3A_54, %dma_start3A_55] : memref<10000x128xf32, #tpu.memory_space<hbm>> -> memref<10000x128xf32, #tpu.memory_space<hbm>>
    %dma_start3A_57 = tpu.memref_slice %arg16[%dma_start3A_46] : memref<2x!tpu.dma_semaphore, #tpu.memory_space<semaphore_mem>> -> memref<1x!tpu.dma_semaphore, #tpu.memory_space<semaphore_mem>>
    %dma_start3A_58 = tpu.memref_squeeze %dma_start3A_57 : memref<1x!tpu.dma_semaphore, #tpu.memory_space<semaphore_mem>> -> memref<!tpu.dma_semaphore, #tpu.memory_space<semaphore_mem>>
    tpu.enqueue_indirect_dma source(%dma_start3A_56 : memref<10000x128xf32, #tpu.memory_space<hbm>>) target(%dma_start3A_50 : memref<125x128xf32, #tpu.memory_space<vmem>>) offsets(%dma_start3A_53 : memref<125xi32, #tpu.memory_space<vmem>>) semaphore(%dma_start3A_58 : memref<!tpu.dma_semaphore, #tpu.memory_space<semaphore_mem>>)
    %scan3A = arith.constant 0 : i32
    %scan3A_59 = arith.constant 0 : i32
    %scan3A_60 = arith.constant 10 : i32
    %scan3A_61 = arith.addi %scan3A_59, %scan3A_60 : i32
    %scan3A_62 = arith.constant 1 : i32
    scf.for %scan3A_80 = %scan3A_59 to %scan3A_61 step %scan3A_62  : i32 {
      %jit3A = arith.constant 2 : i32
      %eq3A = arith.constant 0 : i32
      %eq3A_81 = arith.cmpi eq, %jit3A, %eq3A : i32
      %jit3A_82 = arith.constant 1 : i32
      %select_n3A = arith.select %eq3A_81, %jit3A_82, %jit3A : i32
      %rem3A = arith.remsi %scan3A_80, %select_n3A : i32
      %ne3A = arith.constant 0 : i32
      %ne3A_83 = arith.cmpi ne, %rem3A, %ne3A : i32
      %lt3A = arith.constant 0 : i32
      %lt3A_84 = arith.cmpi slt, %rem3A, %lt3A : i32
      %lt3A_85 = arith.constant 0 : i32
      %lt3A_86 = arith.cmpi slt, %select_n3A, %lt3A_85 : i32
      %ne3A_87 = arith.xori %lt3A_84, %lt3A_86 : i1
      %and3A = arith.andi %ne3A_87, %ne3A_83 : i1
      %add3A_88 = arith.addi %rem3A, %select_n3A : i32
      %select_n3A_89 = arith.select %and3A, %add3A_88, %rem3A : i32
      %mul3A_90 = arith.constant 8 : i32
      %mul3A_91 = arith.muli %scan3A_80, %mul3A_90 : i32
      %add3A_92 = arith.constant 0 : i32
      %add3A_93 = arith.addi %mul3A_91, %add3A_92 : i32
      %jit3A_94 = arith.constant 2 : i32
      %eq3A_95 = arith.constant 0 : i32
      %eq3A_96 = arith.cmpi eq, %jit3A_94, %eq3A_95 : i32
      %jit3A_97 = arith.constant 1 : i32
      %select_n3A_98 = arith.select %eq3A_96, %jit3A_97, %jit3A_94 : i32
      %rem3A_99 = arith.remsi %add3A_93, %select_n3A_98 : i32
      %ne3A_100 = arith.constant 0 : i32
      %ne3A_101 = arith.cmpi ne, %rem3A_99, %ne3A_100 : i32
      %lt3A_102 = arith.constant 0 : i32
      %lt3A_103 = arith.cmpi slt, %rem3A_99, %lt3A_102 : i32
      %lt3A_104 = arith.constant 0 : i32
      %lt3A_105 = arith.cmpi slt, %select_n3A_98, %lt3A_104 : i32
      %ne3A_106 = arith.xori %lt3A_103, %lt3A_105 : i1
      %and3A_107 = arith.andi %ne3A_106, %ne3A_101 : i1
      %add3A_108 = arith.addi %rem3A_99, %select_n3A_98 : i32
      %select_n3A_109 = arith.select %and3A_107, %add3A_108, %rem3A_99 : i32
      %dma_wait3A_110 = arith.constant 0 : i32
      %dma_wait3A_111 = arith.constant 0 : i32
      %dma_wait3A_112 = arith.constant 0 : i32
      %dma_wait3A_113 = tpu.memref_slice %arg12[%select_n3A_109, %dma_wait3A_111, %dma_wait3A_112] : memref<2x125x128xf32, #tpu.memory_space<vmem>> -> memref<1x125x128xf32, #tpu.memory_space<vmem>>
      %dma_wait3A_114 = tpu.memref_squeeze %dma_wait3A_113 : memref<1x125x128xf32, #tpu.memory_space<vmem>> -> memref<125x128xf32, #tpu.memory_space<vmem>>
      %dma_wait3A_115 = arith.constant 0 : i32
      %dma_wait3A_116 = tpu.memref_slice %arg10[%select_n3A_89, %dma_wait3A_110, %dma_wait3A_115] : memref<2x8x125xi32, #tpu.memory_space<vmem>> -> memref<1x1x125xi32, #tpu.memory_space<vmem>>
      %dma_wait3A_117 = tpu.memref_squeeze %dma_wait3A_116 : memref<1x1x125xi32, #tpu.memory_space<vmem>> -> memref<125xi32, #tpu.memory_space<vmem>>
      %dma_wait3A_118 = arith.constant 0 : i32
      %dma_wait3A_119 = arith.constant 0 : i32
      %dma_wait3A_120 = tpu.memref_slice %arg2[%dma_wait3A_118, %dma_wait3A_119] : memref<10000x128xf32, #tpu.memory_space<hbm>> -> memref<10000x128xf32, #tpu.memory_space<hbm>>
      %dma_wait3A_121 = tpu.memref_slice %arg16[%select_n3A_109] : memref<2x!tpu.dma_semaphore, #tpu.memory_space<semaphore_mem>> -> memref<1x!tpu.dma_semaphore, #tpu.memory_space<semaphore_mem>>
      %dma_wait3A_122 = tpu.memref_squeeze %dma_wait3A_121 : memref<1x!tpu.dma_semaphore, #tpu.memory_space<semaphore_mem>> -> memref<!tpu.dma_semaphore, #tpu.memory_space<semaphore_mem>>
      tpu.wait_indirect_dma semaphore(%dma_wait3A_122 : memref<!tpu.dma_semaphore, #tpu.memory_space<semaphore_mem>>) src(%dma_wait3A_120 : memref<10000x128xf32, #tpu.memory_space<hbm>>) dst(%dma_wait3A_114 : memref<125x128xf32, #tpu.memory_space<vmem>>)
      %ge3A = arith.constant 1 : i32
      %ge3A_123 = arith.cmpi sge, %scan3A_80, %ge3A : i32
      %convert_element_type3A = arith.extui %ge3A_123 : i1 to i32
      %cond3A = arith.constant 0 : i32
      %cond3A_124 = arith.cmpi ne, %convert_element_type3A, %cond3A : i32
      scf.if %cond3A_124 {
        %dma_wait3A_695 = arith.constant 1 : i32
        %dma_wait3A_696 = arith.constant 0 : i32
        %dma_wait3A_697 = arith.constant 1 : i32
        %dma_wait3A_698 = arith.constant 0 : i32
        %dma_wait3A_699 = arith.constant 0 : i32
        %dma_wait3A_700 = tpu.memref_slice %arg12[%dma_wait3A_695, %dma_wait3A_698, %dma_wait3A_699] : memref<2x125x128xf32, #tpu.memory_space<vmem>> -> memref<1x125x128xf32, #tpu.memory_space<vmem>>
        %dma_wait3A_701 = tpu.memref_squeeze %dma_wait3A_700 : memref<1x125x128xf32, #tpu.memory_space<vmem>> -> memref<125x128xf32, #tpu.memory_space<vmem>>
        %dma_wait3A_702 = arith.constant 0 : i32
        %dma_wait3A_703 = tpu.memref_slice %arg11[%select_n3A_89, %dma_wait3A_696, %dma_wait3A_702] : memref<2x8x125xi32, #tpu.memory_space<vmem>> -> memref<1x1x125xi32, #tpu.memory_space<vmem>>
        %dma_wait3A_704 = tpu.memref_squeeze %dma_wait3A_703 : memref<1x1x125xi32, #tpu.memory_space<vmem>> -> memref<125xi32, #tpu.memory_space<vmem>>
        %dma_wait3A_705 = arith.constant 0 : i32
        %dma_wait3A_706 = arith.constant 0 : i32
        %dma_wait3A_707 = tpu.memref_slice %arg14[%dma_wait3A_705, %dma_wait3A_706] : memref<10240x128xf32, #tpu.memory_space<vmem_shared>> -> memref<10240x128xf32, #tpu.memory_space<vmem_shared>>
        %dma_wait3A_708 = tpu.memref_slice %arg17[%dma_wait3A_697] : memref<2x!tpu.dma_semaphore, #tpu.memory_space<semaphore_mem>> -> memref<1x!tpu.dma_semaphore, #tpu.memory_space<semaphore_mem>>
        %dma_wait3A_709 = tpu.memref_squeeze %dma_wait3A_708 : memref<1x!tpu.dma_semaphore, #tpu.memory_space<semaphore_mem>> -> memref<!tpu.dma_semaphore, #tpu.memory_space<semaphore_mem>>
        tpu.wait_indirect_dma semaphore(%dma_wait3A_709 : memref<!tpu.dma_semaphore, #tpu.memory_space<semaphore_mem>>) src(%dma_wait3A_701 : memref<125x128xf32, #tpu.memory_space<vmem>>) dst(%dma_wait3A_707 : memref<10240x128xf32, #tpu.memory_space<vmem_shared>>)
      } else {
      }
      %dma_start3A_125 = arith.constant 1 : i32
      %dma_start3A_126 = arith.constant 1 : i32
      %dma_start3A_127 = arith.constant 1 : i32
      %dma_start3A_128 = arith.constant 0 : i32
      %dma_start3A_129 = arith.constant 0 : i32
      %dma_start3A_130 = tpu.memref_slice %arg12[%dma_start3A_126, %dma_start3A_128, %dma_start3A_129] : memref<2x125x128xf32, #tpu.memory_space<vmem>> -> memref<1x125x128xf32, #tpu.memory_space<vmem>>
      %dma_start3A_131 = tpu.memref_squeeze %dma_start3A_130 : memref<1x125x128xf32, #tpu.memory_space<vmem>> -> memref<125x128xf32, #tpu.memory_space<vmem>>
      %dma_start3A_132 = arith.constant 0 : i32
      %dma_start3A_133 = tpu.memref_slice %arg10[%select_n3A_89, %dma_start3A_125, %dma_start3A_132] : memref<2x8x125xi32, #tpu.memory_space<vmem>> -> memref<1x1x125xi32, #tpu.memory_space<vmem>>
      %dma_start3A_134 = tpu.memref_squeeze %dma_start3A_133 : memref<1x1x125xi32, #tpu.memory_space<vmem>> -> memref<125xi32, #tpu.memory_space<vmem>>
      %dma_start3A_135 = arith.constant 0 : i32
      %dma_start3A_136 = arith.constant 0 : i32
      %dma_start3A_137 = tpu.memref_slice %arg2[%dma_start3A_135, %dma_start3A_136] : memref<10000x128xf32, #tpu.memory_space<hbm>> -> memref<10000x128xf32, #tpu.memory_space<hbm>>
      %dma_start3A_138 = tpu.memref_slice %arg16[%dma_start3A_127] : memref<2x!tpu.dma_semaphore, #tpu.memory_space<semaphore_mem>> -> memref<1x!tpu.dma_semaphore, #tpu.memory_space<semaphore_mem>>
      %dma_start3A_139 = tpu.memref_squeeze %dma_start3A_138 : memref<1x!tpu.dma_semaphore, #tpu.memory_space<semaphore_mem>> -> memref<!tpu.dma_semaphore, #tpu.memory_space<semaphore_mem>>
      tpu.enqueue_indirect_dma source(%dma_start3A_137 : memref<10000x128xf32, #tpu.memory_space<hbm>>) target(%dma_start3A_131 : memref<125x128xf32, #tpu.memory_space<vmem>>) offsets(%dma_start3A_134 : memref<125xi32, #tpu.memory_space<vmem>>) semaphore(%dma_start3A_139 : memref<!tpu.dma_semaphore, #tpu.memory_space<semaphore_mem>>)
      %dma_start3A_140 = arith.constant 0 : i32
      %dma_start3A_141 = arith.constant 0 : i32
      %dma_start3A_142 = arith.constant 0 : i32
      %dma_start3A_143 = tpu.memref_slice %arg12[%select_n3A_109, %dma_start3A_141, %dma_start3A_142] : memref<2x125x128xf32, #tpu.memory_space<vmem>> -> memref<1x125x128xf32, #tpu.memory_space<vmem>>
      %dma_start3A_144 = tpu.memref_squeeze %dma_start3A_143 : memref<1x125x128xf32, #tpu.memory_space<vmem>> -> memref<125x128xf32, #tpu.memory_space<vmem>>
      %dma_start3A_145 = arith.constant 0 : i32
      %dma_start3A_146 = tpu.memref_slice %arg11[%select_n3A_89, %dma_start3A_140, %dma_start3A_145] : memref<2x8x125xi32, #tpu.memory_space<vmem>> -> memref<1x1x125xi32, #tpu.memory_space<vmem>>
      %dma_start3A_147 = tpu.memref_squeeze %dma_start3A_146 : memref<1x1x125xi32, #tpu.memory_space<vmem>> -> memref<125xi32, #tpu.memory_space<vmem>>
      %dma_start3A_148 = arith.constant 0 : i32
      %dma_start3A_149 = arith.constant 0 : i32
      %dma_start3A_150 = tpu.memref_slice %arg14[%dma_start3A_148, %dma_start3A_149] : memref<10240x128xf32, #tpu.memory_space<vmem_shared>> -> memref<10240x128xf32, #tpu.memory_space<vmem_shared>>
      %dma_start3A_151 = tpu.memref_slice %arg17[%select_n3A_109] : memref<2x!tpu.dma_semaphore, #tpu.memory_space<semaphore_mem>> -> memref<1x!tpu.dma_semaphore, #tpu.memory_space<semaphore_mem>>
      %dma_start3A_152 = tpu.memref_squeeze %dma_start3A_151 : memref<1x!tpu.dma_semaphore, #tpu.memory_space<semaphore_mem>> -> memref<!tpu.dma_semaphore, #tpu.memory_space<semaphore_mem>>
      tpu.enqueue_indirect_dma source(%dma_start3A_144 : memref<125x128xf32, #tpu.memory_space<vmem>>) target(%dma_start3A_150 : memref<10240x128xf32, #tpu.memory_space<vmem_shared>>) offsets(%dma_start3A_147 : memref<125xi32, #tpu.memory_space<vmem>>) semaphore(%dma_start3A_152 : memref<!tpu.dma_semaphore, #tpu.memory_space<semaphore_mem>>) {add = true}
      %run_scoped3A_153 = arith.constant 0 : i32
      "tpu.region"() ({
        %run_scoped3A_695 = tpu.sem_alloc : memref<!tpu.dma_semaphore, #tpu.memory_space<semaphore_mem>>
        %dma_start3A_696 = arith.constant 0 : i32
        %dma_start3A_697 = tpu.memref_slice %arg11[%select_n3A_89, %run_scoped3A_153, %dma_start3A_696] : memref<2x8x125xi32, #tpu.memory_space<vmem>> -> memref<1x1x125xi32, #tpu.memory_space<vmem>>
        %dma_start3A_698 = tpu.memref_squeeze %dma_start3A_697 : memref<1x1x125xi32, #tpu.memory_space<vmem>> -> memref<125xi32, #tpu.memory_space<vmem>>
        %dma_start3A_699 = arith.constant 0 : i32
        %dma_start3A_700 = tpu.memref_slice %arg15[%dma_start3A_699] : memref<10240xf32, #tpu.memory_space<vmem_shared>> -> memref<10240xf32, #tpu.memory_space<vmem_shared>>
        tpu.enqueue_indirect_dma source(%arg13 : memref<125xf32, #tpu.memory_space<vmem>>) target(%dma_start3A_700 : memref<10240xf32, #tpu.memory_space<vmem_shared>>) offsets(%dma_start3A_698 : memref<125xi32, #tpu.memory_space<vmem>>) semaphore(%run_scoped3A_695 : memref<!tpu.dma_semaphore, #tpu.memory_space<semaphore_mem>>) {add = true}
        %dma_wait3A_701 = arith.constant 0 : i32
        %dma_wait3A_702 = tpu.memref_slice %arg11[%select_n3A_89, %run_scoped3A_153, %dma_wait3A_701] : memref<2x8x125xi32, #tpu.memory_space<vmem>> -> memref<1x1x125xi32, #tpu.memory_space<vmem>>
        %dma_wait3A_703 = tpu.memref_squeeze %dma_wait3A_702 : memref<1x1x125xi32, #tpu.memory_space<vmem>> -> memref<125xi32, #tpu.memory_space<vmem>>
        %dma_wait3A_704 = arith.constant 0 : i32
        %dma_wait3A_705 = tpu.memref_slice %arg15[%dma_wait3A_704] : memref<10240xf32, #tpu.memory_space<vmem_shared>> -> memref<10240xf32, #tpu.memory_space<vmem_shared>>
        tpu.wait_indirect_dma semaphore(%run_scoped3A_695 : memref<!tpu.dma_semaphore, #tpu.memory_space<semaphore_mem>>) src(%arg13 : memref<125xf32, #tpu.memory_space<vmem>>) dst(%dma_wait3A_705 : memref<10240xf32, #tpu.memory_space<vmem_shared>>)
        tpu.yield
      }) : () -> ()
      %mul3A_154 = arith.constant 8 : i32
      %mul3A_155 = arith.muli %scan3A_80, %mul3A_154 : i32
      %add3A_156 = arith.constant 1 : i32
      %add3A_157 = arith.addi %mul3A_155, %add3A_156 : i32
      %jit3A_158 = arith.constant 2 : i32
      %eq3A_159 = arith.constant 0 : i32
      %eq3A_160 = arith.cmpi eq, %jit3A_158, %eq3A_159 : i32
      %jit3A_161 = arith.constant 1 : i32
      %select_n3A_162 = arith.select %eq3A_160, %jit3A_161, %jit3A_158 : i32
      %rem3A_163 = arith.remsi %add3A_157, %select_n3A_162 : i32
      %ne3A_164 = arith.constant 0 : i32
      %ne3A_165 = arith.cmpi ne, %rem3A_163, %ne3A_164 : i32
      %lt3A_166 = arith.constant 0 : i32
      %lt3A_167 = arith.cmpi slt, %rem3A_163, %lt3A_166 : i32
      %lt3A_168 = arith.constant 0 : i32
      %lt3A_169 = arith.cmpi slt, %select_n3A_162, %lt3A_168 : i32
      %ne3A_170 = arith.xori %lt3A_167, %lt3A_169 : i1
      %and3A_171 = arith.andi %ne3A_170, %ne3A_165 : i1
      %add3A_172 = arith.addi %rem3A_163, %select_n3A_162 : i32
      %select_n3A_173 = arith.select %and3A_171, %add3A_172, %rem3A_163 : i32
      %dma_wait3A_174 = arith.constant 1 : i32
      %dma_wait3A_175 = arith.constant 0 : i32
      %dma_wait3A_176 = arith.constant 0 : i32
      %dma_wait3A_177 = tpu.memref_slice %arg12[%select_n3A_173, %dma_wait3A_175, %dma_wait3A_176] : memref<2x125x128xf32, #tpu.memory_space<vmem>> -> memref<1x125x128xf32, #tpu.memory_space<vmem>>
      %dma_wait3A_178 = tpu.memref_squeeze %dma_wait3A_177 : memref<1x125x128xf32, #tpu.memory_space<vmem>> -> memref<125x128xf32, #tpu.memory_space<vmem>>
      %dma_wait3A_179 = arith.constant 0 : i32
      %dma_wait3A_180 = tpu.memref_slice %arg10[%select_n3A_89, %dma_wait3A_174, %dma_wait3A_179] : memref<2x8x125xi32, #tpu.memory_space<vmem>> -> memref<1x1x125xi32, #tpu.memory_space<vmem>>
      %dma_wait3A_181 = tpu.memref_squeeze %dma_wait3A_180 : memref<1x1x125xi32, #tpu.memory_space<vmem>> -> memref<125xi32, #tpu.memory_space<vmem>>
      %dma_wait3A_182 = arith.constant 0 : i32
      %dma_wait3A_183 = arith.constant 0 : i32
      %dma_wait3A_184 = tpu.memref_slice %arg2[%dma_wait3A_182, %dma_wait3A_183] : memref<10000x128xf32, #tpu.memory_space<hbm>> -> memref<10000x128xf32, #tpu.memory_space<hbm>>
      %dma_wait3A_185 = tpu.memref_slice %arg16[%select_n3A_173] : memref<2x!tpu.dma_semaphore, #tpu.memory_space<semaphore_mem>> -> memref<1x!tpu.dma_semaphore, #tpu.memory_space<semaphore_mem>>
      %dma_wait3A_186 = tpu.memref_squeeze %dma_wait3A_185 : memref<1x!tpu.dma_semaphore, #tpu.memory_space<semaphore_mem>> -> memref<!tpu.dma_semaphore, #tpu.memory_space<semaphore_mem>>
      tpu.wait_indirect_dma semaphore(%dma_wait3A_186 : memref<!tpu.dma_semaphore, #tpu.memory_space<semaphore_mem>>) src(%dma_wait3A_184 : memref<10000x128xf32, #tpu.memory_space<hbm>>) dst(%dma_wait3A_178 : memref<125x128xf32, #tpu.memory_space<vmem>>)
      %dma_wait3A_187 = arith.constant 0 : i32
      %dma_wait3A_188 = arith.constant 1 : i32
      %dma_wait3A_189 = arith.constant 0 : i32
      %dma_wait3A_190 = arith.constant 0 : i32
      %dma_wait3A_191 = arith.constant 0 : i32
      %dma_wait3A_192 = tpu.memref_slice %arg12[%dma_wait3A_187, %dma_wait3A_190, %dma_wait3A_191] : memref<2x125x128xf32, #tpu.memory_space<vmem>> -> memref<1x125x128xf32, #tpu.memory_space<vmem>>
      %dma_wait3A_193 = tpu.memref_squeeze %dma_wait3A_192 : memref<1x125x128xf32, #tpu.memory_space<vmem>> -> memref<125x128xf32, #tpu.memory_space<vmem>>
      %dma_wait3A_194 = arith.constant 0 : i32
      %dma_wait3A_195 = tpu.memref_slice %arg11[%select_n3A_89, %dma_wait3A_188, %dma_wait3A_194] : memref<2x8x125xi32, #tpu.memory_space<vmem>> -> memref<1x1x125xi32, #tpu.memory_space<vmem>>
      %dma_wait3A_196 = tpu.memref_squeeze %dma_wait3A_195 : memref<1x1x125xi32, #tpu.memory_space<vmem>> -> memref<125xi32, #tpu.memory_space<vmem>>
      %dma_wait3A_197 = arith.constant 0 : i32
      %dma_wait3A_198 = arith.constant 0 : i32
      %dma_wait3A_199 = tpu.memref_slice %arg14[%dma_wait3A_197, %dma_wait3A_198] : memref<10240x128xf32, #tpu.memory_space<vmem_shared>> -> memref<10240x128xf32, #tpu.memory_space<vmem_shared>>
      %dma_wait3A_200 = tpu.memref_slice %arg17[%dma_wait3A_189] : memref<2x!tpu.dma_semaphore, #tpu.memory_space<semaphore_mem>> -> memref<1x!tpu.dma_semaphore, #tpu.memory_space<semaphore_mem>>
      %dma_wait3A_201 = tpu.memref_squeeze %dma_wait3A_200 : memref<1x!tpu.dma_semaphore, #tpu.memory_space<semaphore_mem>> -> memref<!tpu.dma_semaphore, #tpu.memory_space<semaphore_mem>>
      tpu.wait_indirect_dma semaphore(%dma_wait3A_201 : memref<!tpu.dma_semaphore, #tpu.memory_space<semaphore_mem>>) src(%dma_wait3A_193 : memref<125x128xf32, #tpu.memory_space<vmem>>) dst(%dma_wait3A_199 : memref<10240x128xf32, #tpu.memory_space<vmem_shared>>)
      %ge3A_202 = arith.constant 1 : i32
      %ge3A_203 = arith.cmpi sge, %scan3A_80, %ge3A_202 : i32
      %add3A_204 = arith.constant 1 : i32
      %add3A_205 = arith.addi %scan3A_80, %add3A_204 : i32
      %lt3A_206 = arith.constant 10 : i32
      %lt3A_207 = arith.cmpi slt, %add3A_205, %lt3A_206 : i32
      %and3A_208 = arith.andi %ge3A_203, %lt3A_207 : i1
      %convert_element_type3A_209 = arith.extui %and3A_208 : i1 to i32
      %cond3A_210 = arith.constant 0 : i32
      %cond3A_211 = arith.cmpi ne, %convert_element_type3A_209, %cond3A_210 : i32
      scf.if %cond3A_211 {
        %add3A_695 = arith.constant 1 : i32
        %add3A_696 = arith.addi %scan3A_80, %add3A_695 : i32
        %mul3A_697 = arith.constant 8 : i32
        %mul3A_698 = arith.muli %add3A_696, %mul3A_697 : i32
        %multiple_of3A_699 = tpu.assume_multiple %mul3A_698, 8 : i32
        %sub3A = arith.constant 1 : i32
        %sub3A_700 = arith.subi %sub3A, %select_n3A_89 : i32
        %sub3A_701 = arith.constant 1 : i32
        %sub3A_702 = arith.subi %sub3A_701, %select_n3A_89 : i32
        %dma_start3A_703 = arith.constant 0 : i32
        %dma_start3A_704 = arith.constant 0 : i32
        %dma_start3A_705 = tpu.memref_slice %arg10[%sub3A_700, %dma_start3A_703, %dma_start3A_704] : memref<2x8x125xi32, #tpu.memory_space<vmem>> -> memref<1x8x125xi32, #tpu.memory_space<vmem>>
        %dma_start3A_706 = tpu.memref_squeeze %dma_start3A_705 : memref<1x8x125xi32, #tpu.memory_space<vmem>> -> memref<8x125xi32, #tpu.memory_space<vmem>>
        %dma_start3A_707 = arith.constant 0 : i32
        %dma_start3A_708 = tpu.memref_slice %arg3[%add3A, %multiple_of3A_699, %dma_start3A_707] : memref<32x80x125xi32, #tpu.memory_space<hbm>> -> memref<1x8x125xi32, #tpu.memory_space<hbm>>
        %dma_start3A_709 = tpu.memref_squeeze %dma_start3A_708 : memref<1x8x125xi32, #tpu.memory_space<hbm>> -> memref<8x125xi32, #tpu.memory_space<hbm>>
        %dma_start3A_710 = tpu.memref_slice %arg18[%sub3A_702] : memref<2x!tpu.dma_semaphore, #tpu.memory_space<semaphore_mem>> -> memref<1x!tpu.dma_semaphore, #tpu.memory_space<semaphore_mem>>
        %dma_start3A_711 = tpu.memref_squeeze %dma_start3A_710 : memref<1x!tpu.dma_semaphore, #tpu.memory_space<semaphore_mem>> -> memref<!tpu.dma_semaphore, #tpu.memory_space<semaphore_mem>>
        %dma_start3A_712 = arith.constant 0 : i32
        %dma_start3A_713 = arith.constant 0 : i32
        %dma_start3A_714 = tpu.memref_slice %arg10[%sub3A_700, %dma_start3A_712, %dma_start3A_713] : memref<2x8x125xi32, #tpu.memory_space<vmem>> -> memref<1x8x125xi32, #tpu.memory_space<vmem>>
        %dma_start3A_715 = tpu.memref_squeeze %dma_start3A_714 : memref<1x8x125xi32, #tpu.memory_space<vmem>> -> memref<8x125xi32, #tpu.memory_space<vmem>>
        %dma_start3A_716 = arith.constant 0 : i32
        %dma_start3A_717 = tpu.memref_slice %arg3[%add3A, %multiple_of3A_699, %dma_start3A_716] : memref<32x80x125xi32, #tpu.memory_space<hbm>> -> memref<1x8x125xi32, #tpu.memory_space<hbm>>
        %dma_start3A_718 = tpu.memref_squeeze %dma_start3A_717 : memref<1x8x125xi32, #tpu.memory_space<hbm>> -> memref<8x125xi32, #tpu.memory_space<hbm>>
        tpu.enqueue_dma source(%dma_start3A_718 : memref<8x125xi32, #tpu.memory_space<hbm>>) target(%dma_start3A_715 : memref<8x125xi32, #tpu.memory_space<vmem>>) target_semaphore(%dma_start3A_711 : memref<!tpu.dma_semaphore, #tpu.memory_space<semaphore_mem>>)
        %sub3A_719 = arith.constant 1 : i32
        %sub3A_720 = arith.subi %sub3A_719, %select_n3A_89 : i32
        %sub3A_721 = arith.constant 1 : i32
        %sub3A_722 = arith.subi %sub3A_721, %select_n3A_89 : i32
        %dma_start3A_723 = arith.constant 0 : i32
        %dma_start3A_724 = arith.constant 0 : i32
        %dma_start3A_725 = tpu.memref_slice %arg11[%sub3A_720, %dma_start3A_723, %dma_start3A_724] : memref<2x8x125xi32, #tpu.memory_space<vmem>> -> memref<1x8x125xi32, #tpu.memory_space<vmem>>
        %dma_start3A_726 = tpu.memref_squeeze %dma_start3A_725 : memref<1x8x125xi32, #tpu.memory_space<vmem>> -> memref<8x125xi32, #tpu.memory_space<vmem>>
        %dma_start3A_727 = arith.constant 0 : i32
        %dma_start3A_728 = tpu.memref_slice %arg4[%add3A, %multiple_of3A_699, %dma_start3A_727] : memref<32x80x125xi32, #tpu.memory_space<hbm>> -> memref<1x8x125xi32, #tpu.memory_space<hbm>>
        %dma_start3A_729 = tpu.memref_squeeze %dma_start3A_728 : memref<1x8x125xi32, #tpu.memory_space<hbm>> -> memref<8x125xi32, #tpu.memory_space<hbm>>
        %dma_start3A_730 = tpu.memref_slice %arg18[%sub3A_722] : memref<2x!tpu.dma_semaphore, #tpu.memory_space<semaphore_mem>> -> memref<1x!tpu.dma_semaphore, #tpu.memory_space<semaphore_mem>>
        %dma_start3A_731 = tpu.memref_squeeze %dma_start3A_730 : memref<1x!tpu.dma_semaphore, #tpu.memory_space<semaphore_mem>> -> memref<!tpu.dma_semaphore, #tpu.memory_space<semaphore_mem>>
        %dma_start3A_732 = arith.constant 0 : i32
        %dma_start3A_733 = arith.constant 0 : i32
        %dma_start3A_734 = tpu.memref_slice %arg11[%sub3A_720, %dma_start3A_732, %dma_start3A_733] : memref<2x8x125xi32, #tpu.memory_space<vmem>> -> memref<1x8x125xi32, #tpu.memory_space<vmem>>
        %dma_start3A_735 = tpu.memref_squeeze %dma_start3A_734 : memref<1x8x125xi32, #tpu.memory_space<vmem>> -> memref<8x125xi32, #tpu.memory_space<vmem>>
        %dma_start3A_736 = arith.constant 0 : i32
        %dma_start3A_737 = tpu.memref_slice %arg4[%add3A, %multiple_of3A_699, %dma_start3A_736] : memref<32x80x125xi32, #tpu.memory_space<hbm>> -> memref<1x8x125xi32, #tpu.memory_space<hbm>>
        %dma_start3A_738 = tpu.memref_squeeze %dma_start3A_737 : memref<1x8x125xi32, #tpu.memory_space<hbm>> -> memref<8x125xi32, #tpu.memory_space<hbm>>
        tpu.enqueue_dma source(%dma_start3A_738 : memref<8x125xi32, #tpu.memory_space<hbm>>) target(%dma_start3A_735 : memref<8x125xi32, #tpu.memory_space<vmem>>) target_semaphore(%dma_start3A_731 : memref<!tpu.dma_semaphore, #tpu.memory_space<semaphore_mem>>)
      } else {
      }
      %dma_start3A_212 = arith.constant 2 : i32
      %dma_start3A_213 = arith.constant 0 : i32
      %dma_start3A_214 = arith.constant 0 : i32
      %dma_start3A_215 = arith.constant 0 : i32
      %dma_start3A_216 = arith.constant 0 : i32
      %dma_start3A_217 = tpu.memref_slice %arg12[%dma_start3A_213, %dma_start3A_215, %dma_start3A_216] : memref<2x125x128xf32, #tpu.memory_space<vmem>> -> memref<1x125x128xf32, #tpu.memory_space<vmem>>
      %dma_start3A_218 = tpu.memref_squeeze %dma_start3A_217 : memref<1x125x128xf32, #tpu.memory_space<vmem>> -> memref<125x128xf32, #tpu.memory_space<vmem>>
      %dma_start3A_219 = arith.constant 0 : i32
      %dma_start3A_220 = tpu.memref_slice %arg10[%select_n3A_89, %dma_start3A_212, %dma_start3A_219] : memref<2x8x125xi32, #tpu.memory_space<vmem>> -> memref<1x1x125xi32, #tpu.memory_space<vmem>>
      %dma_start3A_221 = tpu.memref_squeeze %dma_start3A_220 : memref<1x1x125xi32, #tpu.memory_space<vmem>> -> memref<125xi32, #tpu.memory_space<vmem>>
      %dma_start3A_222 = arith.constant 0 : i32
      %dma_start3A_223 = arith.constant 0 : i32
      %dma_start3A_224 = tpu.memref_slice %arg2[%dma_start3A_222, %dma_start3A_223] : memref<10000x128xf32, #tpu.memory_space<hbm>> -> memref<10000x128xf32, #tpu.memory_space<hbm>>
      %dma_start3A_225 = tpu.memref_slice %arg16[%dma_start3A_214] : memref<2x!tpu.dma_semaphore, #tpu.memory_space<semaphore_mem>> -> memref<1x!tpu.dma_semaphore, #tpu.memory_space<semaphore_mem>>
      %dma_start3A_226 = tpu.memref_squeeze %dma_start3A_225 : memref<1x!tpu.dma_semaphore, #tpu.memory_space<semaphore_mem>> -> memref<!tpu.dma_semaphore, #tpu.memory_space<semaphore_mem>>
      tpu.enqueue_indirect_dma source(%dma_start3A_224 : memref<10000x128xf32, #tpu.memory_space<hbm>>) target(%dma_start3A_218 : memref<125x128xf32, #tpu.memory_space<vmem>>) offsets(%dma_start3A_221 : memref<125xi32, #tpu.memory_space<vmem>>) semaphore(%dma_start3A_226 : memref<!tpu.dma_semaphore, #tpu.memory_space<semaphore_mem>>)
      %dma_start3A_227 = arith.constant 1 : i32
      %dma_start3A_228 = arith.constant 0 : i32
      %dma_start3A_229 = arith.constant 0 : i32
      %dma_start3A_230 = tpu.memref_slice %arg12[%select_n3A_173, %dma_start3A_228, %dma_start3A_229] : memref<2x125x128xf32, #tpu.memory_space<vmem>> -> memref<1x125x128xf32, #tpu.memory_space<vmem>>
      %dma_start3A_231 = tpu.memref_squeeze %dma_start3A_230 : memref<1x125x128xf32, #tpu.memory_space<vmem>> -> memref<125x128xf32, #tpu.memory_space<vmem>>
      %dma_start3A_232 = arith.constant 0 : i32
      %dma_start3A_233 = tpu.memref_slice %arg11[%select_n3A_89, %dma_start3A_227, %dma_start3A_232] : memref<2x8x125xi32, #tpu.memory_space<vmem>> -> memref<1x1x125xi32, #tpu.memory_space<vmem>>
      %dma_start3A_234 = tpu.memref_squeeze %dma_start3A_233 : memref<1x1x125xi32, #tpu.memory_space<vmem>> -> memref<125xi32, #tpu.memory_space<vmem>>
      %dma_start3A_235 = arith.constant 0 : i32
      %dma_start3A_236 = arith.constant 0 : i32
      %dma_start3A_237 = tpu.memref_slice %arg14[%dma_start3A_235, %dma_start3A_236] : memref<10240x128xf32, #tpu.memory_space<vmem_shared>> -> memref<10240x128xf32, #tpu.memory_space<vmem_shared>>
      %dma_start3A_238 = tpu.memref_slice %arg17[%select_n3A_173] : memref<2x!tpu.dma_semaphore, #tpu.memory_space<semaphore_mem>> -> memref<1x!tpu.dma_semaphore, #tpu.memory_space<semaphore_mem>>
      %dma_start3A_239 = tpu.memref_squeeze %dma_start3A_238 : memref<1x!tpu.dma_semaphore, #tpu.memory_space<semaphore_mem>> -> memref<!tpu.dma_semaphore, #tpu.memory_space<semaphore_mem>>
      tpu.enqueue_indirect_dma source(%dma_start3A_231 : memref<125x128xf32, #tpu.memory_space<vmem>>) target(%dma_start3A_237 : memref<10240x128xf32, #tpu.memory_space<vmem_shared>>) offsets(%dma_start3A_234 : memref<125xi32, #tpu.memory_space<vmem>>) semaphore(%dma_start3A_239 : memref<!tpu.dma_semaphore, #tpu.memory_space<semaphore_mem>>) {add = true}
      %run_scoped3A_240 = arith.constant 1 : i32
      "tpu.region"() ({
        %run_scoped3A_695 = tpu.sem_alloc : memref<!tpu.dma_semaphore, #tpu.memory_space<semaphore_mem>>
        %dma_start3A_696 = arith.constant 0 : i32
        %dma_start3A_697 = tpu.memref_slice %arg11[%select_n3A_89, %run_scoped3A_240, %dma_start3A_696] : memref<2x8x125xi32, #tpu.memory_space<vmem>> -> memref<1x1x125xi32, #tpu.memory_space<vmem>>
        %dma_start3A_698 = tpu.memref_squeeze %dma_start3A_697 : memref<1x1x125xi32, #tpu.memory_space<vmem>> -> memref<125xi32, #tpu.memory_space<vmem>>
        %dma_start3A_699 = arith.constant 0 : i32
        %dma_start3A_700 = tpu.memref_slice %arg15[%dma_start3A_699] : memref<10240xf32, #tpu.memory_space<vmem_shared>> -> memref<10240xf32, #tpu.memory_space<vmem_shared>>
        tpu.enqueue_indirect_dma source(%arg13 : memref<125xf32, #tpu.memory_space<vmem>>) target(%dma_start3A_700 : memref<10240xf32, #tpu.memory_space<vmem_shared>>) offsets(%dma_start3A_698 : memref<125xi32, #tpu.memory_space<vmem>>) semaphore(%run_scoped3A_695 : memref<!tpu.dma_semaphore, #tpu.memory_space<semaphore_mem>>) {add = true}
        %dma_wait3A_701 = arith.constant 0 : i32
        %dma_wait3A_702 = tpu.memref_slice %arg11[%select_n3A_89, %run_scoped3A_240, %dma_wait3A_701] : memref<2x8x125xi32, #tpu.memory_space<vmem>> -> memref<1x1x125xi32, #tpu.memory_space<vmem>>
        %dma_wait3A_703 = tpu.memref_squeeze %dma_wait3A_702 : memref<1x1x125xi32, #tpu.memory_space<vmem>> -> memref<125xi32, #tpu.memory_space<vmem>>
        %dma_wait3A_704 = arith.constant 0 : i32
        %dma_wait3A_705 = tpu.memref_slice %arg15[%dma_wait3A_704] : memref<10240xf32, #tpu.memory_space<vmem_shared>> -> memref<10240xf32, #tpu.memory_space<vmem_shared>>
        tpu.wait_indirect_dma semaphore(%run_scoped3A_695 : memref<!tpu.dma_semaphore, #tpu.memory_space<semaphore_mem>>) src(%arg13 : memref<125xf32, #tpu.memory_space<vmem>>) dst(%dma_wait3A_705 : memref<10240xf32, #tpu.memory_space<vmem_shared>>)
        tpu.yield
      }) : () -> ()
      %mul3A_241 = arith.constant 8 : i32
      %mul3A_242 = arith.muli %scan3A_80, %mul3A_241 : i32
      %add3A_243 = arith.constant 2 : i32
      %add3A_244 = arith.addi %mul3A_242, %add3A_243 : i32
      %jit3A_245 = arith.constant 2 : i32
      %eq3A_246 = arith.constant 0 : i32
      %eq3A_247 = arith.cmpi eq, %jit3A_245, %eq3A_246 : i32
      %jit3A_248 = arith.constant 1 : i32
      %select_n3A_249 = arith.select %eq3A_247, %jit3A_248, %jit3A_245 : i32
      %rem3A_250 = arith.remsi %add3A_244, %select_n3A_249 : i32
      %ne3A_251 = arith.constant 0 : i32
      %ne3A_252 = arith.cmpi ne, %rem3A_250, %ne3A_251 : i32
      %lt3A_253 = arith.constant 0 : i32
      %lt3A_254 = arith.cmpi slt, %rem3A_250, %lt3A_253 : i32
      %lt3A_255 = arith.constant 0 : i32
      %lt3A_256 = arith.cmpi slt, %select_n3A_249, %lt3A_255 : i32
      %ne3A_257 = arith.xori %lt3A_254, %lt3A_256 : i1
      %and3A_258 = arith.andi %ne3A_257, %ne3A_252 : i1
      %add3A_259 = arith.addi %rem3A_250, %select_n3A_249 : i32
      %select_n3A_260 = arith.select %and3A_258, %add3A_259, %rem3A_250 : i32
      %dma_wait3A_261 = arith.constant 2 : i32
      %dma_wait3A_262 = arith.constant 0 : i32
      %dma_wait3A_263 = arith.constant 0 : i32
      %dma_wait3A_264 = tpu.memref_slice %arg12[%select_n3A_260, %dma_wait3A_262, %dma_wait3A_263] : memref<2x125x128xf32, #tpu.memory_space<vmem>> -> memref<1x125x128xf32, #tpu.memory_space<vmem>>
      %dma_wait3A_265 = tpu.memref_squeeze %dma_wait3A_264 : memref<1x125x128xf32, #tpu.memory_space<vmem>> -> memref<125x128xf32, #tpu.memory_space<vmem>>
      %dma_wait3A_266 = arith.constant 0 : i32
      %dma_wait3A_267 = tpu.memref_slice %arg10[%select_n3A_89, %dma_wait3A_261, %dma_wait3A_266] : memref<2x8x125xi32, #tpu.memory_space<vmem>> -> memref<1x1x125xi32, #tpu.memory_space<vmem>>
      %dma_wait3A_268 = tpu.memref_squeeze %dma_wait3A_267 : memref<1x1x125xi32, #tpu.memory_space<vmem>> -> memref<125xi32, #tpu.memory_space<vmem>>
      %dma_wait3A_269 = arith.constant 0 : i32
      %dma_wait3A_270 = arith.constant 0 : i32
      %dma_wait3A_271 = tpu.memref_slice %arg2[%dma_wait3A_269, %dma_wait3A_270] : memref<10000x128xf32, #tpu.memory_space<hbm>> -> memref<10000x128xf32, #tpu.memory_space<hbm>>
      %dma_wait3A_272 = tpu.memref_slice %arg16[%select_n3A_260] : memref<2x!tpu.dma_semaphore, #tpu.memory_space<semaphore_mem>> -> memref<1x!tpu.dma_semaphore, #tpu.memory_space<semaphore_mem>>
      %dma_wait3A_273 = tpu.memref_squeeze %dma_wait3A_272 : memref<1x!tpu.dma_semaphore, #tpu.memory_space<semaphore_mem>> -> memref<!tpu.dma_semaphore, #tpu.memory_space<semaphore_mem>>
      tpu.wait_indirect_dma semaphore(%dma_wait3A_273 : memref<!tpu.dma_semaphore, #tpu.memory_space<semaphore_mem>>) src(%dma_wait3A_271 : memref<10000x128xf32, #tpu.memory_space<hbm>>) dst(%dma_wait3A_265 : memref<125x128xf32, #tpu.memory_space<vmem>>)
      %dma_wait3A_274 = arith.constant 1 : i32
      %dma_wait3A_275 = arith.constant 2 : i32
      %dma_wait3A_276 = arith.constant 1 : i32
      %dma_wait3A_277 = arith.constant 0 : i32
      %dma_wait3A_278 = arith.constant 0 : i32
      %dma_wait3A_279 = tpu.memref_slice %arg12[%dma_wait3A_274, %dma_wait3A_277, %dma_wait3A_278] : memref<2x125x128xf32, #tpu.memory_space<vmem>> -> memref<1x125x128xf32, #tpu.memory_space<vmem>>
      %dma_wait3A_280 = tpu.memref_squeeze %dma_wait3A_279 : memref<1x125x128xf32, #tpu.memory_space<vmem>> -> memref<125x128xf32, #tpu.memory_space<vmem>>
      %dma_wait3A_281 = arith.constant 0 : i32
      %dma_wait3A_282 = tpu.memref_slice %arg11[%select_n3A_89, %dma_wait3A_275, %dma_wait3A_281] : memref<2x8x125xi32, #tpu.memory_space<vmem>> -> memref<1x1x125xi32, #tpu.memory_space<vmem>>
      %dma_wait3A_283 = tpu.memref_squeeze %dma_wait3A_282 : memref<1x1x125xi32, #tpu.memory_space<vmem>> -> memref<125xi32, #tpu.memory_space<vmem>>
      %dma_wait3A_284 = arith.constant 0 : i32
      %dma_wait3A_285 = arith.constant 0 : i32
      %dma_wait3A_286 = tpu.memref_slice %arg14[%dma_wait3A_284, %dma_wait3A_285] : memref<10240x128xf32, #tpu.memory_space<vmem_shared>> -> memref<10240x128xf32, #tpu.memory_space<vmem_shared>>
      %dma_wait3A_287 = tpu.memref_slice %arg17[%dma_wait3A_276] : memref<2x!tpu.dma_semaphore, #tpu.memory_space<semaphore_mem>> -> memref<1x!tpu.dma_semaphore, #tpu.memory_space<semaphore_mem>>
      %dma_wait3A_288 = tpu.memref_squeeze %dma_wait3A_287 : memref<1x!tpu.dma_semaphore, #tpu.memory_space<semaphore_mem>> -> memref<!tpu.dma_semaphore, #tpu.memory_space<semaphore_mem>>
      tpu.wait_indirect_dma semaphore(%dma_wait3A_288 : memref<!tpu.dma_semaphore, #tpu.memory_space<semaphore_mem>>) src(%dma_wait3A_280 : memref<125x128xf32, #tpu.memory_space<vmem>>) dst(%dma_wait3A_286 : memref<10240x128xf32, #tpu.memory_space<vmem_shared>>)
      %dma_start3A_289 = arith.constant 3 : i32
      %dma_start3A_290 = arith.constant 1 : i32
      %dma_start3A_291 = arith.constant 1 : i32
      %dma_start3A_292 = arith.constant 0 : i32
      %dma_start3A_293 = arith.constant 0 : i32
      %dma_start3A_294 = tpu.memref_slice %arg12[%dma_start3A_290, %dma_start3A_292, %dma_start3A_293] : memref<2x125x128xf32, #tpu.memory_space<vmem>> -> memref<1x125x128xf32, #tpu.memory_space<vmem>>
      %dma_start3A_295 = tpu.memref_squeeze %dma_start3A_294 : memref<1x125x128xf32, #tpu.memory_space<vmem>> -> memref<125x128xf32, #tpu.memory_space<vmem>>
      %dma_start3A_296 = arith.constant 0 : i32
      %dma_start3A_297 = tpu.memref_slice %arg10[%select_n3A_89, %dma_start3A_289, %dma_start3A_296] : memref<2x8x125xi32, #tpu.memory_space<vmem>> -> memref<1x1x125xi32, #tpu.memory_space<vmem>>
      %dma_start3A_298 = tpu.memref_squeeze %dma_start3A_297 : memref<1x1x125xi32, #tpu.memory_space<vmem>> -> memref<125xi32, #tpu.memory_space<vmem>>
      %dma_start3A_299 = arith.constant 0 : i32
      %dma_start3A_300 = arith.constant 0 : i32
      %dma_start3A_301 = tpu.memref_slice %arg2[%dma_start3A_299, %dma_start3A_300] : memref<10000x128xf32, #tpu.memory_space<hbm>> -> memref<10000x128xf32, #tpu.memory_space<hbm>>
      %dma_start3A_302 = tpu.memref_slice %arg16[%dma_start3A_291] : memref<2x!tpu.dma_semaphore, #tpu.memory_space<semaphore_mem>> -> memref<1x!tpu.dma_semaphore, #tpu.memory_space<semaphore_mem>>
      %dma_start3A_303 = tpu.memref_squeeze %dma_start3A_302 : memref<1x!tpu.dma_semaphore, #tpu.memory_space<semaphore_mem>> -> memref<!tpu.dma_semaphore, #tpu.memory_space<semaphore_mem>>
      tpu.enqueue_indirect_dma source(%dma_start3A_301 : memref<10000x128xf32, #tpu.memory_space<hbm>>) target(%dma_start3A_295 : memref<125x128xf32, #tpu.memory_space<vmem>>) offsets(%dma_start3A_298 : memref<125xi32, #tpu.memory_space<vmem>>) semaphore(%dma_start3A_303 : memref<!tpu.dma_semaphore, #tpu.memory_space<semaphore_mem>>)
      %dma_start3A_304 = arith.constant 2 : i32
      %dma_start3A_305 = arith.constant 0 : i32
      %dma_start3A_306 = arith.constant 0 : i32
      %dma_start3A_307 = tpu.memref_slice %arg12[%select_n3A_260, %dma_start3A_305, %dma_start3A_306] : memref<2x125x128xf32, #tpu.memory_space<vmem>> -> memref<1x125x128xf32, #tpu.memory_space<vmem>>
      %dma_start3A_308 = tpu.memref_squeeze %dma_start3A_307 : memref<1x125x128xf32, #tpu.memory_space<vmem>> -> memref<125x128xf32, #tpu.memory_space<vmem>>
      %dma_start3A_309 = arith.constant 0 : i32
      %dma_start3A_310 = tpu.memref_slice %arg11[%select_n3A_89, %dma_start3A_304, %dma_start3A_309] : memref<2x8x125xi32, #tpu.memory_space<vmem>> -> memref<1x1x125xi32, #tpu.memory_space<vmem>>
      %dma_start3A_311 = tpu.memref_squeeze %dma_start3A_310 : memref<1x1x125xi32, #tpu.memory_space<vmem>> -> memref<125xi32, #tpu.memory_space<vmem>>
      %dma_start3A_312 = arith.constant 0 : i32
      %dma_start3A_313 = arith.constant 0 : i32
      %dma_start3A_314 = tpu.memref_slice %arg14[%dma_start3A_312, %dma_start3A_313] : memref<10240x128xf32, #tpu.memory_space<vmem_shared>> -> memref<10240x128xf32, #tpu.memory_space<vmem_shared>>
      %dma_start3A_315 = tpu.memref_slice %arg17[%select_n3A_260] : memref<2x!tpu.dma_semaphore, #tpu.memory_space<semaphore_mem>> -> memref<1x!tpu.dma_semaphore, #tpu.memory_space<semaphore_mem>>
      %dma_start3A_316 = tpu.memref_squeeze %dma_start3A_315 : memref<1x!tpu.dma_semaphore, #tpu.memory_space<semaphore_mem>> -> memref<!tpu.dma_semaphore, #tpu.memory_space<semaphore_mem>>
      tpu.enqueue_indirect_dma source(%dma_start3A_308 : memref<125x128xf32, #tpu.memory_space<vmem>>) target(%dma_start3A_314 : memref<10240x128xf32, #tpu.memory_space<vmem_shared>>) offsets(%dma_start3A_311 : memref<125xi32, #tpu.memory_space<vmem>>) semaphore(%dma_start3A_316 : memref<!tpu.dma_semaphore, #tpu.memory_space<semaphore_mem>>) {add = true}
      %run_scoped3A_317 = arith.constant 2 : i32
      "tpu.region"() ({
        %run_scoped3A_695 = tpu.sem_alloc : memref<!tpu.dma_semaphore, #tpu.memory_space<semaphore_mem>>
        %dma_start3A_696 = arith.constant 0 : i32
        %dma_start3A_697 = tpu.memref_slice %arg11[%select_n3A_89, %run_scoped3A_317, %dma_start3A_696] : memref<2x8x125xi32, #tpu.memory_space<vmem>> -> memref<1x1x125xi32, #tpu.memory_space<vmem>>
        %dma_start3A_698 = tpu.memref_squeeze %dma_start3A_697 : memref<1x1x125xi32, #tpu.memory_space<vmem>> -> memref<125xi32, #tpu.memory_space<vmem>>
        %dma_start3A_699 = arith.constant 0 : i32
        %dma_start3A_700 = tpu.memref_slice %arg15[%dma_start3A_699] : memref<10240xf32, #tpu.memory_space<vmem_shared>> -> memref<10240xf32, #tpu.memory_space<vmem_shared>>
        tpu.enqueue_indirect_dma source(%arg13 : memref<125xf32, #tpu.memory_space<vmem>>) target(%dma_start3A_700 : memref<10240xf32, #tpu.memory_space<vmem_shared>>) offsets(%dma_start3A_698 : memref<125xi32, #tpu.memory_space<vmem>>) semaphore(%run_scoped3A_695 : memref<!tpu.dma_semaphore, #tpu.memory_space<semaphore_mem>>) {add = true}
        %dma_wait3A_701 = arith.constant 0 : i32
        %dma_wait3A_702 = tpu.memref_slice %arg11[%select_n3A_89, %run_scoped3A_317, %dma_wait3A_701] : memref<2x8x125xi32, #tpu.memory_space<vmem>> -> memref<1x1x125xi32, #tpu.memory_space<vmem>>
        %dma_wait3A_703 = tpu.memref_squeeze %dma_wait3A_702 : memref<1x1x125xi32, #tpu.memory_space<vmem>> -> memref<125xi32, #tpu.memory_space<vmem>>
        %dma_wait3A_704 = arith.constant 0 : i32
        %dma_wait3A_705 = tpu.memref_slice %arg15[%dma_wait3A_704] : memref<10240xf32, #tpu.memory_space<vmem_shared>> -> memref<10240xf32, #tpu.memory_space<vmem_shared>>
        tpu.wait_indirect_dma semaphore(%run_scoped3A_695 : memref<!tpu.dma_semaphore, #tpu.memory_space<semaphore_mem>>) src(%arg13 : memref<125xf32, #tpu.memory_space<vmem>>) dst(%dma_wait3A_705 : memref<10240xf32, #tpu.memory_space<vmem_shared>>)
        tpu.yield
      }) : () -> ()
      %mul3A_318 = arith.constant 8 : i32
      %mul3A_319 = arith.muli %scan3A_80, %mul3A_318 : i32
      %add3A_320 = arith.constant 3 : i32
      %add3A_321 = arith.addi %mul3A_319, %add3A_320 : i32
      %jit3A_322 = arith.constant 2 : i32
      %eq3A_323 = arith.constant 0 : i32
      %eq3A_324 = arith.cmpi eq, %jit3A_322, %eq3A_323 : i32
      %jit3A_325 = arith.constant 1 : i32
      %select_n3A_326 = arith.select %eq3A_324, %jit3A_325, %jit3A_322 : i32
      %rem3A_327 = arith.remsi %add3A_321, %select_n3A_326 : i32
      %ne3A_328 = arith.constant 0 : i32
      %ne3A_329 = arith.cmpi ne, %rem3A_327, %ne3A_328 : i32
      %lt3A_330 = arith.constant 0 : i32
      %lt3A_331 = arith.cmpi slt, %rem3A_327, %lt3A_330 : i32
      %lt3A_332 = arith.constant 0 : i32
      %lt3A_333 = arith.cmpi slt, %select_n3A_326, %lt3A_332 : i32
      %ne3A_334 = arith.xori %lt3A_331, %lt3A_333 : i1
      %and3A_335 = arith.andi %ne3A_334, %ne3A_329 : i1
      %add3A_336 = arith.addi %rem3A_327, %select_n3A_326 : i32
      %select_n3A_337 = arith.select %and3A_335, %add3A_336, %rem3A_327 : i32
      %dma_wait3A_338 = arith.constant 3 : i32
      %dma_wait3A_339 = arith.constant 0 : i32
      %dma_wait3A_340 = arith.constant 0 : i32
      %dma_wait3A_341 = tpu.memref_slice %arg12[%select_n3A_337, %dma_wait3A_339, %dma_wait3A_340] : memref<2x125x128xf32, #tpu.memory_space<vmem>> -> memref<1x125x128xf32, #tpu.memory_space<vmem>>
      %dma_wait3A_342 = tpu.memref_squeeze %dma_wait3A_341 : memref<1x125x128xf32, #tpu.memory_space<vmem>> -> memref<125x128xf32, #tpu.memory_space<vmem>>
      %dma_wait3A_343 = arith.constant 0 : i32
      %dma_wait3A_344 = tpu.memref_slice %arg10[%select_n3A_89, %dma_wait3A_338, %dma_wait3A_343] : memref<2x8x125xi32, #tpu.memory_space<vmem>> -> memref<1x1x125xi32, #tpu.memory_space<vmem>>
      %dma_wait3A_345 = tpu.memref_squeeze %dma_wait3A_344 : memref<1x1x125xi32, #tpu.memory_space<vmem>> -> memref<125xi32, #tpu.memory_space<vmem>>
      %dma_wait3A_346 = arith.constant 0 : i32
      %dma_wait3A_347 = arith.constant 0 : i32
      %dma_wait3A_348 = tpu.memref_slice %arg2[%dma_wait3A_346, %dma_wait3A_347] : memref<10000x128xf32, #tpu.memory_space<hbm>> -> memref<10000x128xf32, #tpu.memory_space<hbm>>
      %dma_wait3A_349 = tpu.memref_slice %arg16[%select_n3A_337] : memref<2x!tpu.dma_semaphore, #tpu.memory_space<semaphore_mem>> -> memref<1x!tpu.dma_semaphore, #tpu.memory_space<semaphore_mem>>
      %dma_wait3A_350 = tpu.memref_squeeze %dma_wait3A_349 : memref<1x!tpu.dma_semaphore, #tpu.memory_space<semaphore_mem>> -> memref<!tpu.dma_semaphore, #tpu.memory_space<semaphore_mem>>
      tpu.wait_indirect_dma semaphore(%dma_wait3A_350 : memref<!tpu.dma_semaphore, #tpu.memory_space<semaphore_mem>>) src(%dma_wait3A_348 : memref<10000x128xf32, #tpu.memory_space<hbm>>) dst(%dma_wait3A_342 : memref<125x128xf32, #tpu.memory_space<vmem>>)
      %dma_wait3A_351 = arith.constant 0 : i32
      %dma_wait3A_352 = arith.constant 3 : i32
      %dma_wait3A_353 = arith.constant 0 : i32
      %dma_wait3A_354 = arith.constant 0 : i32
      %dma_wait3A_355 = arith.constant 0 : i32
      %dma_wait3A_356 = tpu.memref_slice %arg12[%dma_wait3A_351, %dma_wait3A_354, %dma_wait3A_355] : memref<2x125x128xf32, #tpu.memory_space<vmem>> -> memref<1x125x128xf32, #tpu.memory_space<vmem>>
      %dma_wait3A_357 = tpu.memref_squeeze %dma_wait3A_356 : memref<1x125x128xf32, #tpu.memory_space<vmem>> -> memref<125x128xf32, #tpu.memory_space<vmem>>
      %dma_wait3A_358 = arith.constant 0 : i32
      %dma_wait3A_359 = tpu.memref_slice %arg11[%select_n3A_89, %dma_wait3A_352, %dma_wait3A_358] : memref<2x8x125xi32, #tpu.memory_space<vmem>> -> memref<1x1x125xi32, #tpu.memory_space<vmem>>
      %dma_wait3A_360 = tpu.memref_squeeze %dma_wait3A_359 : memref<1x1x125xi32, #tpu.memory_space<vmem>> -> memref<125xi32, #tpu.memory_space<vmem>>
      %dma_wait3A_361 = arith.constant 0 : i32
      %dma_wait3A_362 = arith.constant 0 : i32
      %dma_wait3A_363 = tpu.memref_slice %arg14[%dma_wait3A_361, %dma_wait3A_362] : memref<10240x128xf32, #tpu.memory_space<vmem_shared>> -> memref<10240x128xf32, #tpu.memory_space<vmem_shared>>
      %dma_wait3A_364 = tpu.memref_slice %arg17[%dma_wait3A_353] : memref<2x!tpu.dma_semaphore, #tpu.memory_space<semaphore_mem>> -> memref<1x!tpu.dma_semaphore, #tpu.memory_space<semaphore_mem>>
      %dma_wait3A_365 = tpu.memref_squeeze %dma_wait3A_364 : memref<1x!tpu.dma_semaphore, #tpu.memory_space<semaphore_mem>> -> memref<!tpu.dma_semaphore, #tpu.memory_space<semaphore_mem>>
      tpu.wait_indirect_dma semaphore(%dma_wait3A_365 : memref<!tpu.dma_semaphore, #tpu.memory_space<semaphore_mem>>) src(%dma_wait3A_357 : memref<125x128xf32, #tpu.memory_space<vmem>>) dst(%dma_wait3A_363 : memref<10240x128xf32, #tpu.memory_space<vmem_shared>>)
      %dma_start3A_366 = arith.constant 4 : i32
      %dma_start3A_367 = arith.constant 0 : i32
      %dma_start3A_368 = arith.constant 0 : i32
      %dma_start3A_369 = arith.constant 0 : i32
      %dma_start3A_370 = arith.constant 0 : i32
      %dma_start3A_371 = tpu.memref_slice %arg12[%dma_start3A_367, %dma_start3A_369, %dma_start3A_370] : memref<2x125x128xf32, #tpu.memory_space<vmem>> -> memref<1x125x128xf32, #tpu.memory_space<vmem>>
      %dma_start3A_372 = tpu.memref_squeeze %dma_start3A_371 : memref<1x125x128xf32, #tpu.memory_space<vmem>> -> memref<125x128xf32, #tpu.memory_space<vmem>>
      %dma_start3A_373 = arith.constant 0 : i32
      %dma_start3A_374 = tpu.memref_slice %arg10[%select_n3A_89, %dma_start3A_366, %dma_start3A_373] : memref<2x8x125xi32, #tpu.memory_space<vmem>> -> memref<1x1x125xi32, #tpu.memory_space<vmem>>
      %dma_start3A_375 = tpu.memref_squeeze %dma_start3A_374 : memref<1x1x125xi32, #tpu.memory_space<vmem>> -> memref<125xi32, #tpu.memory_space<vmem>>
      %dma_start3A_376 = arith.constant 0 : i32
      %dma_start3A_377 = arith.constant 0 : i32
      %dma_start3A_378 = tpu.memref_slice %arg2[%dma_start3A_376, %dma_start3A_377] : memref<10000x128xf32, #tpu.memory_space<hbm>> -> memref<10000x128xf32, #tpu.memory_space<hbm>>
      %dma_start3A_379 = tpu.memref_slice %arg16[%dma_start3A_368] : memref<2x!tpu.dma_semaphore, #tpu.memory_space<semaphore_mem>> -> memref<1x!tpu.dma_semaphore, #tpu.memory_space<semaphore_mem>>
      %dma_start3A_380 = tpu.memref_squeeze %dma_start3A_379 : memref<1x!tpu.dma_semaphore, #tpu.memory_space<semaphore_mem>> -> memref<!tpu.dma_semaphore, #tpu.memory_space<semaphore_mem>>
      tpu.enqueue_indirect_dma source(%dma_start3A_378 : memref<10000x128xf32, #tpu.memory_space<hbm>>) target(%dma_start3A_372 : memref<125x128xf32, #tpu.memory_space<vmem>>) offsets(%dma_start3A_375 : memref<125xi32, #tpu.memory_space<vmem>>) semaphore(%dma_start3A_380 : memref<!tpu.dma_semaphore, #tpu.memory_space<semaphore_mem>>)
      %dma_start3A_381 = arith.constant 3 : i32
      %dma_start3A_382 = arith.constant 0 : i32
      %dma_start3A_383 = arith.constant 0 : i32
      %dma_start3A_384 = tpu.memref_slice %arg12[%select_n3A_337, %dma_start3A_382, %dma_start3A_383] : memref<2x125x128xf32, #tpu.memory_space<vmem>> -> memref<1x125x128xf32, #tpu.memory_space<vmem>>
      %dma_start3A_385 = tpu.memref_squeeze %dma_start3A_384 : memref<1x125x128xf32, #tpu.memory_space<vmem>> -> memref<125x128xf32, #tpu.memory_space<vmem>>
      %dma_start3A_386 = arith.constant 0 : i32
      %dma_start3A_387 = tpu.memref_slice %arg11[%select_n3A_89, %dma_start3A_381, %dma_start3A_386] : memref<2x8x125xi32, #tpu.memory_space<vmem>> -> memref<1x1x125xi32, #tpu.memory_space<vmem>>
      %dma_start3A_388 = tpu.memref_squeeze %dma_start3A_387 : memref<1x1x125xi32, #tpu.memory_space<vmem>> -> memref<125xi32, #tpu.memory_space<vmem>>
      %dma_start3A_389 = arith.constant 0 : i32
      %dma_start3A_390 = arith.constant 0 : i32
      %dma_start3A_391 = tpu.memref_slice %arg14[%dma_start3A_389, %dma_start3A_390] : memref<10240x128xf32, #tpu.memory_space<vmem_shared>> -> memref<10240x128xf32, #tpu.memory_space<vmem_shared>>
      %dma_start3A_392 = tpu.memref_slice %arg17[%select_n3A_337] : memref<2x!tpu.dma_semaphore, #tpu.memory_space<semaphore_mem>> -> memref<1x!tpu.dma_semaphore, #tpu.memory_space<semaphore_mem>>
      %dma_start3A_393 = tpu.memref_squeeze %dma_start3A_392 : memref<1x!tpu.dma_semaphore, #tpu.memory_space<semaphore_mem>> -> memref<!tpu.dma_semaphore, #tpu.memory_space<semaphore_mem>>
      tpu.enqueue_indirect_dma source(%dma_start3A_385 : memref<125x128xf32, #tpu.memory_space<vmem>>) target(%dma_start3A_391 : memref<10240x128xf32, #tpu.memory_space<vmem_shared>>) offsets(%dma_start3A_388 : memref<125xi32, #tpu.memory_space<vmem>>) semaphore(%dma_start3A_393 : memref<!tpu.dma_semaphore, #tpu.memory_space<semaphore_mem>>) {add = true}
      %run_scoped3A_394 = arith.constant 3 : i32
      "tpu.region"() ({
        %run_scoped3A_695 = tpu.sem_alloc : memref<!tpu.dma_semaphore, #tpu.memory_space<semaphore_mem>>
        %dma_start3A_696 = arith.constant 0 : i32
        %dma_start3A_697 = tpu.memref_slice %arg11[%select_n3A_89, %run_scoped3A_394, %dma_start3A_696] : memref<2x8x125xi32, #tpu.memory_space<vmem>> -> memref<1x1x125xi32, #tpu.memory_space<vmem>>
        %dma_start3A_698 = tpu.memref_squeeze %dma_start3A_697 : memref<1x1x125xi32, #tpu.memory_space<vmem>> -> memref<125xi32, #tpu.memory_space<vmem>>
        %dma_start3A_699 = arith.constant 0 : i32
        %dma_start3A_700 = tpu.memref_slice %arg15[%dma_start3A_699] : memref<10240xf32, #tpu.memory_space<vmem_shared>> -> memref<10240xf32, #tpu.memory_space<vmem_shared>>
        tpu.enqueue_indirect_dma source(%arg13 : memref<125xf32, #tpu.memory_space<vmem>>) target(%dma_start3A_700 : memref<10240xf32, #tpu.memory_space<vmem_shared>>) offsets(%dma_start3A_698 : memref<125xi32, #tpu.memory_space<vmem>>) semaphore(%run_scoped3A_695 : memref<!tpu.dma_semaphore, #tpu.memory_space<semaphore_mem>>) {add = true}
        %dma_wait3A_701 = arith.constant 0 : i32
        %dma_wait3A_702 = tpu.memref_slice %arg11[%select_n3A_89, %run_scoped3A_394, %dma_wait3A_701] : memref<2x8x125xi32, #tpu.memory_space<vmem>> -> memref<1x1x125xi32, #tpu.memory_space<vmem>>
        %dma_wait3A_703 = tpu.memref_squeeze %dma_wait3A_702 : memref<1x1x125xi32, #tpu.memory_space<vmem>> -> memref<125xi32, #tpu.memory_space<vmem>>
        %dma_wait3A_704 = arith.constant 0 : i32
        %dma_wait3A_705 = tpu.memref_slice %arg15[%dma_wait3A_704] : memref<10240xf32, #tpu.memory_space<vmem_shared>> -> memref<10240xf32, #tpu.memory_space<vmem_shared>>
        tpu.wait_indirect_dma semaphore(%run_scoped3A_695 : memref<!tpu.dma_semaphore, #tpu.memory_space<semaphore_mem>>) src(%arg13 : memref<125xf32, #tpu.memory_space<vmem>>) dst(%dma_wait3A_705 : memref<10240xf32, #tpu.memory_space<vmem_shared>>)
        tpu.yield
      }) : () -> ()
      %mul3A_395 = arith.constant 8 : i32
      %mul3A_396 = arith.muli %scan3A_80, %mul3A_395 : i32
      %add3A_397 = arith.constant 4 : i32
      %add3A_398 = arith.addi %mul3A_396, %add3A_397 : i32
      %jit3A_399 = arith.constant 2 : i32
      %eq3A_400 = arith.constant 0 : i32
      %eq3A_401 = arith.cmpi eq, %jit3A_399, %eq3A_400 : i32
      %jit3A_402 = arith.constant 1 : i32
      %select_n3A_403 = arith.select %eq3A_401, %jit3A_402, %jit3A_399 : i32
      %rem3A_404 = arith.remsi %add3A_398, %select_n3A_403 : i32
      %ne3A_405 = arith.constant 0 : i32
      %ne3A_406 = arith.cmpi ne, %rem3A_404, %ne3A_405 : i32
      %lt3A_407 = arith.constant 0 : i32
      %lt3A_408 = arith.cmpi slt, %rem3A_404, %lt3A_407 : i32
      %lt3A_409 = arith.constant 0 : i32
      %lt3A_410 = arith.cmpi slt, %select_n3A_403, %lt3A_409 : i32
      %ne3A_411 = arith.xori %lt3A_408, %lt3A_410 : i1
      %and3A_412 = arith.andi %ne3A_411, %ne3A_406 : i1
      %add3A_413 = arith.addi %rem3A_404, %select_n3A_403 : i32
      %select_n3A_414 = arith.select %and3A_412, %add3A_413, %rem3A_404 : i32
      %dma_wait3A_415 = arith.constant 4 : i32
      %dma_wait3A_416 = arith.constant 0 : i32
      %dma_wait3A_417 = arith.constant 0 : i32
      %dma_wait3A_418 = tpu.memref_slice %arg12[%select_n3A_414, %dma_wait3A_416, %dma_wait3A_417] : memref<2x125x128xf32, #tpu.memory_space<vmem>> -> memref<1x125x128xf32, #tpu.memory_space<vmem>>
      %dma_wait3A_419 = tpu.memref_squeeze %dma_wait3A_418 : memref<1x125x128xf32, #tpu.memory_space<vmem>> -> memref<125x128xf32, #tpu.memory_space<vmem>>
      %dma_wait3A_420 = arith.constant 0 : i32
      %dma_wait3A_421 = tpu.memref_slice %arg10[%select_n3A_89, %dma_wait3A_415, %dma_wait3A_420] : memref<2x8x125xi32, #tpu.memory_space<vmem>> -> memref<1x1x125xi32, #tpu.memory_space<vmem>>
      %dma_wait3A_422 = tpu.memref_squeeze %dma_wait3A_421 : memref<1x1x125xi32, #tpu.memory_space<vmem>> -> memref<125xi32, #tpu.memory_space<vmem>>
      %dma_wait3A_423 = arith.constant 0 : i32
      %dma_wait3A_424 = arith.constant 0 : i32
      %dma_wait3A_425 = tpu.memref_slice %arg2[%dma_wait3A_423, %dma_wait3A_424] : memref<10000x128xf32, #tpu.memory_space<hbm>> -> memref<10000x128xf32, #tpu.memory_space<hbm>>
      %dma_wait3A_426 = tpu.memref_slice %arg16[%select_n3A_414] : memref<2x!tpu.dma_semaphore, #tpu.memory_space<semaphore_mem>> -> memref<1x!tpu.dma_semaphore, #tpu.memory_space<semaphore_mem>>
      %dma_wait3A_427 = tpu.memref_squeeze %dma_wait3A_426 : memref<1x!tpu.dma_semaphore, #tpu.memory_space<semaphore_mem>> -> memref<!tpu.dma_semaphore, #tpu.memory_space<semaphore_mem>>
      tpu.wait_indirect_dma semaphore(%dma_wait3A_427 : memref<!tpu.dma_semaphore, #tpu.memory_space<semaphore_mem>>) src(%dma_wait3A_425 : memref<10000x128xf32, #tpu.memory_space<hbm>>) dst(%dma_wait3A_419 : memref<125x128xf32, #tpu.memory_space<vmem>>)
      %dma_wait3A_428 = arith.constant 1 : i32
      %dma_wait3A_429 = arith.constant 4 : i32
      %dma_wait3A_430 = arith.constant 1 : i32
      %dma_wait3A_431 = arith.constant 0 : i32
      %dma_wait3A_432 = arith.constant 0 : i32
      %dma_wait3A_433 = tpu.memref_slice %arg12[%dma_wait3A_428, %dma_wait3A_431, %dma_wait3A_432] : memref<2x125x128xf32, #tpu.memory_space<vmem>> -> memref<1x125x128xf32, #tpu.memory_space<vmem>>
      %dma_wait3A_434 = tpu.memref_squeeze %dma_wait3A_433 : memref<1x125x128xf32, #tpu.memory_space<vmem>> -> memref<125x128xf32, #tpu.memory_space<vmem>>
      %dma_wait3A_435 = arith.constant 0 : i32
      %dma_wait3A_436 = tpu.memref_slice %arg11[%select_n3A_89, %dma_wait3A_429, %dma_wait3A_435] : memref<2x8x125xi32, #tpu.memory_space<vmem>> -> memref<1x1x125xi32, #tpu.memory_space<vmem>>
      %dma_wait3A_437 = tpu.memref_squeeze %dma_wait3A_436 : memref<1x1x125xi32, #tpu.memory_space<vmem>> -> memref<125xi32, #tpu.memory_space<vmem>>
      %dma_wait3A_438 = arith.constant 0 : i32
      %dma_wait3A_439 = arith.constant 0 : i32
      %dma_wait3A_440 = tpu.memref_slice %arg14[%dma_wait3A_438, %dma_wait3A_439] : memref<10240x128xf32, #tpu.memory_space<vmem_shared>> -> memref<10240x128xf32, #tpu.memory_space<vmem_shared>>
      %dma_wait3A_441 = tpu.memref_slice %arg17[%dma_wait3A_430] : memref<2x!tpu.dma_semaphore, #tpu.memory_space<semaphore_mem>> -> memref<1x!tpu.dma_semaphore, #tpu.memory_space<semaphore_mem>>
      %dma_wait3A_442 = tpu.memref_squeeze %dma_wait3A_441 : memref<1x!tpu.dma_semaphore, #tpu.memory_space<semaphore_mem>> -> memref<!tpu.dma_semaphore, #tpu.memory_space<semaphore_mem>>
      tpu.wait_indirect_dma semaphore(%dma_wait3A_442 : memref<!tpu.dma_semaphore, #tpu.memory_space<semaphore_mem>>) src(%dma_wait3A_434 : memref<125x128xf32, #tpu.memory_space<vmem>>) dst(%dma_wait3A_440 : memref<10240x128xf32, #tpu.memory_space<vmem_shared>>)
      %dma_start3A_443 = arith.constant 5 : i32
      %dma_start3A_444 = arith.constant 1 : i32
      %dma_start3A_445 = arith.constant 1 : i32
      %dma_start3A_446 = arith.constant 0 : i32
      %dma_start3A_447 = arith.constant 0 : i32
      %dma_start3A_448 = tpu.memref_slice %arg12[%dma_start3A_444, %dma_start3A_446, %dma_start3A_447] : memref<2x125x128xf32, #tpu.memory_space<vmem>> -> memref<1x125x128xf32, #tpu.memory_space<vmem>>
      %dma_start3A_449 = tpu.memref_squeeze %dma_start3A_448 : memref<1x125x128xf32, #tpu.memory_space<vmem>> -> memref<125x128xf32, #tpu.memory_space<vmem>>
      %dma_start3A_450 = arith.constant 0 : i32
      %dma_start3A_451 = tpu.memref_slice %arg10[%select_n3A_89, %dma_start3A_443, %dma_start3A_450] : memref<2x8x125xi32, #tpu.memory_space<vmem>> -> memref<1x1x125xi32, #tpu.memory_space<vmem>>
      %dma_start3A_452 = tpu.memref_squeeze %dma_start3A_451 : memref<1x1x125xi32, #tpu.memory_space<vmem>> -> memref<125xi32, #tpu.memory_space<vmem>>
      %dma_start3A_453 = arith.constant 0 : i32
      %dma_start3A_454 = arith.constant 0 : i32
      %dma_start3A_455 = tpu.memref_slice %arg2[%dma_start3A_453, %dma_start3A_454] : memref<10000x128xf32, #tpu.memory_space<hbm>> -> memref<10000x128xf32, #tpu.memory_space<hbm>>
      %dma_start3A_456 = tpu.memref_slice %arg16[%dma_start3A_445] : memref<2x!tpu.dma_semaphore, #tpu.memory_space<semaphore_mem>> -> memref<1x!tpu.dma_semaphore, #tpu.memory_space<semaphore_mem>>
      %dma_start3A_457 = tpu.memref_squeeze %dma_start3A_456 : memref<1x!tpu.dma_semaphore, #tpu.memory_space<semaphore_mem>> -> memref<!tpu.dma_semaphore, #tpu.memory_space<semaphore_mem>>
      tpu.enqueue_indirect_dma source(%dma_start3A_455 : memref<10000x128xf32, #tpu.memory_space<hbm>>) target(%dma_start3A_449 : memref<125x128xf32, #tpu.memory_space<vmem>>) offsets(%dma_start3A_452 : memref<125xi32, #tpu.memory_space<vmem>>) semaphore(%dma_start3A_457 : memref<!tpu.dma_semaphore, #tpu.memory_space<semaphore_mem>>)
      %dma_start3A_458 = arith.constant 4 : i32
      %dma_start3A_459 = arith.constant 0 : i32
      %dma_start3A_460 = arith.constant 0 : i32
      %dma_start3A_461 = tpu.memref_slice %arg12[%select_n3A_414, %dma_start3A_459, %dma_start3A_460] : memref<2x125x128xf32, #tpu.memory_space<vmem>> -> memref<1x125x128xf32, #tpu.memory_space<vmem>>
      %dma_start3A_462 = tpu.memref_squeeze %dma_start3A_461 : memref<1x125x128xf32, #tpu.memory_space<vmem>> -> memref<125x128xf32, #tpu.memory_space<vmem>>
      %dma_start3A_463 = arith.constant 0 : i32
      %dma_start3A_464 = tpu.memref_slice %arg11[%select_n3A_89, %dma_start3A_458, %dma_start3A_463] : memref<2x8x125xi32, #tpu.memory_space<vmem>> -> memref<1x1x125xi32, #tpu.memory_space<vmem>>
      %dma_start3A_465 = tpu.memref_squeeze %dma_start3A_464 : memref<1x1x125xi32, #tpu.memory_space<vmem>> -> memref<125xi32, #tpu.memory_space<vmem>>
      %dma_start3A_466 = arith.constant 0 : i32
      %dma_start3A_467 = arith.constant 0 : i32
      %dma_start3A_468 = tpu.memref_slice %arg14[%dma_start3A_466, %dma_start3A_467] : memref<10240x128xf32, #tpu.memory_space<vmem_shared>> -> memref<10240x128xf32, #tpu.memory_space<vmem_shared>>
      %dma_start3A_469 = tpu.memref_slice %arg17[%select_n3A_414] : memref<2x!tpu.dma_semaphore, #tpu.memory_space<semaphore_mem>> -> memref<1x!tpu.dma_semaphore, #tpu.memory_space<semaphore_mem>>
      %dma_start3A_470 = tpu.memref_squeeze %dma_start3A_469 : memref<1x!tpu.dma_semaphore, #tpu.memory_space<semaphore_mem>> -> memref<!tpu.dma_semaphore, #tpu.memory_space<semaphore_mem>>
      tpu.enqueue_indirect_dma source(%dma_start3A_462 : memref<125x128xf32, #tpu.memory_space<vmem>>) target(%dma_start3A_468 : memref<10240x128xf32, #tpu.memory_space<vmem_shared>>) offsets(%dma_start3A_465 : memref<125xi32, #tpu.memory_space<vmem>>) semaphore(%dma_start3A_470 : memref<!tpu.dma_semaphore, #tpu.memory_space<semaphore_mem>>) {add = true}
      %run_scoped3A_471 = arith.constant 4 : i32
      "tpu.region"() ({
        %run_scoped3A_695 = tpu.sem_alloc : memref<!tpu.dma_semaphore, #tpu.memory_space<semaphore_mem>>
        %dma_start3A_696 = arith.constant 0 : i32
        %dma_start3A_697 = tpu.memref_slice %arg11[%select_n3A_89, %run_scoped3A_471, %dma_start3A_696] : memref<2x8x125xi32, #tpu.memory_space<vmem>> -> memref<1x1x125xi32, #tpu.memory_space<vmem>>
        %dma_start3A_698 = tpu.memref_squeeze %dma_start3A_697 : memref<1x1x125xi32, #tpu.memory_space<vmem>> -> memref<125xi32, #tpu.memory_space<vmem>>
        %dma_start3A_699 = arith.constant 0 : i32
        %dma_start3A_700 = tpu.memref_slice %arg15[%dma_start3A_699] : memref<10240xf32, #tpu.memory_space<vmem_shared>> -> memref<10240xf32, #tpu.memory_space<vmem_shared>>
        tpu.enqueue_indirect_dma source(%arg13 : memref<125xf32, #tpu.memory_space<vmem>>) target(%dma_start3A_700 : memref<10240xf32, #tpu.memory_space<vmem_shared>>) offsets(%dma_start3A_698 : memref<125xi32, #tpu.memory_space<vmem>>) semaphore(%run_scoped3A_695 : memref<!tpu.dma_semaphore, #tpu.memory_space<semaphore_mem>>) {add = true}
        %dma_wait3A_701 = arith.constant 0 : i32
        %dma_wait3A_702 = tpu.memref_slice %arg11[%select_n3A_89, %run_scoped3A_471, %dma_wait3A_701] : memref<2x8x125xi32, #tpu.memory_space<vmem>> -> memref<1x1x125xi32, #tpu.memory_space<vmem>>
        %dma_wait3A_703 = tpu.memref_squeeze %dma_wait3A_702 : memref<1x1x125xi32, #tpu.memory_space<vmem>> -> memref<125xi32, #tpu.memory_space<vmem>>
        %dma_wait3A_704 = arith.constant 0 : i32
        %dma_wait3A_705 = tpu.memref_slice %arg15[%dma_wait3A_704] : memref<10240xf32, #tpu.memory_space<vmem_shared>> -> memref<10240xf32, #tpu.memory_space<vmem_shared>>
        tpu.wait_indirect_dma semaphore(%run_scoped3A_695 : memref<!tpu.dma_semaphore, #tpu.memory_space<semaphore_mem>>) src(%arg13 : memref<125xf32, #tpu.memory_space<vmem>>) dst(%dma_wait3A_705 : memref<10240xf32, #tpu.memory_space<vmem_shared>>)
        tpu.yield
      }) : () -> ()
      %mul3A_472 = arith.constant 8 : i32
      %mul3A_473 = arith.muli %scan3A_80, %mul3A_472 : i32
      %add3A_474 = arith.constant 5 : i32
      %add3A_475 = arith.addi %mul3A_473, %add3A_474 : i32
      %jit3A_476 = arith.constant 2 : i32
      %eq3A_477 = arith.constant 0 : i32
      %eq3A_478 = arith.cmpi eq, %jit3A_476, %eq3A_477 : i32
      %jit3A_479 = arith.constant 1 : i32
      %select_n3A_480 = arith.select %eq3A_478, %jit3A_479, %jit3A_476 : i32
      %rem3A_481 = arith.remsi %add3A_475, %select_n3A_480 : i32
      %ne3A_482 = arith.constant 0 : i32
      %ne3A_483 = arith.cmpi ne, %rem3A_481, %ne3A_482 : i32
      %lt3A_484 = arith.constant 0 : i32
      %lt3A_485 = arith.cmpi slt, %rem3A_481, %lt3A_484 : i32
      %lt3A_486 = arith.constant 0 : i32
      %lt3A_487 = arith.cmpi slt, %select_n3A_480, %lt3A_486 : i32
      %ne3A_488 = arith.xori %lt3A_485, %lt3A_487 : i1
      %and3A_489 = arith.andi %ne3A_488, %ne3A_483 : i1
      %add3A_490 = arith.addi %rem3A_481, %select_n3A_480 : i32
      %select_n3A_491 = arith.select %and3A_489, %add3A_490, %rem3A_481 : i32
      %dma_wait3A_492 = arith.constant 5 : i32
      %dma_wait3A_493 = arith.constant 0 : i32
      %dma_wait3A_494 = arith.constant 0 : i32
      %dma_wait3A_495 = tpu.memref_slice %arg12[%select_n3A_491, %dma_wait3A_493, %dma_wait3A_494] : memref<2x125x128xf32, #tpu.memory_space<vmem>> -> memref<1x125x128xf32, #tpu.memory_space<vmem>>
      %dma_wait3A_496 = tpu.memref_squeeze %dma_wait3A_495 : memref<1x125x128xf32, #tpu.memory_space<vmem>> -> memref<125x128xf32, #tpu.memory_space<vmem>>
      %dma_wait3A_497 = arith.constant 0 : i32
      %dma_wait3A_498 = tpu.memref_slice %arg10[%select_n3A_89, %dma_wait3A_492, %dma_wait3A_497] : memref<2x8x125xi32, #tpu.memory_space<vmem>> -> memref<1x1x125xi32, #tpu.memory_space<vmem>>
      %dma_wait3A_499 = tpu.memref_squeeze %dma_wait3A_498 : memref<1x1x125xi32, #tpu.memory_space<vmem>> -> memref<125xi32, #tpu.memory_space<vmem>>
      %dma_wait3A_500 = arith.constant 0 : i32
      %dma_wait3A_501 = arith.constant 0 : i32
      %dma_wait3A_502 = tpu.memref_slice %arg2[%dma_wait3A_500, %dma_wait3A_501] : memref<10000x128xf32, #tpu.memory_space<hbm>> -> memref<10000x128xf32, #tpu.memory_space<hbm>>
      %dma_wait3A_503 = tpu.memref_slice %arg16[%select_n3A_491] : memref<2x!tpu.dma_semaphore, #tpu.memory_space<semaphore_mem>> -> memref<1x!tpu.dma_semaphore, #tpu.memory_space<semaphore_mem>>
      %dma_wait3A_504 = tpu.memref_squeeze %dma_wait3A_503 : memref<1x!tpu.dma_semaphore, #tpu.memory_space<semaphore_mem>> -> memref<!tpu.dma_semaphore, #tpu.memory_space<semaphore_mem>>
      tpu.wait_indirect_dma semaphore(%dma_wait3A_504 : memref<!tpu.dma_semaphore, #tpu.memory_space<semaphore_mem>>) src(%dma_wait3A_502 : memref<10000x128xf32, #tpu.memory_space<hbm>>) dst(%dma_wait3A_496 : memref<125x128xf32, #tpu.memory_space<vmem>>)
      %dma_wait3A_505 = arith.constant 0 : i32
      %dma_wait3A_506 = arith.constant 5 : i32
      %dma_wait3A_507 = arith.constant 0 : i32
      %dma_wait3A_508 = arith.constant 0 : i32
      %dma_wait3A_509 = arith.constant 0 : i32
      %dma_wait3A_510 = tpu.memref_slice %arg12[%dma_wait3A_505, %dma_wait3A_508, %dma_wait3A_509] : memref<2x125x128xf32, #tpu.memory_space<vmem>> -> memref<1x125x128xf32, #tpu.memory_space<vmem>>
      %dma_wait3A_511 = tpu.memref_squeeze %dma_wait3A_510 : memref<1x125x128xf32, #tpu.memory_space<vmem>> -> memref<125x128xf32, #tpu.memory_space<vmem>>
      %dma_wait3A_512 = arith.constant 0 : i32
      %dma_wait3A_513 = tpu.memref_slice %arg11[%select_n3A_89, %dma_wait3A_506, %dma_wait3A_512] : memref<2x8x125xi32, #tpu.memory_space<vmem>> -> memref<1x1x125xi32, #tpu.memory_space<vmem>>
      %dma_wait3A_514 = tpu.memref_squeeze %dma_wait3A_513 : memref<1x1x125xi32, #tpu.memory_space<vmem>> -> memref<125xi32, #tpu.memory_space<vmem>>
      %dma_wait3A_515 = arith.constant 0 : i32
      %dma_wait3A_516 = arith.constant 0 : i32
      %dma_wait3A_517 = tpu.memref_slice %arg14[%dma_wait3A_515, %dma_wait3A_516] : memref<10240x128xf32, #tpu.memory_space<vmem_shared>> -> memref<10240x128xf32, #tpu.memory_space<vmem_shared>>
      %dma_wait3A_518 = tpu.memref_slice %arg17[%dma_wait3A_507] : memref<2x!tpu.dma_semaphore, #tpu.memory_space<semaphore_mem>> -> memref<1x!tpu.dma_semaphore, #tpu.memory_space<semaphore_mem>>
      %dma_wait3A_519 = tpu.memref_squeeze %dma_wait3A_518 : memref<1x!tpu.dma_semaphore, #tpu.memory_space<semaphore_mem>> -> memref<!tpu.dma_semaphore, #tpu.memory_space<semaphore_mem>>
      tpu.wait_indirect_dma semaphore(%dma_wait3A_519 : memref<!tpu.dma_semaphore, #tpu.memory_space<semaphore_mem>>) src(%dma_wait3A_511 : memref<125x128xf32, #tpu.memory_space<vmem>>) dst(%dma_wait3A_517 : memref<10240x128xf32, #tpu.memory_space<vmem_shared>>)
      %dma_start3A_520 = arith.constant 6 : i32
      %dma_start3A_521 = arith.constant 0 : i32
      %dma_start3A_522 = arith.constant 0 : i32
      %dma_start3A_523 = arith.constant 0 : i32
      %dma_start3A_524 = arith.constant 0 : i32
      %dma_start3A_525 = tpu.memref_slice %arg12[%dma_start3A_521, %dma_start3A_523, %dma_start3A_524] : memref<2x125x128xf32, #tpu.memory_space<vmem>> -> memref<1x125x128xf32, #tpu.memory_space<vmem>>
      %dma_start3A_526 = tpu.memref_squeeze %dma_start3A_525 : memref<1x125x128xf32, #tpu.memory_space<vmem>> -> memref<125x128xf32, #tpu.memory_space<vmem>>
      %dma_start3A_527 = arith.constant 0 : i32
      %dma_start3A_528 = tpu.memref_slice %arg10[%select_n3A_89, %dma_start3A_520, %dma_start3A_527] : memref<2x8x125xi32, #tpu.memory_space<vmem>> -> memref<1x1x125xi32, #tpu.memory_space<vmem>>
      %dma_start3A_529 = tpu.memref_squeeze %dma_start3A_528 : memref<1x1x125xi32, #tpu.memory_space<vmem>> -> memref<125xi32, #tpu.memory_space<vmem>>
      %dma_start3A_530 = arith.constant 0 : i32
      %dma_start3A_531 = arith.constant 0 : i32
      %dma_start3A_532 = tpu.memref_slice %arg2[%dma_start3A_530, %dma_start3A_531] : memref<10000x128xf32, #tpu.memory_space<hbm>> -> memref<10000x128xf32, #tpu.memory_space<hbm>>
      %dma_start3A_533 = tpu.memref_slice %arg16[%dma_start3A_522] : memref<2x!tpu.dma_semaphore, #tpu.memory_space<semaphore_mem>> -> memref<1x!tpu.dma_semaphore, #tpu.memory_space<semaphore_mem>>
      %dma_start3A_534 = tpu.memref_squeeze %dma_start3A_533 : memref<1x!tpu.dma_semaphore, #tpu.memory_space<semaphore_mem>> -> memref<!tpu.dma_semaphore, #tpu.memory_space<semaphore_mem>>
      tpu.enqueue_indirect_dma source(%dma_start3A_532 : memref<10000x128xf32, #tpu.memory_space<hbm>>) target(%dma_start3A_526 : memref<125x128xf32, #tpu.memory_space<vmem>>) offsets(%dma_start3A_529 : memref<125xi32, #tpu.memory_space<vmem>>) semaphore(%dma_start3A_534 : memref<!tpu.dma_semaphore, #tpu.memory_space<semaphore_mem>>)
      %dma_start3A_535 = arith.constant 5 : i32
      %dma_start3A_536 = arith.constant 0 : i32
      %dma_start3A_537 = arith.constant 0 : i32
      %dma_start3A_538 = tpu.memref_slice %arg12[%select_n3A_491, %dma_start3A_536, %dma_start3A_537] : memref<2x125x128xf32, #tpu.memory_space<vmem>> -> memref<1x125x128xf32, #tpu.memory_space<vmem>>
      %dma_start3A_539 = tpu.memref_squeeze %dma_start3A_538 : memref<1x125x128xf32, #tpu.memory_space<vmem>> -> memref<125x128xf32, #tpu.memory_space<vmem>>
      %dma_start3A_540 = arith.constant 0 : i32
      %dma_start3A_541 = tpu.memref_slice %arg11[%select_n3A_89, %dma_start3A_535, %dma_start3A_540] : memref<2x8x125xi32, #tpu.memory_space<vmem>> -> memref<1x1x125xi32, #tpu.memory_space<vmem>>
      %dma_start3A_542 = tpu.memref_squeeze %dma_start3A_541 : memref<1x1x125xi32, #tpu.memory_space<vmem>> -> memref<125xi32, #tpu.memory_space<vmem>>
      %dma_start3A_543 = arith.constant 0 : i32
      %dma_start3A_544 = arith.constant 0 : i32
      %dma_start3A_545 = tpu.memref_slice %arg14[%dma_start3A_543, %dma_start3A_544] : memref<10240x128xf32, #tpu.memory_space<vmem_shared>> -> memref<10240x128xf32, #tpu.memory_space<vmem_shared>>
      %dma_start3A_546 = tpu.memref_slice %arg17[%select_n3A_491] : memref<2x!tpu.dma_semaphore, #tpu.memory_space<semaphore_mem>> -> memref<1x!tpu.dma_semaphore, #tpu.memory_space<semaphore_mem>>
      %dma_start3A_547 = tpu.memref_squeeze %dma_start3A_546 : memref<1x!tpu.dma_semaphore, #tpu.memory_space<semaphore_mem>> -> memref<!tpu.dma_semaphore, #tpu.memory_space<semaphore_mem>>
      tpu.enqueue_indirect_dma source(%dma_start3A_539 : memref<125x128xf32, #tpu.memory_space<vmem>>) target(%dma_start3A_545 : memref<10240x128xf32, #tpu.memory_space<vmem_shared>>) offsets(%dma_start3A_542 : memref<125xi32, #tpu.memory_space<vmem>>) semaphore(%dma_start3A_547 : memref<!tpu.dma_semaphore, #tpu.memory_space<semaphore_mem>>) {add = true}
      %run_scoped3A_548 = arith.constant 5 : i32
      "tpu.region"() ({
        %run_scoped3A_695 = tpu.sem_alloc : memref<!tpu.dma_semaphore, #tpu.memory_space<semaphore_mem>>
        %dma_start3A_696 = arith.constant 0 : i32
        %dma_start3A_697 = tpu.memref_slice %arg11[%select_n3A_89, %run_scoped3A_548, %dma_start3A_696] : memref<2x8x125xi32, #tpu.memory_space<vmem>> -> memref<1x1x125xi32, #tpu.memory_space<vmem>>
        %dma_start3A_698 = tpu.memref_squeeze %dma_start3A_697 : memref<1x1x125xi32, #tpu.memory_space<vmem>> -> memref<125xi32, #tpu.memory_space<vmem>>
        %dma_start3A_699 = arith.constant 0 : i32
        %dma_start3A_700 = tpu.memref_slice %arg15[%dma_start3A_699] : memref<10240xf32, #tpu.memory_space<vmem_shared>> -> memref<10240xf32, #tpu.memory_space<vmem_shared>>
        tpu.enqueue_indirect_dma source(%arg13 : memref<125xf32, #tpu.memory_space<vmem>>) target(%dma_start3A_700 : memref<10240xf32, #tpu.memory_space<vmem_shared>>) offsets(%dma_start3A_698 : memref<125xi32, #tpu.memory_space<vmem>>) semaphore(%run_scoped3A_695 : memref<!tpu.dma_semaphore, #tpu.memory_space<semaphore_mem>>) {add = true}
        %dma_wait3A_701 = arith.constant 0 : i32
        %dma_wait3A_702 = tpu.memref_slice %arg11[%select_n3A_89, %run_scoped3A_548, %dma_wait3A_701] : memref<2x8x125xi32, #tpu.memory_space<vmem>> -> memref<1x1x125xi32, #tpu.memory_space<vmem>>
        %dma_wait3A_703 = tpu.memref_squeeze %dma_wait3A_702 : memref<1x1x125xi32, #tpu.memory_space<vmem>> -> memref<125xi32, #tpu.memory_space<vmem>>
        %dma_wait3A_704 = arith.constant 0 : i32
        %dma_wait3A_705 = tpu.memref_slice %arg15[%dma_wait3A_704] : memref<10240xf32, #tpu.memory_space<vmem_shared>> -> memref<10240xf32, #tpu.memory_space<vmem_shared>>
        tpu.wait_indirect_dma semaphore(%run_scoped3A_695 : memref<!tpu.dma_semaphore, #tpu.memory_space<semaphore_mem>>) src(%arg13 : memref<125xf32, #tpu.memory_space<vmem>>) dst(%dma_wait3A_705 : memref<10240xf32, #tpu.memory_space<vmem_shared>>)
        tpu.yield
      }) : () -> ()
      %mul3A_549 = arith.constant 8 : i32
      %mul3A_550 = arith.muli %scan3A_80, %mul3A_549 : i32
      %add3A_551 = arith.constant 6 : i32
      %add3A_552 = arith.addi %mul3A_550, %add3A_551 : i32
      %jit3A_553 = arith.constant 2 : i32
      %eq3A_554 = arith.constant 0 : i32
      %eq3A_555 = arith.cmpi eq, %jit3A_553, %eq3A_554 : i32
      %jit3A_556 = arith.constant 1 : i32
      %select_n3A_557 = arith.select %eq3A_555, %jit3A_556, %jit3A_553 : i32
      %rem3A_558 = arith.remsi %add3A_552, %select_n3A_557 : i32
      %ne3A_559 = arith.constant 0 : i32
      %ne3A_560 = arith.cmpi ne, %rem3A_558, %ne3A_559 : i32
      %lt3A_561 = arith.constant 0 : i32
      %lt3A_562 = arith.cmpi slt, %rem3A_558, %lt3A_561 : i32
      %lt3A_563 = arith.constant 0 : i32
      %lt3A_564 = arith.cmpi slt, %select_n3A_557, %lt3A_563 : i32
      %ne3A_565 = arith.xori %lt3A_562, %lt3A_564 : i1
      %and3A_566 = arith.andi %ne3A_565, %ne3A_560 : i1
      %add3A_567 = arith.addi %rem3A_558, %select_n3A_557 : i32
      %select_n3A_568 = arith.select %and3A_566, %add3A_567, %rem3A_558 : i32
      %dma_wait3A_569 = arith.constant 6 : i32
      %dma_wait3A_570 = arith.constant 0 : i32
      %dma_wait3A_571 = arith.constant 0 : i32
      %dma_wait3A_572 = tpu.memref_slice %arg12[%select_n3A_568, %dma_wait3A_570, %dma_wait3A_571] : memref<2x125x128xf32, #tpu.memory_space<vmem>> -> memref<1x125x128xf32, #tpu.memory_space<vmem>>
      %dma_wait3A_573 = tpu.memref_squeeze %dma_wait3A_572 : memref<1x125x128xf32, #tpu.memory_space<vmem>> -> memref<125x128xf32, #tpu.memory_space<vmem>>
      %dma_wait3A_574 = arith.constant 0 : i32
      %dma_wait3A_575 = tpu.memref_slice %arg10[%select_n3A_89, %dma_wait3A_569, %dma_wait3A_574] : memref<2x8x125xi32, #tpu.memory_space<vmem>> -> memref<1x1x125xi32, #tpu.memory_space<vmem>>
      %dma_wait3A_576 = tpu.memref_squeeze %dma_wait3A_575 : memref<1x1x125xi32, #tpu.memory_space<vmem>> -> memref<125xi32, #tpu.memory_space<vmem>>
      %dma_wait3A_577 = arith.constant 0 : i32
      %dma_wait3A_578 = arith.constant 0 : i32
      %dma_wait3A_579 = tpu.memref_slice %arg2[%dma_wait3A_577, %dma_wait3A_578] : memref<10000x128xf32, #tpu.memory_space<hbm>> -> memref<10000x128xf32, #tpu.memory_space<hbm>>
      %dma_wait3A_580 = tpu.memref_slice %arg16[%select_n3A_568] : memref<2x!tpu.dma_semaphore, #tpu.memory_space<semaphore_mem>> -> memref<1x!tpu.dma_semaphore, #tpu.memory_space<semaphore_mem>>
      %dma_wait3A_581 = tpu.memref_squeeze %dma_wait3A_580 : memref<1x!tpu.dma_semaphore, #tpu.memory_space<semaphore_mem>> -> memref<!tpu.dma_semaphore, #tpu.memory_space<semaphore_mem>>
      tpu.wait_indirect_dma semaphore(%dma_wait3A_581 : memref<!tpu.dma_semaphore, #tpu.memory_space<semaphore_mem>>) src(%dma_wait3A_579 : memref<10000x128xf32, #tpu.memory_space<hbm>>) dst(%dma_wait3A_573 : memref<125x128xf32, #tpu.memory_space<vmem>>)
      %dma_wait3A_582 = arith.constant 1 : i32
      %dma_wait3A_583 = arith.constant 6 : i32
      %dma_wait3A_584 = arith.constant 1 : i32
      %dma_wait3A_585 = arith.constant 0 : i32
      %dma_wait3A_586 = arith.constant 0 : i32
      %dma_wait3A_587 = tpu.memref_slice %arg12[%dma_wait3A_582, %dma_wait3A_585, %dma_wait3A_586] : memref<2x125x128xf32, #tpu.memory_space<vmem>> -> memref<1x125x128xf32, #tpu.memory_space<vmem>>
      %dma_wait3A_588 = tpu.memref_squeeze %dma_wait3A_587 : memref<1x125x128xf32, #tpu.memory_space<vmem>> -> memref<125x128xf32, #tpu.memory_space<vmem>>
      %dma_wait3A_589 = arith.constant 0 : i32
      %dma_wait3A_590 = tpu.memref_slice %arg11[%select_n3A_89, %dma_wait3A_583, %dma_wait3A_589] : memref<2x8x125xi32, #tpu.memory_space<vmem>> -> memref<1x1x125xi32, #tpu.memory_space<vmem>>
      %dma_wait3A_591 = tpu.memref_squeeze %dma_wait3A_590 : memref<1x1x125xi32, #tpu.memory_space<vmem>> -> memref<125xi32, #tpu.memory_space<vmem>>
      %dma_wait3A_592 = arith.constant 0 : i32
      %dma_wait3A_593 = arith.constant 0 : i32
      %dma_wait3A_594 = tpu.memref_slice %arg14[%dma_wait3A_592, %dma_wait3A_593] : memref<10240x128xf32, #tpu.memory_space<vmem_shared>> -> memref<10240x128xf32, #tpu.memory_space<vmem_shared>>
      %dma_wait3A_595 = tpu.memref_slice %arg17[%dma_wait3A_584] : memref<2x!tpu.dma_semaphore, #tpu.memory_space<semaphore_mem>> -> memref<1x!tpu.dma_semaphore, #tpu.memory_space<semaphore_mem>>
      %dma_wait3A_596 = tpu.memref_squeeze %dma_wait3A_595 : memref<1x!tpu.dma_semaphore, #tpu.memory_space<semaphore_mem>> -> memref<!tpu.dma_semaphore, #tpu.memory_space<semaphore_mem>>
      tpu.wait_indirect_dma semaphore(%dma_wait3A_596 : memref<!tpu.dma_semaphore, #tpu.memory_space<semaphore_mem>>) src(%dma_wait3A_588 : memref<125x128xf32, #tpu.memory_space<vmem>>) dst(%dma_wait3A_594 : memref<10240x128xf32, #tpu.memory_space<vmem_shared>>)
      %dma_start3A_597 = arith.constant 7 : i32
      %dma_start3A_598 = arith.constant 1 : i32
      %dma_start3A_599 = arith.constant 1 : i32
      %dma_start3A_600 = arith.constant 0 : i32
      %dma_start3A_601 = arith.constant 0 : i32
      %dma_start3A_602 = tpu.memref_slice %arg12[%dma_start3A_598, %dma_start3A_600, %dma_start3A_601] : memref<2x125x128xf32, #tpu.memory_space<vmem>> -> memref<1x125x128xf32, #tpu.memory_space<vmem>>
      %dma_start3A_603 = tpu.memref_squeeze %dma_start3A_602 : memref<1x125x128xf32, #tpu.memory_space<vmem>> -> memref<125x128xf32, #tpu.memory_space<vmem>>
      %dma_start3A_604 = arith.constant 0 : i32
      %dma_start3A_605 = tpu.memref_slice %arg10[%select_n3A_89, %dma_start3A_597, %dma_start3A_604] : memref<2x8x125xi32, #tpu.memory_space<vmem>> -> memref<1x1x125xi32, #tpu.memory_space<vmem>>
      %dma_start3A_606 = tpu.memref_squeeze %dma_start3A_605 : memref<1x1x125xi32, #tpu.memory_space<vmem>> -> memref<125xi32, #tpu.memory_space<vmem>>
      %dma_start3A_607 = arith.constant 0 : i32
      %dma_start3A_608 = arith.constant 0 : i32
      %dma_start3A_609 = tpu.memref_slice %arg2[%dma_start3A_607, %dma_start3A_608] : memref<10000x128xf32, #tpu.memory_space<hbm>> -> memref<10000x128xf32, #tpu.memory_space<hbm>>
      %dma_start3A_610 = tpu.memref_slice %arg16[%dma_start3A_599] : memref<2x!tpu.dma_semaphore, #tpu.memory_space<semaphore_mem>> -> memref<1x!tpu.dma_semaphore, #tpu.memory_space<semaphore_mem>>
      %dma_start3A_611 = tpu.memref_squeeze %dma_start3A_610 : memref<1x!tpu.dma_semaphore, #tpu.memory_space<semaphore_mem>> -> memref<!tpu.dma_semaphore, #tpu.memory_space<semaphore_mem>>
      tpu.enqueue_indirect_dma source(%dma_start3A_609 : memref<10000x128xf32, #tpu.memory_space<hbm>>) target(%dma_start3A_603 : memref<125x128xf32, #tpu.memory_space<vmem>>) offsets(%dma_start3A_606 : memref<125xi32, #tpu.memory_space<vmem>>) semaphore(%dma_start3A_611 : memref<!tpu.dma_semaphore, #tpu.memory_space<semaphore_mem>>)
      %dma_start3A_612 = arith.constant 6 : i32
      %dma_start3A_613 = arith.constant 0 : i32
      %dma_start3A_614 = arith.constant 0 : i32
      %dma_start3A_615 = tpu.memref_slice %arg12[%select_n3A_568, %dma_start3A_613, %dma_start3A_614] : memref<2x125x128xf32, #tpu.memory_space<vmem>> -> memref<1x125x128xf32, #tpu.memory_space<vmem>>
      %dma_start3A_616 = tpu.memref_squeeze %dma_start3A_615 : memref<1x125x128xf32, #tpu.memory_space<vmem>> -> memref<125x128xf32, #tpu.memory_space<vmem>>
      %dma_start3A_617 = arith.constant 0 : i32
      %dma_start3A_618 = tpu.memref_slice %arg11[%select_n3A_89, %dma_start3A_612, %dma_start3A_617] : memref<2x8x125xi32, #tpu.memory_space<vmem>> -> memref<1x1x125xi32, #tpu.memory_space<vmem>>
      %dma_start3A_619 = tpu.memref_squeeze %dma_start3A_618 : memref<1x1x125xi32, #tpu.memory_space<vmem>> -> memref<125xi32, #tpu.memory_space<vmem>>
      %dma_start3A_620 = arith.constant 0 : i32
      %dma_start3A_621 = arith.constant 0 : i32
      %dma_start3A_622 = tpu.memref_slice %arg14[%dma_start3A_620, %dma_start3A_621] : memref<10240x128xf32, #tpu.memory_space<vmem_shared>> -> memref<10240x128xf32, #tpu.memory_space<vmem_shared>>
      %dma_start3A_623 = tpu.memref_slice %arg17[%select_n3A_568] : memref<2x!tpu.dma_semaphore, #tpu.memory_space<semaphore_mem>> -> memref<1x!tpu.dma_semaphore, #tpu.memory_space<semaphore_mem>>
      %dma_start3A_624 = tpu.memref_squeeze %dma_start3A_623 : memref<1x!tpu.dma_semaphore, #tpu.memory_space<semaphore_mem>> -> memref<!tpu.dma_semaphore, #tpu.memory_space<semaphore_mem>>
      tpu.enqueue_indirect_dma source(%dma_start3A_616 : memref<125x128xf32, #tpu.memory_space<vmem>>) target(%dma_start3A_622 : memref<10240x128xf32, #tpu.memory_space<vmem_shared>>) offsets(%dma_start3A_619 : memref<125xi32, #tpu.memory_space<vmem>>) semaphore(%dma_start3A_624 : memref<!tpu.dma_semaphore, #tpu.memory_space<semaphore_mem>>) {add = true}
      %run_scoped3A_625 = arith.constant 6 : i32
      "tpu.region"() ({
        %run_scoped3A_695 = tpu.sem_alloc : memref<!tpu.dma_semaphore, #tpu.memory_space<semaphore_mem>>
        %dma_start3A_696 = arith.constant 0 : i32
        %dma_start3A_697 = tpu.memref_slice %arg11[%select_n3A_89, %run_scoped3A_625, %dma_start3A_696] : memref<2x8x125xi32, #tpu.memory_space<vmem>> -> memref<1x1x125xi32, #tpu.memory_space<vmem>>
        %dma_start3A_698 = tpu.memref_squeeze %dma_start3A_697 : memref<1x1x125xi32, #tpu.memory_space<vmem>> -> memref<125xi32, #tpu.memory_space<vmem>>
        %dma_start3A_699 = arith.constant 0 : i32
        %dma_start3A_700 = tpu.memref_slice %arg15[%dma_start3A_699] : memref<10240xf32, #tpu.memory_space<vmem_shared>> -> memref<10240xf32, #tpu.memory_space<vmem_shared>>
        tpu.enqueue_indirect_dma source(%arg13 : memref<125xf32, #tpu.memory_space<vmem>>) target(%dma_start3A_700 : memref<10240xf32, #tpu.memory_space<vmem_shared>>) offsets(%dma_start3A_698 : memref<125xi32, #tpu.memory_space<vmem>>) semaphore(%run_scoped3A_695 : memref<!tpu.dma_semaphore, #tpu.memory_space<semaphore_mem>>) {add = true}
        %dma_wait3A_701 = arith.constant 0 : i32
        %dma_wait3A_702 = tpu.memref_slice %arg11[%select_n3A_89, %run_scoped3A_625, %dma_wait3A_701] : memref<2x8x125xi32, #tpu.memory_space<vmem>> -> memref<1x1x125xi32, #tpu.memory_space<vmem>>
        %dma_wait3A_703 = tpu.memref_squeeze %dma_wait3A_702 : memref<1x1x125xi32, #tpu.memory_space<vmem>> -> memref<125xi32, #tpu.memory_space<vmem>>
        %dma_wait3A_704 = arith.constant 0 : i32
        %dma_wait3A_705 = tpu.memref_slice %arg15[%dma_wait3A_704] : memref<10240xf32, #tpu.memory_space<vmem_shared>> -> memref<10240xf32, #tpu.memory_space<vmem_shared>>
        tpu.wait_indirect_dma semaphore(%run_scoped3A_695 : memref<!tpu.dma_semaphore, #tpu.memory_space<semaphore_mem>>) src(%arg13 : memref<125xf32, #tpu.memory_space<vmem>>) dst(%dma_wait3A_705 : memref<10240xf32, #tpu.memory_space<vmem_shared>>)
        tpu.yield
      }) : () -> ()
      %mul3A_626 = arith.constant 8 : i32
      %mul3A_627 = arith.muli %scan3A_80, %mul3A_626 : i32
      %add3A_628 = arith.constant 7 : i32
      %add3A_629 = arith.addi %mul3A_627, %add3A_628 : i32
      %jit3A_630 = arith.constant 2 : i32
      %eq3A_631 = arith.constant 0 : i32
      %eq3A_632 = arith.cmpi eq, %jit3A_630, %eq3A_631 : i32
      %jit3A_633 = arith.constant 1 : i32
      %select_n3A_634 = arith.select %eq3A_632, %jit3A_633, %jit3A_630 : i32
      %rem3A_635 = arith.remsi %add3A_629, %select_n3A_634 : i32
      %ne3A_636 = arith.constant 0 : i32
      %ne3A_637 = arith.cmpi ne, %rem3A_635, %ne3A_636 : i32
      %lt3A_638 = arith.constant 0 : i32
      %lt3A_639 = arith.cmpi slt, %rem3A_635, %lt3A_638 : i32
      %lt3A_640 = arith.constant 0 : i32
      %lt3A_641 = arith.cmpi slt, %select_n3A_634, %lt3A_640 : i32
      %ne3A_642 = arith.xori %lt3A_639, %lt3A_641 : i1
      %and3A_643 = arith.andi %ne3A_642, %ne3A_637 : i1
      %add3A_644 = arith.addi %rem3A_635, %select_n3A_634 : i32
      %select_n3A_645 = arith.select %and3A_643, %add3A_644, %rem3A_635 : i32
      %dma_wait3A_646 = arith.constant 7 : i32
      %dma_wait3A_647 = arith.constant 0 : i32
      %dma_wait3A_648 = arith.constant 0 : i32
      %dma_wait3A_649 = tpu.memref_slice %arg12[%select_n3A_645, %dma_wait3A_647, %dma_wait3A_648] : memref<2x125x128xf32, #tpu.memory_space<vmem>> -> memref<1x125x128xf32, #tpu.memory_space<vmem>>
      %dma_wait3A_650 = tpu.memref_squeeze %dma_wait3A_649 : memref<1x125x128xf32, #tpu.memory_space<vmem>> -> memref<125x128xf32, #tpu.memory_space<vmem>>
      %dma_wait3A_651 = arith.constant 0 : i32
      %dma_wait3A_652 = tpu.memref_slice %arg10[%select_n3A_89, %dma_wait3A_646, %dma_wait3A_651] : memref<2x8x125xi32, #tpu.memory_space<vmem>> -> memref<1x1x125xi32, #tpu.memory_space<vmem>>
      %dma_wait3A_653 = tpu.memref_squeeze %dma_wait3A_652 : memref<1x1x125xi32, #tpu.memory_space<vmem>> -> memref<125xi32, #tpu.memory_space<vmem>>
      %dma_wait3A_654 = arith.constant 0 : i32
      %dma_wait3A_655 = arith.constant 0 : i32
      %dma_wait3A_656 = tpu.memref_slice %arg2[%dma_wait3A_654, %dma_wait3A_655] : memref<10000x128xf32, #tpu.memory_space<hbm>> -> memref<10000x128xf32, #tpu.memory_space<hbm>>
      %dma_wait3A_657 = tpu.memref_slice %arg16[%select_n3A_645] : memref<2x!tpu.dma_semaphore, #tpu.memory_space<semaphore_mem>> -> memref<1x!tpu.dma_semaphore, #tpu.memory_space<semaphore_mem>>
      %dma_wait3A_658 = tpu.memref_squeeze %dma_wait3A_657 : memref<1x!tpu.dma_semaphore, #tpu.memory_space<semaphore_mem>> -> memref<!tpu.dma_semaphore, #tpu.memory_space<semaphore_mem>>
      tpu.wait_indirect_dma semaphore(%dma_wait3A_658 : memref<!tpu.dma_semaphore, #tpu.memory_space<semaphore_mem>>) src(%dma_wait3A_656 : memref<10000x128xf32, #tpu.memory_space<hbm>>) dst(%dma_wait3A_650 : memref<125x128xf32, #tpu.memory_space<vmem>>)
      %dma_wait3A_659 = arith.constant 0 : i32
      %dma_wait3A_660 = arith.constant 7 : i32
      %dma_wait3A_661 = arith.constant 0 : i32
      %dma_wait3A_662 = arith.constant 0 : i32
      %dma_wait3A_663 = arith.constant 0 : i32
      %dma_wait3A_664 = tpu.memref_slice %arg12[%dma_wait3A_659, %dma_wait3A_662, %dma_wait3A_663] : memref<2x125x128xf32, #tpu.memory_space<vmem>> -> memref<1x125x128xf32, #tpu.memory_space<vmem>>
      %dma_wait3A_665 = tpu.memref_squeeze %dma_wait3A_664 : memref<1x125x128xf32, #tpu.memory_space<vmem>> -> memref<125x128xf32, #tpu.memory_space<vmem>>
      %dma_wait3A_666 = arith.constant 0 : i32
      %dma_wait3A_667 = tpu.memref_slice %arg11[%select_n3A_89, %dma_wait3A_660, %dma_wait3A_666] : memref<2x8x125xi32, #tpu.memory_space<vmem>> -> memref<1x1x125xi32, #tpu.memory_space<vmem>>
      %dma_wait3A_668 = tpu.memref_squeeze %dma_wait3A_667 : memref<1x1x125xi32, #tpu.memory_space<vmem>> -> memref<125xi32, #tpu.memory_space<vmem>>
      %dma_wait3A_669 = arith.constant 0 : i32
      %dma_wait3A_670 = arith.constant 0 : i32
      %dma_wait3A_671 = tpu.memref_slice %arg14[%dma_wait3A_669, %dma_wait3A_670] : memref<10240x128xf32, #tpu.memory_space<vmem_shared>> -> memref<10240x128xf32, #tpu.memory_space<vmem_shared>>
      %dma_wait3A_672 = tpu.memref_slice %arg17[%dma_wait3A_661] : memref<2x!tpu.dma_semaphore, #tpu.memory_space<semaphore_mem>> -> memref<1x!tpu.dma_semaphore, #tpu.memory_space<semaphore_mem>>
      %dma_wait3A_673 = tpu.memref_squeeze %dma_wait3A_672 : memref<1x!tpu.dma_semaphore, #tpu.memory_space<semaphore_mem>> -> memref<!tpu.dma_semaphore, #tpu.memory_space<semaphore_mem>>
      tpu.wait_indirect_dma semaphore(%dma_wait3A_673 : memref<!tpu.dma_semaphore, #tpu.memory_space<semaphore_mem>>) src(%dma_wait3A_665 : memref<125x128xf32, #tpu.memory_space<vmem>>) dst(%dma_wait3A_671 : memref<10240x128xf32, #tpu.memory_space<vmem_shared>>)
      %add3A_674 = arith.constant 1 : i32
      %add3A_675 = arith.addi %scan3A_80, %add3A_674 : i32
      %lt3A_676 = arith.constant 10 : i32
      %lt3A_677 = arith.cmpi slt, %add3A_675, %lt3A_676 : i32
      %convert_element_type3A_678 = arith.extui %lt3A_677 : i1 to i32
      %cond3A_679 = arith.constant 0 : i32
      %cond3A_680 = arith.cmpi ne, %convert_element_type3A_678, %cond3A_679 : i32
      scf.if %cond3A_680 {
        %sub3A = arith.constant 1 : i32
        %sub3A_695 = arith.subi %sub3A, %select_n3A_89 : i32
        %sub3A_696 = arith.constant 1 : i32
        %sub3A_697 = arith.subi %sub3A_696, %select_n3A_89 : i32
        %dma_wait3A_698 = arith.constant 0 : i32
        %dma_wait3A_699 = arith.constant 0 : i32
        %dma_wait3A_700 = tpu.memref_slice %arg10[%sub3A_695, %dma_wait3A_698, %dma_wait3A_699] : memref<2x8x125xi32, #tpu.memory_space<vmem>> -> memref<1x8x125xi32, #tpu.memory_space<vmem>>
        %dma_wait3A_701 = tpu.memref_squeeze %dma_wait3A_700 : memref<1x8x125xi32, #tpu.memory_space<vmem>> -> memref<8x125xi32, #tpu.memory_space<vmem>>
        %dma_wait3A_702 = arith.constant 0 : i32
        %dma_wait3A_703 = arith.constant 0 : i32
        %dma_wait3A_704 = tpu.memref_slice %arg3[%add3A, %dma_wait3A_702, %dma_wait3A_703] : memref<32x80x125xi32, #tpu.memory_space<hbm>> -> memref<1x8x125xi32, #tpu.memory_space<hbm>>
        %dma_wait3A_705 = tpu.memref_squeeze %dma_wait3A_704 : memref<1x8x125xi32, #tpu.memory_space<hbm>> -> memref<8x125xi32, #tpu.memory_space<hbm>>
        %dma_wait3A_706 = tpu.memref_slice %arg18[%sub3A_697] : memref<2x!tpu.dma_semaphore, #tpu.memory_space<semaphore_mem>> -> memref<1x!tpu.dma_semaphore, #tpu.memory_space<semaphore_mem>>
        %dma_wait3A_707 = tpu.memref_squeeze %dma_wait3A_706 : memref<1x!tpu.dma_semaphore, #tpu.memory_space<semaphore_mem>> -> memref<!tpu.dma_semaphore, #tpu.memory_space<semaphore_mem>>
        %dma_wait3A_708 = arith.constant 0 : i32
        %dma_wait3A_709 = arith.constant 0 : i32
        %dma_wait3A_710 = tpu.memref_slice %arg10[%sub3A_695, %dma_wait3A_708, %dma_wait3A_709] : memref<2x8x125xi32, #tpu.memory_space<vmem>> -> memref<1x8x125xi32, #tpu.memory_space<vmem>>
        %dma_wait3A_711 = tpu.memref_squeeze %dma_wait3A_710 : memref<1x8x125xi32, #tpu.memory_space<vmem>> -> memref<8x125xi32, #tpu.memory_space<vmem>>
        %dma_wait3A_712 = arith.constant 0 : i32
        %dma_wait3A_713 = arith.constant 0 : i32
        %dma_wait3A_714 = tpu.memref_slice %arg3[%add3A, %dma_wait3A_712, %dma_wait3A_713] : memref<32x80x125xi32, #tpu.memory_space<hbm>> -> memref<1x8x125xi32, #tpu.memory_space<hbm>>
        %dma_wait3A_715 = tpu.memref_squeeze %dma_wait3A_714 : memref<1x8x125xi32, #tpu.memory_space<hbm>> -> memref<8x125xi32, #tpu.memory_space<hbm>>
        tpu.wait_dma2 semaphore(%dma_wait3A_707 : memref<!tpu.dma_semaphore, #tpu.memory_space<semaphore_mem>>) src(%dma_wait3A_715 : memref<8x125xi32, #tpu.memory_space<hbm>>) dst(%dma_wait3A_711 : memref<8x125xi32, #tpu.memory_space<vmem>>)
        %sub3A_716 = arith.constant 1 : i32
        %sub3A_717 = arith.subi %sub3A_716, %select_n3A_89 : i32
        %sub3A_718 = arith.constant 1 : i32
        %sub3A_719 = arith.subi %sub3A_718, %select_n3A_89 : i32
        %dma_wait3A_720 = arith.constant 0 : i32
        %dma_wait3A_721 = arith.constant 0 : i32
        %dma_wait3A_722 = tpu.memref_slice %arg11[%sub3A_717, %dma_wait3A_720, %dma_wait3A_721] : memref<2x8x125xi32, #tpu.memory_space<vmem>> -> memref<1x8x125xi32, #tpu.memory_space<vmem>>
        %dma_wait3A_723 = tpu.memref_squeeze %dma_wait3A_722 : memref<1x8x125xi32, #tpu.memory_space<vmem>> -> memref<8x125xi32, #tpu.memory_space<vmem>>
        %dma_wait3A_724 = arith.constant 0 : i32
        %dma_wait3A_725 = arith.constant 0 : i32
        %dma_wait3A_726 = tpu.memref_slice %arg4[%add3A, %dma_wait3A_724, %dma_wait3A_725] : memref<32x80x125xi32, #tpu.memory_space<hbm>> -> memref<1x8x125xi32, #tpu.memory_space<hbm>>
        %dma_wait3A_727 = tpu.memref_squeeze %dma_wait3A_726 : memref<1x8x125xi32, #tpu.memory_space<hbm>> -> memref<8x125xi32, #tpu.memory_space<hbm>>
        %dma_wait3A_728 = tpu.memref_slice %arg18[%sub3A_719] : memref<2x!tpu.dma_semaphore, #tpu.memory_space<semaphore_mem>> -> memref<1x!tpu.dma_semaphore, #tpu.memory_space<semaphore_mem>>
        %dma_wait3A_729 = tpu.memref_squeeze %dma_wait3A_728 : memref<1x!tpu.dma_semaphore, #tpu.memory_space<semaphore_mem>> -> memref<!tpu.dma_semaphore, #tpu.memory_space<semaphore_mem>>
        %dma_wait3A_730 = arith.constant 0 : i32
        %dma_wait3A_731 = arith.constant 0 : i32
        %dma_wait3A_732 = tpu.memref_slice %arg11[%sub3A_717, %dma_wait3A_730, %dma_wait3A_731] : memref<2x8x125xi32, #tpu.memory_space<vmem>> -> memref<1x8x125xi32, #tpu.memory_space<vmem>>
        %dma_wait3A_733 = tpu.memref_squeeze %dma_wait3A_732 : memref<1x8x125xi32, #tpu.memory_space<vmem>> -> memref<8x125xi32, #tpu.memory_space<vmem>>
        %dma_wait3A_734 = arith.constant 0 : i32
        %dma_wait3A_735 = arith.constant 0 : i32
        %dma_wait3A_736 = tpu.memref_slice %arg4[%add3A, %dma_wait3A_734, %dma_wait3A_735] : memref<32x80x125xi32, #tpu.memory_space<hbm>> -> memref<1x8x125xi32, #tpu.memory_space<hbm>>
        %dma_wait3A_737 = tpu.memref_squeeze %dma_wait3A_736 : memref<1x8x125xi32, #tpu.memory_space<hbm>> -> memref<8x125xi32, #tpu.memory_space<hbm>>
        tpu.wait_dma2 semaphore(%dma_wait3A_729 : memref<!tpu.dma_semaphore, #tpu.memory_space<semaphore_mem>>) src(%dma_wait3A_737 : memref<8x125xi32, #tpu.memory_space<hbm>>) dst(%dma_wait3A_733 : memref<8x125xi32, #tpu.memory_space<vmem>>)
        %sub3A_738 = arith.constant 1 : i32
        %sub3A_739 = arith.subi %sub3A_738, %select_n3A_89 : i32
        %dma_start3A_740 = arith.constant 0 : i32
        %dma_start3A_741 = arith.constant 0 : i32
        %dma_start3A_742 = arith.constant 0 : i32
        %dma_start3A_743 = arith.constant 0 : i32
        %dma_start3A_744 = arith.constant 0 : i32
        %dma_start3A_745 = tpu.memref_slice %arg12[%dma_start3A_741, %dma_start3A_743, %dma_start3A_744] : memref<2x125x128xf32, #tpu.memory_space<vmem>> -> memref<1x125x128xf32, #tpu.memory_space<vmem>>
        %dma_start3A_746 = tpu.memref_squeeze %dma_start3A_745 : memref<1x125x128xf32, #tpu.memory_space<vmem>> -> memref<125x128xf32, #tpu.memory_space<vmem>>
        %dma_start3A_747 = arith.constant 0 : i32
        %dma_start3A_748 = tpu.memref_slice %arg10[%sub3A_739, %dma_start3A_740, %dma_start3A_747] : memref<2x8x125xi32, #tpu.memory_space<vmem>> -> memref<1x1x125xi32, #tpu.memory_space<vmem>>
        %dma_start3A_749 = tpu.memref_squeeze %dma_start3A_748 : memref<1x1x125xi32, #tpu.memory_space<vmem>> -> memref<125xi32, #tpu.memory_space<vmem>>
        %dma_start3A_750 = arith.constant 0 : i32
        %dma_start3A_751 = arith.constant 0 : i32
        %dma_start3A_752 = tpu.memref_slice %arg2[%dma_start3A_750, %dma_start3A_751] : memref<10000x128xf32, #tpu.memory_space<hbm>> -> memref<10000x128xf32, #tpu.memory_space<hbm>>
        %dma_start3A_753 = tpu.memref_slice %arg16[%dma_start3A_742] : memref<2x!tpu.dma_semaphore, #tpu.memory_space<semaphore_mem>> -> memref<1x!tpu.dma_semaphore, #tpu.memory_space<semaphore_mem>>
        %dma_start3A_754 = tpu.memref_squeeze %dma_start3A_753 : memref<1x!tpu.dma_semaphore, #tpu.memory_space<semaphore_mem>> -> memref<!tpu.dma_semaphore, #tpu.memory_space<semaphore_mem>>
        tpu.enqueue_indirect_dma source(%dma_start3A_752 : memref<10000x128xf32, #tpu.memory_space<hbm>>) target(%dma_start3A_746 : memref<125x128xf32, #tpu.memory_space<vmem>>) offsets(%dma_start3A_749 : memref<125xi32, #tpu.memory_space<vmem>>) semaphore(%dma_start3A_754 : memref<!tpu.dma_semaphore, #tpu.memory_space<semaphore_mem>>)
      } else {
      }
      %dma_start3A_681 = arith.constant 7 : i32
      %dma_start3A_682 = arith.constant 0 : i32
      %dma_start3A_683 = arith.constant 0 : i32
      %dma_start3A_684 = tpu.memref_slice %arg12[%select_n3A_645, %dma_start3A_682, %dma_start3A_683] : memref<2x125x128xf32, #tpu.memory_space<vmem>> -> memref<1x125x128xf32, #tpu.memory_space<vmem>>
      %dma_start3A_685 = tpu.memref_squeeze %dma_start3A_684 : memref<1x125x128xf32, #tpu.memory_space<vmem>> -> memref<125x128xf32, #tpu.memory_space<vmem>>
      %dma_start3A_686 = arith.constant 0 : i32
      %dma_start3A_687 = tpu.memref_slice %arg11[%select_n3A_89, %dma_start3A_681, %dma_start3A_686] : memref<2x8x125xi32, #tpu.memory_space<vmem>> -> memref<1x1x125xi32, #tpu.memory_space<vmem>>
      %dma_start3A_688 = tpu.memref_squeeze %dma_start3A_687 : memref<1x1x125xi32, #tpu.memory_space<vmem>> -> memref<125xi32, #tpu.memory_space<vmem>>
      %dma_start3A_689 = arith.constant 0 : i32
      %dma_start3A_690 = arith.constant 0 : i32
      %dma_start3A_691 = tpu.memref_slice %arg14[%dma_start3A_689, %dma_start3A_690] : memref<10240x128xf32, #tpu.memory_space<vmem_shared>> -> memref<10240x128xf32, #tpu.memory_space<vmem_shared>>
      %dma_start3A_692 = tpu.memref_slice %arg17[%select_n3A_645] : memref<2x!tpu.dma_semaphore, #tpu.memory_space<semaphore_mem>> -> memref<1x!tpu.dma_semaphore, #tpu.memory_space<semaphore_mem>>
      %dma_start3A_693 = tpu.memref_squeeze %dma_start3A_692 : memref<1x!tpu.dma_semaphore, #tpu.memory_space<semaphore_mem>> -> memref<!tpu.dma_semaphore, #tpu.memory_space<semaphore_mem>>
      tpu.enqueue_indirect_dma source(%dma_start3A_685 : memref<125x128xf32, #tpu.memory_space<vmem>>) target(%dma_start3A_691 : memref<10240x128xf32, #tpu.memory_space<vmem_shared>>) offsets(%dma_start3A_688 : memref<125xi32, #tpu.memory_space<vmem>>) semaphore(%dma_start3A_693 : memref<!tpu.dma_semaphore, #tpu.memory_space<semaphore_mem>>) {add = true}
      %run_scoped3A_694 = arith.constant 7 : i32
      "tpu.region"() ({
        %run_scoped3A_695 = tpu.sem_alloc : memref<!tpu.dma_semaphore, #tpu.memory_space<semaphore_mem>>
        %dma_start3A_696 = arith.constant 0 : i32
        %dma_start3A_697 = tpu.memref_slice %arg11[%select_n3A_89, %run_scoped3A_694, %dma_start3A_696] : memref<2x8x125xi32, #tpu.memory_space<vmem>> -> memref<1x1x125xi32, #tpu.memory_space<vmem>>
        %dma_start3A_698 = tpu.memref_squeeze %dma_start3A_697 : memref<1x1x125xi32, #tpu.memory_space<vmem>> -> memref<125xi32, #tpu.memory_space<vmem>>
        %dma_start3A_699 = arith.constant 0 : i32
        %dma_start3A_700 = tpu.memref_slice %arg15[%dma_start3A_699] : memref<10240xf32, #tpu.memory_space<vmem_shared>> -> memref<10240xf32, #tpu.memory_space<vmem_shared>>
        tpu.enqueue_indirect_dma source(%arg13 : memref<125xf32, #tpu.memory_space<vmem>>) target(%dma_start3A_700 : memref<10240xf32, #tpu.memory_space<vmem_shared>>) offsets(%dma_start3A_698 : memref<125xi32, #tpu.memory_space<vmem>>) semaphore(%run_scoped3A_695 : memref<!tpu.dma_semaphore, #tpu.memory_space<semaphore_mem>>) {add = true}
        %dma_wait3A_701 = arith.constant 0 : i32
        %dma_wait3A_702 = tpu.memref_slice %arg11[%select_n3A_89, %run_scoped3A_694, %dma_wait3A_701] : memref<2x8x125xi32, #tpu.memory_space<vmem>> -> memref<1x1x125xi32, #tpu.memory_space<vmem>>
        %dma_wait3A_703 = tpu.memref_squeeze %dma_wait3A_702 : memref<1x1x125xi32, #tpu.memory_space<vmem>> -> memref<125xi32, #tpu.memory_space<vmem>>
        %dma_wait3A_704 = arith.constant 0 : i32
        %dma_wait3A_705 = tpu.memref_slice %arg15[%dma_wait3A_704] : memref<10240xf32, #tpu.memory_space<vmem_shared>> -> memref<10240xf32, #tpu.memory_space<vmem_shared>>
        tpu.wait_indirect_dma semaphore(%run_scoped3A_695 : memref<!tpu.dma_semaphore, #tpu.memory_space<semaphore_mem>>) src(%arg13 : memref<125xf32, #tpu.memory_space<vmem>>) dst(%dma_wait3A_705 : memref<10240xf32, #tpu.memory_space<vmem_shared>>)
        tpu.yield
      }) : () -> ()
    }
    %scan3A_63 = arith.constant 10 : i32
    %dma_wait3A = arith.constant 1 : i32
    %dma_wait3A_64 = arith.constant 1 : i32
    %dma_wait3A_65 = arith.constant 0 : i32
    %dma_wait3A_66 = arith.constant 1 : i32
    %dma_wait3A_67 = arith.constant 0 : i32
    %dma_wait3A_68 = arith.constant 0 : i32
    %dma_wait3A_69 = tpu.memref_slice %arg12[%dma_wait3A, %dma_wait3A_67, %dma_wait3A_68] : memref<2x125x128xf32, #tpu.memory_space<vmem>> -> memref<1x125x128xf32, #tpu.memory_space<vmem>>
    %dma_wait3A_70 = tpu.memref_squeeze %dma_wait3A_69 : memref<1x125x128xf32, #tpu.memory_space<vmem>> -> memref<125x128xf32, #tpu.memory_space<vmem>>
    %dma_wait3A_71 = arith.constant 0 : i32
    %dma_wait3A_72 = tpu.memref_slice %arg11[%dma_wait3A_64, %dma_wait3A_65, %dma_wait3A_71] : memref<2x8x125xi32, #tpu.memory_space<vmem>> -> memref<1x1x125xi32, #tpu.memory_space<vmem>>
    %dma_wait3A_73 = tpu.memref_squeeze %dma_wait3A_72 : memref<1x1x125xi32, #tpu.memory_space<vmem>> -> memref<125xi32, #tpu.memory_space<vmem>>
    %dma_wait3A_74 = arith.constant 0 : i32
    %dma_wait3A_75 = arith.constant 0 : i32
    %dma_wait3A_76 = tpu.memref_slice %arg14[%dma_wait3A_74, %dma_wait3A_75] : memref<10240x128xf32, #tpu.memory_space<vmem_shared>> -> memref<10240x128xf32, #tpu.memory_space<vmem_shared>>
    %dma_wait3A_77 = tpu.memref_slice %arg17[%dma_wait3A_66] : memref<2x!tpu.dma_semaphore, #tpu.memory_space<semaphore_mem>> -> memref<1x!tpu.dma_semaphore, #tpu.memory_space<semaphore_mem>>
    %dma_wait3A_78 = tpu.memref_squeeze %dma_wait3A_77 : memref<1x!tpu.dma_semaphore, #tpu.memory_space<semaphore_mem>> -> memref<!tpu.dma_semaphore, #tpu.memory_space<semaphore_mem>>
    tpu.wait_indirect_dma semaphore(%dma_wait3A_78 : memref<!tpu.dma_semaphore, #tpu.memory_space<semaphore_mem>>) src(%dma_wait3A_70 : memref<125x128xf32, #tpu.memory_space<vmem>>) dst(%dma_wait3A_76 : memref<10240x128xf32, #tpu.memory_space<vmem_shared>>)
    %barrier3A_79 = arith.constant 0 : index
    tpu.barrier barrier_id(%barrier3A_79)
    "tpu.region"() ({
      %run_scoped3A_80 = tpu.sem_alloc : memref<!tpu.dma_semaphore, #tpu.memory_space<semaphore_mem>>
      %dma_start3A_81 = arith.constant 0 : i32
      %dma_start3A_82 = tpu.memref_slice %arg8[%arg0, %multiple_of3A, %dma_start3A_81] : memref<2x10240x128xf32, #tpu.memory_space<hbm>> -> memref<1x640x128xf32, #tpu.memory_space<hbm>>
      %dma_start3A_83 = tpu.memref_squeeze %dma_start3A_82 : memref<1x640x128xf32, #tpu.memory_space<hbm>> -> memref<640x128xf32, #tpu.memory_space<hbm>>
      %dma_start3A_84 = arith.constant 0 : i32
      %dma_start3A_85 = tpu.memref_slice %arg14[%multiple_of3A, %dma_start3A_84] : memref<10240x128xf32, #tpu.memory_space<vmem_shared>> -> memref<640x128xf32, #tpu.memory_space<vmem_shared>>
      tpu.enqueue_dma source(%dma_start3A_85 : memref<640x128xf32, #tpu.memory_space<vmem_shared>>) target(%dma_start3A_83 : memref<640x128xf32, #tpu.memory_space<hbm>>) target_semaphore(%run_scoped3A_80 : memref<!tpu.dma_semaphore, #tpu.memory_space<semaphore_mem>>)
      %dma_wait3A_86 = arith.constant 0 : i32
      %dma_wait3A_87 = tpu.memref_slice %arg8[%arg0, %multiple_of3A, %dma_wait3A_86] : memref<2x10240x128xf32, #tpu.memory_space<hbm>> -> memref<1x640x128xf32, #tpu.memory_space<hbm>>
      %dma_wait3A_88 = tpu.memref_squeeze %dma_wait3A_87 : memref<1x640x128xf32, #tpu.memory_space<hbm>> -> memref<640x128xf32, #tpu.memory_space<hbm>>
      %dma_wait3A_89 = arith.constant 0 : i32
      %dma_wait3A_90 = tpu.memref_slice %arg14[%multiple_of3A, %dma_wait3A_89] : memref<10240x128xf32, #tpu.memory_space<vmem_shared>> -> memref<640x128xf32, #tpu.memory_space<vmem_shared>>
      tpu.wait_dma2 semaphore(%run_scoped3A_80 : memref<!tpu.dma_semaphore, #tpu.memory_space<semaphore_mem>>) src(%dma_wait3A_90 : memref<640x128xf32, #tpu.memory_space<vmem_shared>>) dst(%dma_wait3A_88 : memref<640x128xf32, #tpu.memory_space<hbm>>)
      tpu.yield
    }) : () -> ()
    "tpu.region"() ({
      %run_scoped3A_80 = tpu.sem_alloc : memref<!tpu.dma_semaphore, #tpu.memory_space<semaphore_mem>>
      %dma_start3A_81 = tpu.memref_slice %arg9[%arg0, %multiple_of3A] : memref<2x10240xf32, #tpu.memory_space<hbm>> -> memref<1x640xf32, #tpu.memory_space<hbm>>
      %dma_start3A_82 = tpu.memref_squeeze %dma_start3A_81 : memref<1x640xf32, #tpu.memory_space<hbm>> -> memref<640xf32, #tpu.memory_space<hbm>>
      %dma_start3A_83 = tpu.memref_slice %arg15[%multiple_of3A] : memref<10240xf32, #tpu.memory_space<vmem_shared>> -> memref<640xf32, #tpu.memory_space<vmem_shared>>
      tpu.enqueue_dma source(%dma_start3A_83 : memref<640xf32, #tpu.memory_space<vmem_shared>>) target(%dma_start3A_82 : memref<640xf32, #tpu.memory_space<hbm>>) target_semaphore(%run_scoped3A_80 : memref<!tpu.dma_semaphore, #tpu.memory_space<semaphore_mem>>)
      %dma_wait3A_84 = tpu.memref_slice %arg9[%arg0, %multiple_of3A] : memref<2x10240xf32, #tpu.memory_space<hbm>> -> memref<1x640xf32, #tpu.memory_space<hbm>>
      %dma_wait3A_85 = tpu.memref_squeeze %dma_wait3A_84 : memref<1x640xf32, #tpu.memory_space<hbm>> -> memref<640xf32, #tpu.memory_space<hbm>>
      %dma_wait3A_86 = tpu.memref_slice %arg15[%multiple_of3A] : memref<10240xf32, #tpu.memory_space<vmem_shared>> -> memref<640xf32, #tpu.memory_space<vmem_shared>>
      tpu.wait_dma2 semaphore(%run_scoped3A_80 : memref<!tpu.dma_semaphore, #tpu.memory_space<semaphore_mem>>) src(%dma_wait3A_86 : memref<640xf32, #tpu.memory_space<vmem_shared>>) dst(%dma_wait3A_85 : memref<640xf32, #tpu.memory_space<hbm>>)
      tpu.yield
    }) : () -> ()
    return
  }
}

#map = affine_map<(d0, d1) -> (0, 0)>
#map1 = affine_map<(d0, d1) -> (0, 0, 0)>
module attributes {stable_mosaic.version = 14 : i64} {
  func.func @_seg_body(%arg0: i32, %arg1: i32, %arg2: memref<10000x128xf32, #tpu.memory_space<hbm>>, %arg3: memref<32x80x125xi32, #tpu.memory_space<hbm>>, %arg4: memref<32x80x125xi32, #tpu.memory_space<hbm>>, %arg5: memref<640x128xf32, #tpu.memory_space<hbm>>, %arg6: memref<2x10240x128xf32, #tpu.memory_space<hbm>>, %arg7: memref<2x8x125xi32, #tpu.memory_space<vmem>>, %arg8: memref<2x8x125xi32, #tpu.memory_space<vmem>>, %arg9: memref<2x125x128xf32, #tpu.memory_space<vmem>>, %arg10: memref<10240x128xf32, #tpu.memory_space<vmem_shared>>, %arg11: memref<2x!tpu.dma_semaphore, #tpu.memory_space<semaphore_mem>>, %arg12: memref<2x!tpu.dma_semaphore, #tpu.memory_space<semaphore_mem>>, %arg13: memref<2x!tpu.dma_semaphore, #tpu.memory_space<semaphore_mem>>) attributes {dimension_semantics = [#tpu.dimension_semantics<core_parallel>, #tpu.dimension_semantics<subcore_parallel>], iteration_bounds = array<i64: 2, 16>, scalar_prefetch = 0 : i64, scratch_operands = 7 : i64, tpu.core_type = #tpu.core_type<sc_vector_subcore>, window_params = [{transform_indices = #map}, {transform_indices = #map1}, {transform_indices = #map1}, {transform_indices = #map}, {transform_indices = #map1}]} {
    %mul3A = arith.constant 2 : i32
    %mul3A_0 = arith.muli %arg1, %mul3A : i32
    %add3A = arith.addi %mul3A_0, %arg0 : i32
    %mul3A_1 = arith.constant 640 : i32
    %mul3A_2 = arith.muli %arg1, %mul3A_1 : i32
    %multiple_of3A = tpu.assume_multiple %mul3A_2, 8 : i32
    "tpu.region"() ({
      %run_scoped3A_80 = tpu.sem_alloc : memref<!tpu.dma_semaphore, #tpu.memory_space<semaphore_mem>>
      %dma_start3A_81 = arith.constant 0 : i32
      %dma_start3A_82 = tpu.memref_slice %arg10[%multiple_of3A, %dma_start3A_81] : memref<10240x128xf32, #tpu.memory_space<vmem_shared>> -> memref<640x128xf32, #tpu.memory_space<vmem_shared>>
      tpu.enqueue_dma source(%arg5 : memref<640x128xf32, #tpu.memory_space<hbm>>) target(%dma_start3A_82 : memref<640x128xf32, #tpu.memory_space<vmem_shared>>) target_semaphore(%run_scoped3A_80 : memref<!tpu.dma_semaphore, #tpu.memory_space<semaphore_mem>>)
      %dma_wait3A_83 = arith.constant 0 : i32
      %dma_wait3A_84 = tpu.memref_slice %arg10[%multiple_of3A, %dma_wait3A_83] : memref<10240x128xf32, #tpu.memory_space<vmem_shared>> -> memref<640x128xf32, #tpu.memory_space<vmem_shared>>
      tpu.wait_dma2 semaphore(%run_scoped3A_80 : memref<!tpu.dma_semaphore, #tpu.memory_space<semaphore_mem>>) src(%arg5 : memref<640x128xf32, #tpu.memory_space<hbm>>) dst(%dma_wait3A_84 : memref<640x128xf32, #tpu.memory_space<vmem_shared>>)
      tpu.yield
    }) : () -> ()
    %run_scoped3A = arith.constant 0 : i32
    "tpu.region"() ({
      %run_scoped3A_80 = tpu.sem_alloc : memref<!tpu.dma_semaphore, #tpu.memory_space<semaphore_mem>>
      %dma_start3A_81 = arith.constant 0 : i32
      %dma_start3A_82 = arith.constant 0 : i32
      %dma_start3A_83 = tpu.memref_slice %arg7[%run_scoped3A, %dma_start3A_81, %dma_start3A_82] : memref<2x8x125xi32, #tpu.memory_space<vmem>> -> memref<1x8x125xi32, #tpu.memory_space<vmem>>
      %dma_start3A_84 = tpu.memref_squeeze %dma_start3A_83 : memref<1x8x125xi32, #tpu.memory_space<vmem>> -> memref<8x125xi32, #tpu.memory_space<vmem>>
      %dma_start3A_85 = arith.constant 0 : i32
      %dma_start3A_86 = arith.constant 0 : i32
      %dma_start3A_87 = tpu.memref_slice %arg3[%add3A, %dma_start3A_85, %dma_start3A_86] : memref<32x80x125xi32, #tpu.memory_space<hbm>> -> memref<1x8x125xi32, #tpu.memory_space<hbm>>
      %dma_start3A_88 = tpu.memref_squeeze %dma_start3A_87 : memref<1x8x125xi32, #tpu.memory_space<hbm>> -> memref<8x125xi32, #tpu.memory_space<hbm>>
      %dma_start3A_89 = arith.constant 0 : i32
      %dma_start3A_90 = arith.constant 0 : i32
      %dma_start3A_91 = tpu.memref_slice %arg7[%run_scoped3A, %dma_start3A_89, %dma_start3A_90] : memref<2x8x125xi32, #tpu.memory_space<vmem>> -> memref<1x8x125xi32, #tpu.memory_space<vmem>>
      %dma_start3A_92 = tpu.memref_squeeze %dma_start3A_91 : memref<1x8x125xi32, #tpu.memory_space<vmem>> -> memref<8x125xi32, #tpu.memory_space<vmem>>
      %dma_start3A_93 = arith.constant 0 : i32
      %dma_start3A_94 = arith.constant 0 : i32
      %dma_start3A_95 = tpu.memref_slice %arg3[%add3A, %dma_start3A_93, %dma_start3A_94] : memref<32x80x125xi32, #tpu.memory_space<hbm>> -> memref<1x8x125xi32, #tpu.memory_space<hbm>>
      %dma_start3A_96 = tpu.memref_squeeze %dma_start3A_95 : memref<1x8x125xi32, #tpu.memory_space<hbm>> -> memref<8x125xi32, #tpu.memory_space<hbm>>
      tpu.enqueue_dma source(%dma_start3A_96 : memref<8x125xi32, #tpu.memory_space<hbm>>) target(%dma_start3A_92 : memref<8x125xi32, #tpu.memory_space<vmem>>) target_semaphore(%run_scoped3A_80 : memref<!tpu.dma_semaphore, #tpu.memory_space<semaphore_mem>>)
      %dma_wait3A_97 = arith.constant 0 : i32
      %dma_wait3A_98 = arith.constant 0 : i32
      %dma_wait3A_99 = tpu.memref_slice %arg7[%run_scoped3A, %dma_wait3A_97, %dma_wait3A_98] : memref<2x8x125xi32, #tpu.memory_space<vmem>> -> memref<1x8x125xi32, #tpu.memory_space<vmem>>
      %dma_wait3A_100 = tpu.memref_squeeze %dma_wait3A_99 : memref<1x8x125xi32, #tpu.memory_space<vmem>> -> memref<8x125xi32, #tpu.memory_space<vmem>>
      %dma_wait3A_101 = arith.constant 0 : i32
      %dma_wait3A_102 = arith.constant 0 : i32
      %dma_wait3A_103 = tpu.memref_slice %arg3[%add3A, %dma_wait3A_101, %dma_wait3A_102] : memref<32x80x125xi32, #tpu.memory_space<hbm>> -> memref<1x8x125xi32, #tpu.memory_space<hbm>>
      %dma_wait3A_104 = tpu.memref_squeeze %dma_wait3A_103 : memref<1x8x125xi32, #tpu.memory_space<hbm>> -> memref<8x125xi32, #tpu.memory_space<hbm>>
      %dma_wait3A_105 = arith.constant 0 : i32
      %dma_wait3A_106 = arith.constant 0 : i32
      %dma_wait3A_107 = tpu.memref_slice %arg7[%run_scoped3A, %dma_wait3A_105, %dma_wait3A_106] : memref<2x8x125xi32, #tpu.memory_space<vmem>> -> memref<1x8x125xi32, #tpu.memory_space<vmem>>
      %dma_wait3A_108 = tpu.memref_squeeze %dma_wait3A_107 : memref<1x8x125xi32, #tpu.memory_space<vmem>> -> memref<8x125xi32, #tpu.memory_space<vmem>>
      %dma_wait3A_109 = arith.constant 0 : i32
      %dma_wait3A_110 = arith.constant 0 : i32
      %dma_wait3A_111 = tpu.memref_slice %arg3[%add3A, %dma_wait3A_109, %dma_wait3A_110] : memref<32x80x125xi32, #tpu.memory_space<hbm>> -> memref<1x8x125xi32, #tpu.memory_space<hbm>>
      %dma_wait3A_112 = tpu.memref_squeeze %dma_wait3A_111 : memref<1x8x125xi32, #tpu.memory_space<hbm>> -> memref<8x125xi32, #tpu.memory_space<hbm>>
      tpu.wait_dma2 semaphore(%run_scoped3A_80 : memref<!tpu.dma_semaphore, #tpu.memory_space<semaphore_mem>>) src(%dma_wait3A_112 : memref<8x125xi32, #tpu.memory_space<hbm>>) dst(%dma_wait3A_108 : memref<8x125xi32, #tpu.memory_space<vmem>>)
      tpu.yield
    }) : () -> ()
    %run_scoped3A_3 = arith.constant 0 : i32
    "tpu.region"() ({
      %run_scoped3A_80 = tpu.sem_alloc : memref<!tpu.dma_semaphore, #tpu.memory_space<semaphore_mem>>
      %dma_start3A_81 = arith.constant 0 : i32
      %dma_start3A_82 = arith.constant 0 : i32
      %dma_start3A_83 = tpu.memref_slice %arg8[%run_scoped3A_3, %dma_start3A_81, %dma_start3A_82] : memref<2x8x125xi32, #tpu.memory_space<vmem>> -> memref<1x8x125xi32, #tpu.memory_space<vmem>>
      %dma_start3A_84 = tpu.memref_squeeze %dma_start3A_83 : memref<1x8x125xi32, #tpu.memory_space<vmem>> -> memref<8x125xi32, #tpu.memory_space<vmem>>
      %dma_start3A_85 = arith.constant 0 : i32
      %dma_start3A_86 = arith.constant 0 : i32
      %dma_start3A_87 = tpu.memref_slice %arg4[%add3A, %dma_start3A_85, %dma_start3A_86] : memref<32x80x125xi32, #tpu.memory_space<hbm>> -> memref<1x8x125xi32, #tpu.memory_space<hbm>>
      %dma_start3A_88 = tpu.memref_squeeze %dma_start3A_87 : memref<1x8x125xi32, #tpu.memory_space<hbm>> -> memref<8x125xi32, #tpu.memory_space<hbm>>
      %dma_start3A_89 = arith.constant 0 : i32
      %dma_start3A_90 = arith.constant 0 : i32
      %dma_start3A_91 = tpu.memref_slice %arg8[%run_scoped3A_3, %dma_start3A_89, %dma_start3A_90] : memref<2x8x125xi32, #tpu.memory_space<vmem>> -> memref<1x8x125xi32, #tpu.memory_space<vmem>>
      %dma_start3A_92 = tpu.memref_squeeze %dma_start3A_91 : memref<1x8x125xi32, #tpu.memory_space<vmem>> -> memref<8x125xi32, #tpu.memory_space<vmem>>
      %dma_start3A_93 = arith.constant 0 : i32
      %dma_start3A_94 = arith.constant 0 : i32
      %dma_start3A_95 = tpu.memref_slice %arg4[%add3A, %dma_start3A_93, %dma_start3A_94] : memref<32x80x125xi32, #tpu.memory_space<hbm>> -> memref<1x8x125xi32, #tpu.memory_space<hbm>>
      %dma_start3A_96 = tpu.memref_squeeze %dma_start3A_95 : memref<1x8x125xi32, #tpu.memory_space<hbm>> -> memref<8x125xi32, #tpu.memory_space<hbm>>
      tpu.enqueue_dma source(%dma_start3A_96 : memref<8x125xi32, #tpu.memory_space<hbm>>) target(%dma_start3A_92 : memref<8x125xi32, #tpu.memory_space<vmem>>) target_semaphore(%run_scoped3A_80 : memref<!tpu.dma_semaphore, #tpu.memory_space<semaphore_mem>>)
      %dma_wait3A_97 = arith.constant 0 : i32
      %dma_wait3A_98 = arith.constant 0 : i32
      %dma_wait3A_99 = tpu.memref_slice %arg8[%run_scoped3A_3, %dma_wait3A_97, %dma_wait3A_98] : memref<2x8x125xi32, #tpu.memory_space<vmem>> -> memref<1x8x125xi32, #tpu.memory_space<vmem>>
      %dma_wait3A_100 = tpu.memref_squeeze %dma_wait3A_99 : memref<1x8x125xi32, #tpu.memory_space<vmem>> -> memref<8x125xi32, #tpu.memory_space<vmem>>
      %dma_wait3A_101 = arith.constant 0 : i32
      %dma_wait3A_102 = arith.constant 0 : i32
      %dma_wait3A_103 = tpu.memref_slice %arg4[%add3A, %dma_wait3A_101, %dma_wait3A_102] : memref<32x80x125xi32, #tpu.memory_space<hbm>> -> memref<1x8x125xi32, #tpu.memory_space<hbm>>
      %dma_wait3A_104 = tpu.memref_squeeze %dma_wait3A_103 : memref<1x8x125xi32, #tpu.memory_space<hbm>> -> memref<8x125xi32, #tpu.memory_space<hbm>>
      %dma_wait3A_105 = arith.constant 0 : i32
      %dma_wait3A_106 = arith.constant 0 : i32
      %dma_wait3A_107 = tpu.memref_slice %arg8[%run_scoped3A_3, %dma_wait3A_105, %dma_wait3A_106] : memref<2x8x125xi32, #tpu.memory_space<vmem>> -> memref<1x8x125xi32, #tpu.memory_space<vmem>>
      %dma_wait3A_108 = tpu.memref_squeeze %dma_wait3A_107 : memref<1x8x125xi32, #tpu.memory_space<vmem>> -> memref<8x125xi32, #tpu.memory_space<vmem>>
      %dma_wait3A_109 = arith.constant 0 : i32
      %dma_wait3A_110 = arith.constant 0 : i32
      %dma_wait3A_111 = tpu.memref_slice %arg4[%add3A, %dma_wait3A_109, %dma_wait3A_110] : memref<32x80x125xi32, #tpu.memory_space<hbm>> -> memref<1x8x125xi32, #tpu.memory_space<hbm>>
      %dma_wait3A_112 = tpu.memref_squeeze %dma_wait3A_111 : memref<1x8x125xi32, #tpu.memory_space<hbm>> -> memref<8x125xi32, #tpu.memory_space<hbm>>
      tpu.wait_dma2 semaphore(%run_scoped3A_80 : memref<!tpu.dma_semaphore, #tpu.memory_space<semaphore_mem>>) src(%dma_wait3A_112 : memref<8x125xi32, #tpu.memory_space<hbm>>) dst(%dma_wait3A_108 : memref<8x125xi32, #tpu.memory_space<vmem>>)
      tpu.yield
    }) : () -> ()
    %dma_start3A = arith.constant 1 : i32
    %dma_start3A_4 = arith.constant 1 : i32
    %dma_start3A_5 = arith.constant 0 : i32
    %dma_start3A_6 = arith.constant 0 : i32
    %dma_start3A_7 = tpu.memref_slice %arg7[%dma_start3A, %dma_start3A_5, %dma_start3A_6] : memref<2x8x125xi32, #tpu.memory_space<vmem>> -> memref<1x8x125xi32, #tpu.memory_space<vmem>>
    %dma_start3A_8 = tpu.memref_squeeze %dma_start3A_7 : memref<1x8x125xi32, #tpu.memory_space<vmem>> -> memref<8x125xi32, #tpu.memory_space<vmem>>
    %dma_start3A_9 = arith.constant 8 : i32
    %dma_start3A_10 = arith.constant 0 : i32
    %dma_start3A_11 = tpu.memref_slice %arg3[%add3A, %dma_start3A_9, %dma_start3A_10] : memref<32x80x125xi32, #tpu.memory_space<hbm>> -> memref<1x8x125xi32, #tpu.memory_space<hbm>>
    %dma_start3A_12 = tpu.memref_squeeze %dma_start3A_11 : memref<1x8x125xi32, #tpu.memory_space<hbm>> -> memref<8x125xi32, #tpu.memory_space<hbm>>
    %dma_start3A_13 = tpu.memref_slice %arg13[%dma_start3A_4] : memref<2x!tpu.dma_semaphore, #tpu.memory_space<semaphore_mem>> -> memref<1x!tpu.dma_semaphore, #tpu.memory_space<semaphore_mem>>
    %dma_start3A_14 = tpu.memref_squeeze %dma_start3A_13 : memref<1x!tpu.dma_semaphore, #tpu.memory_space<semaphore_mem>> -> memref<!tpu.dma_semaphore, #tpu.memory_space<semaphore_mem>>
    %dma_start3A_15 = arith.constant 0 : i32
    %dma_start3A_16 = arith.constant 0 : i32
    %dma_start3A_17 = tpu.memref_slice %arg7[%dma_start3A, %dma_start3A_15, %dma_start3A_16] : memref<2x8x125xi32, #tpu.memory_space<vmem>> -> memref<1x8x125xi32, #tpu.memory_space<vmem>>
    %dma_start3A_18 = tpu.memref_squeeze %dma_start3A_17 : memref<1x8x125xi32, #tpu.memory_space<vmem>> -> memref<8x125xi32, #tpu.memory_space<vmem>>
    %dma_start3A_19 = arith.constant 8 : i32
    %dma_start3A_20 = arith.constant 0 : i32
    %dma_start3A_21 = tpu.memref_slice %arg3[%add3A, %dma_start3A_19, %dma_start3A_20] : memref<32x80x125xi32, #tpu.memory_space<hbm>> -> memref<1x8x125xi32, #tpu.memory_space<hbm>>
    %dma_start3A_22 = tpu.memref_squeeze %dma_start3A_21 : memref<1x8x125xi32, #tpu.memory_space<hbm>> -> memref<8x125xi32, #tpu.memory_space<hbm>>
    tpu.enqueue_dma source(%dma_start3A_22 : memref<8x125xi32, #tpu.memory_space<hbm>>) target(%dma_start3A_18 : memref<8x125xi32, #tpu.memory_space<vmem>>) target_semaphore(%dma_start3A_14 : memref<!tpu.dma_semaphore, #tpu.memory_space<semaphore_mem>>)
    %dma_start3A_23 = arith.constant 1 : i32
    %dma_start3A_24 = arith.constant 1 : i32
    %dma_start3A_25 = arith.constant 0 : i32
    %dma_start3A_26 = arith.constant 0 : i32
    %dma_start3A_27 = tpu.memref_slice %arg8[%dma_start3A_23, %dma_start3A_25, %dma_start3A_26] : memref<2x8x125xi32, #tpu.memory_space<vmem>> -> memref<1x8x125xi32, #tpu.memory_space<vmem>>
    %dma_start3A_28 = tpu.memref_squeeze %dma_start3A_27 : memref<1x8x125xi32, #tpu.memory_space<vmem>> -> memref<8x125xi32, #tpu.memory_space<vmem>>
    %dma_start3A_29 = arith.constant 8 : i32
    %dma_start3A_30 = arith.constant 0 : i32
    %dma_start3A_31 = tpu.memref_slice %arg4[%add3A, %dma_start3A_29, %dma_start3A_30] : memref<32x80x125xi32, #tpu.memory_space<hbm>> -> memref<1x8x125xi32, #tpu.memory_space<hbm>>
    %dma_start3A_32 = tpu.memref_squeeze %dma_start3A_31 : memref<1x8x125xi32, #tpu.memory_space<hbm>> -> memref<8x125xi32, #tpu.memory_space<hbm>>
    %dma_start3A_33 = tpu.memref_slice %arg13[%dma_start3A_24] : memref<2x!tpu.dma_semaphore, #tpu.memory_space<semaphore_mem>> -> memref<1x!tpu.dma_semaphore, #tpu.memory_space<semaphore_mem>>
    %dma_start3A_34 = tpu.memref_squeeze %dma_start3A_33 : memref<1x!tpu.dma_semaphore, #tpu.memory_space<semaphore_mem>> -> memref<!tpu.dma_semaphore, #tpu.memory_space<semaphore_mem>>
    %dma_start3A_35 = arith.constant 0 : i32
    %dma_start3A_36 = arith.constant 0 : i32
    %dma_start3A_37 = tpu.memref_slice %arg8[%dma_start3A_23, %dma_start3A_35, %dma_start3A_36] : memref<2x8x125xi32, #tpu.memory_space<vmem>> -> memref<1x8x125xi32, #tpu.memory_space<vmem>>
    %dma_start3A_38 = tpu.memref_squeeze %dma_start3A_37 : memref<1x8x125xi32, #tpu.memory_space<vmem>> -> memref<8x125xi32, #tpu.memory_space<vmem>>
    %dma_start3A_39 = arith.constant 8 : i32
    %dma_start3A_40 = arith.constant 0 : i32
    %dma_start3A_41 = tpu.memref_slice %arg4[%add3A, %dma_start3A_39, %dma_start3A_40] : memref<32x80x125xi32, #tpu.memory_space<hbm>> -> memref<1x8x125xi32, #tpu.memory_space<hbm>>
    %dma_start3A_42 = tpu.memref_squeeze %dma_start3A_41 : memref<1x8x125xi32, #tpu.memory_space<hbm>> -> memref<8x125xi32, #tpu.memory_space<hbm>>
    tpu.enqueue_dma source(%dma_start3A_42 : memref<8x125xi32, #tpu.memory_space<hbm>>) target(%dma_start3A_38 : memref<8x125xi32, #tpu.memory_space<vmem>>) target_semaphore(%dma_start3A_34 : memref<!tpu.dma_semaphore, #tpu.memory_space<semaphore_mem>>)
    %barrier3A = arith.constant 0 : index
    tpu.barrier barrier_id(%barrier3A)
    %dma_start3A_43 = arith.constant 0 : i32
    %dma_start3A_44 = arith.constant 0 : i32
    %dma_start3A_45 = arith.constant 0 : i32
    %dma_start3A_46 = arith.constant 0 : i32
    %dma_start3A_47 = arith.constant 0 : i32
    %dma_start3A_48 = arith.constant 0 : i32
    %dma_start3A_49 = tpu.memref_slice %arg9[%dma_start3A_45, %dma_start3A_47, %dma_start3A_48] : memref<2x125x128xf32, #tpu.memory_space<vmem>> -> memref<1x125x128xf32, #tpu.memory_space<vmem>>
    %dma_start3A_50 = tpu.memref_squeeze %dma_start3A_49 : memref<1x125x128xf32, #tpu.memory_space<vmem>> -> memref<125x128xf32, #tpu.memory_space<vmem>>
    %dma_start3A_51 = arith.constant 0 : i32
    %dma_start3A_52 = tpu.memref_slice %arg7[%dma_start3A_43, %dma_start3A_44, %dma_start3A_51] : memref<2x8x125xi32, #tpu.memory_space<vmem>> -> memref<1x1x125xi32, #tpu.memory_space<vmem>>
    %dma_start3A_53 = tpu.memref_squeeze %dma_start3A_52 : memref<1x1x125xi32, #tpu.memory_space<vmem>> -> memref<125xi32, #tpu.memory_space<vmem>>
    %dma_start3A_54 = arith.constant 0 : i32
    %dma_start3A_55 = arith.constant 0 : i32
    %dma_start3A_56 = tpu.memref_slice %arg2[%dma_start3A_54, %dma_start3A_55] : memref<10000x128xf32, #tpu.memory_space<hbm>> -> memref<10000x128xf32, #tpu.memory_space<hbm>>
    %dma_start3A_57 = tpu.memref_slice %arg11[%dma_start3A_46] : memref<2x!tpu.dma_semaphore, #tpu.memory_space<semaphore_mem>> -> memref<1x!tpu.dma_semaphore, #tpu.memory_space<semaphore_mem>>
    %dma_start3A_58 = tpu.memref_squeeze %dma_start3A_57 : memref<1x!tpu.dma_semaphore, #tpu.memory_space<semaphore_mem>> -> memref<!tpu.dma_semaphore, #tpu.memory_space<semaphore_mem>>
    tpu.enqueue_indirect_dma source(%dma_start3A_56 : memref<10000x128xf32, #tpu.memory_space<hbm>>) target(%dma_start3A_50 : memref<125x128xf32, #tpu.memory_space<vmem>>) offsets(%dma_start3A_53 : memref<125xi32, #tpu.memory_space<vmem>>) semaphore(%dma_start3A_58 : memref<!tpu.dma_semaphore, #tpu.memory_space<semaphore_mem>>)
    %scan3A = arith.constant 0 : i32
    %scan3A_59 = arith.constant 0 : i32
    %scan3A_60 = arith.constant 10 : i32
    %scan3A_61 = arith.addi %scan3A_59, %scan3A_60 : i32
    %scan3A_62 = arith.constant 1 : i32
    scf.for %scan3A_80 = %scan3A_59 to %scan3A_61 step %scan3A_62  : i32 {
      %jit3A = arith.constant 2 : i32
      %eq3A = arith.constant 0 : i32
      %eq3A_81 = arith.cmpi eq, %jit3A, %eq3A : i32
      %jit3A_82 = arith.constant 1 : i32
      %select_n3A = arith.select %eq3A_81, %jit3A_82, %jit3A : i32
      %rem3A = arith.remsi %scan3A_80, %select_n3A : i32
      %ne3A = arith.constant 0 : i32
      %ne3A_83 = arith.cmpi ne, %rem3A, %ne3A : i32
      %lt3A = arith.constant 0 : i32
      %lt3A_84 = arith.cmpi slt, %rem3A, %lt3A : i32
      %lt3A_85 = arith.constant 0 : i32
      %lt3A_86 = arith.cmpi slt, %select_n3A, %lt3A_85 : i32
      %ne3A_87 = arith.xori %lt3A_84, %lt3A_86 : i1
      %and3A = arith.andi %ne3A_87, %ne3A_83 : i1
      %add3A_88 = arith.addi %rem3A, %select_n3A : i32
      %select_n3A_89 = arith.select %and3A, %add3A_88, %rem3A : i32
      %mul3A_90 = arith.constant 8 : i32
      %mul3A_91 = arith.muli %scan3A_80, %mul3A_90 : i32
      %add3A_92 = arith.constant 0 : i32
      %add3A_93 = arith.addi %mul3A_91, %add3A_92 : i32
      %jit3A_94 = arith.constant 2 : i32
      %eq3A_95 = arith.constant 0 : i32
      %eq3A_96 = arith.cmpi eq, %jit3A_94, %eq3A_95 : i32
      %jit3A_97 = arith.constant 1 : i32
      %select_n3A_98 = arith.select %eq3A_96, %jit3A_97, %jit3A_94 : i32
      %rem3A_99 = arith.remsi %add3A_93, %select_n3A_98 : i32
      %ne3A_100 = arith.constant 0 : i32
      %ne3A_101 = arith.cmpi ne, %rem3A_99, %ne3A_100 : i32
      %lt3A_102 = arith.constant 0 : i32
      %lt3A_103 = arith.cmpi slt, %rem3A_99, %lt3A_102 : i32
      %lt3A_104 = arith.constant 0 : i32
      %lt3A_105 = arith.cmpi slt, %select_n3A_98, %lt3A_104 : i32
      %ne3A_106 = arith.xori %lt3A_103, %lt3A_105 : i1
      %and3A_107 = arith.andi %ne3A_106, %ne3A_101 : i1
      %add3A_108 = arith.addi %rem3A_99, %select_n3A_98 : i32
      %select_n3A_109 = arith.select %and3A_107, %add3A_108, %rem3A_99 : i32
      %dma_wait3A_110 = arith.constant 0 : i32
      %dma_wait3A_111 = arith.constant 0 : i32
      %dma_wait3A_112 = arith.constant 0 : i32
      %dma_wait3A_113 = tpu.memref_slice %arg9[%select_n3A_109, %dma_wait3A_111, %dma_wait3A_112] : memref<2x125x128xf32, #tpu.memory_space<vmem>> -> memref<1x125x128xf32, #tpu.memory_space<vmem>>
      %dma_wait3A_114 = tpu.memref_squeeze %dma_wait3A_113 : memref<1x125x128xf32, #tpu.memory_space<vmem>> -> memref<125x128xf32, #tpu.memory_space<vmem>>
      %dma_wait3A_115 = arith.constant 0 : i32
      %dma_wait3A_116 = tpu.memref_slice %arg7[%select_n3A_89, %dma_wait3A_110, %dma_wait3A_115] : memref<2x8x125xi32, #tpu.memory_space<vmem>> -> memref<1x1x125xi32, #tpu.memory_space<vmem>>
      %dma_wait3A_117 = tpu.memref_squeeze %dma_wait3A_116 : memref<1x1x125xi32, #tpu.memory_space<vmem>> -> memref<125xi32, #tpu.memory_space<vmem>>
      %dma_wait3A_118 = arith.constant 0 : i32
      %dma_wait3A_119 = arith.constant 0 : i32
      %dma_wait3A_120 = tpu.memref_slice %arg2[%dma_wait3A_118, %dma_wait3A_119] : memref<10000x128xf32, #tpu.memory_space<hbm>> -> memref<10000x128xf32, #tpu.memory_space<hbm>>
      %dma_wait3A_121 = tpu.memref_slice %arg11[%select_n3A_109] : memref<2x!tpu.dma_semaphore, #tpu.memory_space<semaphore_mem>> -> memref<1x!tpu.dma_semaphore, #tpu.memory_space<semaphore_mem>>
      %dma_wait3A_122 = tpu.memref_squeeze %dma_wait3A_121 : memref<1x!tpu.dma_semaphore, #tpu.memory_space<semaphore_mem>> -> memref<!tpu.dma_semaphore, #tpu.memory_space<semaphore_mem>>
      tpu.wait_indirect_dma semaphore(%dma_wait3A_122 : memref<!tpu.dma_semaphore, #tpu.memory_space<semaphore_mem>>) src(%dma_wait3A_120 : memref<10000x128xf32, #tpu.memory_space<hbm>>) dst(%dma_wait3A_114 : memref<125x128xf32, #tpu.memory_space<vmem>>)
      %ge3A = arith.constant 1 : i32
      %ge3A_123 = arith.cmpi sge, %scan3A_80, %ge3A : i32
      %convert_element_type3A = arith.extui %ge3A_123 : i1 to i32
      %cond3A = arith.constant 0 : i32
      %cond3A_124 = arith.cmpi ne, %convert_element_type3A, %cond3A : i32
      scf.if %cond3A_124 {
        %dma_wait3A_687 = arith.constant 1 : i32
        %dma_wait3A_688 = arith.constant 0 : i32
        %dma_wait3A_689 = arith.constant 1 : i32
        %dma_wait3A_690 = arith.constant 0 : i32
        %dma_wait3A_691 = arith.constant 0 : i32
        %dma_wait3A_692 = tpu.memref_slice %arg9[%dma_wait3A_687, %dma_wait3A_690, %dma_wait3A_691] : memref<2x125x128xf32, #tpu.memory_space<vmem>> -> memref<1x125x128xf32, #tpu.memory_space<vmem>>
        %dma_wait3A_693 = tpu.memref_squeeze %dma_wait3A_692 : memref<1x125x128xf32, #tpu.memory_space<vmem>> -> memref<125x128xf32, #tpu.memory_space<vmem>>
        %dma_wait3A_694 = arith.constant 0 : i32
        %dma_wait3A_695 = tpu.memref_slice %arg8[%select_n3A_89, %dma_wait3A_688, %dma_wait3A_694] : memref<2x8x125xi32, #tpu.memory_space<vmem>> -> memref<1x1x125xi32, #tpu.memory_space<vmem>>
        %dma_wait3A_696 = tpu.memref_squeeze %dma_wait3A_695 : memref<1x1x125xi32, #tpu.memory_space<vmem>> -> memref<125xi32, #tpu.memory_space<vmem>>
        %dma_wait3A_697 = arith.constant 0 : i32
        %dma_wait3A_698 = arith.constant 0 : i32
        %dma_wait3A_699 = tpu.memref_slice %arg10[%dma_wait3A_697, %dma_wait3A_698] : memref<10240x128xf32, #tpu.memory_space<vmem_shared>> -> memref<10240x128xf32, #tpu.memory_space<vmem_shared>>
        %dma_wait3A_700 = tpu.memref_slice %arg12[%dma_wait3A_689] : memref<2x!tpu.dma_semaphore, #tpu.memory_space<semaphore_mem>> -> memref<1x!tpu.dma_semaphore, #tpu.memory_space<semaphore_mem>>
        %dma_wait3A_701 = tpu.memref_squeeze %dma_wait3A_700 : memref<1x!tpu.dma_semaphore, #tpu.memory_space<semaphore_mem>> -> memref<!tpu.dma_semaphore, #tpu.memory_space<semaphore_mem>>
        tpu.wait_indirect_dma semaphore(%dma_wait3A_701 : memref<!tpu.dma_semaphore, #tpu.memory_space<semaphore_mem>>) src(%dma_wait3A_693 : memref<125x128xf32, #tpu.memory_space<vmem>>) dst(%dma_wait3A_699 : memref<10240x128xf32, #tpu.memory_space<vmem_shared>>)
      } else {
      }
      %dma_start3A_125 = arith.constant 1 : i32
      %dma_start3A_126 = arith.constant 1 : i32
      %dma_start3A_127 = arith.constant 1 : i32
      %dma_start3A_128 = arith.constant 0 : i32
      %dma_start3A_129 = arith.constant 0 : i32
      %dma_start3A_130 = tpu.memref_slice %arg9[%dma_start3A_126, %dma_start3A_128, %dma_start3A_129] : memref<2x125x128xf32, #tpu.memory_space<vmem>> -> memref<1x125x128xf32, #tpu.memory_space<vmem>>
      %dma_start3A_131 = tpu.memref_squeeze %dma_start3A_130 : memref<1x125x128xf32, #tpu.memory_space<vmem>> -> memref<125x128xf32, #tpu.memory_space<vmem>>
      %dma_start3A_132 = arith.constant 0 : i32
      %dma_start3A_133 = tpu.memref_slice %arg7[%select_n3A_89, %dma_start3A_125, %dma_start3A_132] : memref<2x8x125xi32, #tpu.memory_space<vmem>> -> memref<1x1x125xi32, #tpu.memory_space<vmem>>
      %dma_start3A_134 = tpu.memref_squeeze %dma_start3A_133 : memref<1x1x125xi32, #tpu.memory_space<vmem>> -> memref<125xi32, #tpu.memory_space<vmem>>
      %dma_start3A_135 = arith.constant 0 : i32
      %dma_start3A_136 = arith.constant 0 : i32
      %dma_start3A_137 = tpu.memref_slice %arg2[%dma_start3A_135, %dma_start3A_136] : memref<10000x128xf32, #tpu.memory_space<hbm>> -> memref<10000x128xf32, #tpu.memory_space<hbm>>
      %dma_start3A_138 = tpu.memref_slice %arg11[%dma_start3A_127] : memref<2x!tpu.dma_semaphore, #tpu.memory_space<semaphore_mem>> -> memref<1x!tpu.dma_semaphore, #tpu.memory_space<semaphore_mem>>
      %dma_start3A_139 = tpu.memref_squeeze %dma_start3A_138 : memref<1x!tpu.dma_semaphore, #tpu.memory_space<semaphore_mem>> -> memref<!tpu.dma_semaphore, #tpu.memory_space<semaphore_mem>>
      tpu.enqueue_indirect_dma source(%dma_start3A_137 : memref<10000x128xf32, #tpu.memory_space<hbm>>) target(%dma_start3A_131 : memref<125x128xf32, #tpu.memory_space<vmem>>) offsets(%dma_start3A_134 : memref<125xi32, #tpu.memory_space<vmem>>) semaphore(%dma_start3A_139 : memref<!tpu.dma_semaphore, #tpu.memory_space<semaphore_mem>>)
      %dma_start3A_140 = arith.constant 0 : i32
      %dma_start3A_141 = arith.constant 0 : i32
      %dma_start3A_142 = arith.constant 0 : i32
      %dma_start3A_143 = tpu.memref_slice %arg9[%select_n3A_109, %dma_start3A_141, %dma_start3A_142] : memref<2x125x128xf32, #tpu.memory_space<vmem>> -> memref<1x125x128xf32, #tpu.memory_space<vmem>>
      %dma_start3A_144 = tpu.memref_squeeze %dma_start3A_143 : memref<1x125x128xf32, #tpu.memory_space<vmem>> -> memref<125x128xf32, #tpu.memory_space<vmem>>
      %dma_start3A_145 = arith.constant 0 : i32
      %dma_start3A_146 = tpu.memref_slice %arg8[%select_n3A_89, %dma_start3A_140, %dma_start3A_145] : memref<2x8x125xi32, #tpu.memory_space<vmem>> -> memref<1x1x125xi32, #tpu.memory_space<vmem>>
      %dma_start3A_147 = tpu.memref_squeeze %dma_start3A_146 : memref<1x1x125xi32, #tpu.memory_space<vmem>> -> memref<125xi32, #tpu.memory_space<vmem>>
      %dma_start3A_148 = arith.constant 0 : i32
      %dma_start3A_149 = arith.constant 0 : i32
      %dma_start3A_150 = tpu.memref_slice %arg10[%dma_start3A_148, %dma_start3A_149] : memref<10240x128xf32, #tpu.memory_space<vmem_shared>> -> memref<10240x128xf32, #tpu.memory_space<vmem_shared>>
      %dma_start3A_151 = tpu.memref_slice %arg12[%select_n3A_109] : memref<2x!tpu.dma_semaphore, #tpu.memory_space<semaphore_mem>> -> memref<1x!tpu.dma_semaphore, #tpu.memory_space<semaphore_mem>>
      %dma_start3A_152 = tpu.memref_squeeze %dma_start3A_151 : memref<1x!tpu.dma_semaphore, #tpu.memory_space<semaphore_mem>> -> memref<!tpu.dma_semaphore, #tpu.memory_space<semaphore_mem>>
      tpu.enqueue_indirect_dma source(%dma_start3A_144 : memref<125x128xf32, #tpu.memory_space<vmem>>) target(%dma_start3A_150 : memref<10240x128xf32, #tpu.memory_space<vmem_shared>>) offsets(%dma_start3A_147 : memref<125xi32, #tpu.memory_space<vmem>>) semaphore(%dma_start3A_152 : memref<!tpu.dma_semaphore, #tpu.memory_space<semaphore_mem>>) {add = true}
      %mul3A_153 = arith.constant 8 : i32
      %mul3A_154 = arith.muli %scan3A_80, %mul3A_153 : i32
      %add3A_155 = arith.constant 1 : i32
      %add3A_156 = arith.addi %mul3A_154, %add3A_155 : i32
      %jit3A_157 = arith.constant 2 : i32
      %eq3A_158 = arith.constant 0 : i32
      %eq3A_159 = arith.cmpi eq, %jit3A_157, %eq3A_158 : i32
      %jit3A_160 = arith.constant 1 : i32
      %select_n3A_161 = arith.select %eq3A_159, %jit3A_160, %jit3A_157 : i32
      %rem3A_162 = arith.remsi %add3A_156, %select_n3A_161 : i32
      %ne3A_163 = arith.constant 0 : i32
      %ne3A_164 = arith.cmpi ne, %rem3A_162, %ne3A_163 : i32
      %lt3A_165 = arith.constant 0 : i32
      %lt3A_166 = arith.cmpi slt, %rem3A_162, %lt3A_165 : i32
      %lt3A_167 = arith.constant 0 : i32
      %lt3A_168 = arith.cmpi slt, %select_n3A_161, %lt3A_167 : i32
      %ne3A_169 = arith.xori %lt3A_166, %lt3A_168 : i1
      %and3A_170 = arith.andi %ne3A_169, %ne3A_164 : i1
      %add3A_171 = arith.addi %rem3A_162, %select_n3A_161 : i32
      %select_n3A_172 = arith.select %and3A_170, %add3A_171, %rem3A_162 : i32
      %dma_wait3A_173 = arith.constant 1 : i32
      %dma_wait3A_174 = arith.constant 0 : i32
      %dma_wait3A_175 = arith.constant 0 : i32
      %dma_wait3A_176 = tpu.memref_slice %arg9[%select_n3A_172, %dma_wait3A_174, %dma_wait3A_175] : memref<2x125x128xf32, #tpu.memory_space<vmem>> -> memref<1x125x128xf32, #tpu.memory_space<vmem>>
      %dma_wait3A_177 = tpu.memref_squeeze %dma_wait3A_176 : memref<1x125x128xf32, #tpu.memory_space<vmem>> -> memref<125x128xf32, #tpu.memory_space<vmem>>
      %dma_wait3A_178 = arith.constant 0 : i32
      %dma_wait3A_179 = tpu.memref_slice %arg7[%select_n3A_89, %dma_wait3A_173, %dma_wait3A_178] : memref<2x8x125xi32, #tpu.memory_space<vmem>> -> memref<1x1x125xi32, #tpu.memory_space<vmem>>
      %dma_wait3A_180 = tpu.memref_squeeze %dma_wait3A_179 : memref<1x1x125xi32, #tpu.memory_space<vmem>> -> memref<125xi32, #tpu.memory_space<vmem>>
      %dma_wait3A_181 = arith.constant 0 : i32
      %dma_wait3A_182 = arith.constant 0 : i32
      %dma_wait3A_183 = tpu.memref_slice %arg2[%dma_wait3A_181, %dma_wait3A_182] : memref<10000x128xf32, #tpu.memory_space<hbm>> -> memref<10000x128xf32, #tpu.memory_space<hbm>>
      %dma_wait3A_184 = tpu.memref_slice %arg11[%select_n3A_172] : memref<2x!tpu.dma_semaphore, #tpu.memory_space<semaphore_mem>> -> memref<1x!tpu.dma_semaphore, #tpu.memory_space<semaphore_mem>>
      %dma_wait3A_185 = tpu.memref_squeeze %dma_wait3A_184 : memref<1x!tpu.dma_semaphore, #tpu.memory_space<semaphore_mem>> -> memref<!tpu.dma_semaphore, #tpu.memory_space<semaphore_mem>>
      tpu.wait_indirect_dma semaphore(%dma_wait3A_185 : memref<!tpu.dma_semaphore, #tpu.memory_space<semaphore_mem>>) src(%dma_wait3A_183 : memref<10000x128xf32, #tpu.memory_space<hbm>>) dst(%dma_wait3A_177 : memref<125x128xf32, #tpu.memory_space<vmem>>)
      %dma_wait3A_186 = arith.constant 0 : i32
      %dma_wait3A_187 = arith.constant 1 : i32
      %dma_wait3A_188 = arith.constant 0 : i32
      %dma_wait3A_189 = arith.constant 0 : i32
      %dma_wait3A_190 = arith.constant 0 : i32
      %dma_wait3A_191 = tpu.memref_slice %arg9[%dma_wait3A_186, %dma_wait3A_189, %dma_wait3A_190] : memref<2x125x128xf32, #tpu.memory_space<vmem>> -> memref<1x125x128xf32, #tpu.memory_space<vmem>>
      %dma_wait3A_192 = tpu.memref_squeeze %dma_wait3A_191 : memref<1x125x128xf32, #tpu.memory_space<vmem>> -> memref<125x128xf32, #tpu.memory_space<vmem>>
      %dma_wait3A_193 = arith.constant 0 : i32
      %dma_wait3A_194 = tpu.memref_slice %arg8[%select_n3A_89, %dma_wait3A_187, %dma_wait3A_193] : memref<2x8x125xi32, #tpu.memory_space<vmem>> -> memref<1x1x125xi32, #tpu.memory_space<vmem>>
      %dma_wait3A_195 = tpu.memref_squeeze %dma_wait3A_194 : memref<1x1x125xi32, #tpu.memory_space<vmem>> -> memref<125xi32, #tpu.memory_space<vmem>>
      %dma_wait3A_196 = arith.constant 0 : i32
      %dma_wait3A_197 = arith.constant 0 : i32
      %dma_wait3A_198 = tpu.memref_slice %arg10[%dma_wait3A_196, %dma_wait3A_197] : memref<10240x128xf32, #tpu.memory_space<vmem_shared>> -> memref<10240x128xf32, #tpu.memory_space<vmem_shared>>
      %dma_wait3A_199 = tpu.memref_slice %arg12[%dma_wait3A_188] : memref<2x!tpu.dma_semaphore, #tpu.memory_space<semaphore_mem>> -> memref<1x!tpu.dma_semaphore, #tpu.memory_space<semaphore_mem>>
      %dma_wait3A_200 = tpu.memref_squeeze %dma_wait3A_199 : memref<1x!tpu.dma_semaphore, #tpu.memory_space<semaphore_mem>> -> memref<!tpu.dma_semaphore, #tpu.memory_space<semaphore_mem>>
      tpu.wait_indirect_dma semaphore(%dma_wait3A_200 : memref<!tpu.dma_semaphore, #tpu.memory_space<semaphore_mem>>) src(%dma_wait3A_192 : memref<125x128xf32, #tpu.memory_space<vmem>>) dst(%dma_wait3A_198 : memref<10240x128xf32, #tpu.memory_space<vmem_shared>>)
      %ge3A_201 = arith.constant 1 : i32
      %ge3A_202 = arith.cmpi sge, %scan3A_80, %ge3A_201 : i32
      %add3A_203 = arith.constant 1 : i32
      %add3A_204 = arith.addi %scan3A_80, %add3A_203 : i32
      %lt3A_205 = arith.constant 10 : i32
      %lt3A_206 = arith.cmpi slt, %add3A_204, %lt3A_205 : i32
      %and3A_207 = arith.andi %ge3A_202, %lt3A_206 : i1
      %convert_element_type3A_208 = arith.extui %and3A_207 : i1 to i32
      %cond3A_209 = arith.constant 0 : i32
      %cond3A_210 = arith.cmpi ne, %convert_element_type3A_208, %cond3A_209 : i32
      scf.if %cond3A_210 {
        %add3A_687 = arith.constant 1 : i32
        %add3A_688 = arith.addi %scan3A_80, %add3A_687 : i32
        %mul3A_689 = arith.constant 8 : i32
        %mul3A_690 = arith.muli %add3A_688, %mul3A_689 : i32
        %multiple_of3A_691 = tpu.assume_multiple %mul3A_690, 8 : i32
        %sub3A = arith.constant 1 : i32
        %sub3A_692 = arith.subi %sub3A, %select_n3A_89 : i32
        %sub3A_693 = arith.constant 1 : i32
        %sub3A_694 = arith.subi %sub3A_693, %select_n3A_89 : i32
        %dma_start3A_695 = arith.constant 0 : i32
        %dma_start3A_696 = arith.constant 0 : i32
        %dma_start3A_697 = tpu.memref_slice %arg7[%sub3A_692, %dma_start3A_695, %dma_start3A_696] : memref<2x8x125xi32, #tpu.memory_space<vmem>> -> memref<1x8x125xi32, #tpu.memory_space<vmem>>
        %dma_start3A_698 = tpu.memref_squeeze %dma_start3A_697 : memref<1x8x125xi32, #tpu.memory_space<vmem>> -> memref<8x125xi32, #tpu.memory_space<vmem>>
        %dma_start3A_699 = arith.constant 0 : i32
        %dma_start3A_700 = tpu.memref_slice %arg3[%add3A, %multiple_of3A_691, %dma_start3A_699] : memref<32x80x125xi32, #tpu.memory_space<hbm>> -> memref<1x8x125xi32, #tpu.memory_space<hbm>>
        %dma_start3A_701 = tpu.memref_squeeze %dma_start3A_700 : memref<1x8x125xi32, #tpu.memory_space<hbm>> -> memref<8x125xi32, #tpu.memory_space<hbm>>
        %dma_start3A_702 = tpu.memref_slice %arg13[%sub3A_694] : memref<2x!tpu.dma_semaphore, #tpu.memory_space<semaphore_mem>> -> memref<1x!tpu.dma_semaphore, #tpu.memory_space<semaphore_mem>>
        %dma_start3A_703 = tpu.memref_squeeze %dma_start3A_702 : memref<1x!tpu.dma_semaphore, #tpu.memory_space<semaphore_mem>> -> memref<!tpu.dma_semaphore, #tpu.memory_space<semaphore_mem>>
        %dma_start3A_704 = arith.constant 0 : i32
        %dma_start3A_705 = arith.constant 0 : i32
        %dma_start3A_706 = tpu.memref_slice %arg7[%sub3A_692, %dma_start3A_704, %dma_start3A_705] : memref<2x8x125xi32, #tpu.memory_space<vmem>> -> memref<1x8x125xi32, #tpu.memory_space<vmem>>
        %dma_start3A_707 = tpu.memref_squeeze %dma_start3A_706 : memref<1x8x125xi32, #tpu.memory_space<vmem>> -> memref<8x125xi32, #tpu.memory_space<vmem>>
        %dma_start3A_708 = arith.constant 0 : i32
        %dma_start3A_709 = tpu.memref_slice %arg3[%add3A, %multiple_of3A_691, %dma_start3A_708] : memref<32x80x125xi32, #tpu.memory_space<hbm>> -> memref<1x8x125xi32, #tpu.memory_space<hbm>>
        %dma_start3A_710 = tpu.memref_squeeze %dma_start3A_709 : memref<1x8x125xi32, #tpu.memory_space<hbm>> -> memref<8x125xi32, #tpu.memory_space<hbm>>
        tpu.enqueue_dma source(%dma_start3A_710 : memref<8x125xi32, #tpu.memory_space<hbm>>) target(%dma_start3A_707 : memref<8x125xi32, #tpu.memory_space<vmem>>) target_semaphore(%dma_start3A_703 : memref<!tpu.dma_semaphore, #tpu.memory_space<semaphore_mem>>)
        %sub3A_711 = arith.constant 1 : i32
        %sub3A_712 = arith.subi %sub3A_711, %select_n3A_89 : i32
        %sub3A_713 = arith.constant 1 : i32
        %sub3A_714 = arith.subi %sub3A_713, %select_n3A_89 : i32
        %dma_start3A_715 = arith.constant 0 : i32
        %dma_start3A_716 = arith.constant 0 : i32
        %dma_start3A_717 = tpu.memref_slice %arg8[%sub3A_712, %dma_start3A_715, %dma_start3A_716] : memref<2x8x125xi32, #tpu.memory_space<vmem>> -> memref<1x8x125xi32, #tpu.memory_space<vmem>>
        %dma_start3A_718 = tpu.memref_squeeze %dma_start3A_717 : memref<1x8x125xi32, #tpu.memory_space<vmem>> -> memref<8x125xi32, #tpu.memory_space<vmem>>
        %dma_start3A_719 = arith.constant 0 : i32
        %dma_start3A_720 = tpu.memref_slice %arg4[%add3A, %multiple_of3A_691, %dma_start3A_719] : memref<32x80x125xi32, #tpu.memory_space<hbm>> -> memref<1x8x125xi32, #tpu.memory_space<hbm>>
        %dma_start3A_721 = tpu.memref_squeeze %dma_start3A_720 : memref<1x8x125xi32, #tpu.memory_space<hbm>> -> memref<8x125xi32, #tpu.memory_space<hbm>>
        %dma_start3A_722 = tpu.memref_slice %arg13[%sub3A_714] : memref<2x!tpu.dma_semaphore, #tpu.memory_space<semaphore_mem>> -> memref<1x!tpu.dma_semaphore, #tpu.memory_space<semaphore_mem>>
        %dma_start3A_723 = tpu.memref_squeeze %dma_start3A_722 : memref<1x!tpu.dma_semaphore, #tpu.memory_space<semaphore_mem>> -> memref<!tpu.dma_semaphore, #tpu.memory_space<semaphore_mem>>
        %dma_start3A_724 = arith.constant 0 : i32
        %dma_start3A_725 = arith.constant 0 : i32
        %dma_start3A_726 = tpu.memref_slice %arg8[%sub3A_712, %dma_start3A_724, %dma_start3A_725] : memref<2x8x125xi32, #tpu.memory_space<vmem>> -> memref<1x8x125xi32, #tpu.memory_space<vmem>>
        %dma_start3A_727 = tpu.memref_squeeze %dma_start3A_726 : memref<1x8x125xi32, #tpu.memory_space<vmem>> -> memref<8x125xi32, #tpu.memory_space<vmem>>
        %dma_start3A_728 = arith.constant 0 : i32
        %dma_start3A_729 = tpu.memref_slice %arg4[%add3A, %multiple_of3A_691, %dma_start3A_728] : memref<32x80x125xi32, #tpu.memory_space<hbm>> -> memref<1x8x125xi32, #tpu.memory_space<hbm>>
        %dma_start3A_730 = tpu.memref_squeeze %dma_start3A_729 : memref<1x8x125xi32, #tpu.memory_space<hbm>> -> memref<8x125xi32, #tpu.memory_space<hbm>>
        tpu.enqueue_dma source(%dma_start3A_730 : memref<8x125xi32, #tpu.memory_space<hbm>>) target(%dma_start3A_727 : memref<8x125xi32, #tpu.memory_space<vmem>>) target_semaphore(%dma_start3A_723 : memref<!tpu.dma_semaphore, #tpu.memory_space<semaphore_mem>>)
      } else {
      }
      %dma_start3A_211 = arith.constant 2 : i32
      %dma_start3A_212 = arith.constant 0 : i32
      %dma_start3A_213 = arith.constant 0 : i32
      %dma_start3A_214 = arith.constant 0 : i32
      %dma_start3A_215 = arith.constant 0 : i32
      %dma_start3A_216 = tpu.memref_slice %arg9[%dma_start3A_212, %dma_start3A_214, %dma_start3A_215] : memref<2x125x128xf32, #tpu.memory_space<vmem>> -> memref<1x125x128xf32, #tpu.memory_space<vmem>>
      %dma_start3A_217 = tpu.memref_squeeze %dma_start3A_216 : memref<1x125x128xf32, #tpu.memory_space<vmem>> -> memref<125x128xf32, #tpu.memory_space<vmem>>
      %dma_start3A_218 = arith.constant 0 : i32
      %dma_start3A_219 = tpu.memref_slice %arg7[%select_n3A_89, %dma_start3A_211, %dma_start3A_218] : memref<2x8x125xi32, #tpu.memory_space<vmem>> -> memref<1x1x125xi32, #tpu.memory_space<vmem>>
      %dma_start3A_220 = tpu.memref_squeeze %dma_start3A_219 : memref<1x1x125xi32, #tpu.memory_space<vmem>> -> memref<125xi32, #tpu.memory_space<vmem>>
      %dma_start3A_221 = arith.constant 0 : i32
      %dma_start3A_222 = arith.constant 0 : i32
      %dma_start3A_223 = tpu.memref_slice %arg2[%dma_start3A_221, %dma_start3A_222] : memref<10000x128xf32, #tpu.memory_space<hbm>> -> memref<10000x128xf32, #tpu.memory_space<hbm>>
      %dma_start3A_224 = tpu.memref_slice %arg11[%dma_start3A_213] : memref<2x!tpu.dma_semaphore, #tpu.memory_space<semaphore_mem>> -> memref<1x!tpu.dma_semaphore, #tpu.memory_space<semaphore_mem>>
      %dma_start3A_225 = tpu.memref_squeeze %dma_start3A_224 : memref<1x!tpu.dma_semaphore, #tpu.memory_space<semaphore_mem>> -> memref<!tpu.dma_semaphore, #tpu.memory_space<semaphore_mem>>
      tpu.enqueue_indirect_dma source(%dma_start3A_223 : memref<10000x128xf32, #tpu.memory_space<hbm>>) target(%dma_start3A_217 : memref<125x128xf32, #tpu.memory_space<vmem>>) offsets(%dma_start3A_220 : memref<125xi32, #tpu.memory_space<vmem>>) semaphore(%dma_start3A_225 : memref<!tpu.dma_semaphore, #tpu.memory_space<semaphore_mem>>)
      %dma_start3A_226 = arith.constant 1 : i32
      %dma_start3A_227 = arith.constant 0 : i32
      %dma_start3A_228 = arith.constant 0 : i32
      %dma_start3A_229 = tpu.memref_slice %arg9[%select_n3A_172, %dma_start3A_227, %dma_start3A_228] : memref<2x125x128xf32, #tpu.memory_space<vmem>> -> memref<1x125x128xf32, #tpu.memory_space<vmem>>
      %dma_start3A_230 = tpu.memref_squeeze %dma_start3A_229 : memref<1x125x128xf32, #tpu.memory_space<vmem>> -> memref<125x128xf32, #tpu.memory_space<vmem>>
      %dma_start3A_231 = arith.constant 0 : i32
      %dma_start3A_232 = tpu.memref_slice %arg8[%select_n3A_89, %dma_start3A_226, %dma_start3A_231] : memref<2x8x125xi32, #tpu.memory_space<vmem>> -> memref<1x1x125xi32, #tpu.memory_space<vmem>>
      %dma_start3A_233 = tpu.memref_squeeze %dma_start3A_232 : memref<1x1x125xi32, #tpu.memory_space<vmem>> -> memref<125xi32, #tpu.memory_space<vmem>>
      %dma_start3A_234 = arith.constant 0 : i32
      %dma_start3A_235 = arith.constant 0 : i32
      %dma_start3A_236 = tpu.memref_slice %arg10[%dma_start3A_234, %dma_start3A_235] : memref<10240x128xf32, #tpu.memory_space<vmem_shared>> -> memref<10240x128xf32, #tpu.memory_space<vmem_shared>>
      %dma_start3A_237 = tpu.memref_slice %arg12[%select_n3A_172] : memref<2x!tpu.dma_semaphore, #tpu.memory_space<semaphore_mem>> -> memref<1x!tpu.dma_semaphore, #tpu.memory_space<semaphore_mem>>
      %dma_start3A_238 = tpu.memref_squeeze %dma_start3A_237 : memref<1x!tpu.dma_semaphore, #tpu.memory_space<semaphore_mem>> -> memref<!tpu.dma_semaphore, #tpu.memory_space<semaphore_mem>>
      tpu.enqueue_indirect_dma source(%dma_start3A_230 : memref<125x128xf32, #tpu.memory_space<vmem>>) target(%dma_start3A_236 : memref<10240x128xf32, #tpu.memory_space<vmem_shared>>) offsets(%dma_start3A_233 : memref<125xi32, #tpu.memory_space<vmem>>) semaphore(%dma_start3A_238 : memref<!tpu.dma_semaphore, #tpu.memory_space<semaphore_mem>>) {add = true}
      %mul3A_239 = arith.constant 8 : i32
      %mul3A_240 = arith.muli %scan3A_80, %mul3A_239 : i32
      %add3A_241 = arith.constant 2 : i32
      %add3A_242 = arith.addi %mul3A_240, %add3A_241 : i32
      %jit3A_243 = arith.constant 2 : i32
      %eq3A_244 = arith.constant 0 : i32
      %eq3A_245 = arith.cmpi eq, %jit3A_243, %eq3A_244 : i32
      %jit3A_246 = arith.constant 1 : i32
      %select_n3A_247 = arith.select %eq3A_245, %jit3A_246, %jit3A_243 : i32
      %rem3A_248 = arith.remsi %add3A_242, %select_n3A_247 : i32
      %ne3A_249 = arith.constant 0 : i32
      %ne3A_250 = arith.cmpi ne, %rem3A_248, %ne3A_249 : i32
      %lt3A_251 = arith.constant 0 : i32
      %lt3A_252 = arith.cmpi slt, %rem3A_248, %lt3A_251 : i32
      %lt3A_253 = arith.constant 0 : i32
      %lt3A_254 = arith.cmpi slt, %select_n3A_247, %lt3A_253 : i32
      %ne3A_255 = arith.xori %lt3A_252, %lt3A_254 : i1
      %and3A_256 = arith.andi %ne3A_255, %ne3A_250 : i1
      %add3A_257 = arith.addi %rem3A_248, %select_n3A_247 : i32
      %select_n3A_258 = arith.select %and3A_256, %add3A_257, %rem3A_248 : i32
      %dma_wait3A_259 = arith.constant 2 : i32
      %dma_wait3A_260 = arith.constant 0 : i32
      %dma_wait3A_261 = arith.constant 0 : i32
      %dma_wait3A_262 = tpu.memref_slice %arg9[%select_n3A_258, %dma_wait3A_260, %dma_wait3A_261] : memref<2x125x128xf32, #tpu.memory_space<vmem>> -> memref<1x125x128xf32, #tpu.memory_space<vmem>>
      %dma_wait3A_263 = tpu.memref_squeeze %dma_wait3A_262 : memref<1x125x128xf32, #tpu.memory_space<vmem>> -> memref<125x128xf32, #tpu.memory_space<vmem>>
      %dma_wait3A_264 = arith.constant 0 : i32
      %dma_wait3A_265 = tpu.memref_slice %arg7[%select_n3A_89, %dma_wait3A_259, %dma_wait3A_264] : memref<2x8x125xi32, #tpu.memory_space<vmem>> -> memref<1x1x125xi32, #tpu.memory_space<vmem>>
      %dma_wait3A_266 = tpu.memref_squeeze %dma_wait3A_265 : memref<1x1x125xi32, #tpu.memory_space<vmem>> -> memref<125xi32, #tpu.memory_space<vmem>>
      %dma_wait3A_267 = arith.constant 0 : i32
      %dma_wait3A_268 = arith.constant 0 : i32
      %dma_wait3A_269 = tpu.memref_slice %arg2[%dma_wait3A_267, %dma_wait3A_268] : memref<10000x128xf32, #tpu.memory_space<hbm>> -> memref<10000x128xf32, #tpu.memory_space<hbm>>
      %dma_wait3A_270 = tpu.memref_slice %arg11[%select_n3A_258] : memref<2x!tpu.dma_semaphore, #tpu.memory_space<semaphore_mem>> -> memref<1x!tpu.dma_semaphore, #tpu.memory_space<semaphore_mem>>
      %dma_wait3A_271 = tpu.memref_squeeze %dma_wait3A_270 : memref<1x!tpu.dma_semaphore, #tpu.memory_space<semaphore_mem>> -> memref<!tpu.dma_semaphore, #tpu.memory_space<semaphore_mem>>
      tpu.wait_indirect_dma semaphore(%dma_wait3A_271 : memref<!tpu.dma_semaphore, #tpu.memory_space<semaphore_mem>>) src(%dma_wait3A_269 : memref<10000x128xf32, #tpu.memory_space<hbm>>) dst(%dma_wait3A_263 : memref<125x128xf32, #tpu.memory_space<vmem>>)
      %dma_wait3A_272 = arith.constant 1 : i32
      %dma_wait3A_273 = arith.constant 2 : i32
      %dma_wait3A_274 = arith.constant 1 : i32
      %dma_wait3A_275 = arith.constant 0 : i32
      %dma_wait3A_276 = arith.constant 0 : i32
      %dma_wait3A_277 = tpu.memref_slice %arg9[%dma_wait3A_272, %dma_wait3A_275, %dma_wait3A_276] : memref<2x125x128xf32, #tpu.memory_space<vmem>> -> memref<1x125x128xf32, #tpu.memory_space<vmem>>
      %dma_wait3A_278 = tpu.memref_squeeze %dma_wait3A_277 : memref<1x125x128xf32, #tpu.memory_space<vmem>> -> memref<125x128xf32, #tpu.memory_space<vmem>>
      %dma_wait3A_279 = arith.constant 0 : i32
      %dma_wait3A_280 = tpu.memref_slice %arg8[%select_n3A_89, %dma_wait3A_273, %dma_wait3A_279] : memref<2x8x125xi32, #tpu.memory_space<vmem>> -> memref<1x1x125xi32, #tpu.memory_space<vmem>>
      %dma_wait3A_281 = tpu.memref_squeeze %dma_wait3A_280 : memref<1x1x125xi32, #tpu.memory_space<vmem>> -> memref<125xi32, #tpu.memory_space<vmem>>
      %dma_wait3A_282 = arith.constant 0 : i32
      %dma_wait3A_283 = arith.constant 0 : i32
      %dma_wait3A_284 = tpu.memref_slice %arg10[%dma_wait3A_282, %dma_wait3A_283] : memref<10240x128xf32, #tpu.memory_space<vmem_shared>> -> memref<10240x128xf32, #tpu.memory_space<vmem_shared>>
      %dma_wait3A_285 = tpu.memref_slice %arg12[%dma_wait3A_274] : memref<2x!tpu.dma_semaphore, #tpu.memory_space<semaphore_mem>> -> memref<1x!tpu.dma_semaphore, #tpu.memory_space<semaphore_mem>>
      %dma_wait3A_286 = tpu.memref_squeeze %dma_wait3A_285 : memref<1x!tpu.dma_semaphore, #tpu.memory_space<semaphore_mem>> -> memref<!tpu.dma_semaphore, #tpu.memory_space<semaphore_mem>>
      tpu.wait_indirect_dma semaphore(%dma_wait3A_286 : memref<!tpu.dma_semaphore, #tpu.memory_space<semaphore_mem>>) src(%dma_wait3A_278 : memref<125x128xf32, #tpu.memory_space<vmem>>) dst(%dma_wait3A_284 : memref<10240x128xf32, #tpu.memory_space<vmem_shared>>)
      %dma_start3A_287 = arith.constant 3 : i32
      %dma_start3A_288 = arith.constant 1 : i32
      %dma_start3A_289 = arith.constant 1 : i32
      %dma_start3A_290 = arith.constant 0 : i32
      %dma_start3A_291 = arith.constant 0 : i32
      %dma_start3A_292 = tpu.memref_slice %arg9[%dma_start3A_288, %dma_start3A_290, %dma_start3A_291] : memref<2x125x128xf32, #tpu.memory_space<vmem>> -> memref<1x125x128xf32, #tpu.memory_space<vmem>>
      %dma_start3A_293 = tpu.memref_squeeze %dma_start3A_292 : memref<1x125x128xf32, #tpu.memory_space<vmem>> -> memref<125x128xf32, #tpu.memory_space<vmem>>
      %dma_start3A_294 = arith.constant 0 : i32
      %dma_start3A_295 = tpu.memref_slice %arg7[%select_n3A_89, %dma_start3A_287, %dma_start3A_294] : memref<2x8x125xi32, #tpu.memory_space<vmem>> -> memref<1x1x125xi32, #tpu.memory_space<vmem>>
      %dma_start3A_296 = tpu.memref_squeeze %dma_start3A_295 : memref<1x1x125xi32, #tpu.memory_space<vmem>> -> memref<125xi32, #tpu.memory_space<vmem>>
      %dma_start3A_297 = arith.constant 0 : i32
      %dma_start3A_298 = arith.constant 0 : i32
      %dma_start3A_299 = tpu.memref_slice %arg2[%dma_start3A_297, %dma_start3A_298] : memref<10000x128xf32, #tpu.memory_space<hbm>> -> memref<10000x128xf32, #tpu.memory_space<hbm>>
      %dma_start3A_300 = tpu.memref_slice %arg11[%dma_start3A_289] : memref<2x!tpu.dma_semaphore, #tpu.memory_space<semaphore_mem>> -> memref<1x!tpu.dma_semaphore, #tpu.memory_space<semaphore_mem>>
      %dma_start3A_301 = tpu.memref_squeeze %dma_start3A_300 : memref<1x!tpu.dma_semaphore, #tpu.memory_space<semaphore_mem>> -> memref<!tpu.dma_semaphore, #tpu.memory_space<semaphore_mem>>
      tpu.enqueue_indirect_dma source(%dma_start3A_299 : memref<10000x128xf32, #tpu.memory_space<hbm>>) target(%dma_start3A_293 : memref<125x128xf32, #tpu.memory_space<vmem>>) offsets(%dma_start3A_296 : memref<125xi32, #tpu.memory_space<vmem>>) semaphore(%dma_start3A_301 : memref<!tpu.dma_semaphore, #tpu.memory_space<semaphore_mem>>)
      %dma_start3A_302 = arith.constant 2 : i32
      %dma_start3A_303 = arith.constant 0 : i32
      %dma_start3A_304 = arith.constant 0 : i32
      %dma_start3A_305 = tpu.memref_slice %arg9[%select_n3A_258, %dma_start3A_303, %dma_start3A_304] : memref<2x125x128xf32, #tpu.memory_space<vmem>> -> memref<1x125x128xf32, #tpu.memory_space<vmem>>
      %dma_start3A_306 = tpu.memref_squeeze %dma_start3A_305 : memref<1x125x128xf32, #tpu.memory_space<vmem>> -> memref<125x128xf32, #tpu.memory_space<vmem>>
      %dma_start3A_307 = arith.constant 0 : i32
      %dma_start3A_308 = tpu.memref_slice %arg8[%select_n3A_89, %dma_start3A_302, %dma_start3A_307] : memref<2x8x125xi32, #tpu.memory_space<vmem>> -> memref<1x1x125xi32, #tpu.memory_space<vmem>>
      %dma_start3A_309 = tpu.memref_squeeze %dma_start3A_308 : memref<1x1x125xi32, #tpu.memory_space<vmem>> -> memref<125xi32, #tpu.memory_space<vmem>>
      %dma_start3A_310 = arith.constant 0 : i32
      %dma_start3A_311 = arith.constant 0 : i32
      %dma_start3A_312 = tpu.memref_slice %arg10[%dma_start3A_310, %dma_start3A_311] : memref<10240x128xf32, #tpu.memory_space<vmem_shared>> -> memref<10240x128xf32, #tpu.memory_space<vmem_shared>>
      %dma_start3A_313 = tpu.memref_slice %arg12[%select_n3A_258] : memref<2x!tpu.dma_semaphore, #tpu.memory_space<semaphore_mem>> -> memref<1x!tpu.dma_semaphore, #tpu.memory_space<semaphore_mem>>
      %dma_start3A_314 = tpu.memref_squeeze %dma_start3A_313 : memref<1x!tpu.dma_semaphore, #tpu.memory_space<semaphore_mem>> -> memref<!tpu.dma_semaphore, #tpu.memory_space<semaphore_mem>>
      tpu.enqueue_indirect_dma source(%dma_start3A_306 : memref<125x128xf32, #tpu.memory_space<vmem>>) target(%dma_start3A_312 : memref<10240x128xf32, #tpu.memory_space<vmem_shared>>) offsets(%dma_start3A_309 : memref<125xi32, #tpu.memory_space<vmem>>) semaphore(%dma_start3A_314 : memref<!tpu.dma_semaphore, #tpu.memory_space<semaphore_mem>>) {add = true}
      %mul3A_315 = arith.constant 8 : i32
      %mul3A_316 = arith.muli %scan3A_80, %mul3A_315 : i32
      %add3A_317 = arith.constant 3 : i32
      %add3A_318 = arith.addi %mul3A_316, %add3A_317 : i32
      %jit3A_319 = arith.constant 2 : i32
      %eq3A_320 = arith.constant 0 : i32
      %eq3A_321 = arith.cmpi eq, %jit3A_319, %eq3A_320 : i32
      %jit3A_322 = arith.constant 1 : i32
      %select_n3A_323 = arith.select %eq3A_321, %jit3A_322, %jit3A_319 : i32
      %rem3A_324 = arith.remsi %add3A_318, %select_n3A_323 : i32
      %ne3A_325 = arith.constant 0 : i32
      %ne3A_326 = arith.cmpi ne, %rem3A_324, %ne3A_325 : i32
      %lt3A_327 = arith.constant 0 : i32
      %lt3A_328 = arith.cmpi slt, %rem3A_324, %lt3A_327 : i32
      %lt3A_329 = arith.constant 0 : i32
      %lt3A_330 = arith.cmpi slt, %select_n3A_323, %lt3A_329 : i32
      %ne3A_331 = arith.xori %lt3A_328, %lt3A_330 : i1
      %and3A_332 = arith.andi %ne3A_331, %ne3A_326 : i1
      %add3A_333 = arith.addi %rem3A_324, %select_n3A_323 : i32
      %select_n3A_334 = arith.select %and3A_332, %add3A_333, %rem3A_324 : i32
      %dma_wait3A_335 = arith.constant 3 : i32
      %dma_wait3A_336 = arith.constant 0 : i32
      %dma_wait3A_337 = arith.constant 0 : i32
      %dma_wait3A_338 = tpu.memref_slice %arg9[%select_n3A_334, %dma_wait3A_336, %dma_wait3A_337] : memref<2x125x128xf32, #tpu.memory_space<vmem>> -> memref<1x125x128xf32, #tpu.memory_space<vmem>>
      %dma_wait3A_339 = tpu.memref_squeeze %dma_wait3A_338 : memref<1x125x128xf32, #tpu.memory_space<vmem>> -> memref<125x128xf32, #tpu.memory_space<vmem>>
      %dma_wait3A_340 = arith.constant 0 : i32
      %dma_wait3A_341 = tpu.memref_slice %arg7[%select_n3A_89, %dma_wait3A_335, %dma_wait3A_340] : memref<2x8x125xi32, #tpu.memory_space<vmem>> -> memref<1x1x125xi32, #tpu.memory_space<vmem>>
      %dma_wait3A_342 = tpu.memref_squeeze %dma_wait3A_341 : memref<1x1x125xi32, #tpu.memory_space<vmem>> -> memref<125xi32, #tpu.memory_space<vmem>>
      %dma_wait3A_343 = arith.constant 0 : i32
      %dma_wait3A_344 = arith.constant 0 : i32
      %dma_wait3A_345 = tpu.memref_slice %arg2[%dma_wait3A_343, %dma_wait3A_344] : memref<10000x128xf32, #tpu.memory_space<hbm>> -> memref<10000x128xf32, #tpu.memory_space<hbm>>
      %dma_wait3A_346 = tpu.memref_slice %arg11[%select_n3A_334] : memref<2x!tpu.dma_semaphore, #tpu.memory_space<semaphore_mem>> -> memref<1x!tpu.dma_semaphore, #tpu.memory_space<semaphore_mem>>
      %dma_wait3A_347 = tpu.memref_squeeze %dma_wait3A_346 : memref<1x!tpu.dma_semaphore, #tpu.memory_space<semaphore_mem>> -> memref<!tpu.dma_semaphore, #tpu.memory_space<semaphore_mem>>
      tpu.wait_indirect_dma semaphore(%dma_wait3A_347 : memref<!tpu.dma_semaphore, #tpu.memory_space<semaphore_mem>>) src(%dma_wait3A_345 : memref<10000x128xf32, #tpu.memory_space<hbm>>) dst(%dma_wait3A_339 : memref<125x128xf32, #tpu.memory_space<vmem>>)
      %dma_wait3A_348 = arith.constant 0 : i32
      %dma_wait3A_349 = arith.constant 3 : i32
      %dma_wait3A_350 = arith.constant 0 : i32
      %dma_wait3A_351 = arith.constant 0 : i32
      %dma_wait3A_352 = arith.constant 0 : i32
      %dma_wait3A_353 = tpu.memref_slice %arg9[%dma_wait3A_348, %dma_wait3A_351, %dma_wait3A_352] : memref<2x125x128xf32, #tpu.memory_space<vmem>> -> memref<1x125x128xf32, #tpu.memory_space<vmem>>
      %dma_wait3A_354 = tpu.memref_squeeze %dma_wait3A_353 : memref<1x125x128xf32, #tpu.memory_space<vmem>> -> memref<125x128xf32, #tpu.memory_space<vmem>>
      %dma_wait3A_355 = arith.constant 0 : i32
      %dma_wait3A_356 = tpu.memref_slice %arg8[%select_n3A_89, %dma_wait3A_349, %dma_wait3A_355] : memref<2x8x125xi32, #tpu.memory_space<vmem>> -> memref<1x1x125xi32, #tpu.memory_space<vmem>>
      %dma_wait3A_357 = tpu.memref_squeeze %dma_wait3A_356 : memref<1x1x125xi32, #tpu.memory_space<vmem>> -> memref<125xi32, #tpu.memory_space<vmem>>
      %dma_wait3A_358 = arith.constant 0 : i32
      %dma_wait3A_359 = arith.constant 0 : i32
      %dma_wait3A_360 = tpu.memref_slice %arg10[%dma_wait3A_358, %dma_wait3A_359] : memref<10240x128xf32, #tpu.memory_space<vmem_shared>> -> memref<10240x128xf32, #tpu.memory_space<vmem_shared>>
      %dma_wait3A_361 = tpu.memref_slice %arg12[%dma_wait3A_350] : memref<2x!tpu.dma_semaphore, #tpu.memory_space<semaphore_mem>> -> memref<1x!tpu.dma_semaphore, #tpu.memory_space<semaphore_mem>>
      %dma_wait3A_362 = tpu.memref_squeeze %dma_wait3A_361 : memref<1x!tpu.dma_semaphore, #tpu.memory_space<semaphore_mem>> -> memref<!tpu.dma_semaphore, #tpu.memory_space<semaphore_mem>>
      tpu.wait_indirect_dma semaphore(%dma_wait3A_362 : memref<!tpu.dma_semaphore, #tpu.memory_space<semaphore_mem>>) src(%dma_wait3A_354 : memref<125x128xf32, #tpu.memory_space<vmem>>) dst(%dma_wait3A_360 : memref<10240x128xf32, #tpu.memory_space<vmem_shared>>)
      %dma_start3A_363 = arith.constant 4 : i32
      %dma_start3A_364 = arith.constant 0 : i32
      %dma_start3A_365 = arith.constant 0 : i32
      %dma_start3A_366 = arith.constant 0 : i32
      %dma_start3A_367 = arith.constant 0 : i32
      %dma_start3A_368 = tpu.memref_slice %arg9[%dma_start3A_364, %dma_start3A_366, %dma_start3A_367] : memref<2x125x128xf32, #tpu.memory_space<vmem>> -> memref<1x125x128xf32, #tpu.memory_space<vmem>>
      %dma_start3A_369 = tpu.memref_squeeze %dma_start3A_368 : memref<1x125x128xf32, #tpu.memory_space<vmem>> -> memref<125x128xf32, #tpu.memory_space<vmem>>
      %dma_start3A_370 = arith.constant 0 : i32
      %dma_start3A_371 = tpu.memref_slice %arg7[%select_n3A_89, %dma_start3A_363, %dma_start3A_370] : memref<2x8x125xi32, #tpu.memory_space<vmem>> -> memref<1x1x125xi32, #tpu.memory_space<vmem>>
      %dma_start3A_372 = tpu.memref_squeeze %dma_start3A_371 : memref<1x1x125xi32, #tpu.memory_space<vmem>> -> memref<125xi32, #tpu.memory_space<vmem>>
      %dma_start3A_373 = arith.constant 0 : i32
      %dma_start3A_374 = arith.constant 0 : i32
      %dma_start3A_375 = tpu.memref_slice %arg2[%dma_start3A_373, %dma_start3A_374] : memref<10000x128xf32, #tpu.memory_space<hbm>> -> memref<10000x128xf32, #tpu.memory_space<hbm>>
      %dma_start3A_376 = tpu.memref_slice %arg11[%dma_start3A_365] : memref<2x!tpu.dma_semaphore, #tpu.memory_space<semaphore_mem>> -> memref<1x!tpu.dma_semaphore, #tpu.memory_space<semaphore_mem>>
      %dma_start3A_377 = tpu.memref_squeeze %dma_start3A_376 : memref<1x!tpu.dma_semaphore, #tpu.memory_space<semaphore_mem>> -> memref<!tpu.dma_semaphore, #tpu.memory_space<semaphore_mem>>
      tpu.enqueue_indirect_dma source(%dma_start3A_375 : memref<10000x128xf32, #tpu.memory_space<hbm>>) target(%dma_start3A_369 : memref<125x128xf32, #tpu.memory_space<vmem>>) offsets(%dma_start3A_372 : memref<125xi32, #tpu.memory_space<vmem>>) semaphore(%dma_start3A_377 : memref<!tpu.dma_semaphore, #tpu.memory_space<semaphore_mem>>)
      %dma_start3A_378 = arith.constant 3 : i32
      %dma_start3A_379 = arith.constant 0 : i32
      %dma_start3A_380 = arith.constant 0 : i32
      %dma_start3A_381 = tpu.memref_slice %arg9[%select_n3A_334, %dma_start3A_379, %dma_start3A_380] : memref<2x125x128xf32, #tpu.memory_space<vmem>> -> memref<1x125x128xf32, #tpu.memory_space<vmem>>
      %dma_start3A_382 = tpu.memref_squeeze %dma_start3A_381 : memref<1x125x128xf32, #tpu.memory_space<vmem>> -> memref<125x128xf32, #tpu.memory_space<vmem>>
      %dma_start3A_383 = arith.constant 0 : i32
      %dma_start3A_384 = tpu.memref_slice %arg8[%select_n3A_89, %dma_start3A_378, %dma_start3A_383] : memref<2x8x125xi32, #tpu.memory_space<vmem>> -> memref<1x1x125xi32, #tpu.memory_space<vmem>>
      %dma_start3A_385 = tpu.memref_squeeze %dma_start3A_384 : memref<1x1x125xi32, #tpu.memory_space<vmem>> -> memref<125xi32, #tpu.memory_space<vmem>>
      %dma_start3A_386 = arith.constant 0 : i32
      %dma_start3A_387 = arith.constant 0 : i32
      %dma_start3A_388 = tpu.memref_slice %arg10[%dma_start3A_386, %dma_start3A_387] : memref<10240x128xf32, #tpu.memory_space<vmem_shared>> -> memref<10240x128xf32, #tpu.memory_space<vmem_shared>>
      %dma_start3A_389 = tpu.memref_slice %arg12[%select_n3A_334] : memref<2x!tpu.dma_semaphore, #tpu.memory_space<semaphore_mem>> -> memref<1x!tpu.dma_semaphore, #tpu.memory_space<semaphore_mem>>
      %dma_start3A_390 = tpu.memref_squeeze %dma_start3A_389 : memref<1x!tpu.dma_semaphore, #tpu.memory_space<semaphore_mem>> -> memref<!tpu.dma_semaphore, #tpu.memory_space<semaphore_mem>>
      tpu.enqueue_indirect_dma source(%dma_start3A_382 : memref<125x128xf32, #tpu.memory_space<vmem>>) target(%dma_start3A_388 : memref<10240x128xf32, #tpu.memory_space<vmem_shared>>) offsets(%dma_start3A_385 : memref<125xi32, #tpu.memory_space<vmem>>) semaphore(%dma_start3A_390 : memref<!tpu.dma_semaphore, #tpu.memory_space<semaphore_mem>>) {add = true}
      %mul3A_391 = arith.constant 8 : i32
      %mul3A_392 = arith.muli %scan3A_80, %mul3A_391 : i32
      %add3A_393 = arith.constant 4 : i32
      %add3A_394 = arith.addi %mul3A_392, %add3A_393 : i32
      %jit3A_395 = arith.constant 2 : i32
      %eq3A_396 = arith.constant 0 : i32
      %eq3A_397 = arith.cmpi eq, %jit3A_395, %eq3A_396 : i32
      %jit3A_398 = arith.constant 1 : i32
      %select_n3A_399 = arith.select %eq3A_397, %jit3A_398, %jit3A_395 : i32
      %rem3A_400 = arith.remsi %add3A_394, %select_n3A_399 : i32
      %ne3A_401 = arith.constant 0 : i32
      %ne3A_402 = arith.cmpi ne, %rem3A_400, %ne3A_401 : i32
      %lt3A_403 = arith.constant 0 : i32
      %lt3A_404 = arith.cmpi slt, %rem3A_400, %lt3A_403 : i32
      %lt3A_405 = arith.constant 0 : i32
      %lt3A_406 = arith.cmpi slt, %select_n3A_399, %lt3A_405 : i32
      %ne3A_407 = arith.xori %lt3A_404, %lt3A_406 : i1
      %and3A_408 = arith.andi %ne3A_407, %ne3A_402 : i1
      %add3A_409 = arith.addi %rem3A_400, %select_n3A_399 : i32
      %select_n3A_410 = arith.select %and3A_408, %add3A_409, %rem3A_400 : i32
      %dma_wait3A_411 = arith.constant 4 : i32
      %dma_wait3A_412 = arith.constant 0 : i32
      %dma_wait3A_413 = arith.constant 0 : i32
      %dma_wait3A_414 = tpu.memref_slice %arg9[%select_n3A_410, %dma_wait3A_412, %dma_wait3A_413] : memref<2x125x128xf32, #tpu.memory_space<vmem>> -> memref<1x125x128xf32, #tpu.memory_space<vmem>>
      %dma_wait3A_415 = tpu.memref_squeeze %dma_wait3A_414 : memref<1x125x128xf32, #tpu.memory_space<vmem>> -> memref<125x128xf32, #tpu.memory_space<vmem>>
      %dma_wait3A_416 = arith.constant 0 : i32
      %dma_wait3A_417 = tpu.memref_slice %arg7[%select_n3A_89, %dma_wait3A_411, %dma_wait3A_416] : memref<2x8x125xi32, #tpu.memory_space<vmem>> -> memref<1x1x125xi32, #tpu.memory_space<vmem>>
      %dma_wait3A_418 = tpu.memref_squeeze %dma_wait3A_417 : memref<1x1x125xi32, #tpu.memory_space<vmem>> -> memref<125xi32, #tpu.memory_space<vmem>>
      %dma_wait3A_419 = arith.constant 0 : i32
      %dma_wait3A_420 = arith.constant 0 : i32
      %dma_wait3A_421 = tpu.memref_slice %arg2[%dma_wait3A_419, %dma_wait3A_420] : memref<10000x128xf32, #tpu.memory_space<hbm>> -> memref<10000x128xf32, #tpu.memory_space<hbm>>
      %dma_wait3A_422 = tpu.memref_slice %arg11[%select_n3A_410] : memref<2x!tpu.dma_semaphore, #tpu.memory_space<semaphore_mem>> -> memref<1x!tpu.dma_semaphore, #tpu.memory_space<semaphore_mem>>
      %dma_wait3A_423 = tpu.memref_squeeze %dma_wait3A_422 : memref<1x!tpu.dma_semaphore, #tpu.memory_space<semaphore_mem>> -> memref<!tpu.dma_semaphore, #tpu.memory_space<semaphore_mem>>
      tpu.wait_indirect_dma semaphore(%dma_wait3A_423 : memref<!tpu.dma_semaphore, #tpu.memory_space<semaphore_mem>>) src(%dma_wait3A_421 : memref<10000x128xf32, #tpu.memory_space<hbm>>) dst(%dma_wait3A_415 : memref<125x128xf32, #tpu.memory_space<vmem>>)
      %dma_wait3A_424 = arith.constant 1 : i32
      %dma_wait3A_425 = arith.constant 4 : i32
      %dma_wait3A_426 = arith.constant 1 : i32
      %dma_wait3A_427 = arith.constant 0 : i32
      %dma_wait3A_428 = arith.constant 0 : i32
      %dma_wait3A_429 = tpu.memref_slice %arg9[%dma_wait3A_424, %dma_wait3A_427, %dma_wait3A_428] : memref<2x125x128xf32, #tpu.memory_space<vmem>> -> memref<1x125x128xf32, #tpu.memory_space<vmem>>
      %dma_wait3A_430 = tpu.memref_squeeze %dma_wait3A_429 : memref<1x125x128xf32, #tpu.memory_space<vmem>> -> memref<125x128xf32, #tpu.memory_space<vmem>>
      %dma_wait3A_431 = arith.constant 0 : i32
      %dma_wait3A_432 = tpu.memref_slice %arg8[%select_n3A_89, %dma_wait3A_425, %dma_wait3A_431] : memref<2x8x125xi32, #tpu.memory_space<vmem>> -> memref<1x1x125xi32, #tpu.memory_space<vmem>>
      %dma_wait3A_433 = tpu.memref_squeeze %dma_wait3A_432 : memref<1x1x125xi32, #tpu.memory_space<vmem>> -> memref<125xi32, #tpu.memory_space<vmem>>
      %dma_wait3A_434 = arith.constant 0 : i32
      %dma_wait3A_435 = arith.constant 0 : i32
      %dma_wait3A_436 = tpu.memref_slice %arg10[%dma_wait3A_434, %dma_wait3A_435] : memref<10240x128xf32, #tpu.memory_space<vmem_shared>> -> memref<10240x128xf32, #tpu.memory_space<vmem_shared>>
      %dma_wait3A_437 = tpu.memref_slice %arg12[%dma_wait3A_426] : memref<2x!tpu.dma_semaphore, #tpu.memory_space<semaphore_mem>> -> memref<1x!tpu.dma_semaphore, #tpu.memory_space<semaphore_mem>>
      %dma_wait3A_438 = tpu.memref_squeeze %dma_wait3A_437 : memref<1x!tpu.dma_semaphore, #tpu.memory_space<semaphore_mem>> -> memref<!tpu.dma_semaphore, #tpu.memory_space<semaphore_mem>>
      tpu.wait_indirect_dma semaphore(%dma_wait3A_438 : memref<!tpu.dma_semaphore, #tpu.memory_space<semaphore_mem>>) src(%dma_wait3A_430 : memref<125x128xf32, #tpu.memory_space<vmem>>) dst(%dma_wait3A_436 : memref<10240x128xf32, #tpu.memory_space<vmem_shared>>)
      %dma_start3A_439 = arith.constant 5 : i32
      %dma_start3A_440 = arith.constant 1 : i32
      %dma_start3A_441 = arith.constant 1 : i32
      %dma_start3A_442 = arith.constant 0 : i32
      %dma_start3A_443 = arith.constant 0 : i32
      %dma_start3A_444 = tpu.memref_slice %arg9[%dma_start3A_440, %dma_start3A_442, %dma_start3A_443] : memref<2x125x128xf32, #tpu.memory_space<vmem>> -> memref<1x125x128xf32, #tpu.memory_space<vmem>>
      %dma_start3A_445 = tpu.memref_squeeze %dma_start3A_444 : memref<1x125x128xf32, #tpu.memory_space<vmem>> -> memref<125x128xf32, #tpu.memory_space<vmem>>
      %dma_start3A_446 = arith.constant 0 : i32
      %dma_start3A_447 = tpu.memref_slice %arg7[%select_n3A_89, %dma_start3A_439, %dma_start3A_446] : memref<2x8x125xi32, #tpu.memory_space<vmem>> -> memref<1x1x125xi32, #tpu.memory_space<vmem>>
      %dma_start3A_448 = tpu.memref_squeeze %dma_start3A_447 : memref<1x1x125xi32, #tpu.memory_space<vmem>> -> memref<125xi32, #tpu.memory_space<vmem>>
      %dma_start3A_449 = arith.constant 0 : i32
      %dma_start3A_450 = arith.constant 0 : i32
      %dma_start3A_451 = tpu.memref_slice %arg2[%dma_start3A_449, %dma_start3A_450] : memref<10000x128xf32, #tpu.memory_space<hbm>> -> memref<10000x128xf32, #tpu.memory_space<hbm>>
      %dma_start3A_452 = tpu.memref_slice %arg11[%dma_start3A_441] : memref<2x!tpu.dma_semaphore, #tpu.memory_space<semaphore_mem>> -> memref<1x!tpu.dma_semaphore, #tpu.memory_space<semaphore_mem>>
      %dma_start3A_453 = tpu.memref_squeeze %dma_start3A_452 : memref<1x!tpu.dma_semaphore, #tpu.memory_space<semaphore_mem>> -> memref<!tpu.dma_semaphore, #tpu.memory_space<semaphore_mem>>
      tpu.enqueue_indirect_dma source(%dma_start3A_451 : memref<10000x128xf32, #tpu.memory_space<hbm>>) target(%dma_start3A_445 : memref<125x128xf32, #tpu.memory_space<vmem>>) offsets(%dma_start3A_448 : memref<125xi32, #tpu.memory_space<vmem>>) semaphore(%dma_start3A_453 : memref<!tpu.dma_semaphore, #tpu.memory_space<semaphore_mem>>)
      %dma_start3A_454 = arith.constant 4 : i32
      %dma_start3A_455 = arith.constant 0 : i32
      %dma_start3A_456 = arith.constant 0 : i32
      %dma_start3A_457 = tpu.memref_slice %arg9[%select_n3A_410, %dma_start3A_455, %dma_start3A_456] : memref<2x125x128xf32, #tpu.memory_space<vmem>> -> memref<1x125x128xf32, #tpu.memory_space<vmem>>
      %dma_start3A_458 = tpu.memref_squeeze %dma_start3A_457 : memref<1x125x128xf32, #tpu.memory_space<vmem>> -> memref<125x128xf32, #tpu.memory_space<vmem>>
      %dma_start3A_459 = arith.constant 0 : i32
      %dma_start3A_460 = tpu.memref_slice %arg8[%select_n3A_89, %dma_start3A_454, %dma_start3A_459] : memref<2x8x125xi32, #tpu.memory_space<vmem>> -> memref<1x1x125xi32, #tpu.memory_space<vmem>>
      %dma_start3A_461 = tpu.memref_squeeze %dma_start3A_460 : memref<1x1x125xi32, #tpu.memory_space<vmem>> -> memref<125xi32, #tpu.memory_space<vmem>>
      %dma_start3A_462 = arith.constant 0 : i32
      %dma_start3A_463 = arith.constant 0 : i32
      %dma_start3A_464 = tpu.memref_slice %arg10[%dma_start3A_462, %dma_start3A_463] : memref<10240x128xf32, #tpu.memory_space<vmem_shared>> -> memref<10240x128xf32, #tpu.memory_space<vmem_shared>>
      %dma_start3A_465 = tpu.memref_slice %arg12[%select_n3A_410] : memref<2x!tpu.dma_semaphore, #tpu.memory_space<semaphore_mem>> -> memref<1x!tpu.dma_semaphore, #tpu.memory_space<semaphore_mem>>
      %dma_start3A_466 = tpu.memref_squeeze %dma_start3A_465 : memref<1x!tpu.dma_semaphore, #tpu.memory_space<semaphore_mem>> -> memref<!tpu.dma_semaphore, #tpu.memory_space<semaphore_mem>>
      tpu.enqueue_indirect_dma source(%dma_start3A_458 : memref<125x128xf32, #tpu.memory_space<vmem>>) target(%dma_start3A_464 : memref<10240x128xf32, #tpu.memory_space<vmem_shared>>) offsets(%dma_start3A_461 : memref<125xi32, #tpu.memory_space<vmem>>) semaphore(%dma_start3A_466 : memref<!tpu.dma_semaphore, #tpu.memory_space<semaphore_mem>>) {add = true}
      %mul3A_467 = arith.constant 8 : i32
      %mul3A_468 = arith.muli %scan3A_80, %mul3A_467 : i32
      %add3A_469 = arith.constant 5 : i32
      %add3A_470 = arith.addi %mul3A_468, %add3A_469 : i32
      %jit3A_471 = arith.constant 2 : i32
      %eq3A_472 = arith.constant 0 : i32
      %eq3A_473 = arith.cmpi eq, %jit3A_471, %eq3A_472 : i32
      %jit3A_474 = arith.constant 1 : i32
      %select_n3A_475 = arith.select %eq3A_473, %jit3A_474, %jit3A_471 : i32
      %rem3A_476 = arith.remsi %add3A_470, %select_n3A_475 : i32
      %ne3A_477 = arith.constant 0 : i32
      %ne3A_478 = arith.cmpi ne, %rem3A_476, %ne3A_477 : i32
      %lt3A_479 = arith.constant 0 : i32
      %lt3A_480 = arith.cmpi slt, %rem3A_476, %lt3A_479 : i32
      %lt3A_481 = arith.constant 0 : i32
      %lt3A_482 = arith.cmpi slt, %select_n3A_475, %lt3A_481 : i32
      %ne3A_483 = arith.xori %lt3A_480, %lt3A_482 : i1
      %and3A_484 = arith.andi %ne3A_483, %ne3A_478 : i1
      %add3A_485 = arith.addi %rem3A_476, %select_n3A_475 : i32
      %select_n3A_486 = arith.select %and3A_484, %add3A_485, %rem3A_476 : i32
      %dma_wait3A_487 = arith.constant 5 : i32
      %dma_wait3A_488 = arith.constant 0 : i32
      %dma_wait3A_489 = arith.constant 0 : i32
      %dma_wait3A_490 = tpu.memref_slice %arg9[%select_n3A_486, %dma_wait3A_488, %dma_wait3A_489] : memref<2x125x128xf32, #tpu.memory_space<vmem>> -> memref<1x125x128xf32, #tpu.memory_space<vmem>>
      %dma_wait3A_491 = tpu.memref_squeeze %dma_wait3A_490 : memref<1x125x128xf32, #tpu.memory_space<vmem>> -> memref<125x128xf32, #tpu.memory_space<vmem>>
      %dma_wait3A_492 = arith.constant 0 : i32
      %dma_wait3A_493 = tpu.memref_slice %arg7[%select_n3A_89, %dma_wait3A_487, %dma_wait3A_492] : memref<2x8x125xi32, #tpu.memory_space<vmem>> -> memref<1x1x125xi32, #tpu.memory_space<vmem>>
      %dma_wait3A_494 = tpu.memref_squeeze %dma_wait3A_493 : memref<1x1x125xi32, #tpu.memory_space<vmem>> -> memref<125xi32, #tpu.memory_space<vmem>>
      %dma_wait3A_495 = arith.constant 0 : i32
      %dma_wait3A_496 = arith.constant 0 : i32
      %dma_wait3A_497 = tpu.memref_slice %arg2[%dma_wait3A_495, %dma_wait3A_496] : memref<10000x128xf32, #tpu.memory_space<hbm>> -> memref<10000x128xf32, #tpu.memory_space<hbm>>
      %dma_wait3A_498 = tpu.memref_slice %arg11[%select_n3A_486] : memref<2x!tpu.dma_semaphore, #tpu.memory_space<semaphore_mem>> -> memref<1x!tpu.dma_semaphore, #tpu.memory_space<semaphore_mem>>
      %dma_wait3A_499 = tpu.memref_squeeze %dma_wait3A_498 : memref<1x!tpu.dma_semaphore, #tpu.memory_space<semaphore_mem>> -> memref<!tpu.dma_semaphore, #tpu.memory_space<semaphore_mem>>
      tpu.wait_indirect_dma semaphore(%dma_wait3A_499 : memref<!tpu.dma_semaphore, #tpu.memory_space<semaphore_mem>>) src(%dma_wait3A_497 : memref<10000x128xf32, #tpu.memory_space<hbm>>) dst(%dma_wait3A_491 : memref<125x128xf32, #tpu.memory_space<vmem>>)
      %dma_wait3A_500 = arith.constant 0 : i32
      %dma_wait3A_501 = arith.constant 5 : i32
      %dma_wait3A_502 = arith.constant 0 : i32
      %dma_wait3A_503 = arith.constant 0 : i32
      %dma_wait3A_504 = arith.constant 0 : i32
      %dma_wait3A_505 = tpu.memref_slice %arg9[%dma_wait3A_500, %dma_wait3A_503, %dma_wait3A_504] : memref<2x125x128xf32, #tpu.memory_space<vmem>> -> memref<1x125x128xf32, #tpu.memory_space<vmem>>
      %dma_wait3A_506 = tpu.memref_squeeze %dma_wait3A_505 : memref<1x125x128xf32, #tpu.memory_space<vmem>> -> memref<125x128xf32, #tpu.memory_space<vmem>>
      %dma_wait3A_507 = arith.constant 0 : i32
      %dma_wait3A_508 = tpu.memref_slice %arg8[%select_n3A_89, %dma_wait3A_501, %dma_wait3A_507] : memref<2x8x125xi32, #tpu.memory_space<vmem>> -> memref<1x1x125xi32, #tpu.memory_space<vmem>>
      %dma_wait3A_509 = tpu.memref_squeeze %dma_wait3A_508 : memref<1x1x125xi32, #tpu.memory_space<vmem>> -> memref<125xi32, #tpu.memory_space<vmem>>
      %dma_wait3A_510 = arith.constant 0 : i32
      %dma_wait3A_511 = arith.constant 0 : i32
      %dma_wait3A_512 = tpu.memref_slice %arg10[%dma_wait3A_510, %dma_wait3A_511] : memref<10240x128xf32, #tpu.memory_space<vmem_shared>> -> memref<10240x128xf32, #tpu.memory_space<vmem_shared>>
      %dma_wait3A_513 = tpu.memref_slice %arg12[%dma_wait3A_502] : memref<2x!tpu.dma_semaphore, #tpu.memory_space<semaphore_mem>> -> memref<1x!tpu.dma_semaphore, #tpu.memory_space<semaphore_mem>>
      %dma_wait3A_514 = tpu.memref_squeeze %dma_wait3A_513 : memref<1x!tpu.dma_semaphore, #tpu.memory_space<semaphore_mem>> -> memref<!tpu.dma_semaphore, #tpu.memory_space<semaphore_mem>>
      tpu.wait_indirect_dma semaphore(%dma_wait3A_514 : memref<!tpu.dma_semaphore, #tpu.memory_space<semaphore_mem>>) src(%dma_wait3A_506 : memref<125x128xf32, #tpu.memory_space<vmem>>) dst(%dma_wait3A_512 : memref<10240x128xf32, #tpu.memory_space<vmem_shared>>)
      %dma_start3A_515 = arith.constant 6 : i32
      %dma_start3A_516 = arith.constant 0 : i32
      %dma_start3A_517 = arith.constant 0 : i32
      %dma_start3A_518 = arith.constant 0 : i32
      %dma_start3A_519 = arith.constant 0 : i32
      %dma_start3A_520 = tpu.memref_slice %arg9[%dma_start3A_516, %dma_start3A_518, %dma_start3A_519] : memref<2x125x128xf32, #tpu.memory_space<vmem>> -> memref<1x125x128xf32, #tpu.memory_space<vmem>>
      %dma_start3A_521 = tpu.memref_squeeze %dma_start3A_520 : memref<1x125x128xf32, #tpu.memory_space<vmem>> -> memref<125x128xf32, #tpu.memory_space<vmem>>
      %dma_start3A_522 = arith.constant 0 : i32
      %dma_start3A_523 = tpu.memref_slice %arg7[%select_n3A_89, %dma_start3A_515, %dma_start3A_522] : memref<2x8x125xi32, #tpu.memory_space<vmem>> -> memref<1x1x125xi32, #tpu.memory_space<vmem>>
      %dma_start3A_524 = tpu.memref_squeeze %dma_start3A_523 : memref<1x1x125xi32, #tpu.memory_space<vmem>> -> memref<125xi32, #tpu.memory_space<vmem>>
      %dma_start3A_525 = arith.constant 0 : i32
      %dma_start3A_526 = arith.constant 0 : i32
      %dma_start3A_527 = tpu.memref_slice %arg2[%dma_start3A_525, %dma_start3A_526] : memref<10000x128xf32, #tpu.memory_space<hbm>> -> memref<10000x128xf32, #tpu.memory_space<hbm>>
      %dma_start3A_528 = tpu.memref_slice %arg11[%dma_start3A_517] : memref<2x!tpu.dma_semaphore, #tpu.memory_space<semaphore_mem>> -> memref<1x!tpu.dma_semaphore, #tpu.memory_space<semaphore_mem>>
      %dma_start3A_529 = tpu.memref_squeeze %dma_start3A_528 : memref<1x!tpu.dma_semaphore, #tpu.memory_space<semaphore_mem>> -> memref<!tpu.dma_semaphore, #tpu.memory_space<semaphore_mem>>
      tpu.enqueue_indirect_dma source(%dma_start3A_527 : memref<10000x128xf32, #tpu.memory_space<hbm>>) target(%dma_start3A_521 : memref<125x128xf32, #tpu.memory_space<vmem>>) offsets(%dma_start3A_524 : memref<125xi32, #tpu.memory_space<vmem>>) semaphore(%dma_start3A_529 : memref<!tpu.dma_semaphore, #tpu.memory_space<semaphore_mem>>)
      %dma_start3A_530 = arith.constant 5 : i32
      %dma_start3A_531 = arith.constant 0 : i32
      %dma_start3A_532 = arith.constant 0 : i32
      %dma_start3A_533 = tpu.memref_slice %arg9[%select_n3A_486, %dma_start3A_531, %dma_start3A_532] : memref<2x125x128xf32, #tpu.memory_space<vmem>> -> memref<1x125x128xf32, #tpu.memory_space<vmem>>
      %dma_start3A_534 = tpu.memref_squeeze %dma_start3A_533 : memref<1x125x128xf32, #tpu.memory_space<vmem>> -> memref<125x128xf32, #tpu.memory_space<vmem>>
      %dma_start3A_535 = arith.constant 0 : i32
      %dma_start3A_536 = tpu.memref_slice %arg8[%select_n3A_89, %dma_start3A_530, %dma_start3A_535] : memref<2x8x125xi32, #tpu.memory_space<vmem>> -> memref<1x1x125xi32, #tpu.memory_space<vmem>>
      %dma_start3A_537 = tpu.memref_squeeze %dma_start3A_536 : memref<1x1x125xi32, #tpu.memory_space<vmem>> -> memref<125xi32, #tpu.memory_space<vmem>>
      %dma_start3A_538 = arith.constant 0 : i32
      %dma_start3A_539 = arith.constant 0 : i32
      %dma_start3A_540 = tpu.memref_slice %arg10[%dma_start3A_538, %dma_start3A_539] : memref<10240x128xf32, #tpu.memory_space<vmem_shared>> -> memref<10240x128xf32, #tpu.memory_space<vmem_shared>>
      %dma_start3A_541 = tpu.memref_slice %arg12[%select_n3A_486] : memref<2x!tpu.dma_semaphore, #tpu.memory_space<semaphore_mem>> -> memref<1x!tpu.dma_semaphore, #tpu.memory_space<semaphore_mem>>
      %dma_start3A_542 = tpu.memref_squeeze %dma_start3A_541 : memref<1x!tpu.dma_semaphore, #tpu.memory_space<semaphore_mem>> -> memref<!tpu.dma_semaphore, #tpu.memory_space<semaphore_mem>>
      tpu.enqueue_indirect_dma source(%dma_start3A_534 : memref<125x128xf32, #tpu.memory_space<vmem>>) target(%dma_start3A_540 : memref<10240x128xf32, #tpu.memory_space<vmem_shared>>) offsets(%dma_start3A_537 : memref<125xi32, #tpu.memory_space<vmem>>) semaphore(%dma_start3A_542 : memref<!tpu.dma_semaphore, #tpu.memory_space<semaphore_mem>>) {add = true}
      %mul3A_543 = arith.constant 8 : i32
      %mul3A_544 = arith.muli %scan3A_80, %mul3A_543 : i32
      %add3A_545 = arith.constant 6 : i32
      %add3A_546 = arith.addi %mul3A_544, %add3A_545 : i32
      %jit3A_547 = arith.constant 2 : i32
      %eq3A_548 = arith.constant 0 : i32
      %eq3A_549 = arith.cmpi eq, %jit3A_547, %eq3A_548 : i32
      %jit3A_550 = arith.constant 1 : i32
      %select_n3A_551 = arith.select %eq3A_549, %jit3A_550, %jit3A_547 : i32
      %rem3A_552 = arith.remsi %add3A_546, %select_n3A_551 : i32
      %ne3A_553 = arith.constant 0 : i32
      %ne3A_554 = arith.cmpi ne, %rem3A_552, %ne3A_553 : i32
      %lt3A_555 = arith.constant 0 : i32
      %lt3A_556 = arith.cmpi slt, %rem3A_552, %lt3A_555 : i32
      %lt3A_557 = arith.constant 0 : i32
      %lt3A_558 = arith.cmpi slt, %select_n3A_551, %lt3A_557 : i32
      %ne3A_559 = arith.xori %lt3A_556, %lt3A_558 : i1
      %and3A_560 = arith.andi %ne3A_559, %ne3A_554 : i1
      %add3A_561 = arith.addi %rem3A_552, %select_n3A_551 : i32
      %select_n3A_562 = arith.select %and3A_560, %add3A_561, %rem3A_552 : i32
      %dma_wait3A_563 = arith.constant 6 : i32
      %dma_wait3A_564 = arith.constant 0 : i32
      %dma_wait3A_565 = arith.constant 0 : i32
      %dma_wait3A_566 = tpu.memref_slice %arg9[%select_n3A_562, %dma_wait3A_564, %dma_wait3A_565] : memref<2x125x128xf32, #tpu.memory_space<vmem>> -> memref<1x125x128xf32, #tpu.memory_space<vmem>>
      %dma_wait3A_567 = tpu.memref_squeeze %dma_wait3A_566 : memref<1x125x128xf32, #tpu.memory_space<vmem>> -> memref<125x128xf32, #tpu.memory_space<vmem>>
      %dma_wait3A_568 = arith.constant 0 : i32
      %dma_wait3A_569 = tpu.memref_slice %arg7[%select_n3A_89, %dma_wait3A_563, %dma_wait3A_568] : memref<2x8x125xi32, #tpu.memory_space<vmem>> -> memref<1x1x125xi32, #tpu.memory_space<vmem>>
      %dma_wait3A_570 = tpu.memref_squeeze %dma_wait3A_569 : memref<1x1x125xi32, #tpu.memory_space<vmem>> -> memref<125xi32, #tpu.memory_space<vmem>>
      %dma_wait3A_571 = arith.constant 0 : i32
      %dma_wait3A_572 = arith.constant 0 : i32
      %dma_wait3A_573 = tpu.memref_slice %arg2[%dma_wait3A_571, %dma_wait3A_572] : memref<10000x128xf32, #tpu.memory_space<hbm>> -> memref<10000x128xf32, #tpu.memory_space<hbm>>
      %dma_wait3A_574 = tpu.memref_slice %arg11[%select_n3A_562] : memref<2x!tpu.dma_semaphore, #tpu.memory_space<semaphore_mem>> -> memref<1x!tpu.dma_semaphore, #tpu.memory_space<semaphore_mem>>
      %dma_wait3A_575 = tpu.memref_squeeze %dma_wait3A_574 : memref<1x!tpu.dma_semaphore, #tpu.memory_space<semaphore_mem>> -> memref<!tpu.dma_semaphore, #tpu.memory_space<semaphore_mem>>
      tpu.wait_indirect_dma semaphore(%dma_wait3A_575 : memref<!tpu.dma_semaphore, #tpu.memory_space<semaphore_mem>>) src(%dma_wait3A_573 : memref<10000x128xf32, #tpu.memory_space<hbm>>) dst(%dma_wait3A_567 : memref<125x128xf32, #tpu.memory_space<vmem>>)
      %dma_wait3A_576 = arith.constant 1 : i32
      %dma_wait3A_577 = arith.constant 6 : i32
      %dma_wait3A_578 = arith.constant 1 : i32
      %dma_wait3A_579 = arith.constant 0 : i32
      %dma_wait3A_580 = arith.constant 0 : i32
      %dma_wait3A_581 = tpu.memref_slice %arg9[%dma_wait3A_576, %dma_wait3A_579, %dma_wait3A_580] : memref<2x125x128xf32, #tpu.memory_space<vmem>> -> memref<1x125x128xf32, #tpu.memory_space<vmem>>
      %dma_wait3A_582 = tpu.memref_squeeze %dma_wait3A_581 : memref<1x125x128xf32, #tpu.memory_space<vmem>> -> memref<125x128xf32, #tpu.memory_space<vmem>>
      %dma_wait3A_583 = arith.constant 0 : i32
      %dma_wait3A_584 = tpu.memref_slice %arg8[%select_n3A_89, %dma_wait3A_577, %dma_wait3A_583] : memref<2x8x125xi32, #tpu.memory_space<vmem>> -> memref<1x1x125xi32, #tpu.memory_space<vmem>>
      %dma_wait3A_585 = tpu.memref_squeeze %dma_wait3A_584 : memref<1x1x125xi32, #tpu.memory_space<vmem>> -> memref<125xi32, #tpu.memory_space<vmem>>
      %dma_wait3A_586 = arith.constant 0 : i32
      %dma_wait3A_587 = arith.constant 0 : i32
      %dma_wait3A_588 = tpu.memref_slice %arg10[%dma_wait3A_586, %dma_wait3A_587] : memref<10240x128xf32, #tpu.memory_space<vmem_shared>> -> memref<10240x128xf32, #tpu.memory_space<vmem_shared>>
      %dma_wait3A_589 = tpu.memref_slice %arg12[%dma_wait3A_578] : memref<2x!tpu.dma_semaphore, #tpu.memory_space<semaphore_mem>> -> memref<1x!tpu.dma_semaphore, #tpu.memory_space<semaphore_mem>>
      %dma_wait3A_590 = tpu.memref_squeeze %dma_wait3A_589 : memref<1x!tpu.dma_semaphore, #tpu.memory_space<semaphore_mem>> -> memref<!tpu.dma_semaphore, #tpu.memory_space<semaphore_mem>>
      tpu.wait_indirect_dma semaphore(%dma_wait3A_590 : memref<!tpu.dma_semaphore, #tpu.memory_space<semaphore_mem>>) src(%dma_wait3A_582 : memref<125x128xf32, #tpu.memory_space<vmem>>) dst(%dma_wait3A_588 : memref<10240x128xf32, #tpu.memory_space<vmem_shared>>)
      %dma_start3A_591 = arith.constant 7 : i32
      %dma_start3A_592 = arith.constant 1 : i32
      %dma_start3A_593 = arith.constant 1 : i32
      %dma_start3A_594 = arith.constant 0 : i32
      %dma_start3A_595 = arith.constant 0 : i32
      %dma_start3A_596 = tpu.memref_slice %arg9[%dma_start3A_592, %dma_start3A_594, %dma_start3A_595] : memref<2x125x128xf32, #tpu.memory_space<vmem>> -> memref<1x125x128xf32, #tpu.memory_space<vmem>>
      %dma_start3A_597 = tpu.memref_squeeze %dma_start3A_596 : memref<1x125x128xf32, #tpu.memory_space<vmem>> -> memref<125x128xf32, #tpu.memory_space<vmem>>
      %dma_start3A_598 = arith.constant 0 : i32
      %dma_start3A_599 = tpu.memref_slice %arg7[%select_n3A_89, %dma_start3A_591, %dma_start3A_598] : memref<2x8x125xi32, #tpu.memory_space<vmem>> -> memref<1x1x125xi32, #tpu.memory_space<vmem>>
      %dma_start3A_600 = tpu.memref_squeeze %dma_start3A_599 : memref<1x1x125xi32, #tpu.memory_space<vmem>> -> memref<125xi32, #tpu.memory_space<vmem>>
      %dma_start3A_601 = arith.constant 0 : i32
      %dma_start3A_602 = arith.constant 0 : i32
      %dma_start3A_603 = tpu.memref_slice %arg2[%dma_start3A_601, %dma_start3A_602] : memref<10000x128xf32, #tpu.memory_space<hbm>> -> memref<10000x128xf32, #tpu.memory_space<hbm>>
      %dma_start3A_604 = tpu.memref_slice %arg11[%dma_start3A_593] : memref<2x!tpu.dma_semaphore, #tpu.memory_space<semaphore_mem>> -> memref<1x!tpu.dma_semaphore, #tpu.memory_space<semaphore_mem>>
      %dma_start3A_605 = tpu.memref_squeeze %dma_start3A_604 : memref<1x!tpu.dma_semaphore, #tpu.memory_space<semaphore_mem>> -> memref<!tpu.dma_semaphore, #tpu.memory_space<semaphore_mem>>
      tpu.enqueue_indirect_dma source(%dma_start3A_603 : memref<10000x128xf32, #tpu.memory_space<hbm>>) target(%dma_start3A_597 : memref<125x128xf32, #tpu.memory_space<vmem>>) offsets(%dma_start3A_600 : memref<125xi32, #tpu.memory_space<vmem>>) semaphore(%dma_start3A_605 : memref<!tpu.dma_semaphore, #tpu.memory_space<semaphore_mem>>)
      %dma_start3A_606 = arith.constant 6 : i32
      %dma_start3A_607 = arith.constant 0 : i32
      %dma_start3A_608 = arith.constant 0 : i32
      %dma_start3A_609 = tpu.memref_slice %arg9[%select_n3A_562, %dma_start3A_607, %dma_start3A_608] : memref<2x125x128xf32, #tpu.memory_space<vmem>> -> memref<1x125x128xf32, #tpu.memory_space<vmem>>
      %dma_start3A_610 = tpu.memref_squeeze %dma_start3A_609 : memref<1x125x128xf32, #tpu.memory_space<vmem>> -> memref<125x128xf32, #tpu.memory_space<vmem>>
      %dma_start3A_611 = arith.constant 0 : i32
      %dma_start3A_612 = tpu.memref_slice %arg8[%select_n3A_89, %dma_start3A_606, %dma_start3A_611] : memref<2x8x125xi32, #tpu.memory_space<vmem>> -> memref<1x1x125xi32, #tpu.memory_space<vmem>>
      %dma_start3A_613 = tpu.memref_squeeze %dma_start3A_612 : memref<1x1x125xi32, #tpu.memory_space<vmem>> -> memref<125xi32, #tpu.memory_space<vmem>>
      %dma_start3A_614 = arith.constant 0 : i32
      %dma_start3A_615 = arith.constant 0 : i32
      %dma_start3A_616 = tpu.memref_slice %arg10[%dma_start3A_614, %dma_start3A_615] : memref<10240x128xf32, #tpu.memory_space<vmem_shared>> -> memref<10240x128xf32, #tpu.memory_space<vmem_shared>>
      %dma_start3A_617 = tpu.memref_slice %arg12[%select_n3A_562] : memref<2x!tpu.dma_semaphore, #tpu.memory_space<semaphore_mem>> -> memref<1x!tpu.dma_semaphore, #tpu.memory_space<semaphore_mem>>
      %dma_start3A_618 = tpu.memref_squeeze %dma_start3A_617 : memref<1x!tpu.dma_semaphore, #tpu.memory_space<semaphore_mem>> -> memref<!tpu.dma_semaphore, #tpu.memory_space<semaphore_mem>>
      tpu.enqueue_indirect_dma source(%dma_start3A_610 : memref<125x128xf32, #tpu.memory_space<vmem>>) target(%dma_start3A_616 : memref<10240x128xf32, #tpu.memory_space<vmem_shared>>) offsets(%dma_start3A_613 : memref<125xi32, #tpu.memory_space<vmem>>) semaphore(%dma_start3A_618 : memref<!tpu.dma_semaphore, #tpu.memory_space<semaphore_mem>>) {add = true}
      %mul3A_619 = arith.constant 8 : i32
      %mul3A_620 = arith.muli %scan3A_80, %mul3A_619 : i32
      %add3A_621 = arith.constant 7 : i32
      %add3A_622 = arith.addi %mul3A_620, %add3A_621 : i32
      %jit3A_623 = arith.constant 2 : i32
      %eq3A_624 = arith.constant 0 : i32
      %eq3A_625 = arith.cmpi eq, %jit3A_623, %eq3A_624 : i32
      %jit3A_626 = arith.constant 1 : i32
      %select_n3A_627 = arith.select %eq3A_625, %jit3A_626, %jit3A_623 : i32
      %rem3A_628 = arith.remsi %add3A_622, %select_n3A_627 : i32
      %ne3A_629 = arith.constant 0 : i32
      %ne3A_630 = arith.cmpi ne, %rem3A_628, %ne3A_629 : i32
      %lt3A_631 = arith.constant 0 : i32
      %lt3A_632 = arith.cmpi slt, %rem3A_628, %lt3A_631 : i32
      %lt3A_633 = arith.constant 0 : i32
      %lt3A_634 = arith.cmpi slt, %select_n3A_627, %lt3A_633 : i32
      %ne3A_635 = arith.xori %lt3A_632, %lt3A_634 : i1
      %and3A_636 = arith.andi %ne3A_635, %ne3A_630 : i1
      %add3A_637 = arith.addi %rem3A_628, %select_n3A_627 : i32
      %select_n3A_638 = arith.select %and3A_636, %add3A_637, %rem3A_628 : i32
      %dma_wait3A_639 = arith.constant 7 : i32
      %dma_wait3A_640 = arith.constant 0 : i32
      %dma_wait3A_641 = arith.constant 0 : i32
      %dma_wait3A_642 = tpu.memref_slice %arg9[%select_n3A_638, %dma_wait3A_640, %dma_wait3A_641] : memref<2x125x128xf32, #tpu.memory_space<vmem>> -> memref<1x125x128xf32, #tpu.memory_space<vmem>>
      %dma_wait3A_643 = tpu.memref_squeeze %dma_wait3A_642 : memref<1x125x128xf32, #tpu.memory_space<vmem>> -> memref<125x128xf32, #tpu.memory_space<vmem>>
      %dma_wait3A_644 = arith.constant 0 : i32
      %dma_wait3A_645 = tpu.memref_slice %arg7[%select_n3A_89, %dma_wait3A_639, %dma_wait3A_644] : memref<2x8x125xi32, #tpu.memory_space<vmem>> -> memref<1x1x125xi32, #tpu.memory_space<vmem>>
      %dma_wait3A_646 = tpu.memref_squeeze %dma_wait3A_645 : memref<1x1x125xi32, #tpu.memory_space<vmem>> -> memref<125xi32, #tpu.memory_space<vmem>>
      %dma_wait3A_647 = arith.constant 0 : i32
      %dma_wait3A_648 = arith.constant 0 : i32
      %dma_wait3A_649 = tpu.memref_slice %arg2[%dma_wait3A_647, %dma_wait3A_648] : memref<10000x128xf32, #tpu.memory_space<hbm>> -> memref<10000x128xf32, #tpu.memory_space<hbm>>
      %dma_wait3A_650 = tpu.memref_slice %arg11[%select_n3A_638] : memref<2x!tpu.dma_semaphore, #tpu.memory_space<semaphore_mem>> -> memref<1x!tpu.dma_semaphore, #tpu.memory_space<semaphore_mem>>
      %dma_wait3A_651 = tpu.memref_squeeze %dma_wait3A_650 : memref<1x!tpu.dma_semaphore, #tpu.memory_space<semaphore_mem>> -> memref<!tpu.dma_semaphore, #tpu.memory_space<semaphore_mem>>
      tpu.wait_indirect_dma semaphore(%dma_wait3A_651 : memref<!tpu.dma_semaphore, #tpu.memory_space<semaphore_mem>>) src(%dma_wait3A_649 : memref<10000x128xf32, #tpu.memory_space<hbm>>) dst(%dma_wait3A_643 : memref<125x128xf32, #tpu.memory_space<vmem>>)
      %dma_wait3A_652 = arith.constant 0 : i32
      %dma_wait3A_653 = arith.constant 7 : i32
      %dma_wait3A_654 = arith.constant 0 : i32
      %dma_wait3A_655 = arith.constant 0 : i32
      %dma_wait3A_656 = arith.constant 0 : i32
      %dma_wait3A_657 = tpu.memref_slice %arg9[%dma_wait3A_652, %dma_wait3A_655, %dma_wait3A_656] : memref<2x125x128xf32, #tpu.memory_space<vmem>> -> memref<1x125x128xf32, #tpu.memory_space<vmem>>
      %dma_wait3A_658 = tpu.memref_squeeze %dma_wait3A_657 : memref<1x125x128xf32, #tpu.memory_space<vmem>> -> memref<125x128xf32, #tpu.memory_space<vmem>>
      %dma_wait3A_659 = arith.constant 0 : i32
      %dma_wait3A_660 = tpu.memref_slice %arg8[%select_n3A_89, %dma_wait3A_653, %dma_wait3A_659] : memref<2x8x125xi32, #tpu.memory_space<vmem>> -> memref<1x1x125xi32, #tpu.memory_space<vmem>>
      %dma_wait3A_661 = tpu.memref_squeeze %dma_wait3A_660 : memref<1x1x125xi32, #tpu.memory_space<vmem>> -> memref<125xi32, #tpu.memory_space<vmem>>
      %dma_wait3A_662 = arith.constant 0 : i32
      %dma_wait3A_663 = arith.constant 0 : i32
      %dma_wait3A_664 = tpu.memref_slice %arg10[%dma_wait3A_662, %dma_wait3A_663] : memref<10240x128xf32, #tpu.memory_space<vmem_shared>> -> memref<10240x128xf32, #tpu.memory_space<vmem_shared>>
      %dma_wait3A_665 = tpu.memref_slice %arg12[%dma_wait3A_654] : memref<2x!tpu.dma_semaphore, #tpu.memory_space<semaphore_mem>> -> memref<1x!tpu.dma_semaphore, #tpu.memory_space<semaphore_mem>>
      %dma_wait3A_666 = tpu.memref_squeeze %dma_wait3A_665 : memref<1x!tpu.dma_semaphore, #tpu.memory_space<semaphore_mem>> -> memref<!tpu.dma_semaphore, #tpu.memory_space<semaphore_mem>>
      tpu.wait_indirect_dma semaphore(%dma_wait3A_666 : memref<!tpu.dma_semaphore, #tpu.memory_space<semaphore_mem>>) src(%dma_wait3A_658 : memref<125x128xf32, #tpu.memory_space<vmem>>) dst(%dma_wait3A_664 : memref<10240x128xf32, #tpu.memory_space<vmem_shared>>)
      %add3A_667 = arith.constant 1 : i32
      %add3A_668 = arith.addi %scan3A_80, %add3A_667 : i32
      %lt3A_669 = arith.constant 10 : i32
      %lt3A_670 = arith.cmpi slt, %add3A_668, %lt3A_669 : i32
      %convert_element_type3A_671 = arith.extui %lt3A_670 : i1 to i32
      %cond3A_672 = arith.constant 0 : i32
      %cond3A_673 = arith.cmpi ne, %convert_element_type3A_671, %cond3A_672 : i32
      scf.if %cond3A_673 {
        %sub3A = arith.constant 1 : i32
        %sub3A_687 = arith.subi %sub3A, %select_n3A_89 : i32
        %sub3A_688 = arith.constant 1 : i32
        %sub3A_689 = arith.subi %sub3A_688, %select_n3A_89 : i32
        %dma_wait3A_690 = arith.constant 0 : i32
        %dma_wait3A_691 = arith.constant 0 : i32
        %dma_wait3A_692 = tpu.memref_slice %arg7[%sub3A_687, %dma_wait3A_690, %dma_wait3A_691] : memref<2x8x125xi32, #tpu.memory_space<vmem>> -> memref<1x8x125xi32, #tpu.memory_space<vmem>>
        %dma_wait3A_693 = tpu.memref_squeeze %dma_wait3A_692 : memref<1x8x125xi32, #tpu.memory_space<vmem>> -> memref<8x125xi32, #tpu.memory_space<vmem>>
        %dma_wait3A_694 = arith.constant 0 : i32
        %dma_wait3A_695 = arith.constant 0 : i32
        %dma_wait3A_696 = tpu.memref_slice %arg3[%add3A, %dma_wait3A_694, %dma_wait3A_695] : memref<32x80x125xi32, #tpu.memory_space<hbm>> -> memref<1x8x125xi32, #tpu.memory_space<hbm>>
        %dma_wait3A_697 = tpu.memref_squeeze %dma_wait3A_696 : memref<1x8x125xi32, #tpu.memory_space<hbm>> -> memref<8x125xi32, #tpu.memory_space<hbm>>
        %dma_wait3A_698 = tpu.memref_slice %arg13[%sub3A_689] : memref<2x!tpu.dma_semaphore, #tpu.memory_space<semaphore_mem>> -> memref<1x!tpu.dma_semaphore, #tpu.memory_space<semaphore_mem>>
        %dma_wait3A_699 = tpu.memref_squeeze %dma_wait3A_698 : memref<1x!tpu.dma_semaphore, #tpu.memory_space<semaphore_mem>> -> memref<!tpu.dma_semaphore, #tpu.memory_space<semaphore_mem>>
        %dma_wait3A_700 = arith.constant 0 : i32
        %dma_wait3A_701 = arith.constant 0 : i32
        %dma_wait3A_702 = tpu.memref_slice %arg7[%sub3A_687, %dma_wait3A_700, %dma_wait3A_701] : memref<2x8x125xi32, #tpu.memory_space<vmem>> -> memref<1x8x125xi32, #tpu.memory_space<vmem>>
        %dma_wait3A_703 = tpu.memref_squeeze %dma_wait3A_702 : memref<1x8x125xi32, #tpu.memory_space<vmem>> -> memref<8x125xi32, #tpu.memory_space<vmem>>
        %dma_wait3A_704 = arith.constant 0 : i32
        %dma_wait3A_705 = arith.constant 0 : i32
        %dma_wait3A_706 = tpu.memref_slice %arg3[%add3A, %dma_wait3A_704, %dma_wait3A_705] : memref<32x80x125xi32, #tpu.memory_space<hbm>> -> memref<1x8x125xi32, #tpu.memory_space<hbm>>
        %dma_wait3A_707 = tpu.memref_squeeze %dma_wait3A_706 : memref<1x8x125xi32, #tpu.memory_space<hbm>> -> memref<8x125xi32, #tpu.memory_space<hbm>>
        tpu.wait_dma2 semaphore(%dma_wait3A_699 : memref<!tpu.dma_semaphore, #tpu.memory_space<semaphore_mem>>) src(%dma_wait3A_707 : memref<8x125xi32, #tpu.memory_space<hbm>>) dst(%dma_wait3A_703 : memref<8x125xi32, #tpu.memory_space<vmem>>)
        %sub3A_708 = arith.constant 1 : i32
        %sub3A_709 = arith.subi %sub3A_708, %select_n3A_89 : i32
        %sub3A_710 = arith.constant 1 : i32
        %sub3A_711 = arith.subi %sub3A_710, %select_n3A_89 : i32
        %dma_wait3A_712 = arith.constant 0 : i32
        %dma_wait3A_713 = arith.constant 0 : i32
        %dma_wait3A_714 = tpu.memref_slice %arg8[%sub3A_709, %dma_wait3A_712, %dma_wait3A_713] : memref<2x8x125xi32, #tpu.memory_space<vmem>> -> memref<1x8x125xi32, #tpu.memory_space<vmem>>
        %dma_wait3A_715 = tpu.memref_squeeze %dma_wait3A_714 : memref<1x8x125xi32, #tpu.memory_space<vmem>> -> memref<8x125xi32, #tpu.memory_space<vmem>>
        %dma_wait3A_716 = arith.constant 0 : i32
        %dma_wait3A_717 = arith.constant 0 : i32
        %dma_wait3A_718 = tpu.memref_slice %arg4[%add3A, %dma_wait3A_716, %dma_wait3A_717] : memref<32x80x125xi32, #tpu.memory_space<hbm>> -> memref<1x8x125xi32, #tpu.memory_space<hbm>>
        %dma_wait3A_719 = tpu.memref_squeeze %dma_wait3A_718 : memref<1x8x125xi32, #tpu.memory_space<hbm>> -> memref<8x125xi32, #tpu.memory_space<hbm>>
        %dma_wait3A_720 = tpu.memref_slice %arg13[%sub3A_711] : memref<2x!tpu.dma_semaphore, #tpu.memory_space<semaphore_mem>> -> memref<1x!tpu.dma_semaphore, #tpu.memory_space<semaphore_mem>>
        %dma_wait3A_721 = tpu.memref_squeeze %dma_wait3A_720 : memref<1x!tpu.dma_semaphore, #tpu.memory_space<semaphore_mem>> -> memref<!tpu.dma_semaphore, #tpu.memory_space<semaphore_mem>>
        %dma_wait3A_722 = arith.constant 0 : i32
        %dma_wait3A_723 = arith.constant 0 : i32
        %dma_wait3A_724 = tpu.memref_slice %arg8[%sub3A_709, %dma_wait3A_722, %dma_wait3A_723] : memref<2x8x125xi32, #tpu.memory_space<vmem>> -> memref<1x8x125xi32, #tpu.memory_space<vmem>>
        %dma_wait3A_725 = tpu.memref_squeeze %dma_wait3A_724 : memref<1x8x125xi32, #tpu.memory_space<vmem>> -> memref<8x125xi32, #tpu.memory_space<vmem>>
        %dma_wait3A_726 = arith.constant 0 : i32
        %dma_wait3A_727 = arith.constant 0 : i32
        %dma_wait3A_728 = tpu.memref_slice %arg4[%add3A, %dma_wait3A_726, %dma_wait3A_727] : memref<32x80x125xi32, #tpu.memory_space<hbm>> -> memref<1x8x125xi32, #tpu.memory_space<hbm>>
        %dma_wait3A_729 = tpu.memref_squeeze %dma_wait3A_728 : memref<1x8x125xi32, #tpu.memory_space<hbm>> -> memref<8x125xi32, #tpu.memory_space<hbm>>
        tpu.wait_dma2 semaphore(%dma_wait3A_721 : memref<!tpu.dma_semaphore, #tpu.memory_space<semaphore_mem>>) src(%dma_wait3A_729 : memref<8x125xi32, #tpu.memory_space<hbm>>) dst(%dma_wait3A_725 : memref<8x125xi32, #tpu.memory_space<vmem>>)
        %sub3A_730 = arith.constant 1 : i32
        %sub3A_731 = arith.subi %sub3A_730, %select_n3A_89 : i32
        %dma_start3A_732 = arith.constant 0 : i32
        %dma_start3A_733 = arith.constant 0 : i32
        %dma_start3A_734 = arith.constant 0 : i32
        %dma_start3A_735 = arith.constant 0 : i32
        %dma_start3A_736 = arith.constant 0 : i32
        %dma_start3A_737 = tpu.memref_slice %arg9[%dma_start3A_733, %dma_start3A_735, %dma_start3A_736] : memref<2x125x128xf32, #tpu.memory_space<vmem>> -> memref<1x125x128xf32, #tpu.memory_space<vmem>>
        %dma_start3A_738 = tpu.memref_squeeze %dma_start3A_737 : memref<1x125x128xf32, #tpu.memory_space<vmem>> -> memref<125x128xf32, #tpu.memory_space<vmem>>
        %dma_start3A_739 = arith.constant 0 : i32
        %dma_start3A_740 = tpu.memref_slice %arg7[%sub3A_731, %dma_start3A_732, %dma_start3A_739] : memref<2x8x125xi32, #tpu.memory_space<vmem>> -> memref<1x1x125xi32, #tpu.memory_space<vmem>>
        %dma_start3A_741 = tpu.memref_squeeze %dma_start3A_740 : memref<1x1x125xi32, #tpu.memory_space<vmem>> -> memref<125xi32, #tpu.memory_space<vmem>>
        %dma_start3A_742 = arith.constant 0 : i32
        %dma_start3A_743 = arith.constant 0 : i32
        %dma_start3A_744 = tpu.memref_slice %arg2[%dma_start3A_742, %dma_start3A_743] : memref<10000x128xf32, #tpu.memory_space<hbm>> -> memref<10000x128xf32, #tpu.memory_space<hbm>>
        %dma_start3A_745 = tpu.memref_slice %arg11[%dma_start3A_734] : memref<2x!tpu.dma_semaphore, #tpu.memory_space<semaphore_mem>> -> memref<1x!tpu.dma_semaphore, #tpu.memory_space<semaphore_mem>>
        %dma_start3A_746 = tpu.memref_squeeze %dma_start3A_745 : memref<1x!tpu.dma_semaphore, #tpu.memory_space<semaphore_mem>> -> memref<!tpu.dma_semaphore, #tpu.memory_space<semaphore_mem>>
        tpu.enqueue_indirect_dma source(%dma_start3A_744 : memref<10000x128xf32, #tpu.memory_space<hbm>>) target(%dma_start3A_738 : memref<125x128xf32, #tpu.memory_space<vmem>>) offsets(%dma_start3A_741 : memref<125xi32, #tpu.memory_space<vmem>>) semaphore(%dma_start3A_746 : memref<!tpu.dma_semaphore, #tpu.memory_space<semaphore_mem>>)
      } else {
      }
      %dma_start3A_674 = arith.constant 7 : i32
      %dma_start3A_675 = arith.constant 0 : i32
      %dma_start3A_676 = arith.constant 0 : i32
      %dma_start3A_677 = tpu.memref_slice %arg9[%select_n3A_638, %dma_start3A_675, %dma_start3A_676] : memref<2x125x128xf32, #tpu.memory_space<vmem>> -> memref<1x125x128xf32, #tpu.memory_space<vmem>>
      %dma_start3A_678 = tpu.memref_squeeze %dma_start3A_677 : memref<1x125x128xf32, #tpu.memory_space<vmem>> -> memref<125x128xf32, #tpu.memory_space<vmem>>
      %dma_start3A_679 = arith.constant 0 : i32
      %dma_start3A_680 = tpu.memref_slice %arg8[%select_n3A_89, %dma_start3A_674, %dma_start3A_679] : memref<2x8x125xi32, #tpu.memory_space<vmem>> -> memref<1x1x125xi32, #tpu.memory_space<vmem>>
      %dma_start3A_681 = tpu.memref_squeeze %dma_start3A_680 : memref<1x1x125xi32, #tpu.memory_space<vmem>> -> memref<125xi32, #tpu.memory_space<vmem>>
      %dma_start3A_682 = arith.constant 0 : i32
      %dma_start3A_683 = arith.constant 0 : i32
      %dma_start3A_684 = tpu.memref_slice %arg10[%dma_start3A_682, %dma_start3A_683] : memref<10240x128xf32, #tpu.memory_space<vmem_shared>> -> memref<10240x128xf32, #tpu.memory_space<vmem_shared>>
      %dma_start3A_685 = tpu.memref_slice %arg12[%select_n3A_638] : memref<2x!tpu.dma_semaphore, #tpu.memory_space<semaphore_mem>> -> memref<1x!tpu.dma_semaphore, #tpu.memory_space<semaphore_mem>>
      %dma_start3A_686 = tpu.memref_squeeze %dma_start3A_685 : memref<1x!tpu.dma_semaphore, #tpu.memory_space<semaphore_mem>> -> memref<!tpu.dma_semaphore, #tpu.memory_space<semaphore_mem>>
      tpu.enqueue_indirect_dma source(%dma_start3A_678 : memref<125x128xf32, #tpu.memory_space<vmem>>) target(%dma_start3A_684 : memref<10240x128xf32, #tpu.memory_space<vmem_shared>>) offsets(%dma_start3A_681 : memref<125xi32, #tpu.memory_space<vmem>>) semaphore(%dma_start3A_686 : memref<!tpu.dma_semaphore, #tpu.memory_space<semaphore_mem>>) {add = true}
    }
    %scan3A_63 = arith.constant 10 : i32
    %dma_wait3A = arith.constant 1 : i32
    %dma_wait3A_64 = arith.constant 1 : i32
    %dma_wait3A_65 = arith.constant 0 : i32
    %dma_wait3A_66 = arith.constant 1 : i32
    %dma_wait3A_67 = arith.constant 0 : i32
    %dma_wait3A_68 = arith.constant 0 : i32
    %dma_wait3A_69 = tpu.memref_slice %arg9[%dma_wait3A, %dma_wait3A_67, %dma_wait3A_68] : memref<2x125x128xf32, #tpu.memory_space<vmem>> -> memref<1x125x128xf32, #tpu.memory_space<vmem>>
    %dma_wait3A_70 = tpu.memref_squeeze %dma_wait3A_69 : memref<1x125x128xf32, #tpu.memory_space<vmem>> -> memref<125x128xf32, #tpu.memory_space<vmem>>
    %dma_wait3A_71 = arith.constant 0 : i32
    %dma_wait3A_72 = tpu.memref_slice %arg8[%dma_wait3A_64, %dma_wait3A_65, %dma_wait3A_71] : memref<2x8x125xi32, #tpu.memory_space<vmem>> -> memref<1x1x125xi32, #tpu.memory_space<vmem>>
    %dma_wait3A_73 = tpu.memref_squeeze %dma_wait3A_72 : memref<1x1x125xi32, #tpu.memory_space<vmem>> -> memref<125xi32, #tpu.memory_space<vmem>>
    %dma_wait3A_74 = arith.constant 0 : i32
    %dma_wait3A_75 = arith.constant 0 : i32
    %dma_wait3A_76 = tpu.memref_slice %arg10[%dma_wait3A_74, %dma_wait3A_75] : memref<10240x128xf32, #tpu.memory_space<vmem_shared>> -> memref<10240x128xf32, #tpu.memory_space<vmem_shared>>
    %dma_wait3A_77 = tpu.memref_slice %arg12[%dma_wait3A_66] : memref<2x!tpu.dma_semaphore, #tpu.memory_space<semaphore_mem>> -> memref<1x!tpu.dma_semaphore, #tpu.memory_space<semaphore_mem>>
    %dma_wait3A_78 = tpu.memref_squeeze %dma_wait3A_77 : memref<1x!tpu.dma_semaphore, #tpu.memory_space<semaphore_mem>> -> memref<!tpu.dma_semaphore, #tpu.memory_space<semaphore_mem>>
    tpu.wait_indirect_dma semaphore(%dma_wait3A_78 : memref<!tpu.dma_semaphore, #tpu.memory_space<semaphore_mem>>) src(%dma_wait3A_70 : memref<125x128xf32, #tpu.memory_space<vmem>>) dst(%dma_wait3A_76 : memref<10240x128xf32, #tpu.memory_space<vmem_shared>>)
    %barrier3A_79 = arith.constant 0 : index
    tpu.barrier barrier_id(%barrier3A_79)
    "tpu.region"() ({
      %run_scoped3A_80 = tpu.sem_alloc : memref<!tpu.dma_semaphore, #tpu.memory_space<semaphore_mem>>
      %dma_start3A_81 = arith.constant 0 : i32
      %dma_start3A_82 = tpu.memref_slice %arg6[%arg0, %multiple_of3A, %dma_start3A_81] : memref<2x10240x128xf32, #tpu.memory_space<hbm>> -> memref<1x640x128xf32, #tpu.memory_space<hbm>>
      %dma_start3A_83 = tpu.memref_squeeze %dma_start3A_82 : memref<1x640x128xf32, #tpu.memory_space<hbm>> -> memref<640x128xf32, #tpu.memory_space<hbm>>
      %dma_start3A_84 = arith.constant 0 : i32
      %dma_start3A_85 = tpu.memref_slice %arg10[%multiple_of3A, %dma_start3A_84] : memref<10240x128xf32, #tpu.memory_space<vmem_shared>> -> memref<640x128xf32, #tpu.memory_space<vmem_shared>>
      tpu.enqueue_dma source(%dma_start3A_85 : memref<640x128xf32, #tpu.memory_space<vmem_shared>>) target(%dma_start3A_83 : memref<640x128xf32, #tpu.memory_space<hbm>>) target_semaphore(%run_scoped3A_80 : memref<!tpu.dma_semaphore, #tpu.memory_space<semaphore_mem>>)
      %dma_wait3A_86 = arith.constant 0 : i32
      %dma_wait3A_87 = tpu.memref_slice %arg6[%arg0, %multiple_of3A, %dma_wait3A_86] : memref<2x10240x128xf32, #tpu.memory_space<hbm>> -> memref<1x640x128xf32, #tpu.memory_space<hbm>>
      %dma_wait3A_88 = tpu.memref_squeeze %dma_wait3A_87 : memref<1x640x128xf32, #tpu.memory_space<hbm>> -> memref<640x128xf32, #tpu.memory_space<hbm>>
      %dma_wait3A_89 = arith.constant 0 : i32
      %dma_wait3A_90 = tpu.memref_slice %arg10[%multiple_of3A, %dma_wait3A_89] : memref<10240x128xf32, #tpu.memory_space<vmem_shared>> -> memref<640x128xf32, #tpu.memory_space<vmem_shared>>
      tpu.wait_dma2 semaphore(%run_scoped3A_80 : memref<!tpu.dma_semaphore, #tpu.memory_space<semaphore_mem>>) src(%dma_wait3A_90 : memref<640x128xf32, #tpu.memory_space<vmem_shared>>) dst(%dma_wait3A_88 : memref<640x128xf32, #tpu.memory_space<hbm>>)
      tpu.yield
    }) : () -> ()
    return
  }
}

#map = affine_map<(d0, d1) -> (0, 0)>
#map1 = affine_map<(d0, d1) -> (0, 0, 0)>
module attributes {stable_mosaic.version = 14 : i64} {
  func.func @_seg_body(%arg0: i32, %arg1: i32, %arg2: memref<10000x128xf32, #tpu.memory_space<hbm>>, %arg3: memref<32x80x125xi32, #tpu.memory_space<hbm>>, %arg4: memref<32x80x125xi32, #tpu.memory_space<hbm>>, %arg5: memref<640x128xf32, #tpu.memory_space<hbm>>, %arg6: memref<2x10240x128xf32, #tpu.memory_space<hbm>>, %arg7: memref<2x8x125xi32, #tpu.memory_space<vmem>>, %arg8: memref<2x8x125xi32, #tpu.memory_space<vmem>>, %arg9: memref<2x125x128xf32, #tpu.memory_space<vmem>>, %arg10: memref<10240x128xf32, #tpu.memory_space<vmem_shared>>, %arg11: memref<2x!tpu.dma_semaphore, #tpu.memory_space<semaphore_mem>>, %arg12: memref<2x!tpu.dma_semaphore, #tpu.memory_space<semaphore_mem>>, %arg13: memref<2x!tpu.dma_semaphore, #tpu.memory_space<semaphore_mem>>) attributes {dimension_semantics = [#tpu.dimension_semantics<core_parallel>, #tpu.dimension_semantics<subcore_parallel>], iteration_bounds = array<i64: 2, 16>, scalar_prefetch = 0 : i64, scratch_operands = 7 : i64, tpu.core_type = #tpu.core_type<sc_vector_subcore>, window_params = [{transform_indices = #map}, {transform_indices = #map1}, {transform_indices = #map1}, {transform_indices = #map}, {transform_indices = #map1}]} {
    %mul3A = arith.constant 2 : i32
    %mul3A_0 = arith.muli %arg1, %mul3A : i32
    %add3A = arith.addi %mul3A_0, %arg0 : i32
    %mul3A_1 = arith.constant 640 : i32
    %mul3A_2 = arith.muli %arg1, %mul3A_1 : i32
    %multiple_of3A = tpu.assume_multiple %mul3A_2, 8 : i32
    "tpu.region"() ({
      %run_scoped3A_80 = tpu.sem_alloc : memref<!tpu.dma_semaphore, #tpu.memory_space<semaphore_mem>>
      %dma_start3A_81 = arith.constant 0 : i32
      %dma_start3A_82 = tpu.memref_slice %arg10[%multiple_of3A, %dma_start3A_81] : memref<10240x128xf32, #tpu.memory_space<vmem_shared>> -> memref<640x128xf32, #tpu.memory_space<vmem_shared>>
      tpu.enqueue_dma source(%arg5 : memref<640x128xf32, #tpu.memory_space<hbm>>) target(%dma_start3A_82 : memref<640x128xf32, #tpu.memory_space<vmem_shared>>) target_semaphore(%run_scoped3A_80 : memref<!tpu.dma_semaphore, #tpu.memory_space<semaphore_mem>>)
      %dma_wait3A_83 = arith.constant 0 : i32
      %dma_wait3A_84 = tpu.memref_slice %arg10[%multiple_of3A, %dma_wait3A_83] : memref<10240x128xf32, #tpu.memory_space<vmem_shared>> -> memref<640x128xf32, #tpu.memory_space<vmem_shared>>
      tpu.wait_dma2 semaphore(%run_scoped3A_80 : memref<!tpu.dma_semaphore, #tpu.memory_space<semaphore_mem>>) src(%arg5 : memref<640x128xf32, #tpu.memory_space<hbm>>) dst(%dma_wait3A_84 : memref<640x128xf32, #tpu.memory_space<vmem_shared>>)
      tpu.yield
    }) : () -> ()
    %run_scoped3A = arith.constant 0 : i32
    "tpu.region"() ({
      %run_scoped3A_80 = tpu.sem_alloc : memref<!tpu.dma_semaphore, #tpu.memory_space<semaphore_mem>>
      %dma_start3A_81 = arith.constant 0 : i32
      %dma_start3A_82 = arith.constant 0 : i32
      %dma_start3A_83 = tpu.memref_slice %arg7[%run_scoped3A, %dma_start3A_81, %dma_start3A_82] : memref<2x8x125xi32, #tpu.memory_space<vmem>> -> memref<1x8x125xi32, #tpu.memory_space<vmem>>
      %dma_start3A_84 = tpu.memref_squeeze %dma_start3A_83 : memref<1x8x125xi32, #tpu.memory_space<vmem>> -> memref<8x125xi32, #tpu.memory_space<vmem>>
      %dma_start3A_85 = arith.constant 0 : i32
      %dma_start3A_86 = arith.constant 0 : i32
      %dma_start3A_87 = tpu.memref_slice %arg3[%add3A, %dma_start3A_85, %dma_start3A_86] : memref<32x80x125xi32, #tpu.memory_space<hbm>> -> memref<1x8x125xi32, #tpu.memory_space<hbm>>
      %dma_start3A_88 = tpu.memref_squeeze %dma_start3A_87 : memref<1x8x125xi32, #tpu.memory_space<hbm>> -> memref<8x125xi32, #tpu.memory_space<hbm>>
      %dma_start3A_89 = arith.constant 0 : i32
      %dma_start3A_90 = arith.constant 0 : i32
      %dma_start3A_91 = tpu.memref_slice %arg7[%run_scoped3A, %dma_start3A_89, %dma_start3A_90] : memref<2x8x125xi32, #tpu.memory_space<vmem>> -> memref<1x8x125xi32, #tpu.memory_space<vmem>>
      %dma_start3A_92 = tpu.memref_squeeze %dma_start3A_91 : memref<1x8x125xi32, #tpu.memory_space<vmem>> -> memref<8x125xi32, #tpu.memory_space<vmem>>
      %dma_start3A_93 = arith.constant 0 : i32
      %dma_start3A_94 = arith.constant 0 : i32
      %dma_start3A_95 = tpu.memref_slice %arg3[%add3A, %dma_start3A_93, %dma_start3A_94] : memref<32x80x125xi32, #tpu.memory_space<hbm>> -> memref<1x8x125xi32, #tpu.memory_space<hbm>>
      %dma_start3A_96 = tpu.memref_squeeze %dma_start3A_95 : memref<1x8x125xi32, #tpu.memory_space<hbm>> -> memref<8x125xi32, #tpu.memory_space<hbm>>
      tpu.enqueue_dma source(%dma_start3A_96 : memref<8x125xi32, #tpu.memory_space<hbm>>) target(%dma_start3A_92 : memref<8x125xi32, #tpu.memory_space<vmem>>) target_semaphore(%run_scoped3A_80 : memref<!tpu.dma_semaphore, #tpu.memory_space<semaphore_mem>>)
      %dma_wait3A_97 = arith.constant 0 : i32
      %dma_wait3A_98 = arith.constant 0 : i32
      %dma_wait3A_99 = tpu.memref_slice %arg7[%run_scoped3A, %dma_wait3A_97, %dma_wait3A_98] : memref<2x8x125xi32, #tpu.memory_space<vmem>> -> memref<1x8x125xi32, #tpu.memory_space<vmem>>
      %dma_wait3A_100 = tpu.memref_squeeze %dma_wait3A_99 : memref<1x8x125xi32, #tpu.memory_space<vmem>> -> memref<8x125xi32, #tpu.memory_space<vmem>>
      %dma_wait3A_101 = arith.constant 0 : i32
      %dma_wait3A_102 = arith.constant 0 : i32
      %dma_wait3A_103 = tpu.memref_slice %arg3[%add3A, %dma_wait3A_101, %dma_wait3A_102] : memref<32x80x125xi32, #tpu.memory_space<hbm>> -> memref<1x8x125xi32, #tpu.memory_space<hbm>>
      %dma_wait3A_104 = tpu.memref_squeeze %dma_wait3A_103 : memref<1x8x125xi32, #tpu.memory_space<hbm>> -> memref<8x125xi32, #tpu.memory_space<hbm>>
      %dma_wait3A_105 = arith.constant 0 : i32
      %dma_wait3A_106 = arith.constant 0 : i32
      %dma_wait3A_107 = tpu.memref_slice %arg7[%run_scoped3A, %dma_wait3A_105, %dma_wait3A_106] : memref<2x8x125xi32, #tpu.memory_space<vmem>> -> memref<1x8x125xi32, #tpu.memory_space<vmem>>
      %dma_wait3A_108 = tpu.memref_squeeze %dma_wait3A_107 : memref<1x8x125xi32, #tpu.memory_space<vmem>> -> memref<8x125xi32, #tpu.memory_space<vmem>>
      %dma_wait3A_109 = arith.constant 0 : i32
      %dma_wait3A_110 = arith.constant 0 : i32
      %dma_wait3A_111 = tpu.memref_slice %arg3[%add3A, %dma_wait3A_109, %dma_wait3A_110] : memref<32x80x125xi32, #tpu.memory_space<hbm>> -> memref<1x8x125xi32, #tpu.memory_space<hbm>>
      %dma_wait3A_112 = tpu.memref_squeeze %dma_wait3A_111 : memref<1x8x125xi32, #tpu.memory_space<hbm>> -> memref<8x125xi32, #tpu.memory_space<hbm>>
      tpu.wait_dma2 semaphore(%run_scoped3A_80 : memref<!tpu.dma_semaphore, #tpu.memory_space<semaphore_mem>>) src(%dma_wait3A_112 : memref<8x125xi32, #tpu.memory_space<hbm>>) dst(%dma_wait3A_108 : memref<8x125xi32, #tpu.memory_space<vmem>>)
      tpu.yield
    }) : () -> ()
    %run_scoped3A_3 = arith.constant 0 : i32
    "tpu.region"() ({
      %run_scoped3A_80 = tpu.sem_alloc : memref<!tpu.dma_semaphore, #tpu.memory_space<semaphore_mem>>
      %dma_start3A_81 = arith.constant 0 : i32
      %dma_start3A_82 = arith.constant 0 : i32
      %dma_start3A_83 = tpu.memref_slice %arg8[%run_scoped3A_3, %dma_start3A_81, %dma_start3A_82] : memref<2x8x125xi32, #tpu.memory_space<vmem>> -> memref<1x8x125xi32, #tpu.memory_space<vmem>>
      %dma_start3A_84 = tpu.memref_squeeze %dma_start3A_83 : memref<1x8x125xi32, #tpu.memory_space<vmem>> -> memref<8x125xi32, #tpu.memory_space<vmem>>
      %dma_start3A_85 = arith.constant 0 : i32
      %dma_start3A_86 = arith.constant 0 : i32
      %dma_start3A_87 = tpu.memref_slice %arg4[%add3A, %dma_start3A_85, %dma_start3A_86] : memref<32x80x125xi32, #tpu.memory_space<hbm>> -> memref<1x8x125xi32, #tpu.memory_space<hbm>>
      %dma_start3A_88 = tpu.memref_squeeze %dma_start3A_87 : memref<1x8x125xi32, #tpu.memory_space<hbm>> -> memref<8x125xi32, #tpu.memory_space<hbm>>
      %dma_start3A_89 = arith.constant 0 : i32
      %dma_start3A_90 = arith.constant 0 : i32
      %dma_start3A_91 = tpu.memref_slice %arg8[%run_scoped3A_3, %dma_start3A_89, %dma_start3A_90] : memref<2x8x125xi32, #tpu.memory_space<vmem>> -> memref<1x8x125xi32, #tpu.memory_space<vmem>>
      %dma_start3A_92 = tpu.memref_squeeze %dma_start3A_91 : memref<1x8x125xi32, #tpu.memory_space<vmem>> -> memref<8x125xi32, #tpu.memory_space<vmem>>
      %dma_start3A_93 = arith.constant 0 : i32
      %dma_start3A_94 = arith.constant 0 : i32
      %dma_start3A_95 = tpu.memref_slice %arg4[%add3A, %dma_start3A_93, %dma_start3A_94] : memref<32x80x125xi32, #tpu.memory_space<hbm>> -> memref<1x8x125xi32, #tpu.memory_space<hbm>>
      %dma_start3A_96 = tpu.memref_squeeze %dma_start3A_95 : memref<1x8x125xi32, #tpu.memory_space<hbm>> -> memref<8x125xi32, #tpu.memory_space<hbm>>
      tpu.enqueue_dma source(%dma_start3A_96 : memref<8x125xi32, #tpu.memory_space<hbm>>) target(%dma_start3A_92 : memref<8x125xi32, #tpu.memory_space<vmem>>) target_semaphore(%run_scoped3A_80 : memref<!tpu.dma_semaphore, #tpu.memory_space<semaphore_mem>>)
      %dma_wait3A_97 = arith.constant 0 : i32
      %dma_wait3A_98 = arith.constant 0 : i32
      %dma_wait3A_99 = tpu.memref_slice %arg8[%run_scoped3A_3, %dma_wait3A_97, %dma_wait3A_98] : memref<2x8x125xi32, #tpu.memory_space<vmem>> -> memref<1x8x125xi32, #tpu.memory_space<vmem>>
      %dma_wait3A_100 = tpu.memref_squeeze %dma_wait3A_99 : memref<1x8x125xi32, #tpu.memory_space<vmem>> -> memref<8x125xi32, #tpu.memory_space<vmem>>
      %dma_wait3A_101 = arith.constant 0 : i32
      %dma_wait3A_102 = arith.constant 0 : i32
      %dma_wait3A_103 = tpu.memref_slice %arg4[%add3A, %dma_wait3A_101, %dma_wait3A_102] : memref<32x80x125xi32, #tpu.memory_space<hbm>> -> memref<1x8x125xi32, #tpu.memory_space<hbm>>
      %dma_wait3A_104 = tpu.memref_squeeze %dma_wait3A_103 : memref<1x8x125xi32, #tpu.memory_space<hbm>> -> memref<8x125xi32, #tpu.memory_space<hbm>>
      %dma_wait3A_105 = arith.constant 0 : i32
      %dma_wait3A_106 = arith.constant 0 : i32
      %dma_wait3A_107 = tpu.memref_slice %arg8[%run_scoped3A_3, %dma_wait3A_105, %dma_wait3A_106] : memref<2x8x125xi32, #tpu.memory_space<vmem>> -> memref<1x8x125xi32, #tpu.memory_space<vmem>>
      %dma_wait3A_108 = tpu.memref_squeeze %dma_wait3A_107 : memref<1x8x125xi32, #tpu.memory_space<vmem>> -> memref<8x125xi32, #tpu.memory_space<vmem>>
      %dma_wait3A_109 = arith.constant 0 : i32
      %dma_wait3A_110 = arith.constant 0 : i32
      %dma_wait3A_111 = tpu.memref_slice %arg4[%add3A, %dma_wait3A_109, %dma_wait3A_110] : memref<32x80x125xi32, #tpu.memory_space<hbm>> -> memref<1x8x125xi32, #tpu.memory_space<hbm>>
      %dma_wait3A_112 = tpu.memref_squeeze %dma_wait3A_111 : memref<1x8x125xi32, #tpu.memory_space<hbm>> -> memref<8x125xi32, #tpu.memory_space<hbm>>
      tpu.wait_dma2 semaphore(%run_scoped3A_80 : memref<!tpu.dma_semaphore, #tpu.memory_space<semaphore_mem>>) src(%dma_wait3A_112 : memref<8x125xi32, #tpu.memory_space<hbm>>) dst(%dma_wait3A_108 : memref<8x125xi32, #tpu.memory_space<vmem>>)
      tpu.yield
    }) : () -> ()
    %dma_start3A = arith.constant 1 : i32
    %dma_start3A_4 = arith.constant 1 : i32
    %dma_start3A_5 = arith.constant 0 : i32
    %dma_start3A_6 = arith.constant 0 : i32
    %dma_start3A_7 = tpu.memref_slice %arg7[%dma_start3A, %dma_start3A_5, %dma_start3A_6] : memref<2x8x125xi32, #tpu.memory_space<vmem>> -> memref<1x8x125xi32, #tpu.memory_space<vmem>>
    %dma_start3A_8 = tpu.memref_squeeze %dma_start3A_7 : memref<1x8x125xi32, #tpu.memory_space<vmem>> -> memref<8x125xi32, #tpu.memory_space<vmem>>
    %dma_start3A_9 = arith.constant 8 : i32
    %dma_start3A_10 = arith.constant 0 : i32
    %dma_start3A_11 = tpu.memref_slice %arg3[%add3A, %dma_start3A_9, %dma_start3A_10] : memref<32x80x125xi32, #tpu.memory_space<hbm>> -> memref<1x8x125xi32, #tpu.memory_space<hbm>>
    %dma_start3A_12 = tpu.memref_squeeze %dma_start3A_11 : memref<1x8x125xi32, #tpu.memory_space<hbm>> -> memref<8x125xi32, #tpu.memory_space<hbm>>
    %dma_start3A_13 = tpu.memref_slice %arg13[%dma_start3A_4] : memref<2x!tpu.dma_semaphore, #tpu.memory_space<semaphore_mem>> -> memref<1x!tpu.dma_semaphore, #tpu.memory_space<semaphore_mem>>
    %dma_start3A_14 = tpu.memref_squeeze %dma_start3A_13 : memref<1x!tpu.dma_semaphore, #tpu.memory_space<semaphore_mem>> -> memref<!tpu.dma_semaphore, #tpu.memory_space<semaphore_mem>>
    %dma_start3A_15 = arith.constant 0 : i32
    %dma_start3A_16 = arith.constant 0 : i32
    %dma_start3A_17 = tpu.memref_slice %arg7[%dma_start3A, %dma_start3A_15, %dma_start3A_16] : memref<2x8x125xi32, #tpu.memory_space<vmem>> -> memref<1x8x125xi32, #tpu.memory_space<vmem>>
    %dma_start3A_18 = tpu.memref_squeeze %dma_start3A_17 : memref<1x8x125xi32, #tpu.memory_space<vmem>> -> memref<8x125xi32, #tpu.memory_space<vmem>>
    %dma_start3A_19 = arith.constant 8 : i32
    %dma_start3A_20 = arith.constant 0 : i32
    %dma_start3A_21 = tpu.memref_slice %arg3[%add3A, %dma_start3A_19, %dma_start3A_20] : memref<32x80x125xi32, #tpu.memory_space<hbm>> -> memref<1x8x125xi32, #tpu.memory_space<hbm>>
    %dma_start3A_22 = tpu.memref_squeeze %dma_start3A_21 : memref<1x8x125xi32, #tpu.memory_space<hbm>> -> memref<8x125xi32, #tpu.memory_space<hbm>>
    tpu.enqueue_dma source(%dma_start3A_22 : memref<8x125xi32, #tpu.memory_space<hbm>>) target(%dma_start3A_18 : memref<8x125xi32, #tpu.memory_space<vmem>>) target_semaphore(%dma_start3A_14 : memref<!tpu.dma_semaphore, #tpu.memory_space<semaphore_mem>>)
    %dma_start3A_23 = arith.constant 1 : i32
    %dma_start3A_24 = arith.constant 1 : i32
    %dma_start3A_25 = arith.constant 0 : i32
    %dma_start3A_26 = arith.constant 0 : i32
    %dma_start3A_27 = tpu.memref_slice %arg8[%dma_start3A_23, %dma_start3A_25, %dma_start3A_26] : memref<2x8x125xi32, #tpu.memory_space<vmem>> -> memref<1x8x125xi32, #tpu.memory_space<vmem>>
    %dma_start3A_28 = tpu.memref_squeeze %dma_start3A_27 : memref<1x8x125xi32, #tpu.memory_space<vmem>> -> memref<8x125xi32, #tpu.memory_space<vmem>>
    %dma_start3A_29 = arith.constant 8 : i32
    %dma_start3A_30 = arith.constant 0 : i32
    %dma_start3A_31 = tpu.memref_slice %arg4[%add3A, %dma_start3A_29, %dma_start3A_30] : memref<32x80x125xi32, #tpu.memory_space<hbm>> -> memref<1x8x125xi32, #tpu.memory_space<hbm>>
    %dma_start3A_32 = tpu.memref_squeeze %dma_start3A_31 : memref<1x8x125xi32, #tpu.memory_space<hbm>> -> memref<8x125xi32, #tpu.memory_space<hbm>>
    %dma_start3A_33 = tpu.memref_slice %arg13[%dma_start3A_24] : memref<2x!tpu.dma_semaphore, #tpu.memory_space<semaphore_mem>> -> memref<1x!tpu.dma_semaphore, #tpu.memory_space<semaphore_mem>>
    %dma_start3A_34 = tpu.memref_squeeze %dma_start3A_33 : memref<1x!tpu.dma_semaphore, #tpu.memory_space<semaphore_mem>> -> memref<!tpu.dma_semaphore, #tpu.memory_space<semaphore_mem>>
    %dma_start3A_35 = arith.constant 0 : i32
    %dma_start3A_36 = arith.constant 0 : i32
    %dma_start3A_37 = tpu.memref_slice %arg8[%dma_start3A_23, %dma_start3A_35, %dma_start3A_36] : memref<2x8x125xi32, #tpu.memory_space<vmem>> -> memref<1x8x125xi32, #tpu.memory_space<vmem>>
    %dma_start3A_38 = tpu.memref_squeeze %dma_start3A_37 : memref<1x8x125xi32, #tpu.memory_space<vmem>> -> memref<8x125xi32, #tpu.memory_space<vmem>>
    %dma_start3A_39 = arith.constant 8 : i32
    %dma_start3A_40 = arith.constant 0 : i32
    %dma_start3A_41 = tpu.memref_slice %arg4[%add3A, %dma_start3A_39, %dma_start3A_40] : memref<32x80x125xi32, #tpu.memory_space<hbm>> -> memref<1x8x125xi32, #tpu.memory_space<hbm>>
    %dma_start3A_42 = tpu.memref_squeeze %dma_start3A_41 : memref<1x8x125xi32, #tpu.memory_space<hbm>> -> memref<8x125xi32, #tpu.memory_space<hbm>>
    tpu.enqueue_dma source(%dma_start3A_42 : memref<8x125xi32, #tpu.memory_space<hbm>>) target(%dma_start3A_38 : memref<8x125xi32, #tpu.memory_space<vmem>>) target_semaphore(%dma_start3A_34 : memref<!tpu.dma_semaphore, #tpu.memory_space<semaphore_mem>>)
    %barrier3A = arith.constant 0 : index
    tpu.barrier barrier_id(%barrier3A)
    %dma_start3A_43 = arith.constant 0 : i32
    %dma_start3A_44 = arith.constant 0 : i32
    %dma_start3A_45 = arith.constant 0 : i32
    %dma_start3A_46 = arith.constant 0 : i32
    %dma_start3A_47 = arith.constant 0 : i32
    %dma_start3A_48 = arith.constant 0 : i32
    %dma_start3A_49 = tpu.memref_slice %arg9[%dma_start3A_45, %dma_start3A_47, %dma_start3A_48] : memref<2x125x128xf32, #tpu.memory_space<vmem>> -> memref<1x125x128xf32, #tpu.memory_space<vmem>>
    %dma_start3A_50 = tpu.memref_squeeze %dma_start3A_49 : memref<1x125x128xf32, #tpu.memory_space<vmem>> -> memref<125x128xf32, #tpu.memory_space<vmem>>
    %dma_start3A_51 = arith.constant 0 : i32
    %dma_start3A_52 = tpu.memref_slice %arg7[%dma_start3A_43, %dma_start3A_44, %dma_start3A_51] : memref<2x8x125xi32, #tpu.memory_space<vmem>> -> memref<1x1x125xi32, #tpu.memory_space<vmem>>
    %dma_start3A_53 = tpu.memref_squeeze %dma_start3A_52 : memref<1x1x125xi32, #tpu.memory_space<vmem>> -> memref<125xi32, #tpu.memory_space<vmem>>
    %dma_start3A_54 = arith.constant 0 : i32
    %dma_start3A_55 = arith.constant 0 : i32
    %dma_start3A_56 = tpu.memref_slice %arg2[%dma_start3A_54, %dma_start3A_55] : memref<10000x128xf32, #tpu.memory_space<hbm>> -> memref<10000x128xf32, #tpu.memory_space<hbm>>
    %dma_start3A_57 = tpu.memref_slice %arg11[%dma_start3A_46] : memref<2x!tpu.dma_semaphore, #tpu.memory_space<semaphore_mem>> -> memref<1x!tpu.dma_semaphore, #tpu.memory_space<semaphore_mem>>
    %dma_start3A_58 = tpu.memref_squeeze %dma_start3A_57 : memref<1x!tpu.dma_semaphore, #tpu.memory_space<semaphore_mem>> -> memref<!tpu.dma_semaphore, #tpu.memory_space<semaphore_mem>>
    tpu.enqueue_indirect_dma source(%dma_start3A_56 : memref<10000x128xf32, #tpu.memory_space<hbm>>) target(%dma_start3A_50 : memref<125x128xf32, #tpu.memory_space<vmem>>) offsets(%dma_start3A_53 : memref<125xi32, #tpu.memory_space<vmem>>) semaphore(%dma_start3A_58 : memref<!tpu.dma_semaphore, #tpu.memory_space<semaphore_mem>>)
    %scan3A = arith.constant 0 : i32
    %scan3A_59 = arith.constant 0 : i32
    %scan3A_60 = arith.constant 10 : i32
    %scan3A_61 = arith.addi %scan3A_59, %scan3A_60 : i32
    %scan3A_62 = arith.constant 1 : i32
    scf.for %scan3A_80 = %scan3A_59 to %scan3A_61 step %scan3A_62  : i32 {
      %jit3A = arith.constant 2 : i32
      %eq3A = arith.constant 0 : i32
      %eq3A_81 = arith.cmpi eq, %jit3A, %eq3A : i32
      %jit3A_82 = arith.constant 1 : i32
      %select_n3A = arith.select %eq3A_81, %jit3A_82, %jit3A : i32
      %rem3A = arith.remsi %scan3A_80, %select_n3A : i32
      %ne3A = arith.constant 0 : i32
      %ne3A_83 = arith.cmpi ne, %rem3A, %ne3A : i32
      %lt3A = arith.constant 0 : i32
      %lt3A_84 = arith.cmpi slt, %rem3A, %lt3A : i32
      %lt3A_85 = arith.constant 0 : i32
      %lt3A_86 = arith.cmpi slt, %select_n3A, %lt3A_85 : i32
      %ne3A_87 = arith.xori %lt3A_84, %lt3A_86 : i1
      %and3A = arith.andi %ne3A_87, %ne3A_83 : i1
      %add3A_88 = arith.addi %rem3A, %select_n3A : i32
      %select_n3A_89 = arith.select %and3A, %add3A_88, %rem3A : i32
      %mul3A_90 = arith.constant 8 : i32
      %mul3A_91 = arith.muli %scan3A_80, %mul3A_90 : i32
      %add3A_92 = arith.constant 0 : i32
      %add3A_93 = arith.addi %mul3A_91, %add3A_92 : i32
      %jit3A_94 = arith.constant 2 : i32
      %eq3A_95 = arith.constant 0 : i32
      %eq3A_96 = arith.cmpi eq, %jit3A_94, %eq3A_95 : i32
      %jit3A_97 = arith.constant 1 : i32
      %select_n3A_98 = arith.select %eq3A_96, %jit3A_97, %jit3A_94 : i32
      %rem3A_99 = arith.remsi %add3A_93, %select_n3A_98 : i32
      %ne3A_100 = arith.constant 0 : i32
      %ne3A_101 = arith.cmpi ne, %rem3A_99, %ne3A_100 : i32
      %lt3A_102 = arith.constant 0 : i32
      %lt3A_103 = arith.cmpi slt, %rem3A_99, %lt3A_102 : i32
      %lt3A_104 = arith.constant 0 : i32
      %lt3A_105 = arith.cmpi slt, %select_n3A_98, %lt3A_104 : i32
      %ne3A_106 = arith.xori %lt3A_103, %lt3A_105 : i1
      %and3A_107 = arith.andi %ne3A_106, %ne3A_101 : i1
      %add3A_108 = arith.addi %rem3A_99, %select_n3A_98 : i32
      %select_n3A_109 = arith.select %and3A_107, %add3A_108, %rem3A_99 : i32
      %dma_wait3A_110 = arith.constant 0 : i32
      %dma_wait3A_111 = arith.constant 0 : i32
      %dma_wait3A_112 = arith.constant 0 : i32
      %dma_wait3A_113 = tpu.memref_slice %arg9[%select_n3A_109, %dma_wait3A_111, %dma_wait3A_112] : memref<2x125x128xf32, #tpu.memory_space<vmem>> -> memref<1x125x128xf32, #tpu.memory_space<vmem>>
      %dma_wait3A_114 = tpu.memref_squeeze %dma_wait3A_113 : memref<1x125x128xf32, #tpu.memory_space<vmem>> -> memref<125x128xf32, #tpu.memory_space<vmem>>
      %dma_wait3A_115 = arith.constant 0 : i32
      %dma_wait3A_116 = tpu.memref_slice %arg7[%select_n3A_89, %dma_wait3A_110, %dma_wait3A_115] : memref<2x8x125xi32, #tpu.memory_space<vmem>> -> memref<1x1x125xi32, #tpu.memory_space<vmem>>
      %dma_wait3A_117 = tpu.memref_squeeze %dma_wait3A_116 : memref<1x1x125xi32, #tpu.memory_space<vmem>> -> memref<125xi32, #tpu.memory_space<vmem>>
      %dma_wait3A_118 = arith.constant 0 : i32
      %dma_wait3A_119 = arith.constant 0 : i32
      %dma_wait3A_120 = tpu.memref_slice %arg2[%dma_wait3A_118, %dma_wait3A_119] : memref<10000x128xf32, #tpu.memory_space<hbm>> -> memref<10000x128xf32, #tpu.memory_space<hbm>>
      %dma_wait3A_121 = tpu.memref_slice %arg11[%select_n3A_109] : memref<2x!tpu.dma_semaphore, #tpu.memory_space<semaphore_mem>> -> memref<1x!tpu.dma_semaphore, #tpu.memory_space<semaphore_mem>>
      %dma_wait3A_122 = tpu.memref_squeeze %dma_wait3A_121 : memref<1x!tpu.dma_semaphore, #tpu.memory_space<semaphore_mem>> -> memref<!tpu.dma_semaphore, #tpu.memory_space<semaphore_mem>>
      tpu.wait_indirect_dma semaphore(%dma_wait3A_122 : memref<!tpu.dma_semaphore, #tpu.memory_space<semaphore_mem>>) src(%dma_wait3A_120 : memref<10000x128xf32, #tpu.memory_space<hbm>>) dst(%dma_wait3A_114 : memref<125x128xf32, #tpu.memory_space<vmem>>)
      %ge3A = arith.constant 1 : i32
      %ge3A_123 = arith.cmpi sge, %scan3A_80, %ge3A : i32
      %convert_element_type3A = arith.extui %ge3A_123 : i1 to i32
      %cond3A = arith.constant 0 : i32
      %cond3A_124 = arith.cmpi ne, %convert_element_type3A, %cond3A : i32
      scf.if %cond3A_124 {
        %dma_wait3A_687 = arith.constant 1 : i32
        %dma_wait3A_688 = arith.constant 0 : i32
        %dma_wait3A_689 = arith.constant 1 : i32
        %dma_wait3A_690 = arith.constant 0 : i32
        %dma_wait3A_691 = arith.constant 0 : i32
        %dma_wait3A_692 = tpu.memref_slice %arg9[%dma_wait3A_687, %dma_wait3A_690, %dma_wait3A_691] : memref<2x125x128xf32, #tpu.memory_space<vmem>> -> memref<1x125x128xf32, #tpu.memory_space<vmem>>
        %dma_wait3A_693 = tpu.memref_squeeze %dma_wait3A_692 : memref<1x125x128xf32, #tpu.memory_space<vmem>> -> memref<125x128xf32, #tpu.memory_space<vmem>>
        %dma_wait3A_694 = arith.constant 0 : i32
        %dma_wait3A_695 = tpu.memref_slice %arg8[%select_n3A_89, %dma_wait3A_688, %dma_wait3A_694] : memref<2x8x125xi32, #tpu.memory_space<vmem>> -> memref<1x1x125xi32, #tpu.memory_space<vmem>>
        %dma_wait3A_696 = tpu.memref_squeeze %dma_wait3A_695 : memref<1x1x125xi32, #tpu.memory_space<vmem>> -> memref<125xi32, #tpu.memory_space<vmem>>
        %dma_wait3A_697 = arith.constant 0 : i32
        %dma_wait3A_698 = arith.constant 0 : i32
        %dma_wait3A_699 = tpu.memref_slice %arg10[%dma_wait3A_697, %dma_wait3A_698] : memref<10240x128xf32, #tpu.memory_space<vmem_shared>> -> memref<10240x128xf32, #tpu.memory_space<vmem_shared>>
        %dma_wait3A_700 = tpu.memref_slice %arg12[%dma_wait3A_689] : memref<2x!tpu.dma_semaphore, #tpu.memory_space<semaphore_mem>> -> memref<1x!tpu.dma_semaphore, #tpu.memory_space<semaphore_mem>>
        %dma_wait3A_701 = tpu.memref_squeeze %dma_wait3A_700 : memref<1x!tpu.dma_semaphore, #tpu.memory_space<semaphore_mem>> -> memref<!tpu.dma_semaphore, #tpu.memory_space<semaphore_mem>>
        tpu.wait_indirect_dma semaphore(%dma_wait3A_701 : memref<!tpu.dma_semaphore, #tpu.memory_space<semaphore_mem>>) src(%dma_wait3A_693 : memref<125x128xf32, #tpu.memory_space<vmem>>) dst(%dma_wait3A_699 : memref<10240x128xf32, #tpu.memory_space<vmem_shared>>)
      } else {
      }
      %dma_start3A_125 = arith.constant 1 : i32
      %dma_start3A_126 = arith.constant 1 : i32
      %dma_start3A_127 = arith.constant 1 : i32
      %dma_start3A_128 = arith.constant 0 : i32
      %dma_start3A_129 = arith.constant 0 : i32
      %dma_start3A_130 = tpu.memref_slice %arg9[%dma_start3A_126, %dma_start3A_128, %dma_start3A_129] : memref<2x125x128xf32, #tpu.memory_space<vmem>> -> memref<1x125x128xf32, #tpu.memory_space<vmem>>
      %dma_start3A_131 = tpu.memref_squeeze %dma_start3A_130 : memref<1x125x128xf32, #tpu.memory_space<vmem>> -> memref<125x128xf32, #tpu.memory_space<vmem>>
      %dma_start3A_132 = arith.constant 0 : i32
      %dma_start3A_133 = tpu.memref_slice %arg7[%select_n3A_89, %dma_start3A_125, %dma_start3A_132] : memref<2x8x125xi32, #tpu.memory_space<vmem>> -> memref<1x1x125xi32, #tpu.memory_space<vmem>>
      %dma_start3A_134 = tpu.memref_squeeze %dma_start3A_133 : memref<1x1x125xi32, #tpu.memory_space<vmem>> -> memref<125xi32, #tpu.memory_space<vmem>>
      %dma_start3A_135 = arith.constant 0 : i32
      %dma_start3A_136 = arith.constant 0 : i32
      %dma_start3A_137 = tpu.memref_slice %arg2[%dma_start3A_135, %dma_start3A_136] : memref<10000x128xf32, #tpu.memory_space<hbm>> -> memref<10000x128xf32, #tpu.memory_space<hbm>>
      %dma_start3A_138 = tpu.memref_slice %arg11[%dma_start3A_127] : memref<2x!tpu.dma_semaphore, #tpu.memory_space<semaphore_mem>> -> memref<1x!tpu.dma_semaphore, #tpu.memory_space<semaphore_mem>>
      %dma_start3A_139 = tpu.memref_squeeze %dma_start3A_138 : memref<1x!tpu.dma_semaphore, #tpu.memory_space<semaphore_mem>> -> memref<!tpu.dma_semaphore, #tpu.memory_space<semaphore_mem>>
      tpu.enqueue_indirect_dma source(%dma_start3A_137 : memref<10000x128xf32, #tpu.memory_space<hbm>>) target(%dma_start3A_131 : memref<125x128xf32, #tpu.memory_space<vmem>>) offsets(%dma_start3A_134 : memref<125xi32, #tpu.memory_space<vmem>>) semaphore(%dma_start3A_139 : memref<!tpu.dma_semaphore, #tpu.memory_space<semaphore_mem>>)
      %dma_start3A_140 = arith.constant 0 : i32
      %dma_start3A_141 = arith.constant 0 : i32
      %dma_start3A_142 = arith.constant 0 : i32
      %dma_start3A_143 = tpu.memref_slice %arg9[%select_n3A_109, %dma_start3A_141, %dma_start3A_142] : memref<2x125x128xf32, #tpu.memory_space<vmem>> -> memref<1x125x128xf32, #tpu.memory_space<vmem>>
      %dma_start3A_144 = tpu.memref_squeeze %dma_start3A_143 : memref<1x125x128xf32, #tpu.memory_space<vmem>> -> memref<125x128xf32, #tpu.memory_space<vmem>>
      %dma_start3A_145 = arith.constant 0 : i32
      %dma_start3A_146 = tpu.memref_slice %arg8[%select_n3A_89, %dma_start3A_140, %dma_start3A_145] : memref<2x8x125xi32, #tpu.memory_space<vmem>> -> memref<1x1x125xi32, #tpu.memory_space<vmem>>
      %dma_start3A_147 = tpu.memref_squeeze %dma_start3A_146 : memref<1x1x125xi32, #tpu.memory_space<vmem>> -> memref<125xi32, #tpu.memory_space<vmem>>
      %dma_start3A_148 = arith.constant 0 : i32
      %dma_start3A_149 = arith.constant 0 : i32
      %dma_start3A_150 = tpu.memref_slice %arg10[%dma_start3A_148, %dma_start3A_149] : memref<10240x128xf32, #tpu.memory_space<vmem_shared>> -> memref<10240x128xf32, #tpu.memory_space<vmem_shared>>
      %dma_start3A_151 = tpu.memref_slice %arg12[%select_n3A_109] : memref<2x!tpu.dma_semaphore, #tpu.memory_space<semaphore_mem>> -> memref<1x!tpu.dma_semaphore, #tpu.memory_space<semaphore_mem>>
      %dma_start3A_152 = tpu.memref_squeeze %dma_start3A_151 : memref<1x!tpu.dma_semaphore, #tpu.memory_space<semaphore_mem>> -> memref<!tpu.dma_semaphore, #tpu.memory_space<semaphore_mem>>
      tpu.enqueue_indirect_dma source(%dma_start3A_144 : memref<125x128xf32, #tpu.memory_space<vmem>>) target(%dma_start3A_150 : memref<10240x128xf32, #tpu.memory_space<vmem_shared>>) offsets(%dma_start3A_147 : memref<125xi32, #tpu.memory_space<vmem>>) semaphore(%dma_start3A_152 : memref<!tpu.dma_semaphore, #tpu.memory_space<semaphore_mem>>) {add = true}
      %mul3A_153 = arith.constant 8 : i32
      %mul3A_154 = arith.muli %scan3A_80, %mul3A_153 : i32
      %add3A_155 = arith.constant 1 : i32
      %add3A_156 = arith.addi %mul3A_154, %add3A_155 : i32
      %jit3A_157 = arith.constant 2 : i32
      %eq3A_158 = arith.constant 0 : i32
      %eq3A_159 = arith.cmpi eq, %jit3A_157, %eq3A_158 : i32
      %jit3A_160 = arith.constant 1 : i32
      %select_n3A_161 = arith.select %eq3A_159, %jit3A_160, %jit3A_157 : i32
      %rem3A_162 = arith.remsi %add3A_156, %select_n3A_161 : i32
      %ne3A_163 = arith.constant 0 : i32
      %ne3A_164 = arith.cmpi ne, %rem3A_162, %ne3A_163 : i32
      %lt3A_165 = arith.constant 0 : i32
      %lt3A_166 = arith.cmpi slt, %rem3A_162, %lt3A_165 : i32
      %lt3A_167 = arith.constant 0 : i32
      %lt3A_168 = arith.cmpi slt, %select_n3A_161, %lt3A_167 : i32
      %ne3A_169 = arith.xori %lt3A_166, %lt3A_168 : i1
      %and3A_170 = arith.andi %ne3A_169, %ne3A_164 : i1
      %add3A_171 = arith.addi %rem3A_162, %select_n3A_161 : i32
      %select_n3A_172 = arith.select %and3A_170, %add3A_171, %rem3A_162 : i32
      %dma_wait3A_173 = arith.constant 1 : i32
      %dma_wait3A_174 = arith.constant 0 : i32
      %dma_wait3A_175 = arith.constant 0 : i32
      %dma_wait3A_176 = tpu.memref_slice %arg9[%select_n3A_172, %dma_wait3A_174, %dma_wait3A_175] : memref<2x125x128xf32, #tpu.memory_space<vmem>> -> memref<1x125x128xf32, #tpu.memory_space<vmem>>
      %dma_wait3A_177 = tpu.memref_squeeze %dma_wait3A_176 : memref<1x125x128xf32, #tpu.memory_space<vmem>> -> memref<125x128xf32, #tpu.memory_space<vmem>>
      %dma_wait3A_178 = arith.constant 0 : i32
      %dma_wait3A_179 = tpu.memref_slice %arg7[%select_n3A_89, %dma_wait3A_173, %dma_wait3A_178] : memref<2x8x125xi32, #tpu.memory_space<vmem>> -> memref<1x1x125xi32, #tpu.memory_space<vmem>>
      %dma_wait3A_180 = tpu.memref_squeeze %dma_wait3A_179 : memref<1x1x125xi32, #tpu.memory_space<vmem>> -> memref<125xi32, #tpu.memory_space<vmem>>
      %dma_wait3A_181 = arith.constant 0 : i32
      %dma_wait3A_182 = arith.constant 0 : i32
      %dma_wait3A_183 = tpu.memref_slice %arg2[%dma_wait3A_181, %dma_wait3A_182] : memref<10000x128xf32, #tpu.memory_space<hbm>> -> memref<10000x128xf32, #tpu.memory_space<hbm>>
      %dma_wait3A_184 = tpu.memref_slice %arg11[%select_n3A_172] : memref<2x!tpu.dma_semaphore, #tpu.memory_space<semaphore_mem>> -> memref<1x!tpu.dma_semaphore, #tpu.memory_space<semaphore_mem>>
      %dma_wait3A_185 = tpu.memref_squeeze %dma_wait3A_184 : memref<1x!tpu.dma_semaphore, #tpu.memory_space<semaphore_mem>> -> memref<!tpu.dma_semaphore, #tpu.memory_space<semaphore_mem>>
      tpu.wait_indirect_dma semaphore(%dma_wait3A_185 : memref<!tpu.dma_semaphore, #tpu.memory_space<semaphore_mem>>) src(%dma_wait3A_183 : memref<10000x128xf32, #tpu.memory_space<hbm>>) dst(%dma_wait3A_177 : memref<125x128xf32, #tpu.memory_space<vmem>>)
      %dma_wait3A_186 = arith.constant 0 : i32
      %dma_wait3A_187 = arith.constant 1 : i32
      %dma_wait3A_188 = arith.constant 0 : i32
      %dma_wait3A_189 = arith.constant 0 : i32
      %dma_wait3A_190 = arith.constant 0 : i32
      %dma_wait3A_191 = tpu.memref_slice %arg9[%dma_wait3A_186, %dma_wait3A_189, %dma_wait3A_190] : memref<2x125x128xf32, #tpu.memory_space<vmem>> -> memref<1x125x128xf32, #tpu.memory_space<vmem>>
      %dma_wait3A_192 = tpu.memref_squeeze %dma_wait3A_191 : memref<1x125x128xf32, #tpu.memory_space<vmem>> -> memref<125x128xf32, #tpu.memory_space<vmem>>
      %dma_wait3A_193 = arith.constant 0 : i32
      %dma_wait3A_194 = tpu.memref_slice %arg8[%select_n3A_89, %dma_wait3A_187, %dma_wait3A_193] : memref<2x8x125xi32, #tpu.memory_space<vmem>> -> memref<1x1x125xi32, #tpu.memory_space<vmem>>
      %dma_wait3A_195 = tpu.memref_squeeze %dma_wait3A_194 : memref<1x1x125xi32, #tpu.memory_space<vmem>> -> memref<125xi32, #tpu.memory_space<vmem>>
      %dma_wait3A_196 = arith.constant 0 : i32
      %dma_wait3A_197 = arith.constant 0 : i32
      %dma_wait3A_198 = tpu.memref_slice %arg10[%dma_wait3A_196, %dma_wait3A_197] : memref<10240x128xf32, #tpu.memory_space<vmem_shared>> -> memref<10240x128xf32, #tpu.memory_space<vmem_shared>>
      %dma_wait3A_199 = tpu.memref_slice %arg12[%dma_wait3A_188] : memref<2x!tpu.dma_semaphore, #tpu.memory_space<semaphore_mem>> -> memref<1x!tpu.dma_semaphore, #tpu.memory_space<semaphore_mem>>
      %dma_wait3A_200 = tpu.memref_squeeze %dma_wait3A_199 : memref<1x!tpu.dma_semaphore, #tpu.memory_space<semaphore_mem>> -> memref<!tpu.dma_semaphore, #tpu.memory_space<semaphore_mem>>
      tpu.wait_indirect_dma semaphore(%dma_wait3A_200 : memref<!tpu.dma_semaphore, #tpu.memory_space<semaphore_mem>>) src(%dma_wait3A_192 : memref<125x128xf32, #tpu.memory_space<vmem>>) dst(%dma_wait3A_198 : memref<10240x128xf32, #tpu.memory_space<vmem_shared>>)
      %ge3A_201 = arith.constant 1 : i32
      %ge3A_202 = arith.cmpi sge, %scan3A_80, %ge3A_201 : i32
      %add3A_203 = arith.constant 1 : i32
      %add3A_204 = arith.addi %scan3A_80, %add3A_203 : i32
      %lt3A_205 = arith.constant 10 : i32
      %lt3A_206 = arith.cmpi slt, %add3A_204, %lt3A_205 : i32
      %and3A_207 = arith.andi %ge3A_202, %lt3A_206 : i1
      %convert_element_type3A_208 = arith.extui %and3A_207 : i1 to i32
      %cond3A_209 = arith.constant 0 : i32
      %cond3A_210 = arith.cmpi ne, %convert_element_type3A_208, %cond3A_209 : i32
      scf.if %cond3A_210 {
        %add3A_687 = arith.constant 1 : i32
        %add3A_688 = arith.addi %scan3A_80, %add3A_687 : i32
        %mul3A_689 = arith.constant 8 : i32
        %mul3A_690 = arith.muli %add3A_688, %mul3A_689 : i32
        %multiple_of3A_691 = tpu.assume_multiple %mul3A_690, 8 : i32
        %sub3A = arith.constant 1 : i32
        %sub3A_692 = arith.subi %sub3A, %select_n3A_89 : i32
        %sub3A_693 = arith.constant 1 : i32
        %sub3A_694 = arith.subi %sub3A_693, %select_n3A_89 : i32
        %dma_start3A_695 = arith.constant 0 : i32
        %dma_start3A_696 = arith.constant 0 : i32
        %dma_start3A_697 = tpu.memref_slice %arg7[%sub3A_692, %dma_start3A_695, %dma_start3A_696] : memref<2x8x125xi32, #tpu.memory_space<vmem>> -> memref<1x8x125xi32, #tpu.memory_space<vmem>>
        %dma_start3A_698 = tpu.memref_squeeze %dma_start3A_697 : memref<1x8x125xi32, #tpu.memory_space<vmem>> -> memref<8x125xi32, #tpu.memory_space<vmem>>
        %dma_start3A_699 = arith.constant 0 : i32
        %dma_start3A_700 = tpu.memref_slice %arg3[%add3A, %multiple_of3A_691, %dma_start3A_699] : memref<32x80x125xi32, #tpu.memory_space<hbm>> -> memref<1x8x125xi32, #tpu.memory_space<hbm>>
        %dma_start3A_701 = tpu.memref_squeeze %dma_start3A_700 : memref<1x8x125xi32, #tpu.memory_space<hbm>> -> memref<8x125xi32, #tpu.memory_space<hbm>>
        %dma_start3A_702 = tpu.memref_slice %arg13[%sub3A_694] : memref<2x!tpu.dma_semaphore, #tpu.memory_space<semaphore_mem>> -> memref<1x!tpu.dma_semaphore, #tpu.memory_space<semaphore_mem>>
        %dma_start3A_703 = tpu.memref_squeeze %dma_start3A_702 : memref<1x!tpu.dma_semaphore, #tpu.memory_space<semaphore_mem>> -> memref<!tpu.dma_semaphore, #tpu.memory_space<semaphore_mem>>
        %dma_start3A_704 = arith.constant 0 : i32
        %dma_start3A_705 = arith.constant 0 : i32
        %dma_start3A_706 = tpu.memref_slice %arg7[%sub3A_692, %dma_start3A_704, %dma_start3A_705] : memref<2x8x125xi32, #tpu.memory_space<vmem>> -> memref<1x8x125xi32, #tpu.memory_space<vmem>>
        %dma_start3A_707 = tpu.memref_squeeze %dma_start3A_706 : memref<1x8x125xi32, #tpu.memory_space<vmem>> -> memref<8x125xi32, #tpu.memory_space<vmem>>
        %dma_start3A_708 = arith.constant 0 : i32
        %dma_start3A_709 = tpu.memref_slice %arg3[%add3A, %multiple_of3A_691, %dma_start3A_708] : memref<32x80x125xi32, #tpu.memory_space<hbm>> -> memref<1x8x125xi32, #tpu.memory_space<hbm>>
        %dma_start3A_710 = tpu.memref_squeeze %dma_start3A_709 : memref<1x8x125xi32, #tpu.memory_space<hbm>> -> memref<8x125xi32, #tpu.memory_space<hbm>>
        tpu.enqueue_dma source(%dma_start3A_710 : memref<8x125xi32, #tpu.memory_space<hbm>>) target(%dma_start3A_707 : memref<8x125xi32, #tpu.memory_space<vmem>>) target_semaphore(%dma_start3A_703 : memref<!tpu.dma_semaphore, #tpu.memory_space<semaphore_mem>>)
        %sub3A_711 = arith.constant 1 : i32
        %sub3A_712 = arith.subi %sub3A_711, %select_n3A_89 : i32
        %sub3A_713 = arith.constant 1 : i32
        %sub3A_714 = arith.subi %sub3A_713, %select_n3A_89 : i32
        %dma_start3A_715 = arith.constant 0 : i32
        %dma_start3A_716 = arith.constant 0 : i32
        %dma_start3A_717 = tpu.memref_slice %arg8[%sub3A_712, %dma_start3A_715, %dma_start3A_716] : memref<2x8x125xi32, #tpu.memory_space<vmem>> -> memref<1x8x125xi32, #tpu.memory_space<vmem>>
        %dma_start3A_718 = tpu.memref_squeeze %dma_start3A_717 : memref<1x8x125xi32, #tpu.memory_space<vmem>> -> memref<8x125xi32, #tpu.memory_space<vmem>>
        %dma_start3A_719 = arith.constant 0 : i32
        %dma_start3A_720 = tpu.memref_slice %arg4[%add3A, %multiple_of3A_691, %dma_start3A_719] : memref<32x80x125xi32, #tpu.memory_space<hbm>> -> memref<1x8x125xi32, #tpu.memory_space<hbm>>
        %dma_start3A_721 = tpu.memref_squeeze %dma_start3A_720 : memref<1x8x125xi32, #tpu.memory_space<hbm>> -> memref<8x125xi32, #tpu.memory_space<hbm>>
        %dma_start3A_722 = tpu.memref_slice %arg13[%sub3A_714] : memref<2x!tpu.dma_semaphore, #tpu.memory_space<semaphore_mem>> -> memref<1x!tpu.dma_semaphore, #tpu.memory_space<semaphore_mem>>
        %dma_start3A_723 = tpu.memref_squeeze %dma_start3A_722 : memref<1x!tpu.dma_semaphore, #tpu.memory_space<semaphore_mem>> -> memref<!tpu.dma_semaphore, #tpu.memory_space<semaphore_mem>>
        %dma_start3A_724 = arith.constant 0 : i32
        %dma_start3A_725 = arith.constant 0 : i32
        %dma_start3A_726 = tpu.memref_slice %arg8[%sub3A_712, %dma_start3A_724, %dma_start3A_725] : memref<2x8x125xi32, #tpu.memory_space<vmem>> -> memref<1x8x125xi32, #tpu.memory_space<vmem>>
        %dma_start3A_727 = tpu.memref_squeeze %dma_start3A_726 : memref<1x8x125xi32, #tpu.memory_space<vmem>> -> memref<8x125xi32, #tpu.memory_space<vmem>>
        %dma_start3A_728 = arith.constant 0 : i32
        %dma_start3A_729 = tpu.memref_slice %arg4[%add3A, %multiple_of3A_691, %dma_start3A_728] : memref<32x80x125xi32, #tpu.memory_space<hbm>> -> memref<1x8x125xi32, #tpu.memory_space<hbm>>
        %dma_start3A_730 = tpu.memref_squeeze %dma_start3A_729 : memref<1x8x125xi32, #tpu.memory_space<hbm>> -> memref<8x125xi32, #tpu.memory_space<hbm>>
        tpu.enqueue_dma source(%dma_start3A_730 : memref<8x125xi32, #tpu.memory_space<hbm>>) target(%dma_start3A_727 : memref<8x125xi32, #tpu.memory_space<vmem>>) target_semaphore(%dma_start3A_723 : memref<!tpu.dma_semaphore, #tpu.memory_space<semaphore_mem>>)
      } else {
      }
      %dma_start3A_211 = arith.constant 2 : i32
      %dma_start3A_212 = arith.constant 0 : i32
      %dma_start3A_213 = arith.constant 0 : i32
      %dma_start3A_214 = arith.constant 0 : i32
      %dma_start3A_215 = arith.constant 0 : i32
      %dma_start3A_216 = tpu.memref_slice %arg9[%dma_start3A_212, %dma_start3A_214, %dma_start3A_215] : memref<2x125x128xf32, #tpu.memory_space<vmem>> -> memref<1x125x128xf32, #tpu.memory_space<vmem>>
      %dma_start3A_217 = tpu.memref_squeeze %dma_start3A_216 : memref<1x125x128xf32, #tpu.memory_space<vmem>> -> memref<125x128xf32, #tpu.memory_space<vmem>>
      %dma_start3A_218 = arith.constant 0 : i32
      %dma_start3A_219 = tpu.memref_slice %arg7[%select_n3A_89, %dma_start3A_211, %dma_start3A_218] : memref<2x8x125xi32, #tpu.memory_space<vmem>> -> memref<1x1x125xi32, #tpu.memory_space<vmem>>
      %dma_start3A_220 = tpu.memref_squeeze %dma_start3A_219 : memref<1x1x125xi32, #tpu.memory_space<vmem>> -> memref<125xi32, #tpu.memory_space<vmem>>
      %dma_start3A_221 = arith.constant 0 : i32
      %dma_start3A_222 = arith.constant 0 : i32
      %dma_start3A_223 = tpu.memref_slice %arg2[%dma_start3A_221, %dma_start3A_222] : memref<10000x128xf32, #tpu.memory_space<hbm>> -> memref<10000x128xf32, #tpu.memory_space<hbm>>
      %dma_start3A_224 = tpu.memref_slice %arg11[%dma_start3A_213] : memref<2x!tpu.dma_semaphore, #tpu.memory_space<semaphore_mem>> -> memref<1x!tpu.dma_semaphore, #tpu.memory_space<semaphore_mem>>
      %dma_start3A_225 = tpu.memref_squeeze %dma_start3A_224 : memref<1x!tpu.dma_semaphore, #tpu.memory_space<semaphore_mem>> -> memref<!tpu.dma_semaphore, #tpu.memory_space<semaphore_mem>>
      tpu.enqueue_indirect_dma source(%dma_start3A_223 : memref<10000x128xf32, #tpu.memory_space<hbm>>) target(%dma_start3A_217 : memref<125x128xf32, #tpu.memory_space<vmem>>) offsets(%dma_start3A_220 : memref<125xi32, #tpu.memory_space<vmem>>) semaphore(%dma_start3A_225 : memref<!tpu.dma_semaphore, #tpu.memory_space<semaphore_mem>>)
      %dma_start3A_226 = arith.constant 1 : i32
      %dma_start3A_227 = arith.constant 0 : i32
      %dma_start3A_228 = arith.constant 0 : i32
      %dma_start3A_229 = tpu.memref_slice %arg9[%select_n3A_172, %dma_start3A_227, %dma_start3A_228] : memref<2x125x128xf32, #tpu.memory_space<vmem>> -> memref<1x125x128xf32, #tpu.memory_space<vmem>>
      %dma_start3A_230 = tpu.memref_squeeze %dma_start3A_229 : memref<1x125x128xf32, #tpu.memory_space<vmem>> -> memref<125x128xf32, #tpu.memory_space<vmem>>
      %dma_start3A_231 = arith.constant 0 : i32
      %dma_start3A_232 = tpu.memref_slice %arg8[%select_n3A_89, %dma_start3A_226, %dma_start3A_231] : memref<2x8x125xi32, #tpu.memory_space<vmem>> -> memref<1x1x125xi32, #tpu.memory_space<vmem>>
      %dma_start3A_233 = tpu.memref_squeeze %dma_start3A_232 : memref<1x1x125xi32, #tpu.memory_space<vmem>> -> memref<125xi32, #tpu.memory_space<vmem>>
      %dma_start3A_234 = arith.constant 0 : i32
      %dma_start3A_235 = arith.constant 0 : i32
      %dma_start3A_236 = tpu.memref_slice %arg10[%dma_start3A_234, %dma_start3A_235] : memref<10240x128xf32, #tpu.memory_space<vmem_shared>> -> memref<10240x128xf32, #tpu.memory_space<vmem_shared>>
      %dma_start3A_237 = tpu.memref_slice %arg12[%select_n3A_172] : memref<2x!tpu.dma_semaphore, #tpu.memory_space<semaphore_mem>> -> memref<1x!tpu.dma_semaphore, #tpu.memory_space<semaphore_mem>>
      %dma_start3A_238 = tpu.memref_squeeze %dma_start3A_237 : memref<1x!tpu.dma_semaphore, #tpu.memory_space<semaphore_mem>> -> memref<!tpu.dma_semaphore, #tpu.memory_space<semaphore_mem>>
      tpu.enqueue_indirect_dma source(%dma_start3A_230 : memref<125x128xf32, #tpu.memory_space<vmem>>) target(%dma_start3A_236 : memref<10240x128xf32, #tpu.memory_space<vmem_shared>>) offsets(%dma_start3A_233 : memref<125xi32, #tpu.memory_space<vmem>>) semaphore(%dma_start3A_238 : memref<!tpu.dma_semaphore, #tpu.memory_space<semaphore_mem>>) {add = true}
      %mul3A_239 = arith.constant 8 : i32
      %mul3A_240 = arith.muli %scan3A_80, %mul3A_239 : i32
      %add3A_241 = arith.constant 2 : i32
      %add3A_242 = arith.addi %mul3A_240, %add3A_241 : i32
      %jit3A_243 = arith.constant 2 : i32
      %eq3A_244 = arith.constant 0 : i32
      %eq3A_245 = arith.cmpi eq, %jit3A_243, %eq3A_244 : i32
      %jit3A_246 = arith.constant 1 : i32
      %select_n3A_247 = arith.select %eq3A_245, %jit3A_246, %jit3A_243 : i32
      %rem3A_248 = arith.remsi %add3A_242, %select_n3A_247 : i32
      %ne3A_249 = arith.constant 0 : i32
      %ne3A_250 = arith.cmpi ne, %rem3A_248, %ne3A_249 : i32
      %lt3A_251 = arith.constant 0 : i32
      %lt3A_252 = arith.cmpi slt, %rem3A_248, %lt3A_251 : i32
      %lt3A_253 = arith.constant 0 : i32
      %lt3A_254 = arith.cmpi slt, %select_n3A_247, %lt3A_253 : i32
      %ne3A_255 = arith.xori %lt3A_252, %lt3A_254 : i1
      %and3A_256 = arith.andi %ne3A_255, %ne3A_250 : i1
      %add3A_257 = arith.addi %rem3A_248, %select_n3A_247 : i32
      %select_n3A_258 = arith.select %and3A_256, %add3A_257, %rem3A_248 : i32
      %dma_wait3A_259 = arith.constant 2 : i32
      %dma_wait3A_260 = arith.constant 0 : i32
      %dma_wait3A_261 = arith.constant 0 : i32
      %dma_wait3A_262 = tpu.memref_slice %arg9[%select_n3A_258, %dma_wait3A_260, %dma_wait3A_261] : memref<2x125x128xf32, #tpu.memory_space<vmem>> -> memref<1x125x128xf32, #tpu.memory_space<vmem>>
      %dma_wait3A_263 = tpu.memref_squeeze %dma_wait3A_262 : memref<1x125x128xf32, #tpu.memory_space<vmem>> -> memref<125x128xf32, #tpu.memory_space<vmem>>
      %dma_wait3A_264 = arith.constant 0 : i32
      %dma_wait3A_265 = tpu.memref_slice %arg7[%select_n3A_89, %dma_wait3A_259, %dma_wait3A_264] : memref<2x8x125xi32, #tpu.memory_space<vmem>> -> memref<1x1x125xi32, #tpu.memory_space<vmem>>
      %dma_wait3A_266 = tpu.memref_squeeze %dma_wait3A_265 : memref<1x1x125xi32, #tpu.memory_space<vmem>> -> memref<125xi32, #tpu.memory_space<vmem>>
      %dma_wait3A_267 = arith.constant 0 : i32
      %dma_wait3A_268 = arith.constant 0 : i32
      %dma_wait3A_269 = tpu.memref_slice %arg2[%dma_wait3A_267, %dma_wait3A_268] : memref<10000x128xf32, #tpu.memory_space<hbm>> -> memref<10000x128xf32, #tpu.memory_space<hbm>>
      %dma_wait3A_270 = tpu.memref_slice %arg11[%select_n3A_258] : memref<2x!tpu.dma_semaphore, #tpu.memory_space<semaphore_mem>> -> memref<1x!tpu.dma_semaphore, #tpu.memory_space<semaphore_mem>>
      %dma_wait3A_271 = tpu.memref_squeeze %dma_wait3A_270 : memref<1x!tpu.dma_semaphore, #tpu.memory_space<semaphore_mem>> -> memref<!tpu.dma_semaphore, #tpu.memory_space<semaphore_mem>>
      tpu.wait_indirect_dma semaphore(%dma_wait3A_271 : memref<!tpu.dma_semaphore, #tpu.memory_space<semaphore_mem>>) src(%dma_wait3A_269 : memref<10000x128xf32, #tpu.memory_space<hbm>>) dst(%dma_wait3A_263 : memref<125x128xf32, #tpu.memory_space<vmem>>)
      %dma_wait3A_272 = arith.constant 1 : i32
      %dma_wait3A_273 = arith.constant 2 : i32
      %dma_wait3A_274 = arith.constant 1 : i32
      %dma_wait3A_275 = arith.constant 0 : i32
      %dma_wait3A_276 = arith.constant 0 : i32
      %dma_wait3A_277 = tpu.memref_slice %arg9[%dma_wait3A_272, %dma_wait3A_275, %dma_wait3A_276] : memref<2x125x128xf32, #tpu.memory_space<vmem>> -> memref<1x125x128xf32, #tpu.memory_space<vmem>>
      %dma_wait3A_278 = tpu.memref_squeeze %dma_wait3A_277 : memref<1x125x128xf32, #tpu.memory_space<vmem>> -> memref<125x128xf32, #tpu.memory_space<vmem>>
      %dma_wait3A_279 = arith.constant 0 : i32
      %dma_wait3A_280 = tpu.memref_slice %arg8[%select_n3A_89, %dma_wait3A_273, %dma_wait3A_279] : memref<2x8x125xi32, #tpu.memory_space<vmem>> -> memref<1x1x125xi32, #tpu.memory_space<vmem>>
      %dma_wait3A_281 = tpu.memref_squeeze %dma_wait3A_280 : memref<1x1x125xi32, #tpu.memory_space<vmem>> -> memref<125xi32, #tpu.memory_space<vmem>>
      %dma_wait3A_282 = arith.constant 0 : i32
      %dma_wait3A_283 = arith.constant 0 : i32
      %dma_wait3A_284 = tpu.memref_slice %arg10[%dma_wait3A_282, %dma_wait3A_283] : memref<10240x128xf32, #tpu.memory_space<vmem_shared>> -> memref<10240x128xf32, #tpu.memory_space<vmem_shared>>
      %dma_wait3A_285 = tpu.memref_slice %arg12[%dma_wait3A_274] : memref<2x!tpu.dma_semaphore, #tpu.memory_space<semaphore_mem>> -> memref<1x!tpu.dma_semaphore, #tpu.memory_space<semaphore_mem>>
      %dma_wait3A_286 = tpu.memref_squeeze %dma_wait3A_285 : memref<1x!tpu.dma_semaphore, #tpu.memory_space<semaphore_mem>> -> memref<!tpu.dma_semaphore, #tpu.memory_space<semaphore_mem>>
      tpu.wait_indirect_dma semaphore(%dma_wait3A_286 : memref<!tpu.dma_semaphore, #tpu.memory_space<semaphore_mem>>) src(%dma_wait3A_278 : memref<125x128xf32, #tpu.memory_space<vmem>>) dst(%dma_wait3A_284 : memref<10240x128xf32, #tpu.memory_space<vmem_shared>>)
      %dma_start3A_287 = arith.constant 3 : i32
      %dma_start3A_288 = arith.constant 1 : i32
      %dma_start3A_289 = arith.constant 1 : i32
      %dma_start3A_290 = arith.constant 0 : i32
      %dma_start3A_291 = arith.constant 0 : i32
      %dma_start3A_292 = tpu.memref_slice %arg9[%dma_start3A_288, %dma_start3A_290, %dma_start3A_291] : memref<2x125x128xf32, #tpu.memory_space<vmem>> -> memref<1x125x128xf32, #tpu.memory_space<vmem>>
      %dma_start3A_293 = tpu.memref_squeeze %dma_start3A_292 : memref<1x125x128xf32, #tpu.memory_space<vmem>> -> memref<125x128xf32, #tpu.memory_space<vmem>>
      %dma_start3A_294 = arith.constant 0 : i32
      %dma_start3A_295 = tpu.memref_slice %arg7[%select_n3A_89, %dma_start3A_287, %dma_start3A_294] : memref<2x8x125xi32, #tpu.memory_space<vmem>> -> memref<1x1x125xi32, #tpu.memory_space<vmem>>
      %dma_start3A_296 = tpu.memref_squeeze %dma_start3A_295 : memref<1x1x125xi32, #tpu.memory_space<vmem>> -> memref<125xi32, #tpu.memory_space<vmem>>
      %dma_start3A_297 = arith.constant 0 : i32
      %dma_start3A_298 = arith.constant 0 : i32
      %dma_start3A_299 = tpu.memref_slice %arg2[%dma_start3A_297, %dma_start3A_298] : memref<10000x128xf32, #tpu.memory_space<hbm>> -> memref<10000x128xf32, #tpu.memory_space<hbm>>
      %dma_start3A_300 = tpu.memref_slice %arg11[%dma_start3A_289] : memref<2x!tpu.dma_semaphore, #tpu.memory_space<semaphore_mem>> -> memref<1x!tpu.dma_semaphore, #tpu.memory_space<semaphore_mem>>
      %dma_start3A_301 = tpu.memref_squeeze %dma_start3A_300 : memref<1x!tpu.dma_semaphore, #tpu.memory_space<semaphore_mem>> -> memref<!tpu.dma_semaphore, #tpu.memory_space<semaphore_mem>>
      tpu.enqueue_indirect_dma source(%dma_start3A_299 : memref<10000x128xf32, #tpu.memory_space<hbm>>) target(%dma_start3A_293 : memref<125x128xf32, #tpu.memory_space<vmem>>) offsets(%dma_start3A_296 : memref<125xi32, #tpu.memory_space<vmem>>) semaphore(%dma_start3A_301 : memref<!tpu.dma_semaphore, #tpu.memory_space<semaphore_mem>>)
      %dma_start3A_302 = arith.constant 2 : i32
      %dma_start3A_303 = arith.constant 0 : i32
      %dma_start3A_304 = arith.constant 0 : i32
      %dma_start3A_305 = tpu.memref_slice %arg9[%select_n3A_258, %dma_start3A_303, %dma_start3A_304] : memref<2x125x128xf32, #tpu.memory_space<vmem>> -> memref<1x125x128xf32, #tpu.memory_space<vmem>>
      %dma_start3A_306 = tpu.memref_squeeze %dma_start3A_305 : memref<1x125x128xf32, #tpu.memory_space<vmem>> -> memref<125x128xf32, #tpu.memory_space<vmem>>
      %dma_start3A_307 = arith.constant 0 : i32
      %dma_start3A_308 = tpu.memref_slice %arg8[%select_n3A_89, %dma_start3A_302, %dma_start3A_307] : memref<2x8x125xi32, #tpu.memory_space<vmem>> -> memref<1x1x125xi32, #tpu.memory_space<vmem>>
      %dma_start3A_309 = tpu.memref_squeeze %dma_start3A_308 : memref<1x1x125xi32, #tpu.memory_space<vmem>> -> memref<125xi32, #tpu.memory_space<vmem>>
      %dma_start3A_310 = arith.constant 0 : i32
      %dma_start3A_311 = arith.constant 0 : i32
      %dma_start3A_312 = tpu.memref_slice %arg10[%dma_start3A_310, %dma_start3A_311] : memref<10240x128xf32, #tpu.memory_space<vmem_shared>> -> memref<10240x128xf32, #tpu.memory_space<vmem_shared>>
      %dma_start3A_313 = tpu.memref_slice %arg12[%select_n3A_258] : memref<2x!tpu.dma_semaphore, #tpu.memory_space<semaphore_mem>> -> memref<1x!tpu.dma_semaphore, #tpu.memory_space<semaphore_mem>>
      %dma_start3A_314 = tpu.memref_squeeze %dma_start3A_313 : memref<1x!tpu.dma_semaphore, #tpu.memory_space<semaphore_mem>> -> memref<!tpu.dma_semaphore, #tpu.memory_space<semaphore_mem>>
      tpu.enqueue_indirect_dma source(%dma_start3A_306 : memref<125x128xf32, #tpu.memory_space<vmem>>) target(%dma_start3A_312 : memref<10240x128xf32, #tpu.memory_space<vmem_shared>>) offsets(%dma_start3A_309 : memref<125xi32, #tpu.memory_space<vmem>>) semaphore(%dma_start3A_314 : memref<!tpu.dma_semaphore, #tpu.memory_space<semaphore_mem>>) {add = true}
      %mul3A_315 = arith.constant 8 : i32
      %mul3A_316 = arith.muli %scan3A_80, %mul3A_315 : i32
      %add3A_317 = arith.constant 3 : i32
      %add3A_318 = arith.addi %mul3A_316, %add3A_317 : i32
      %jit3A_319 = arith.constant 2 : i32
      %eq3A_320 = arith.constant 0 : i32
      %eq3A_321 = arith.cmpi eq, %jit3A_319, %eq3A_320 : i32
      %jit3A_322 = arith.constant 1 : i32
      %select_n3A_323 = arith.select %eq3A_321, %jit3A_322, %jit3A_319 : i32
      %rem3A_324 = arith.remsi %add3A_318, %select_n3A_323 : i32
      %ne3A_325 = arith.constant 0 : i32
      %ne3A_326 = arith.cmpi ne, %rem3A_324, %ne3A_325 : i32
      %lt3A_327 = arith.constant 0 : i32
      %lt3A_328 = arith.cmpi slt, %rem3A_324, %lt3A_327 : i32
      %lt3A_329 = arith.constant 0 : i32
      %lt3A_330 = arith.cmpi slt, %select_n3A_323, %lt3A_329 : i32
      %ne3A_331 = arith.xori %lt3A_328, %lt3A_330 : i1
      %and3A_332 = arith.andi %ne3A_331, %ne3A_326 : i1
      %add3A_333 = arith.addi %rem3A_324, %select_n3A_323 : i32
      %select_n3A_334 = arith.select %and3A_332, %add3A_333, %rem3A_324 : i32
      %dma_wait3A_335 = arith.constant 3 : i32
      %dma_wait3A_336 = arith.constant 0 : i32
      %dma_wait3A_337 = arith.constant 0 : i32
      %dma_wait3A_338 = tpu.memref_slice %arg9[%select_n3A_334, %dma_wait3A_336, %dma_wait3A_337] : memref<2x125x128xf32, #tpu.memory_space<vmem>> -> memref<1x125x128xf32, #tpu.memory_space<vmem>>
      %dma_wait3A_339 = tpu.memref_squeeze %dma_wait3A_338 : memref<1x125x128xf32, #tpu.memory_space<vmem>> -> memref<125x128xf32, #tpu.memory_space<vmem>>
      %dma_wait3A_340 = arith.constant 0 : i32
      %dma_wait3A_341 = tpu.memref_slice %arg7[%select_n3A_89, %dma_wait3A_335, %dma_wait3A_340] : memref<2x8x125xi32, #tpu.memory_space<vmem>> -> memref<1x1x125xi32, #tpu.memory_space<vmem>>
      %dma_wait3A_342 = tpu.memref_squeeze %dma_wait3A_341 : memref<1x1x125xi32, #tpu.memory_space<vmem>> -> memref<125xi32, #tpu.memory_space<vmem>>
      %dma_wait3A_343 = arith.constant 0 : i32
      %dma_wait3A_344 = arith.constant 0 : i32
      %dma_wait3A_345 = tpu.memref_slice %arg2[%dma_wait3A_343, %dma_wait3A_344] : memref<10000x128xf32, #tpu.memory_space<hbm>> -> memref<10000x128xf32, #tpu.memory_space<hbm>>
      %dma_wait3A_346 = tpu.memref_slice %arg11[%select_n3A_334] : memref<2x!tpu.dma_semaphore, #tpu.memory_space<semaphore_mem>> -> memref<1x!tpu.dma_semaphore, #tpu.memory_space<semaphore_mem>>
      %dma_wait3A_347 = tpu.memref_squeeze %dma_wait3A_346 : memref<1x!tpu.dma_semaphore, #tpu.memory_space<semaphore_mem>> -> memref<!tpu.dma_semaphore, #tpu.memory_space<semaphore_mem>>
      tpu.wait_indirect_dma semaphore(%dma_wait3A_347 : memref<!tpu.dma_semaphore, #tpu.memory_space<semaphore_mem>>) src(%dma_wait3A_345 : memref<10000x128xf32, #tpu.memory_space<hbm>>) dst(%dma_wait3A_339 : memref<125x128xf32, #tpu.memory_space<vmem>>)
      %dma_wait3A_348 = arith.constant 0 : i32
      %dma_wait3A_349 = arith.constant 3 : i32
      %dma_wait3A_350 = arith.constant 0 : i32
      %dma_wait3A_351 = arith.constant 0 : i32
      %dma_wait3A_352 = arith.constant 0 : i32
      %dma_wait3A_353 = tpu.memref_slice %arg9[%dma_wait3A_348, %dma_wait3A_351, %dma_wait3A_352] : memref<2x125x128xf32, #tpu.memory_space<vmem>> -> memref<1x125x128xf32, #tpu.memory_space<vmem>>
      %dma_wait3A_354 = tpu.memref_squeeze %dma_wait3A_353 : memref<1x125x128xf32, #tpu.memory_space<vmem>> -> memref<125x128xf32, #tpu.memory_space<vmem>>
      %dma_wait3A_355 = arith.constant 0 : i32
      %dma_wait3A_356 = tpu.memref_slice %arg8[%select_n3A_89, %dma_wait3A_349, %dma_wait3A_355] : memref<2x8x125xi32, #tpu.memory_space<vmem>> -> memref<1x1x125xi32, #tpu.memory_space<vmem>>
      %dma_wait3A_357 = tpu.memref_squeeze %dma_wait3A_356 : memref<1x1x125xi32, #tpu.memory_space<vmem>> -> memref<125xi32, #tpu.memory_space<vmem>>
      %dma_wait3A_358 = arith.constant 0 : i32
      %dma_wait3A_359 = arith.constant 0 : i32
      %dma_wait3A_360 = tpu.memref_slice %arg10[%dma_wait3A_358, %dma_wait3A_359] : memref<10240x128xf32, #tpu.memory_space<vmem_shared>> -> memref<10240x128xf32, #tpu.memory_space<vmem_shared>>
      %dma_wait3A_361 = tpu.memref_slice %arg12[%dma_wait3A_350] : memref<2x!tpu.dma_semaphore, #tpu.memory_space<semaphore_mem>> -> memref<1x!tpu.dma_semaphore, #tpu.memory_space<semaphore_mem>>
      %dma_wait3A_362 = tpu.memref_squeeze %dma_wait3A_361 : memref<1x!tpu.dma_semaphore, #tpu.memory_space<semaphore_mem>> -> memref<!tpu.dma_semaphore, #tpu.memory_space<semaphore_mem>>
      tpu.wait_indirect_dma semaphore(%dma_wait3A_362 : memref<!tpu.dma_semaphore, #tpu.memory_space<semaphore_mem>>) src(%dma_wait3A_354 : memref<125x128xf32, #tpu.memory_space<vmem>>) dst(%dma_wait3A_360 : memref<10240x128xf32, #tpu.memory_space<vmem_shared>>)
      %dma_start3A_363 = arith.constant 4 : i32
      %dma_start3A_364 = arith.constant 0 : i32
      %dma_start3A_365 = arith.constant 0 : i32
      %dma_start3A_366 = arith.constant 0 : i32
      %dma_start3A_367 = arith.constant 0 : i32
      %dma_start3A_368 = tpu.memref_slice %arg9[%dma_start3A_364, %dma_start3A_366, %dma_start3A_367] : memref<2x125x128xf32, #tpu.memory_space<vmem>> -> memref<1x125x128xf32, #tpu.memory_space<vmem>>
      %dma_start3A_369 = tpu.memref_squeeze %dma_start3A_368 : memref<1x125x128xf32, #tpu.memory_space<vmem>> -> memref<125x128xf32, #tpu.memory_space<vmem>>
      %dma_start3A_370 = arith.constant 0 : i32
      %dma_start3A_371 = tpu.memref_slice %arg7[%select_n3A_89, %dma_start3A_363, %dma_start3A_370] : memref<2x8x125xi32, #tpu.memory_space<vmem>> -> memref<1x1x125xi32, #tpu.memory_space<vmem>>
      %dma_start3A_372 = tpu.memref_squeeze %dma_start3A_371 : memref<1x1x125xi32, #tpu.memory_space<vmem>> -> memref<125xi32, #tpu.memory_space<vmem>>
      %dma_start3A_373 = arith.constant 0 : i32
      %dma_start3A_374 = arith.constant 0 : i32
      %dma_start3A_375 = tpu.memref_slice %arg2[%dma_start3A_373, %dma_start3A_374] : memref<10000x128xf32, #tpu.memory_space<hbm>> -> memref<10000x128xf32, #tpu.memory_space<hbm>>
      %dma_start3A_376 = tpu.memref_slice %arg11[%dma_start3A_365] : memref<2x!tpu.dma_semaphore, #tpu.memory_space<semaphore_mem>> -> memref<1x!tpu.dma_semaphore, #tpu.memory_space<semaphore_mem>>
      %dma_start3A_377 = tpu.memref_squeeze %dma_start3A_376 : memref<1x!tpu.dma_semaphore, #tpu.memory_space<semaphore_mem>> -> memref<!tpu.dma_semaphore, #tpu.memory_space<semaphore_mem>>
      tpu.enqueue_indirect_dma source(%dma_start3A_375 : memref<10000x128xf32, #tpu.memory_space<hbm>>) target(%dma_start3A_369 : memref<125x128xf32, #tpu.memory_space<vmem>>) offsets(%dma_start3A_372 : memref<125xi32, #tpu.memory_space<vmem>>) semaphore(%dma_start3A_377 : memref<!tpu.dma_semaphore, #tpu.memory_space<semaphore_mem>>)
      %dma_start3A_378 = arith.constant 3 : i32
      %dma_start3A_379 = arith.constant 0 : i32
      %dma_start3A_380 = arith.constant 0 : i32
      %dma_start3A_381 = tpu.memref_slice %arg9[%select_n3A_334, %dma_start3A_379, %dma_start3A_380] : memref<2x125x128xf32, #tpu.memory_space<vmem>> -> memref<1x125x128xf32, #tpu.memory_space<vmem>>
      %dma_start3A_382 = tpu.memref_squeeze %dma_start3A_381 : memref<1x125x128xf32, #tpu.memory_space<vmem>> -> memref<125x128xf32, #tpu.memory_space<vmem>>
      %dma_start3A_383 = arith.constant 0 : i32
      %dma_start3A_384 = tpu.memref_slice %arg8[%select_n3A_89, %dma_start3A_378, %dma_start3A_383] : memref<2x8x125xi32, #tpu.memory_space<vmem>> -> memref<1x1x125xi32, #tpu.memory_space<vmem>>
      %dma_start3A_385 = tpu.memref_squeeze %dma_start3A_384 : memref<1x1x125xi32, #tpu.memory_space<vmem>> -> memref<125xi32, #tpu.memory_space<vmem>>
      %dma_start3A_386 = arith.constant 0 : i32
      %dma_start3A_387 = arith.constant 0 : i32
      %dma_start3A_388 = tpu.memref_slice %arg10[%dma_start3A_386, %dma_start3A_387] : memref<10240x128xf32, #tpu.memory_space<vmem_shared>> -> memref<10240x128xf32, #tpu.memory_space<vmem_shared>>
      %dma_start3A_389 = tpu.memref_slice %arg12[%select_n3A_334] : memref<2x!tpu.dma_semaphore, #tpu.memory_space<semaphore_mem>> -> memref<1x!tpu.dma_semaphore, #tpu.memory_space<semaphore_mem>>
      %dma_start3A_390 = tpu.memref_squeeze %dma_start3A_389 : memref<1x!tpu.dma_semaphore, #tpu.memory_space<semaphore_mem>> -> memref<!tpu.dma_semaphore, #tpu.memory_space<semaphore_mem>>
      tpu.enqueue_indirect_dma source(%dma_start3A_382 : memref<125x128xf32, #tpu.memory_space<vmem>>) target(%dma_start3A_388 : memref<10240x128xf32, #tpu.memory_space<vmem_shared>>) offsets(%dma_start3A_385 : memref<125xi32, #tpu.memory_space<vmem>>) semaphore(%dma_start3A_390 : memref<!tpu.dma_semaphore, #tpu.memory_space<semaphore_mem>>) {add = true}
      %mul3A_391 = arith.constant 8 : i32
      %mul3A_392 = arith.muli %scan3A_80, %mul3A_391 : i32
      %add3A_393 = arith.constant 4 : i32
      %add3A_394 = arith.addi %mul3A_392, %add3A_393 : i32
      %jit3A_395 = arith.constant 2 : i32
      %eq3A_396 = arith.constant 0 : i32
      %eq3A_397 = arith.cmpi eq, %jit3A_395, %eq3A_396 : i32
      %jit3A_398 = arith.constant 1 : i32
      %select_n3A_399 = arith.select %eq3A_397, %jit3A_398, %jit3A_395 : i32
      %rem3A_400 = arith.remsi %add3A_394, %select_n3A_399 : i32
      %ne3A_401 = arith.constant 0 : i32
      %ne3A_402 = arith.cmpi ne, %rem3A_400, %ne3A_401 : i32
      %lt3A_403 = arith.constant 0 : i32
      %lt3A_404 = arith.cmpi slt, %rem3A_400, %lt3A_403 : i32
      %lt3A_405 = arith.constant 0 : i32
      %lt3A_406 = arith.cmpi slt, %select_n3A_399, %lt3A_405 : i32
      %ne3A_407 = arith.xori %lt3A_404, %lt3A_406 : i1
      %and3A_408 = arith.andi %ne3A_407, %ne3A_402 : i1
      %add3A_409 = arith.addi %rem3A_400, %select_n3A_399 : i32
      %select_n3A_410 = arith.select %and3A_408, %add3A_409, %rem3A_400 : i32
      %dma_wait3A_411 = arith.constant 4 : i32
      %dma_wait3A_412 = arith.constant 0 : i32
      %dma_wait3A_413 = arith.constant 0 : i32
      %dma_wait3A_414 = tpu.memref_slice %arg9[%select_n3A_410, %dma_wait3A_412, %dma_wait3A_413] : memref<2x125x128xf32, #tpu.memory_space<vmem>> -> memref<1x125x128xf32, #tpu.memory_space<vmem>>
      %dma_wait3A_415 = tpu.memref_squeeze %dma_wait3A_414 : memref<1x125x128xf32, #tpu.memory_space<vmem>> -> memref<125x128xf32, #tpu.memory_space<vmem>>
      %dma_wait3A_416 = arith.constant 0 : i32
      %dma_wait3A_417 = tpu.memref_slice %arg7[%select_n3A_89, %dma_wait3A_411, %dma_wait3A_416] : memref<2x8x125xi32, #tpu.memory_space<vmem>> -> memref<1x1x125xi32, #tpu.memory_space<vmem>>
      %dma_wait3A_418 = tpu.memref_squeeze %dma_wait3A_417 : memref<1x1x125xi32, #tpu.memory_space<vmem>> -> memref<125xi32, #tpu.memory_space<vmem>>
      %dma_wait3A_419 = arith.constant 0 : i32
      %dma_wait3A_420 = arith.constant 0 : i32
      %dma_wait3A_421 = tpu.memref_slice %arg2[%dma_wait3A_419, %dma_wait3A_420] : memref<10000x128xf32, #tpu.memory_space<hbm>> -> memref<10000x128xf32, #tpu.memory_space<hbm>>
      %dma_wait3A_422 = tpu.memref_slice %arg11[%select_n3A_410] : memref<2x!tpu.dma_semaphore, #tpu.memory_space<semaphore_mem>> -> memref<1x!tpu.dma_semaphore, #tpu.memory_space<semaphore_mem>>
      %dma_wait3A_423 = tpu.memref_squeeze %dma_wait3A_422 : memref<1x!tpu.dma_semaphore, #tpu.memory_space<semaphore_mem>> -> memref<!tpu.dma_semaphore, #tpu.memory_space<semaphore_mem>>
      tpu.wait_indirect_dma semaphore(%dma_wait3A_423 : memref<!tpu.dma_semaphore, #tpu.memory_space<semaphore_mem>>) src(%dma_wait3A_421 : memref<10000x128xf32, #tpu.memory_space<hbm>>) dst(%dma_wait3A_415 : memref<125x128xf32, #tpu.memory_space<vmem>>)
      %dma_wait3A_424 = arith.constant 1 : i32
      %dma_wait3A_425 = arith.constant 4 : i32
      %dma_wait3A_426 = arith.constant 1 : i32
      %dma_wait3A_427 = arith.constant 0 : i32
      %dma_wait3A_428 = arith.constant 0 : i32
      %dma_wait3A_429 = tpu.memref_slice %arg9[%dma_wait3A_424, %dma_wait3A_427, %dma_wait3A_428] : memref<2x125x128xf32, #tpu.memory_space<vmem>> -> memref<1x125x128xf32, #tpu.memory_space<vmem>>
      %dma_wait3A_430 = tpu.memref_squeeze %dma_wait3A_429 : memref<1x125x128xf32, #tpu.memory_space<vmem>> -> memref<125x128xf32, #tpu.memory_space<vmem>>
      %dma_wait3A_431 = arith.constant 0 : i32
      %dma_wait3A_432 = tpu.memref_slice %arg8[%select_n3A_89, %dma_wait3A_425, %dma_wait3A_431] : memref<2x8x125xi32, #tpu.memory_space<vmem>> -> memref<1x1x125xi32, #tpu.memory_space<vmem>>
      %dma_wait3A_433 = tpu.memref_squeeze %dma_wait3A_432 : memref<1x1x125xi32, #tpu.memory_space<vmem>> -> memref<125xi32, #tpu.memory_space<vmem>>
      %dma_wait3A_434 = arith.constant 0 : i32
      %dma_wait3A_435 = arith.constant 0 : i32
      %dma_wait3A_436 = tpu.memref_slice %arg10[%dma_wait3A_434, %dma_wait3A_435] : memref<10240x128xf32, #tpu.memory_space<vmem_shared>> -> memref<10240x128xf32, #tpu.memory_space<vmem_shared>>
      %dma_wait3A_437 = tpu.memref_slice %arg12[%dma_wait3A_426] : memref<2x!tpu.dma_semaphore, #tpu.memory_space<semaphore_mem>> -> memref<1x!tpu.dma_semaphore, #tpu.memory_space<semaphore_mem>>
      %dma_wait3A_438 = tpu.memref_squeeze %dma_wait3A_437 : memref<1x!tpu.dma_semaphore, #tpu.memory_space<semaphore_mem>> -> memref<!tpu.dma_semaphore, #tpu.memory_space<semaphore_mem>>
      tpu.wait_indirect_dma semaphore(%dma_wait3A_438 : memref<!tpu.dma_semaphore, #tpu.memory_space<semaphore_mem>>) src(%dma_wait3A_430 : memref<125x128xf32, #tpu.memory_space<vmem>>) dst(%dma_wait3A_436 : memref<10240x128xf32, #tpu.memory_space<vmem_shared>>)
      %dma_start3A_439 = arith.constant 5 : i32
      %dma_start3A_440 = arith.constant 1 : i32
      %dma_start3A_441 = arith.constant 1 : i32
      %dma_start3A_442 = arith.constant 0 : i32
      %dma_start3A_443 = arith.constant 0 : i32
      %dma_start3A_444 = tpu.memref_slice %arg9[%dma_start3A_440, %dma_start3A_442, %dma_start3A_443] : memref<2x125x128xf32, #tpu.memory_space<vmem>> -> memref<1x125x128xf32, #tpu.memory_space<vmem>>
      %dma_start3A_445 = tpu.memref_squeeze %dma_start3A_444 : memref<1x125x128xf32, #tpu.memory_space<vmem>> -> memref<125x128xf32, #tpu.memory_space<vmem>>
      %dma_start3A_446 = arith.constant 0 : i32
      %dma_start3A_447 = tpu.memref_slice %arg7[%select_n3A_89, %dma_start3A_439, %dma_start3A_446] : memref<2x8x125xi32, #tpu.memory_space<vmem>> -> memref<1x1x125xi32, #tpu.memory_space<vmem>>
      %dma_start3A_448 = tpu.memref_squeeze %dma_start3A_447 : memref<1x1x125xi32, #tpu.memory_space<vmem>> -> memref<125xi32, #tpu.memory_space<vmem>>
      %dma_start3A_449 = arith.constant 0 : i32
      %dma_start3A_450 = arith.constant 0 : i32
      %dma_start3A_451 = tpu.memref_slice %arg2[%dma_start3A_449, %dma_start3A_450] : memref<10000x128xf32, #tpu.memory_space<hbm>> -> memref<10000x128xf32, #tpu.memory_space<hbm>>
      %dma_start3A_452 = tpu.memref_slice %arg11[%dma_start3A_441] : memref<2x!tpu.dma_semaphore, #tpu.memory_space<semaphore_mem>> -> memref<1x!tpu.dma_semaphore, #tpu.memory_space<semaphore_mem>>
      %dma_start3A_453 = tpu.memref_squeeze %dma_start3A_452 : memref<1x!tpu.dma_semaphore, #tpu.memory_space<semaphore_mem>> -> memref<!tpu.dma_semaphore, #tpu.memory_space<semaphore_mem>>
      tpu.enqueue_indirect_dma source(%dma_start3A_451 : memref<10000x128xf32, #tpu.memory_space<hbm>>) target(%dma_start3A_445 : memref<125x128xf32, #tpu.memory_space<vmem>>) offsets(%dma_start3A_448 : memref<125xi32, #tpu.memory_space<vmem>>) semaphore(%dma_start3A_453 : memref<!tpu.dma_semaphore, #tpu.memory_space<semaphore_mem>>)
      %dma_start3A_454 = arith.constant 4 : i32
      %dma_start3A_455 = arith.constant 0 : i32
      %dma_start3A_456 = arith.constant 0 : i32
      %dma_start3A_457 = tpu.memref_slice %arg9[%select_n3A_410, %dma_start3A_455, %dma_start3A_456] : memref<2x125x128xf32, #tpu.memory_space<vmem>> -> memref<1x125x128xf32, #tpu.memory_space<vmem>>
      %dma_start3A_458 = tpu.memref_squeeze %dma_start3A_457 : memref<1x125x128xf32, #tpu.memory_space<vmem>> -> memref<125x128xf32, #tpu.memory_space<vmem>>
      %dma_start3A_459 = arith.constant 0 : i32
      %dma_start3A_460 = tpu.memref_slice %arg8[%select_n3A_89, %dma_start3A_454, %dma_start3A_459] : memref<2x8x125xi32, #tpu.memory_space<vmem>> -> memref<1x1x125xi32, #tpu.memory_space<vmem>>
      %dma_start3A_461 = tpu.memref_squeeze %dma_start3A_460 : memref<1x1x125xi32, #tpu.memory_space<vmem>> -> memref<125xi32, #tpu.memory_space<vmem>>
      %dma_start3A_462 = arith.constant 0 : i32
      %dma_start3A_463 = arith.constant 0 : i32
      %dma_start3A_464 = tpu.memref_slice %arg10[%dma_start3A_462, %dma_start3A_463] : memref<10240x128xf32, #tpu.memory_space<vmem_shared>> -> memref<10240x128xf32, #tpu.memory_space<vmem_shared>>
      %dma_start3A_465 = tpu.memref_slice %arg12[%select_n3A_410] : memref<2x!tpu.dma_semaphore, #tpu.memory_space<semaphore_mem>> -> memref<1x!tpu.dma_semaphore, #tpu.memory_space<semaphore_mem>>
      %dma_start3A_466 = tpu.memref_squeeze %dma_start3A_465 : memref<1x!tpu.dma_semaphore, #tpu.memory_space<semaphore_mem>> -> memref<!tpu.dma_semaphore, #tpu.memory_space<semaphore_mem>>
      tpu.enqueue_indirect_dma source(%dma_start3A_458 : memref<125x128xf32, #tpu.memory_space<vmem>>) target(%dma_start3A_464 : memref<10240x128xf32, #tpu.memory_space<vmem_shared>>) offsets(%dma_start3A_461 : memref<125xi32, #tpu.memory_space<vmem>>) semaphore(%dma_start3A_466 : memref<!tpu.dma_semaphore, #tpu.memory_space<semaphore_mem>>) {add = true}
      %mul3A_467 = arith.constant 8 : i32
      %mul3A_468 = arith.muli %scan3A_80, %mul3A_467 : i32
      %add3A_469 = arith.constant 5 : i32
      %add3A_470 = arith.addi %mul3A_468, %add3A_469 : i32
      %jit3A_471 = arith.constant 2 : i32
      %eq3A_472 = arith.constant 0 : i32
      %eq3A_473 = arith.cmpi eq, %jit3A_471, %eq3A_472 : i32
      %jit3A_474 = arith.constant 1 : i32
      %select_n3A_475 = arith.select %eq3A_473, %jit3A_474, %jit3A_471 : i32
      %rem3A_476 = arith.remsi %add3A_470, %select_n3A_475 : i32
      %ne3A_477 = arith.constant 0 : i32
      %ne3A_478 = arith.cmpi ne, %rem3A_476, %ne3A_477 : i32
      %lt3A_479 = arith.constant 0 : i32
      %lt3A_480 = arith.cmpi slt, %rem3A_476, %lt3A_479 : i32
      %lt3A_481 = arith.constant 0 : i32
      %lt3A_482 = arith.cmpi slt, %select_n3A_475, %lt3A_481 : i32
      %ne3A_483 = arith.xori %lt3A_480, %lt3A_482 : i1
      %and3A_484 = arith.andi %ne3A_483, %ne3A_478 : i1
      %add3A_485 = arith.addi %rem3A_476, %select_n3A_475 : i32
      %select_n3A_486 = arith.select %and3A_484, %add3A_485, %rem3A_476 : i32
      %dma_wait3A_487 = arith.constant 5 : i32
      %dma_wait3A_488 = arith.constant 0 : i32
      %dma_wait3A_489 = arith.constant 0 : i32
      %dma_wait3A_490 = tpu.memref_slice %arg9[%select_n3A_486, %dma_wait3A_488, %dma_wait3A_489] : memref<2x125x128xf32, #tpu.memory_space<vmem>> -> memref<1x125x128xf32, #tpu.memory_space<vmem>>
      %dma_wait3A_491 = tpu.memref_squeeze %dma_wait3A_490 : memref<1x125x128xf32, #tpu.memory_space<vmem>> -> memref<125x128xf32, #tpu.memory_space<vmem>>
      %dma_wait3A_492 = arith.constant 0 : i32
      %dma_wait3A_493 = tpu.memref_slice %arg7[%select_n3A_89, %dma_wait3A_487, %dma_wait3A_492] : memref<2x8x125xi32, #tpu.memory_space<vmem>> -> memref<1x1x125xi32, #tpu.memory_space<vmem>>
      %dma_wait3A_494 = tpu.memref_squeeze %dma_wait3A_493 : memref<1x1x125xi32, #tpu.memory_space<vmem>> -> memref<125xi32, #tpu.memory_space<vmem>>
      %dma_wait3A_495 = arith.constant 0 : i32
      %dma_wait3A_496 = arith.constant 0 : i32
      %dma_wait3A_497 = tpu.memref_slice %arg2[%dma_wait3A_495, %dma_wait3A_496] : memref<10000x128xf32, #tpu.memory_space<hbm>> -> memref<10000x128xf32, #tpu.memory_space<hbm>>
      %dma_wait3A_498 = tpu.memref_slice %arg11[%select_n3A_486] : memref<2x!tpu.dma_semaphore, #tpu.memory_space<semaphore_mem>> -> memref<1x!tpu.dma_semaphore, #tpu.memory_space<semaphore_mem>>
      %dma_wait3A_499 = tpu.memref_squeeze %dma_wait3A_498 : memref<1x!tpu.dma_semaphore, #tpu.memory_space<semaphore_mem>> -> memref<!tpu.dma_semaphore, #tpu.memory_space<semaphore_mem>>
      tpu.wait_indirect_dma semaphore(%dma_wait3A_499 : memref<!tpu.dma_semaphore, #tpu.memory_space<semaphore_mem>>) src(%dma_wait3A_497 : memref<10000x128xf32, #tpu.memory_space<hbm>>) dst(%dma_wait3A_491 : memref<125x128xf32, #tpu.memory_space<vmem>>)
      %dma_wait3A_500 = arith.constant 0 : i32
      %dma_wait3A_501 = arith.constant 5 : i32
      %dma_wait3A_502 = arith.constant 0 : i32
      %dma_wait3A_503 = arith.constant 0 : i32
      %dma_wait3A_504 = arith.constant 0 : i32
      %dma_wait3A_505 = tpu.memref_slice %arg9[%dma_wait3A_500, %dma_wait3A_503, %dma_wait3A_504] : memref<2x125x128xf32, #tpu.memory_space<vmem>> -> memref<1x125x128xf32, #tpu.memory_space<vmem>>
      %dma_wait3A_506 = tpu.memref_squeeze %dma_wait3A_505 : memref<1x125x128xf32, #tpu.memory_space<vmem>> -> memref<125x128xf32, #tpu.memory_space<vmem>>
      %dma_wait3A_507 = arith.constant 0 : i32
      %dma_wait3A_508 = tpu.memref_slice %arg8[%select_n3A_89, %dma_wait3A_501, %dma_wait3A_507] : memref<2x8x125xi32, #tpu.memory_space<vmem>> -> memref<1x1x125xi32, #tpu.memory_space<vmem>>
      %dma_wait3A_509 = tpu.memref_squeeze %dma_wait3A_508 : memref<1x1x125xi32, #tpu.memory_space<vmem>> -> memref<125xi32, #tpu.memory_space<vmem>>
      %dma_wait3A_510 = arith.constant 0 : i32
      %dma_wait3A_511 = arith.constant 0 : i32
      %dma_wait3A_512 = tpu.memref_slice %arg10[%dma_wait3A_510, %dma_wait3A_511] : memref<10240x128xf32, #tpu.memory_space<vmem_shared>> -> memref<10240x128xf32, #tpu.memory_space<vmem_shared>>
      %dma_wait3A_513 = tpu.memref_slice %arg12[%dma_wait3A_502] : memref<2x!tpu.dma_semaphore, #tpu.memory_space<semaphore_mem>> -> memref<1x!tpu.dma_semaphore, #tpu.memory_space<semaphore_mem>>
      %dma_wait3A_514 = tpu.memref_squeeze %dma_wait3A_513 : memref<1x!tpu.dma_semaphore, #tpu.memory_space<semaphore_mem>> -> memref<!tpu.dma_semaphore, #tpu.memory_space<semaphore_mem>>
      tpu.wait_indirect_dma semaphore(%dma_wait3A_514 : memref<!tpu.dma_semaphore, #tpu.memory_space<semaphore_mem>>) src(%dma_wait3A_506 : memref<125x128xf32, #tpu.memory_space<vmem>>) dst(%dma_wait3A_512 : memref<10240x128xf32, #tpu.memory_space<vmem_shared>>)
      %dma_start3A_515 = arith.constant 6 : i32
      %dma_start3A_516 = arith.constant 0 : i32
      %dma_start3A_517 = arith.constant 0 : i32
      %dma_start3A_518 = arith.constant 0 : i32
      %dma_start3A_519 = arith.constant 0 : i32
      %dma_start3A_520 = tpu.memref_slice %arg9[%dma_start3A_516, %dma_start3A_518, %dma_start3A_519] : memref<2x125x128xf32, #tpu.memory_space<vmem>> -> memref<1x125x128xf32, #tpu.memory_space<vmem>>
      %dma_start3A_521 = tpu.memref_squeeze %dma_start3A_520 : memref<1x125x128xf32, #tpu.memory_space<vmem>> -> memref<125x128xf32, #tpu.memory_space<vmem>>
      %dma_start3A_522 = arith.constant 0 : i32
      %dma_start3A_523 = tpu.memref_slice %arg7[%select_n3A_89, %dma_start3A_515, %dma_start3A_522] : memref<2x8x125xi32, #tpu.memory_space<vmem>> -> memref<1x1x125xi32, #tpu.memory_space<vmem>>
      %dma_start3A_524 = tpu.memref_squeeze %dma_start3A_523 : memref<1x1x125xi32, #tpu.memory_space<vmem>> -> memref<125xi32, #tpu.memory_space<vmem>>
      %dma_start3A_525 = arith.constant 0 : i32
      %dma_start3A_526 = arith.constant 0 : i32
      %dma_start3A_527 = tpu.memref_slice %arg2[%dma_start3A_525, %dma_start3A_526] : memref<10000x128xf32, #tpu.memory_space<hbm>> -> memref<10000x128xf32, #tpu.memory_space<hbm>>
      %dma_start3A_528 = tpu.memref_slice %arg11[%dma_start3A_517] : memref<2x!tpu.dma_semaphore, #tpu.memory_space<semaphore_mem>> -> memref<1x!tpu.dma_semaphore, #tpu.memory_space<semaphore_mem>>
      %dma_start3A_529 = tpu.memref_squeeze %dma_start3A_528 : memref<1x!tpu.dma_semaphore, #tpu.memory_space<semaphore_mem>> -> memref<!tpu.dma_semaphore, #tpu.memory_space<semaphore_mem>>
      tpu.enqueue_indirect_dma source(%dma_start3A_527 : memref<10000x128xf32, #tpu.memory_space<hbm>>) target(%dma_start3A_521 : memref<125x128xf32, #tpu.memory_space<vmem>>) offsets(%dma_start3A_524 : memref<125xi32, #tpu.memory_space<vmem>>) semaphore(%dma_start3A_529 : memref<!tpu.dma_semaphore, #tpu.memory_space<semaphore_mem>>)
      %dma_start3A_530 = arith.constant 5 : i32
      %dma_start3A_531 = arith.constant 0 : i32
      %dma_start3A_532 = arith.constant 0 : i32
      %dma_start3A_533 = tpu.memref_slice %arg9[%select_n3A_486, %dma_start3A_531, %dma_start3A_532] : memref<2x125x128xf32, #tpu.memory_space<vmem>> -> memref<1x125x128xf32, #tpu.memory_space<vmem>>
      %dma_start3A_534 = tpu.memref_squeeze %dma_start3A_533 : memref<1x125x128xf32, #tpu.memory_space<vmem>> -> memref<125x128xf32, #tpu.memory_space<vmem>>
      %dma_start3A_535 = arith.constant 0 : i32
      %dma_start3A_536 = tpu.memref_slice %arg8[%select_n3A_89, %dma_start3A_530, %dma_start3A_535] : memref<2x8x125xi32, #tpu.memory_space<vmem>> -> memref<1x1x125xi32, #tpu.memory_space<vmem>>
      %dma_start3A_537 = tpu.memref_squeeze %dma_start3A_536 : memref<1x1x125xi32, #tpu.memory_space<vmem>> -> memref<125xi32, #tpu.memory_space<vmem>>
      %dma_start3A_538 = arith.constant 0 : i32
      %dma_start3A_539 = arith.constant 0 : i32
      %dma_start3A_540 = tpu.memref_slice %arg10[%dma_start3A_538, %dma_start3A_539] : memref<10240x128xf32, #tpu.memory_space<vmem_shared>> -> memref<10240x128xf32, #tpu.memory_space<vmem_shared>>
      %dma_start3A_541 = tpu.memref_slice %arg12[%select_n3A_486] : memref<2x!tpu.dma_semaphore, #tpu.memory_space<semaphore_mem>> -> memref<1x!tpu.dma_semaphore, #tpu.memory_space<semaphore_mem>>
      %dma_start3A_542 = tpu.memref_squeeze %dma_start3A_541 : memref<1x!tpu.dma_semaphore, #tpu.memory_space<semaphore_mem>> -> memref<!tpu.dma_semaphore, #tpu.memory_space<semaphore_mem>>
      tpu.enqueue_indirect_dma source(%dma_start3A_534 : memref<125x128xf32, #tpu.memory_space<vmem>>) target(%dma_start3A_540 : memref<10240x128xf32, #tpu.memory_space<vmem_shared>>) offsets(%dma_start3A_537 : memref<125xi32, #tpu.memory_space<vmem>>) semaphore(%dma_start3A_542 : memref<!tpu.dma_semaphore, #tpu.memory_space<semaphore_mem>>) {add = true}
      %mul3A_543 = arith.constant 8 : i32
      %mul3A_544 = arith.muli %scan3A_80, %mul3A_543 : i32
      %add3A_545 = arith.constant 6 : i32
      %add3A_546 = arith.addi %mul3A_544, %add3A_545 : i32
      %jit3A_547 = arith.constant 2 : i32
      %eq3A_548 = arith.constant 0 : i32
      %eq3A_549 = arith.cmpi eq, %jit3A_547, %eq3A_548 : i32
      %jit3A_550 = arith.constant 1 : i32
      %select_n3A_551 = arith.select %eq3A_549, %jit3A_550, %jit3A_547 : i32
      %rem3A_552 = arith.remsi %add3A_546, %select_n3A_551 : i32
      %ne3A_553 = arith.constant 0 : i32
      %ne3A_554 = arith.cmpi ne, %rem3A_552, %ne3A_553 : i32
      %lt3A_555 = arith.constant 0 : i32
      %lt3A_556 = arith.cmpi slt, %rem3A_552, %lt3A_555 : i32
      %lt3A_557 = arith.constant 0 : i32
      %lt3A_558 = arith.cmpi slt, %select_n3A_551, %lt3A_557 : i32
      %ne3A_559 = arith.xori %lt3A_556, %lt3A_558 : i1
      %and3A_560 = arith.andi %ne3A_559, %ne3A_554 : i1
      %add3A_561 = arith.addi %rem3A_552, %select_n3A_551 : i32
      %select_n3A_562 = arith.select %and3A_560, %add3A_561, %rem3A_552 : i32
      %dma_wait3A_563 = arith.constant 6 : i32
      %dma_wait3A_564 = arith.constant 0 : i32
      %dma_wait3A_565 = arith.constant 0 : i32
      %dma_wait3A_566 = tpu.memref_slice %arg9[%select_n3A_562, %dma_wait3A_564, %dma_wait3A_565] : memref<2x125x128xf32, #tpu.memory_space<vmem>> -> memref<1x125x128xf32, #tpu.memory_space<vmem>>
      %dma_wait3A_567 = tpu.memref_squeeze %dma_wait3A_566 : memref<1x125x128xf32, #tpu.memory_space<vmem>> -> memref<125x128xf32, #tpu.memory_space<vmem>>
      %dma_wait3A_568 = arith.constant 0 : i32
      %dma_wait3A_569 = tpu.memref_slice %arg7[%select_n3A_89, %dma_wait3A_563, %dma_wait3A_568] : memref<2x8x125xi32, #tpu.memory_space<vmem>> -> memref<1x1x125xi32, #tpu.memory_space<vmem>>
      %dma_wait3A_570 = tpu.memref_squeeze %dma_wait3A_569 : memref<1x1x125xi32, #tpu.memory_space<vmem>> -> memref<125xi32, #tpu.memory_space<vmem>>
      %dma_wait3A_571 = arith.constant 0 : i32
      %dma_wait3A_572 = arith.constant 0 : i32
      %dma_wait3A_573 = tpu.memref_slice %arg2[%dma_wait3A_571, %dma_wait3A_572] : memref<10000x128xf32, #tpu.memory_space<hbm>> -> memref<10000x128xf32, #tpu.memory_space<hbm>>
      %dma_wait3A_574 = tpu.memref_slice %arg11[%select_n3A_562] : memref<2x!tpu.dma_semaphore, #tpu.memory_space<semaphore_mem>> -> memref<1x!tpu.dma_semaphore, #tpu.memory_space<semaphore_mem>>
      %dma_wait3A_575 = tpu.memref_squeeze %dma_wait3A_574 : memref<1x!tpu.dma_semaphore, #tpu.memory_space<semaphore_mem>> -> memref<!tpu.dma_semaphore, #tpu.memory_space<semaphore_mem>>
      tpu.wait_indirect_dma semaphore(%dma_wait3A_575 : memref<!tpu.dma_semaphore, #tpu.memory_space<semaphore_mem>>) src(%dma_wait3A_573 : memref<10000x128xf32, #tpu.memory_space<hbm>>) dst(%dma_wait3A_567 : memref<125x128xf32, #tpu.memory_space<vmem>>)
      %dma_wait3A_576 = arith.constant 1 : i32
      %dma_wait3A_577 = arith.constant 6 : i32
      %dma_wait3A_578 = arith.constant 1 : i32
      %dma_wait3A_579 = arith.constant 0 : i32
      %dma_wait3A_580 = arith.constant 0 : i32
      %dma_wait3A_581 = tpu.memref_slice %arg9[%dma_wait3A_576, %dma_wait3A_579, %dma_wait3A_580] : memref<2x125x128xf32, #tpu.memory_space<vmem>> -> memref<1x125x128xf32, #tpu.memory_space<vmem>>
      %dma_wait3A_582 = tpu.memref_squeeze %dma_wait3A_581 : memref<1x125x128xf32, #tpu.memory_space<vmem>> -> memref<125x128xf32, #tpu.memory_space<vmem>>
      %dma_wait3A_583 = arith.constant 0 : i32
      %dma_wait3A_584 = tpu.memref_slice %arg8[%select_n3A_89, %dma_wait3A_577, %dma_wait3A_583] : memref<2x8x125xi32, #tpu.memory_space<vmem>> -> memref<1x1x125xi32, #tpu.memory_space<vmem>>
      %dma_wait3A_585 = tpu.memref_squeeze %dma_wait3A_584 : memref<1x1x125xi32, #tpu.memory_space<vmem>> -> memref<125xi32, #tpu.memory_space<vmem>>
      %dma_wait3A_586 = arith.constant 0 : i32
      %dma_wait3A_587 = arith.constant 0 : i32
      %dma_wait3A_588 = tpu.memref_slice %arg10[%dma_wait3A_586, %dma_wait3A_587] : memref<10240x128xf32, #tpu.memory_space<vmem_shared>> -> memref<10240x128xf32, #tpu.memory_space<vmem_shared>>
      %dma_wait3A_589 = tpu.memref_slice %arg12[%dma_wait3A_578] : memref<2x!tpu.dma_semaphore, #tpu.memory_space<semaphore_mem>> -> memref<1x!tpu.dma_semaphore, #tpu.memory_space<semaphore_mem>>
      %dma_wait3A_590 = tpu.memref_squeeze %dma_wait3A_589 : memref<1x!tpu.dma_semaphore, #tpu.memory_space<semaphore_mem>> -> memref<!tpu.dma_semaphore, #tpu.memory_space<semaphore_mem>>
      tpu.wait_indirect_dma semaphore(%dma_wait3A_590 : memref<!tpu.dma_semaphore, #tpu.memory_space<semaphore_mem>>) src(%dma_wait3A_582 : memref<125x128xf32, #tpu.memory_space<vmem>>) dst(%dma_wait3A_588 : memref<10240x128xf32, #tpu.memory_space<vmem_shared>>)
      %dma_start3A_591 = arith.constant 7 : i32
      %dma_start3A_592 = arith.constant 1 : i32
      %dma_start3A_593 = arith.constant 1 : i32
      %dma_start3A_594 = arith.constant 0 : i32
      %dma_start3A_595 = arith.constant 0 : i32
      %dma_start3A_596 = tpu.memref_slice %arg9[%dma_start3A_592, %dma_start3A_594, %dma_start3A_595] : memref<2x125x128xf32, #tpu.memory_space<vmem>> -> memref<1x125x128xf32, #tpu.memory_space<vmem>>
      %dma_start3A_597 = tpu.memref_squeeze %dma_start3A_596 : memref<1x125x128xf32, #tpu.memory_space<vmem>> -> memref<125x128xf32, #tpu.memory_space<vmem>>
      %dma_start3A_598 = arith.constant 0 : i32
      %dma_start3A_599 = tpu.memref_slice %arg7[%select_n3A_89, %dma_start3A_591, %dma_start3A_598] : memref<2x8x125xi32, #tpu.memory_space<vmem>> -> memref<1x1x125xi32, #tpu.memory_space<vmem>>
      %dma_start3A_600 = tpu.memref_squeeze %dma_start3A_599 : memref<1x1x125xi32, #tpu.memory_space<vmem>> -> memref<125xi32, #tpu.memory_space<vmem>>
      %dma_start3A_601 = arith.constant 0 : i32
      %dma_start3A_602 = arith.constant 0 : i32
      %dma_start3A_603 = tpu.memref_slice %arg2[%dma_start3A_601, %dma_start3A_602] : memref<10000x128xf32, #tpu.memory_space<hbm>> -> memref<10000x128xf32, #tpu.memory_space<hbm>>
      %dma_start3A_604 = tpu.memref_slice %arg11[%dma_start3A_593] : memref<2x!tpu.dma_semaphore, #tpu.memory_space<semaphore_mem>> -> memref<1x!tpu.dma_semaphore, #tpu.memory_space<semaphore_mem>>
      %dma_start3A_605 = tpu.memref_squeeze %dma_start3A_604 : memref<1x!tpu.dma_semaphore, #tpu.memory_space<semaphore_mem>> -> memref<!tpu.dma_semaphore, #tpu.memory_space<semaphore_mem>>
      tpu.enqueue_indirect_dma source(%dma_start3A_603 : memref<10000x128xf32, #tpu.memory_space<hbm>>) target(%dma_start3A_597 : memref<125x128xf32, #tpu.memory_space<vmem>>) offsets(%dma_start3A_600 : memref<125xi32, #tpu.memory_space<vmem>>) semaphore(%dma_start3A_605 : memref<!tpu.dma_semaphore, #tpu.memory_space<semaphore_mem>>)
      %dma_start3A_606 = arith.constant 6 : i32
      %dma_start3A_607 = arith.constant 0 : i32
      %dma_start3A_608 = arith.constant 0 : i32
      %dma_start3A_609 = tpu.memref_slice %arg9[%select_n3A_562, %dma_start3A_607, %dma_start3A_608] : memref<2x125x128xf32, #tpu.memory_space<vmem>> -> memref<1x125x128xf32, #tpu.memory_space<vmem>>
      %dma_start3A_610 = tpu.memref_squeeze %dma_start3A_609 : memref<1x125x128xf32, #tpu.memory_space<vmem>> -> memref<125x128xf32, #tpu.memory_space<vmem>>
      %dma_start3A_611 = arith.constant 0 : i32
      %dma_start3A_612 = tpu.memref_slice %arg8[%select_n3A_89, %dma_start3A_606, %dma_start3A_611] : memref<2x8x125xi32, #tpu.memory_space<vmem>> -> memref<1x1x125xi32, #tpu.memory_space<vmem>>
      %dma_start3A_613 = tpu.memref_squeeze %dma_start3A_612 : memref<1x1x125xi32, #tpu.memory_space<vmem>> -> memref<125xi32, #tpu.memory_space<vmem>>
      %dma_start3A_614 = arith.constant 0 : i32
      %dma_start3A_615 = arith.constant 0 : i32
      %dma_start3A_616 = tpu.memref_slice %arg10[%dma_start3A_614, %dma_start3A_615] : memref<10240x128xf32, #tpu.memory_space<vmem_shared>> -> memref<10240x128xf32, #tpu.memory_space<vmem_shared>>
      %dma_start3A_617 = tpu.memref_slice %arg12[%select_n3A_562] : memref<2x!tpu.dma_semaphore, #tpu.memory_space<semaphore_mem>> -> memref<1x!tpu.dma_semaphore, #tpu.memory_space<semaphore_mem>>
      %dma_start3A_618 = tpu.memref_squeeze %dma_start3A_617 : memref<1x!tpu.dma_semaphore, #tpu.memory_space<semaphore_mem>> -> memref<!tpu.dma_semaphore, #tpu.memory_space<semaphore_mem>>
      tpu.enqueue_indirect_dma source(%dma_start3A_610 : memref<125x128xf32, #tpu.memory_space<vmem>>) target(%dma_start3A_616 : memref<10240x128xf32, #tpu.memory_space<vmem_shared>>) offsets(%dma_start3A_613 : memref<125xi32, #tpu.memory_space<vmem>>) semaphore(%dma_start3A_618 : memref<!tpu.dma_semaphore, #tpu.memory_space<semaphore_mem>>) {add = true}
      %mul3A_619 = arith.constant 8 : i32
      %mul3A_620 = arith.muli %scan3A_80, %mul3A_619 : i32
      %add3A_621 = arith.constant 7 : i32
      %add3A_622 = arith.addi %mul3A_620, %add3A_621 : i32
      %jit3A_623 = arith.constant 2 : i32
      %eq3A_624 = arith.constant 0 : i32
      %eq3A_625 = arith.cmpi eq, %jit3A_623, %eq3A_624 : i32
      %jit3A_626 = arith.constant 1 : i32
      %select_n3A_627 = arith.select %eq3A_625, %jit3A_626, %jit3A_623 : i32
      %rem3A_628 = arith.remsi %add3A_622, %select_n3A_627 : i32
      %ne3A_629 = arith.constant 0 : i32
      %ne3A_630 = arith.cmpi ne, %rem3A_628, %ne3A_629 : i32
      %lt3A_631 = arith.constant 0 : i32
      %lt3A_632 = arith.cmpi slt, %rem3A_628, %lt3A_631 : i32
      %lt3A_633 = arith.constant 0 : i32
      %lt3A_634 = arith.cmpi slt, %select_n3A_627, %lt3A_633 : i32
      %ne3A_635 = arith.xori %lt3A_632, %lt3A_634 : i1
      %and3A_636 = arith.andi %ne3A_635, %ne3A_630 : i1
      %add3A_637 = arith.addi %rem3A_628, %select_n3A_627 : i32
      %select_n3A_638 = arith.select %and3A_636, %add3A_637, %rem3A_628 : i32
      %dma_wait3A_639 = arith.constant 7 : i32
      %dma_wait3A_640 = arith.constant 0 : i32
      %dma_wait3A_641 = arith.constant 0 : i32
      %dma_wait3A_642 = tpu.memref_slice %arg9[%select_n3A_638, %dma_wait3A_640, %dma_wait3A_641] : memref<2x125x128xf32, #tpu.memory_space<vmem>> -> memref<1x125x128xf32, #tpu.memory_space<vmem>>
      %dma_wait3A_643 = tpu.memref_squeeze %dma_wait3A_642 : memref<1x125x128xf32, #tpu.memory_space<vmem>> -> memref<125x128xf32, #tpu.memory_space<vmem>>
      %dma_wait3A_644 = arith.constant 0 : i32
      %dma_wait3A_645 = tpu.memref_slice %arg7[%select_n3A_89, %dma_wait3A_639, %dma_wait3A_644] : memref<2x8x125xi32, #tpu.memory_space<vmem>> -> memref<1x1x125xi32, #tpu.memory_space<vmem>>
      %dma_wait3A_646 = tpu.memref_squeeze %dma_wait3A_645 : memref<1x1x125xi32, #tpu.memory_space<vmem>> -> memref<125xi32, #tpu.memory_space<vmem>>
      %dma_wait3A_647 = arith.constant 0 : i32
      %dma_wait3A_648 = arith.constant 0 : i32
      %dma_wait3A_649 = tpu.memref_slice %arg2[%dma_wait3A_647, %dma_wait3A_648] : memref<10000x128xf32, #tpu.memory_space<hbm>> -> memref<10000x128xf32, #tpu.memory_space<hbm>>
      %dma_wait3A_650 = tpu.memref_slice %arg11[%select_n3A_638] : memref<2x!tpu.dma_semaphore, #tpu.memory_space<semaphore_mem>> -> memref<1x!tpu.dma_semaphore, #tpu.memory_space<semaphore_mem>>
      %dma_wait3A_651 = tpu.memref_squeeze %dma_wait3A_650 : memref<1x!tpu.dma_semaphore, #tpu.memory_space<semaphore_mem>> -> memref<!tpu.dma_semaphore, #tpu.memory_space<semaphore_mem>>
      tpu.wait_indirect_dma semaphore(%dma_wait3A_651 : memref<!tpu.dma_semaphore, #tpu.memory_space<semaphore_mem>>) src(%dma_wait3A_649 : memref<10000x128xf32, #tpu.memory_space<hbm>>) dst(%dma_wait3A_643 : memref<125x128xf32, #tpu.memory_space<vmem>>)
      %dma_wait3A_652 = arith.constant 0 : i32
      %dma_wait3A_653 = arith.constant 7 : i32
      %dma_wait3A_654 = arith.constant 0 : i32
      %dma_wait3A_655 = arith.constant 0 : i32
      %dma_wait3A_656 = arith.constant 0 : i32
      %dma_wait3A_657 = tpu.memref_slice %arg9[%dma_wait3A_652, %dma_wait3A_655, %dma_wait3A_656] : memref<2x125x128xf32, #tpu.memory_space<vmem>> -> memref<1x125x128xf32, #tpu.memory_space<vmem>>
      %dma_wait3A_658 = tpu.memref_squeeze %dma_wait3A_657 : memref<1x125x128xf32, #tpu.memory_space<vmem>> -> memref<125x128xf32, #tpu.memory_space<vmem>>
      %dma_wait3A_659 = arith.constant 0 : i32
      %dma_wait3A_660 = tpu.memref_slice %arg8[%select_n3A_89, %dma_wait3A_653, %dma_wait3A_659] : memref<2x8x125xi32, #tpu.memory_space<vmem>> -> memref<1x1x125xi32, #tpu.memory_space<vmem>>
      %dma_wait3A_661 = tpu.memref_squeeze %dma_wait3A_660 : memref<1x1x125xi32, #tpu.memory_space<vmem>> -> memref<125xi32, #tpu.memory_space<vmem>>
      %dma_wait3A_662 = arith.constant 0 : i32
      %dma_wait3A_663 = arith.constant 0 : i32
      %dma_wait3A_664 = tpu.memref_slice %arg10[%dma_wait3A_662, %dma_wait3A_663] : memref<10240x128xf32, #tpu.memory_space<vmem_shared>> -> memref<10240x128xf32, #tpu.memory_space<vmem_shared>>
      %dma_wait3A_665 = tpu.memref_slice %arg12[%dma_wait3A_654] : memref<2x!tpu.dma_semaphore, #tpu.memory_space<semaphore_mem>> -> memref<1x!tpu.dma_semaphore, #tpu.memory_space<semaphore_mem>>
      %dma_wait3A_666 = tpu.memref_squeeze %dma_wait3A_665 : memref<1x!tpu.dma_semaphore, #tpu.memory_space<semaphore_mem>> -> memref<!tpu.dma_semaphore, #tpu.memory_space<semaphore_mem>>
      tpu.wait_indirect_dma semaphore(%dma_wait3A_666 : memref<!tpu.dma_semaphore, #tpu.memory_space<semaphore_mem>>) src(%dma_wait3A_658 : memref<125x128xf32, #tpu.memory_space<vmem>>) dst(%dma_wait3A_664 : memref<10240x128xf32, #tpu.memory_space<vmem_shared>>)
      %add3A_667 = arith.constant 1 : i32
      %add3A_668 = arith.addi %scan3A_80, %add3A_667 : i32
      %lt3A_669 = arith.constant 10 : i32
      %lt3A_670 = arith.cmpi slt, %add3A_668, %lt3A_669 : i32
      %convert_element_type3A_671 = arith.extui %lt3A_670 : i1 to i32
      %cond3A_672 = arith.constant 0 : i32
      %cond3A_673 = arith.cmpi ne, %convert_element_type3A_671, %cond3A_672 : i32
      scf.if %cond3A_673 {
        %sub3A = arith.constant 1 : i32
        %sub3A_687 = arith.subi %sub3A, %select_n3A_89 : i32
        %sub3A_688 = arith.constant 1 : i32
        %sub3A_689 = arith.subi %sub3A_688, %select_n3A_89 : i32
        %dma_wait3A_690 = arith.constant 0 : i32
        %dma_wait3A_691 = arith.constant 0 : i32
        %dma_wait3A_692 = tpu.memref_slice %arg7[%sub3A_687, %dma_wait3A_690, %dma_wait3A_691] : memref<2x8x125xi32, #tpu.memory_space<vmem>> -> memref<1x8x125xi32, #tpu.memory_space<vmem>>
        %dma_wait3A_693 = tpu.memref_squeeze %dma_wait3A_692 : memref<1x8x125xi32, #tpu.memory_space<vmem>> -> memref<8x125xi32, #tpu.memory_space<vmem>>
        %dma_wait3A_694 = arith.constant 0 : i32
        %dma_wait3A_695 = arith.constant 0 : i32
        %dma_wait3A_696 = tpu.memref_slice %arg3[%add3A, %dma_wait3A_694, %dma_wait3A_695] : memref<32x80x125xi32, #tpu.memory_space<hbm>> -> memref<1x8x125xi32, #tpu.memory_space<hbm>>
        %dma_wait3A_697 = tpu.memref_squeeze %dma_wait3A_696 : memref<1x8x125xi32, #tpu.memory_space<hbm>> -> memref<8x125xi32, #tpu.memory_space<hbm>>
        %dma_wait3A_698 = tpu.memref_slice %arg13[%sub3A_689] : memref<2x!tpu.dma_semaphore, #tpu.memory_space<semaphore_mem>> -> memref<1x!tpu.dma_semaphore, #tpu.memory_space<semaphore_mem>>
        %dma_wait3A_699 = tpu.memref_squeeze %dma_wait3A_698 : memref<1x!tpu.dma_semaphore, #tpu.memory_space<semaphore_mem>> -> memref<!tpu.dma_semaphore, #tpu.memory_space<semaphore_mem>>
        %dma_wait3A_700 = arith.constant 0 : i32
        %dma_wait3A_701 = arith.constant 0 : i32
        %dma_wait3A_702 = tpu.memref_slice %arg7[%sub3A_687, %dma_wait3A_700, %dma_wait3A_701] : memref<2x8x125xi32, #tpu.memory_space<vmem>> -> memref<1x8x125xi32, #tpu.memory_space<vmem>>
        %dma_wait3A_703 = tpu.memref_squeeze %dma_wait3A_702 : memref<1x8x125xi32, #tpu.memory_space<vmem>> -> memref<8x125xi32, #tpu.memory_space<vmem>>
        %dma_wait3A_704 = arith.constant 0 : i32
        %dma_wait3A_705 = arith.constant 0 : i32
        %dma_wait3A_706 = tpu.memref_slice %arg3[%add3A, %dma_wait3A_704, %dma_wait3A_705] : memref<32x80x125xi32, #tpu.memory_space<hbm>> -> memref<1x8x125xi32, #tpu.memory_space<hbm>>
        %dma_wait3A_707 = tpu.memref_squeeze %dma_wait3A_706 : memref<1x8x125xi32, #tpu.memory_space<hbm>> -> memref<8x125xi32, #tpu.memory_space<hbm>>
        tpu.wait_dma2 semaphore(%dma_wait3A_699 : memref<!tpu.dma_semaphore, #tpu.memory_space<semaphore_mem>>) src(%dma_wait3A_707 : memref<8x125xi32, #tpu.memory_space<hbm>>) dst(%dma_wait3A_703 : memref<8x125xi32, #tpu.memory_space<vmem>>)
        %sub3A_708 = arith.constant 1 : i32
        %sub3A_709 = arith.subi %sub3A_708, %select_n3A_89 : i32
        %sub3A_710 = arith.constant 1 : i32
        %sub3A_711 = arith.subi %sub3A_710, %select_n3A_89 : i32
        %dma_wait3A_712 = arith.constant 0 : i32
        %dma_wait3A_713 = arith.constant 0 : i32
        %dma_wait3A_714 = tpu.memref_slice %arg8[%sub3A_709, %dma_wait3A_712, %dma_wait3A_713] : memref<2x8x125xi32, #tpu.memory_space<vmem>> -> memref<1x8x125xi32, #tpu.memory_space<vmem>>
        %dma_wait3A_715 = tpu.memref_squeeze %dma_wait3A_714 : memref<1x8x125xi32, #tpu.memory_space<vmem>> -> memref<8x125xi32, #tpu.memory_space<vmem>>
        %dma_wait3A_716 = arith.constant 0 : i32
        %dma_wait3A_717 = arith.constant 0 : i32
        %dma_wait3A_718 = tpu.memref_slice %arg4[%add3A, %dma_wait3A_716, %dma_wait3A_717] : memref<32x80x125xi32, #tpu.memory_space<hbm>> -> memref<1x8x125xi32, #tpu.memory_space<hbm>>
        %dma_wait3A_719 = tpu.memref_squeeze %dma_wait3A_718 : memref<1x8x125xi32, #tpu.memory_space<hbm>> -> memref<8x125xi32, #tpu.memory_space<hbm>>
        %dma_wait3A_720 = tpu.memref_slice %arg13[%sub3A_711] : memref<2x!tpu.dma_semaphore, #tpu.memory_space<semaphore_mem>> -> memref<1x!tpu.dma_semaphore, #tpu.memory_space<semaphore_mem>>
        %dma_wait3A_721 = tpu.memref_squeeze %dma_wait3A_720 : memref<1x!tpu.dma_semaphore, #tpu.memory_space<semaphore_mem>> -> memref<!tpu.dma_semaphore, #tpu.memory_space<semaphore_mem>>
        %dma_wait3A_722 = arith.constant 0 : i32
        %dma_wait3A_723 = arith.constant 0 : i32
        %dma_wait3A_724 = tpu.memref_slice %arg8[%sub3A_709, %dma_wait3A_722, %dma_wait3A_723] : memref<2x8x125xi32, #tpu.memory_space<vmem>> -> memref<1x8x125xi32, #tpu.memory_space<vmem>>
        %dma_wait3A_725 = tpu.memref_squeeze %dma_wait3A_724 : memref<1x8x125xi32, #tpu.memory_space<vmem>> -> memref<8x125xi32, #tpu.memory_space<vmem>>
        %dma_wait3A_726 = arith.constant 0 : i32
        %dma_wait3A_727 = arith.constant 0 : i32
        %dma_wait3A_728 = tpu.memref_slice %arg4[%add3A, %dma_wait3A_726, %dma_wait3A_727] : memref<32x80x125xi32, #tpu.memory_space<hbm>> -> memref<1x8x125xi32, #tpu.memory_space<hbm>>
        %dma_wait3A_729 = tpu.memref_squeeze %dma_wait3A_728 : memref<1x8x125xi32, #tpu.memory_space<hbm>> -> memref<8x125xi32, #tpu.memory_space<hbm>>
        tpu.wait_dma2 semaphore(%dma_wait3A_721 : memref<!tpu.dma_semaphore, #tpu.memory_space<semaphore_mem>>) src(%dma_wait3A_729 : memref<8x125xi32, #tpu.memory_space<hbm>>) dst(%dma_wait3A_725 : memref<8x125xi32, #tpu.memory_space<vmem>>)
        %sub3A_730 = arith.constant 1 : i32
        %sub3A_731 = arith.subi %sub3A_730, %select_n3A_89 : i32
        %dma_start3A_732 = arith.constant 0 : i32
        %dma_start3A_733 = arith.constant 0 : i32
        %dma_start3A_734 = arith.constant 0 : i32
        %dma_start3A_735 = arith.constant 0 : i32
        %dma_start3A_736 = arith.constant 0 : i32
        %dma_start3A_737 = tpu.memref_slice %arg9[%dma_start3A_733, %dma_start3A_735, %dma_start3A_736] : memref<2x125x128xf32, #tpu.memory_space<vmem>> -> memref<1x125x128xf32, #tpu.memory_space<vmem>>
        %dma_start3A_738 = tpu.memref_squeeze %dma_start3A_737 : memref<1x125x128xf32, #tpu.memory_space<vmem>> -> memref<125x128xf32, #tpu.memory_space<vmem>>
        %dma_start3A_739 = arith.constant 0 : i32
        %dma_start3A_740 = tpu.memref_slice %arg7[%sub3A_731, %dma_start3A_732, %dma_start3A_739] : memref<2x8x125xi32, #tpu.memory_space<vmem>> -> memref<1x1x125xi32, #tpu.memory_space<vmem>>
        %dma_start3A_741 = tpu.memref_squeeze %dma_start3A_740 : memref<1x1x125xi32, #tpu.memory_space<vmem>> -> memref<125xi32, #tpu.memory_space<vmem>>
        %dma_start3A_742 = arith.constant 0 : i32
        %dma_start3A_743 = arith.constant 0 : i32
        %dma_start3A_744 = tpu.memref_slice %arg2[%dma_start3A_742, %dma_start3A_743] : memref<10000x128xf32, #tpu.memory_space<hbm>> -> memref<10000x128xf32, #tpu.memory_space<hbm>>
        %dma_start3A_745 = tpu.memref_slice %arg11[%dma_start3A_734] : memref<2x!tpu.dma_semaphore, #tpu.memory_space<semaphore_mem>> -> memref<1x!tpu.dma_semaphore, #tpu.memory_space<semaphore_mem>>
        %dma_start3A_746 = tpu.memref_squeeze %dma_start3A_745 : memref<1x!tpu.dma_semaphore, #tpu.memory_space<semaphore_mem>> -> memref<!tpu.dma_semaphore, #tpu.memory_space<semaphore_mem>>
        tpu.enqueue_indirect_dma source(%dma_start3A_744 : memref<10000x128xf32, #tpu.memory_space<hbm>>) target(%dma_start3A_738 : memref<125x128xf32, #tpu.memory_space<vmem>>) offsets(%dma_start3A_741 : memref<125xi32, #tpu.memory_space<vmem>>) semaphore(%dma_start3A_746 : memref<!tpu.dma_semaphore, #tpu.memory_space<semaphore_mem>>)
      } else {
      }
      %dma_start3A_674 = arith.constant 7 : i32
      %dma_start3A_675 = arith.constant 0 : i32
      %dma_start3A_676 = arith.constant 0 : i32
      %dma_start3A_677 = tpu.memref_slice %arg9[%select_n3A_638, %dma_start3A_675, %dma_start3A_676] : memref<2x125x128xf32, #tpu.memory_space<vmem>> -> memref<1x125x128xf32, #tpu.memory_space<vmem>>
      %dma_start3A_678 = tpu.memref_squeeze %dma_start3A_677 : memref<1x125x128xf32, #tpu.memory_space<vmem>> -> memref<125x128xf32, #tpu.memory_space<vmem>>
      %dma_start3A_679 = arith.constant 0 : i32
      %dma_start3A_680 = tpu.memref_slice %arg8[%select_n3A_89, %dma_start3A_674, %dma_start3A_679] : memref<2x8x125xi32, #tpu.memory_space<vmem>> -> memref<1x1x125xi32, #tpu.memory_space<vmem>>
      %dma_start3A_681 = tpu.memref_squeeze %dma_start3A_680 : memref<1x1x125xi32, #tpu.memory_space<vmem>> -> memref<125xi32, #tpu.memory_space<vmem>>
      %dma_start3A_682 = arith.constant 0 : i32
      %dma_start3A_683 = arith.constant 0 : i32
      %dma_start3A_684 = tpu.memref_slice %arg10[%dma_start3A_682, %dma_start3A_683] : memref<10240x128xf32, #tpu.memory_space<vmem_shared>> -> memref<10240x128xf32, #tpu.memory_space<vmem_shared>>
      %dma_start3A_685 = tpu.memref_slice %arg12[%select_n3A_638] : memref<2x!tpu.dma_semaphore, #tpu.memory_space<semaphore_mem>> -> memref<1x!tpu.dma_semaphore, #tpu.memory_space<semaphore_mem>>
      %dma_start3A_686 = tpu.memref_squeeze %dma_start3A_685 : memref<1x!tpu.dma_semaphore, #tpu.memory_space<semaphore_mem>> -> memref<!tpu.dma_semaphore, #tpu.memory_space<semaphore_mem>>
      tpu.enqueue_indirect_dma source(%dma_start3A_678 : memref<125x128xf32, #tpu.memory_space<vmem>>) target(%dma_start3A_684 : memref<10240x128xf32, #tpu.memory_space<vmem_shared>>) offsets(%dma_start3A_681 : memref<125xi32, #tpu.memory_space<vmem>>) semaphore(%dma_start3A_686 : memref<!tpu.dma_semaphore, #tpu.memory_space<semaphore_mem>>) {add = true}
    }
    %scan3A_63 = arith.constant 10 : i32
    %dma_wait3A = arith.constant 1 : i32
    %dma_wait3A_64 = arith.constant 1 : i32
    %dma_wait3A_65 = arith.constant 0 : i32
    %dma_wait3A_66 = arith.constant 1 : i32
    %dma_wait3A_67 = arith.constant 0 : i32
    %dma_wait3A_68 = arith.constant 0 : i32
    %dma_wait3A_69 = tpu.memref_slice %arg9[%dma_wait3A, %dma_wait3A_67, %dma_wait3A_68] : memref<2x125x128xf32, #tpu.memory_space<vmem>> -> memref<1x125x128xf32, #tpu.memory_space<vmem>>
    %dma_wait3A_70 = tpu.memref_squeeze %dma_wait3A_69 : memref<1x125x128xf32, #tpu.memory_space<vmem>> -> memref<125x128xf32, #tpu.memory_space<vmem>>
    %dma_wait3A_71 = arith.constant 0 : i32
    %dma_wait3A_72 = tpu.memref_slice %arg8[%dma_wait3A_64, %dma_wait3A_65, %dma_wait3A_71] : memref<2x8x125xi32, #tpu.memory_space<vmem>> -> memref<1x1x125xi32, #tpu.memory_space<vmem>>
    %dma_wait3A_73 = tpu.memref_squeeze %dma_wait3A_72 : memref<1x1x125xi32, #tpu.memory_space<vmem>> -> memref<125xi32, #tpu.memory_space<vmem>>
    %dma_wait3A_74 = arith.constant 0 : i32
    %dma_wait3A_75 = arith.constant 0 : i32
    %dma_wait3A_76 = tpu.memref_slice %arg10[%dma_wait3A_74, %dma_wait3A_75] : memref<10240x128xf32, #tpu.memory_space<vmem_shared>> -> memref<10240x128xf32, #tpu.memory_space<vmem_shared>>
    %dma_wait3A_77 = tpu.memref_slice %arg12[%dma_wait3A_66] : memref<2x!tpu.dma_semaphore, #tpu.memory_space<semaphore_mem>> -> memref<1x!tpu.dma_semaphore, #tpu.memory_space<semaphore_mem>>
    %dma_wait3A_78 = tpu.memref_squeeze %dma_wait3A_77 : memref<1x!tpu.dma_semaphore, #tpu.memory_space<semaphore_mem>> -> memref<!tpu.dma_semaphore, #tpu.memory_space<semaphore_mem>>
    tpu.wait_indirect_dma semaphore(%dma_wait3A_78 : memref<!tpu.dma_semaphore, #tpu.memory_space<semaphore_mem>>) src(%dma_wait3A_70 : memref<125x128xf32, #tpu.memory_space<vmem>>) dst(%dma_wait3A_76 : memref<10240x128xf32, #tpu.memory_space<vmem_shared>>)
    %barrier3A_79 = arith.constant 0 : index
    tpu.barrier barrier_id(%barrier3A_79)
    "tpu.region"() ({
      %run_scoped3A_80 = tpu.sem_alloc : memref<!tpu.dma_semaphore, #tpu.memory_space<semaphore_mem>>
      %dma_start3A_81 = arith.constant 0 : i32
      %dma_start3A_82 = tpu.memref_slice %arg6[%arg0, %multiple_of3A, %dma_start3A_81] : memref<2x10240x128xf32, #tpu.memory_space<hbm>> -> memref<1x640x128xf32, #tpu.memory_space<hbm>>
      %dma_start3A_83 = tpu.memref_squeeze %dma_start3A_82 : memref<1x640x128xf32, #tpu.memory_space<hbm>> -> memref<640x128xf32, #tpu.memory_space<hbm>>
      %dma_start3A_84 = arith.constant 0 : i32
      %dma_start3A_85 = tpu.memref_slice %arg10[%multiple_of3A, %dma_start3A_84] : memref<10240x128xf32, #tpu.memory_space<vmem_shared>> -> memref<640x128xf32, #tpu.memory_space<vmem_shared>>
      tpu.enqueue_dma source(%dma_start3A_85 : memref<640x128xf32, #tpu.memory_space<vmem_shared>>) target(%dma_start3A_83 : memref<640x128xf32, #tpu.memory_space<hbm>>) target_semaphore(%run_scoped3A_80 : memref<!tpu.dma_semaphore, #tpu.memory_space<semaphore_mem>>)
      %dma_wait3A_86 = arith.constant 0 : i32
      %dma_wait3A_87 = tpu.memref_slice %arg6[%arg0, %multiple_of3A, %dma_wait3A_86] : memref<2x10240x128xf32, #tpu.memory_space<hbm>> -> memref<1x640x128xf32, #tpu.memory_space<hbm>>
      %dma_wait3A_88 = tpu.memref_squeeze %dma_wait3A_87 : memref<1x640x128xf32, #tpu.memory_space<hbm>> -> memref<640x128xf32, #tpu.memory_space<hbm>>
      %dma_wait3A_89 = arith.constant 0 : i32
      %dma_wait3A_90 = tpu.memref_slice %arg10[%multiple_of3A, %dma_wait3A_89] : memref<10240x128xf32, #tpu.memory_space<vmem_shared>> -> memref<640x128xf32, #tpu.memory_space<vmem_shared>>
      tpu.wait_dma2 semaphore(%run_scoped3A_80 : memref<!tpu.dma_semaphore, #tpu.memory_space<semaphore_mem>>) src(%dma_wait3A_90 : memref<640x128xf32, #tpu.memory_space<vmem_shared>>) dst(%dma_wait3A_88 : memref<640x128xf32, #tpu.memory_space<hbm>>)
      tpu.yield
    }) : () -> ()
    return
  }
}

module attributes {stable_mosaic.version = 14 : i64} {
  func.func @_tc_layer1_body(%arg0: memref<2x10240x128xf32, #tpu.memory_space<vmem>>, %arg1: memref<2x10240xf32, #tpu.memory_space<vmem>>, %arg2: memref<10000x128xf32, #tpu.memory_space<vmem>>, %arg3: memref<128x128xf32, #tpu.memory_space<vmem>>, %arg4: memref<128xf32, #tpu.memory_space<vmem>>, %arg5: memref<128x128xf32, #tpu.memory_space<vmem>>, %arg6: memref<128xf32, #tpu.memory_space<vmem>>, %arg7: memref<128xf32, #tpu.memory_space<vmem>>, %arg8: memref<10000x128xf32, #tpu.memory_space<vmem>>, %arg9: memref<10000x1xf32, #tpu.memory_space<vmem>>) attributes {dimension_semantics = [], scalar_prefetch = 0 : i64, scratch_operands = 0 : i64, tpu.core_type = #tpu.core_type<tc>} {
    %get3A = arith.constant 0 : index
    %get3A_0 = arith.constant 0 : index
    %get3A_1 = vector.load %arg1[%get3A, %get3A_0] : memref<2x10240xf32, #tpu.memory_space<vmem>>, vector<1x10240xf32>
    %get3A_2 = vector.shape_cast %get3A_1 : vector<1x10240xf32> to vector<10240xf32>
    %slice3A = vector.extract_strided_slice %get3A_2 {offsets = [0], sizes = [10000], strides = [1]} : vector<10240xf32> to vector<10000xf32>
    %get3A_3 = arith.constant 1 : index
    %get3A_4 = arith.constant 0 : index
    %get3A_5 = vector.load %arg1[%get3A_3, %get3A_4] : memref<2x10240xf32, #tpu.memory_space<vmem>>, vector<1x10240xf32>
    %get3A_6 = vector.shape_cast %get3A_5 : vector<1x10240xf32> to vector<10240xf32>
    %slice3A_7 = vector.extract_strided_slice %get3A_6 {offsets = [0], sizes = [10000], strides = [1]} : vector<10240xf32> to vector<10000xf32>
    %add3A = arith.addf %slice3A, %slice3A_7 : vector<10000xf32>
    %max3A = arith.constant 1.000000e+00 : f32
    %max3A_8 = vector.broadcast %max3A : f32 to vector<10000xf32>
    %max3A_9 = arith.maximumf %add3A, %max3A_8 : vector<10000xf32>
    %broadcast_in_dim3A = vector.shape_cast %max3A_9 : vector<10000xf32> to vector<10000x1xf32>
    %swap3A = arith.constant 0 : index
    %swap3A_10 = arith.constant 0 : index
    %swap3A_11 = vector.load %arg9[%swap3A, %swap3A_10] : memref<10000x1xf32, #tpu.memory_space<vmem>>, vector<10000x1xf32>
    tpu.vector_store %arg9[%swap3A, %swap3A_10], %broadcast_in_dim3A {strides = array<i32>} : memref<10000x1xf32, #tpu.memory_space<vmem>>, vector<10000x1xf32>,
    %get3A_12 = arith.constant 0 : index
    %get3A_13 = arith.constant 0 : index
    %get3A_14 = arith.constant 0 : index
    %get3A_15 = vector.load %arg0[%get3A_12, %get3A_13, %get3A_14] : memref<2x10240x128xf32, #tpu.memory_space<vmem>>, vector<1x10240x128xf32>
    %get3A_16 = vector.shape_cast %get3A_15 : vector<1x10240x128xf32> to vector<10240x128xf32>
    %slice3A_17 = vector.extract_strided_slice %get3A_16 {offsets = [0, 0], sizes = [10000, 128], strides = [1, 1]} : vector<10240x128xf32> to vector<10000x128xf32>
    %get3A_18 = arith.constant 1 : index
    %get3A_19 = arith.constant 0 : index
    %get3A_20 = arith.constant 0 : index
    %get3A_21 = vector.load %arg0[%get3A_18, %get3A_19, %get3A_20] : memref<2x10240x128xf32, #tpu.memory_space<vmem>>, vector<1x10240x128xf32>
    %get3A_22 = vector.shape_cast %get3A_21 : vector<1x10240x128xf32> to vector<10240x128xf32>
    %slice3A_23 = vector.extract_strided_slice %get3A_22 {offsets = [0, 0], sizes = [10000, 128], strides = [1, 1]} : vector<10240x128xf32> to vector<10000x128xf32>
    %add3A_24 = arith.addf %slice3A_17, %slice3A_23 : vector<10000x128xf32>
    %div3A = vector.broadcast %broadcast_in_dim3A : vector<10000x1xf32> to vector<10000x128xf32>
    %div3A_25 = arith.divf %add3A_24, %div3A : vector<10000x128xf32>
    %get3A_26 = arith.constant 0 : index
    %get3A_27 = arith.constant 0 : index
    %get3A_28 = vector.load %arg3[%get3A_26, %get3A_27] : memref<128x128xf32, #tpu.memory_space<vmem>>, vector<128x128xf32>
    %dot_general3A = arith.constant dense<0.000000e+00> : vector<10000x128xf32>
    %dot_general3A_29 = tpu.matmul %div3A_25, %get3A_28, %dot_general3A {dimension_numbers = #tpu.dot_dimension_numbers<[1], [0], [0], [1], [0, 0, 1, 1], [], []>, transpose_lhs_hint = false} : vector<10000x128xf32>, vector<128x128xf32>, vector<10000x128xf32> -> vector<10000x128xf32>
    %get3A_30 = arith.constant 0 : index
    %get3A_31 = vector.load %arg4[%get3A_30] : memref<128xf32, #tpu.memory_space<vmem>>, vector<128xf32>
    %broadcast_in_dim3A_32 = vector.shape_cast %get3A_31 : vector<128xf32> to vector<1x128xf32>
    %add3A_33 = vector.broadcast %broadcast_in_dim3A_32 : vector<1x128xf32> to vector<10000x128xf32>
    %add3A_34 = arith.addf %dot_general3A_29, %add3A_33 : vector<10000x128xf32>
    %get3A_35 = arith.constant 0 : index
    %get3A_36 = arith.constant 0 : index
    %get3A_37 = vector.load %arg2[%get3A_35, %get3A_36] : memref<10000x128xf32, #tpu.memory_space<vmem>>, vector<10000x128xf32>
    %get3A_38 = arith.constant 0 : index
    %get3A_39 = arith.constant 0 : index
    %get3A_40 = vector.load %arg5[%get3A_38, %get3A_39] : memref<128x128xf32, #tpu.memory_space<vmem>>, vector<128x128xf32>
    %dot_general3A_41 = arith.constant dense<0.000000e+00> : vector<10000x128xf32>
    %dot_general3A_42 = tpu.matmul %get3A_37, %get3A_40, %dot_general3A_41 {dimension_numbers = #tpu.dot_dimension_numbers<[1], [0], [0], [1], [0, 0, 1, 1], [], []>, transpose_lhs_hint = false} : vector<10000x128xf32>, vector<128x128xf32>, vector<10000x128xf32> -> vector<10000x128xf32>
    %add3A_43 = arith.addf %add3A_34, %dot_general3A_42 : vector<10000x128xf32>
    %get3A_44 = arith.constant 0 : index
    %get3A_45 = vector.load %arg6[%get3A_44] : memref<128xf32, #tpu.memory_space<vmem>>, vector<128xf32>
    %get3A_46 = arith.constant 0 : index
    %get3A_47 = vector.load %arg7[%get3A_46] : memref<128xf32, #tpu.memory_space<vmem>>, vector<128xf32>
    %reduce_sum3A = arith.constant dense<0.000000e+00> : vector<128xf32>
    %reduce_sum3A_48 = vector.multi_reduction <add>, %add3A_43, %reduce_sum3A [0] : vector<10000x128xf32> to vector<128xf32>
    %broadcast_in_dim3A_49 = vector.shape_cast %reduce_sum3A_48 : vector<128xf32> to vector<1x128xf32>
    %div3A_50 = arith.constant 1.000000e+04 : f32
    %div3A_51 = vector.broadcast %div3A_50 : f32 to vector<1x128xf32>
    %div3A_52 = arith.divf %broadcast_in_dim3A_49, %div3A_51 : vector<1x128xf32>
    %sub3A = vector.broadcast %div3A_52 : vector<1x128xf32> to vector<10000x128xf32>
    %sub3A_53 = arith.subf %add3A_43, %sub3A : vector<10000x128xf32>
    %mul3A = arith.mulf %sub3A_53, %sub3A_53 : vector<10000x128xf32>
    %reduce_sum3A_54 = arith.constant dense<0.000000e+00> : vector<128xf32>
    %reduce_sum3A_55 = vector.multi_reduction <add>, %mul3A, %reduce_sum3A_54 [0] : vector<10000x128xf32> to vector<128xf32>
    %broadcast_in_dim3A_56 = vector.shape_cast %reduce_sum3A_55 : vector<128xf32> to vector<1x128xf32>
    %div3A_57 = arith.constant 1.000000e+04 : f32
    %div3A_58 = vector.broadcast %div3A_57 : f32 to vector<1x128xf32>
    %div3A_59 = arith.divf %broadcast_in_dim3A_56, %div3A_58 : vector<1x128xf32>
    %add3A_60 = arith.constant 9.99999974E-6 : f32
    %add3A_61 = vector.broadcast %add3A_60 : f32 to vector<1x128xf32>
    %add3A_62 = arith.addf %div3A_59, %add3A_61 : vector<1x128xf32>
    %rsqrt3A = math.rsqrt %add3A_62 : vector<1x128xf32>
    %mul3A_63 = vector.broadcast %rsqrt3A : vector<1x128xf32> to vector<10000x128xf32>
    %mul3A_64 = arith.mulf %sub3A_53, %mul3A_63 : vector<10000x128xf32>
    %broadcast_in_dim3A_65 = vector.shape_cast %get3A_45 : vector<128xf32> to vector<1x128xf32>
    %mul3A_66 = vector.broadcast %broadcast_in_dim3A_65 : vector<1x128xf32> to vector<10000x128xf32>
    %mul3A_67 = arith.mulf %mul3A_64, %mul3A_66 : vector<10000x128xf32>
    %broadcast_in_dim3A_68 = vector.shape_cast %get3A_47 : vector<128xf32> to vector<1x128xf32>
    %add3A_69 = vector.broadcast %broadcast_in_dim3A_68 : vector<1x128xf32> to vector<10000x128xf32>
    %add3A_70 = arith.addf %mul3A_67, %add3A_69 : vector<10000x128xf32>
    %max3A_71 = arith.constant 0.000000e+00 : f32
    %max3A_72 = vector.broadcast %max3A_71 : f32 to vector<10000x128xf32>
    %max3A_73 = arith.maximumf %add3A_70, %max3A_72 : vector<10000x128xf32>
    %swap3A_74 = arith.constant 0 : index
    %swap3A_75 = arith.constant 0 : index
    %swap3A_76 = vector.load %arg8[%swap3A_74, %swap3A_75] : memref<10000x128xf32, #tpu.memory_space<vmem>>, vector<10000x128xf32>
    tpu.vector_store %arg8[%swap3A_74, %swap3A_75], %max3A_73 {strides = array<i32>} : memref<10000x128xf32, #tpu.memory_space<vmem>>, vector<10000x128xf32>,
    return
  }
}

module attributes {stable_mosaic.version = 14 : i64} {
  func.func @_tc_layer_body(%arg0: memref<2x10240x128xf32, #tpu.memory_space<vmem>>, %arg1: memref<10000x1xf32, #tpu.memory_space<vmem>>, %arg2: memref<10000x128xf32, #tpu.memory_space<vmem>>, %arg3: memref<128x128xf32, #tpu.memory_space<vmem>>, %arg4: memref<128xf32, #tpu.memory_space<vmem>>, %arg5: memref<128x128xf32, #tpu.memory_space<vmem>>, %arg6: memref<128xf32, #tpu.memory_space<vmem>>, %arg7: memref<128xf32, #tpu.memory_space<vmem>>, %arg8: memref<10000x128xf32, #tpu.memory_space<vmem>>) attributes {dimension_semantics = [], scalar_prefetch = 0 : i64, scratch_operands = 0 : i64, tpu.core_type = #tpu.core_type<tc>} {
    %get3A = arith.constant 0 : index
    %get3A_0 = arith.constant 0 : index
    %get3A_1 = arith.constant 0 : index
    %get3A_2 = vector.load %arg0[%get3A, %get3A_0, %get3A_1] : memref<2x10240x128xf32, #tpu.memory_space<vmem>>, vector<1x10240x128xf32>
    %get3A_3 = vector.shape_cast %get3A_2 : vector<1x10240x128xf32> to vector<10240x128xf32>
    %slice3A = vector.extract_strided_slice %get3A_3 {offsets = [0, 0], sizes = [10000, 128], strides = [1, 1]} : vector<10240x128xf32> to vector<10000x128xf32>
    %get3A_4 = arith.constant 1 : index
    %get3A_5 = arith.constant 0 : index
    %get3A_6 = arith.constant 0 : index
    %get3A_7 = vector.load %arg0[%get3A_4, %get3A_5, %get3A_6] : memref<2x10240x128xf32, #tpu.memory_space<vmem>>, vector<1x10240x128xf32>
    %get3A_8 = vector.shape_cast %get3A_7 : vector<1x10240x128xf32> to vector<10240x128xf32>
    %slice3A_9 = vector.extract_strided_slice %get3A_8 {offsets = [0, 0], sizes = [10000, 128], strides = [1, 1]} : vector<10240x128xf32> to vector<10000x128xf32>
    %add3A = arith.addf %slice3A, %slice3A_9 : vector<10000x128xf32>
    %get3A_10 = arith.constant 0 : index
    %get3A_11 = arith.constant 0 : index
    %get3A_12 = vector.load %arg1[%get3A_10, %get3A_11] : memref<10000x1xf32, #tpu.memory_space<vmem>>, vector<10000x1xf32>
    %div3A = vector.broadcast %get3A_12 : vector<10000x1xf32> to vector<10000x128xf32>
    %div3A_13 = arith.divf %add3A, %div3A : vector<10000x128xf32>
    %get3A_14 = arith.constant 0 : index
    %get3A_15 = arith.constant 0 : index
    %get3A_16 = vector.load %arg3[%get3A_14, %get3A_15] : memref<128x128xf32, #tpu.memory_space<vmem>>, vector<128x128xf32>
    %dot_general3A = arith.constant dense<0.000000e+00> : vector<10000x128xf32>
    %dot_general3A_17 = tpu.matmul %div3A_13, %get3A_16, %dot_general3A {dimension_numbers = #tpu.dot_dimension_numbers<[1], [0], [0], [1], [0, 0, 1, 1], [], []>, transpose_lhs_hint = false} : vector<10000x128xf32>, vector<128x128xf32>, vector<10000x128xf32> -> vector<10000x128xf32>
    %get3A_18 = arith.constant 0 : index
    %get3A_19 = vector.load %arg4[%get3A_18] : memref<128xf32, #tpu.memory_space<vmem>>, vector<128xf32>
    %broadcast_in_dim3A = vector.shape_cast %get3A_19 : vector<128xf32> to vector<1x128xf32>
    %add3A_20 = vector.broadcast %broadcast_in_dim3A : vector<1x128xf32> to vector<10000x128xf32>
    %add3A_21 = arith.addf %dot_general3A_17, %add3A_20 : vector<10000x128xf32>
    %get3A_22 = arith.constant 0 : index
    %get3A_23 = arith.constant 0 : index
    %get3A_24 = vector.load %arg2[%get3A_22, %get3A_23] : memref<10000x128xf32, #tpu.memory_space<vmem>>, vector<10000x128xf32>
    %get3A_25 = arith.constant 0 : index
    %get3A_26 = arith.constant 0 : index
    %get3A_27 = vector.load %arg5[%get3A_25, %get3A_26] : memref<128x128xf32, #tpu.memory_space<vmem>>, vector<128x128xf32>
    %dot_general3A_28 = arith.constant dense<0.000000e+00> : vector<10000x128xf32>
    %dot_general3A_29 = tpu.matmul %get3A_24, %get3A_27, %dot_general3A_28 {dimension_numbers = #tpu.dot_dimension_numbers<[1], [0], [0], [1], [0, 0, 1, 1], [], []>, transpose_lhs_hint = false} : vector<10000x128xf32>, vector<128x128xf32>, vector<10000x128xf32> -> vector<10000x128xf32>
    %add3A_30 = arith.addf %add3A_21, %dot_general3A_29 : vector<10000x128xf32>
    %get3A_31 = arith.constant 0 : index
    %get3A_32 = vector.load %arg6[%get3A_31] : memref<128xf32, #tpu.memory_space<vmem>>, vector<128xf32>
    %get3A_33 = arith.constant 0 : index
    %get3A_34 = vector.load %arg7[%get3A_33] : memref<128xf32, #tpu.memory_space<vmem>>, vector<128xf32>
    %reduce_sum3A = arith.constant dense<0.000000e+00> : vector<128xf32>
    %reduce_sum3A_35 = vector.multi_reduction <add>, %add3A_30, %reduce_sum3A [0] : vector<10000x128xf32> to vector<128xf32>
    %broadcast_in_dim3A_36 = vector.shape_cast %reduce_sum3A_35 : vector<128xf32> to vector<1x128xf32>
    %div3A_37 = arith.constant 1.000000e+04 : f32
    %div3A_38 = vector.broadcast %div3A_37 : f32 to vector<1x128xf32>
    %div3A_39 = arith.divf %broadcast_in_dim3A_36, %div3A_38 : vector<1x128xf32>
    %sub3A = vector.broadcast %div3A_39 : vector<1x128xf32> to vector<10000x128xf32>
    %sub3A_40 = arith.subf %add3A_30, %sub3A : vector<10000x128xf32>
    %mul3A = arith.mulf %sub3A_40, %sub3A_40 : vector<10000x128xf32>
    %reduce_sum3A_41 = arith.constant dense<0.000000e+00> : vector<128xf32>
    %reduce_sum3A_42 = vector.multi_reduction <add>, %mul3A, %reduce_sum3A_41 [0] : vector<10000x128xf32> to vector<128xf32>
    %broadcast_in_dim3A_43 = vector.shape_cast %reduce_sum3A_42 : vector<128xf32> to vector<1x128xf32>
    %div3A_44 = arith.constant 1.000000e+04 : f32
    %div3A_45 = vector.broadcast %div3A_44 : f32 to vector<1x128xf32>
    %div3A_46 = arith.divf %broadcast_in_dim3A_43, %div3A_45 : vector<1x128xf32>
    %add3A_47 = arith.constant 9.99999974E-6 : f32
    %add3A_48 = vector.broadcast %add3A_47 : f32 to vector<1x128xf32>
    %add3A_49 = arith.addf %div3A_46, %add3A_48 : vector<1x128xf32>
    %rsqrt3A = math.rsqrt %add3A_49 : vector<1x128xf32>
    %mul3A_50 = vector.broadcast %rsqrt3A : vector<1x128xf32> to vector<10000x128xf32>
    %mul3A_51 = arith.mulf %sub3A_40, %mul3A_50 : vector<10000x128xf32>
    %broadcast_in_dim3A_52 = vector.shape_cast %get3A_32 : vector<128xf32> to vector<1x128xf32>
    %mul3A_53 = vector.broadcast %broadcast_in_dim3A_52 : vector<1x128xf32> to vector<10000x128xf32>
    %mul3A_54 = arith.mulf %mul3A_51, %mul3A_53 : vector<10000x128xf32>
    %broadcast_in_dim3A_55 = vector.shape_cast %get3A_34 : vector<128xf32> to vector<1x128xf32>
    %add3A_56 = vector.broadcast %broadcast_in_dim3A_55 : vector<1x128xf32> to vector<10000x128xf32>
    %add3A_57 = arith.addf %mul3A_54, %add3A_56 : vector<10000x128xf32>
    %max3A = arith.constant 0.000000e+00 : f32
    %max3A_58 = vector.broadcast %max3A : f32 to vector<10000x128xf32>
    %max3A_59 = arith.maximumf %add3A_57, %max3A_58 : vector<10000x128xf32>
    %swap3A = arith.constant 0 : index
    %swap3A_60 = arith.constant 0 : index
    %swap3A_61 = vector.load %arg8[%swap3A, %swap3A_60] : memref<10000x128xf32, #tpu.memory_space<vmem>>, vector<10000x128xf32>
    tpu.vector_store %arg8[%swap3A, %swap3A_60], %max3A_59 {strides = array<i32>} : memref<10000x128xf32, #tpu.memory_space<vmem>>, vector<10000x128xf32>,
    return
  }
}

module attributes {stable_mosaic.version = 14 : i64} {
  func.func @_tc_layer3_body(%arg0: memref<2x10240x128xf32, #tpu.memory_space<vmem>>, %arg1: memref<10000x1xf32, #tpu.memory_space<vmem>>, %arg2: memref<10000x128xf32, #tpu.memory_space<vmem>>, %arg3: memref<128x128xf32, #tpu.memory_space<vmem>>, %arg4: memref<128xf32, #tpu.memory_space<vmem>>, %arg5: memref<128x128xf32, #tpu.memory_space<vmem>>, %arg6: memref<128xf32, #tpu.memory_space<vmem>>, %arg7: memref<128xf32, #tpu.memory_space<vmem>>, %arg8: memref<10000x1xf32, #tpu.memory_space<vmem>>, %arg9: memref<128x128xf32, #tpu.memory_space<vmem>>, %arg10: memref<128xf32, #tpu.memory_space<vmem>>, %arg11: memref<128xf32, #tpu.memory_space<vmem>>, %arg12: memref<128xf32, #tpu.memory_space<vmem>>, %arg13: memref<128x128xf32, #tpu.memory_space<vmem>>, %arg14: memref<128xf32, #tpu.memory_space<vmem>>, %arg15: memref<10000x128xf32, #tpu.memory_space<vmem>>, %arg16: memref<10000x128xf32, #tpu.memory_space<vmem>>) attributes {dimension_semantics = [], scalar_prefetch = 0 : i64, scratch_operands = 0 : i64, tpu.core_type = #tpu.core_type<tc>} {
    %get3A = arith.constant 0 : index
    %get3A_0 = arith.constant 0 : index
    %get3A_1 = arith.constant 0 : index
    %get3A_2 = vector.load %arg0[%get3A, %get3A_0, %get3A_1] : memref<2x10240x128xf32, #tpu.memory_space<vmem>>, vector<1x10240x128xf32>
    %get3A_3 = vector.shape_cast %get3A_2 : vector<1x10240x128xf32> to vector<10240x128xf32>
    %slice3A = vector.extract_strided_slice %get3A_3 {offsets = [0, 0], sizes = [10000, 128], strides = [1, 1]} : vector<10240x128xf32> to vector<10000x128xf32>
    %get3A_4 = arith.constant 1 : index
    %get3A_5 = arith.constant 0 : index
    %get3A_6 = arith.constant 0 : index
    %get3A_7 = vector.load %arg0[%get3A_4, %get3A_5, %get3A_6] : memref<2x10240x128xf32, #tpu.memory_space<vmem>>, vector<1x10240x128xf32>
    %get3A_8 = vector.shape_cast %get3A_7 : vector<1x10240x128xf32> to vector<10240x128xf32>
    %slice3A_9 = vector.extract_strided_slice %get3A_8 {offsets = [0, 0], sizes = [10000, 128], strides = [1, 1]} : vector<10240x128xf32> to vector<10000x128xf32>
    %add3A = arith.addf %slice3A, %slice3A_9 : vector<10000x128xf32>
    %get3A_10 = arith.constant 0 : index
    %get3A_11 = arith.constant 0 : index
    %get3A_12 = vector.load %arg1[%get3A_10, %get3A_11] : memref<10000x1xf32, #tpu.memory_space<vmem>>, vector<10000x1xf32>
    %div3A = vector.broadcast %get3A_12 : vector<10000x1xf32> to vector<10000x128xf32>
    %div3A_13 = arith.divf %add3A, %div3A : vector<10000x128xf32>
    %get3A_14 = arith.constant 0 : index
    %get3A_15 = arith.constant 0 : index
    %get3A_16 = vector.load %arg3[%get3A_14, %get3A_15] : memref<128x128xf32, #tpu.memory_space<vmem>>, vector<128x128xf32>
    %dot_general3A = arith.constant dense<0.000000e+00> : vector<10000x128xf32>
    %dot_general3A_17 = tpu.matmul %div3A_13, %get3A_16, %dot_general3A {dimension_numbers = #tpu.dot_dimension_numbers<[1], [0], [0], [1], [0, 0, 1, 1], [], []>, transpose_lhs_hint = false} : vector<10000x128xf32>, vector<128x128xf32>, vector<10000x128xf32> -> vector<10000x128xf32>
    %get3A_18 = arith.constant 0 : index
    %get3A_19 = vector.load %arg4[%get3A_18] : memref<128xf32, #tpu.memory_space<vmem>>, vector<128xf32>
    %broadcast_in_dim3A = vector.shape_cast %get3A_19 : vector<128xf32> to vector<1x128xf32>
    %add3A_20 = vector.broadcast %broadcast_in_dim3A : vector<1x128xf32> to vector<10000x128xf32>
    %add3A_21 = arith.addf %dot_general3A_17, %add3A_20 : vector<10000x128xf32>
    %get3A_22 = arith.constant 0 : index
    %get3A_23 = arith.constant 0 : index
    %get3A_24 = vector.load %arg2[%get3A_22, %get3A_23] : memref<10000x128xf32, #tpu.memory_space<vmem>>, vector<10000x128xf32>
    %get3A_25 = arith.constant 0 : index
    %get3A_26 = arith.constant 0 : index
    %get3A_27 = vector.load %arg5[%get3A_25, %get3A_26] : memref<128x128xf32, #tpu.memory_space<vmem>>, vector<128x128xf32>
    %dot_general3A_28 = arith.constant dense<0.000000e+00> : vector<10000x128xf32>
    %dot_general3A_29 = tpu.matmul %get3A_24, %get3A_27, %dot_general3A_28 {dimension_numbers = #tpu.dot_dimension_numbers<[1], [0], [0], [1], [0, 0, 1, 1], [], []>, transpose_lhs_hint = false} : vector<10000x128xf32>, vector<128x128xf32>, vector<10000x128xf32> -> vector<10000x128xf32>
    %add3A_30 = arith.addf %add3A_21, %dot_general3A_29 : vector<10000x128xf32>
    %get3A_31 = arith.constant 0 : index
    %get3A_32 = vector.load %arg6[%get3A_31] : memref<128xf32, #tpu.memory_space<vmem>>, vector<128xf32>
    %get3A_33 = arith.constant 0 : index
    %get3A_34 = vector.load %arg7[%get3A_33] : memref<128xf32, #tpu.memory_space<vmem>>, vector<128xf32>
    %reduce_sum3A = arith.constant dense<0.000000e+00> : vector<128xf32>
    %reduce_sum3A_35 = vector.multi_reduction <add>, %add3A_30, %reduce_sum3A [0] : vector<10000x128xf32> to vector<128xf32>
    %broadcast_in_dim3A_36 = vector.shape_cast %reduce_sum3A_35 : vector<128xf32> to vector<1x128xf32>
    %div3A_37 = arith.constant 1.000000e+04 : f32
    %div3A_38 = vector.broadcast %div3A_37 : f32 to vector<1x128xf32>
    %div3A_39 = arith.divf %broadcast_in_dim3A_36, %div3A_38 : vector<1x128xf32>
    %sub3A = vector.broadcast %div3A_39 : vector<1x128xf32> to vector<10000x128xf32>
    %sub3A_40 = arith.subf %add3A_30, %sub3A : vector<10000x128xf32>
    %mul3A = arith.mulf %sub3A_40, %sub3A_40 : vector<10000x128xf32>
    %reduce_sum3A_41 = arith.constant dense<0.000000e+00> : vector<128xf32>
    %reduce_sum3A_42 = vector.multi_reduction <add>, %mul3A, %reduce_sum3A_41 [0] : vector<10000x128xf32> to vector<128xf32>
    %broadcast_in_dim3A_43 = vector.shape_cast %reduce_sum3A_42 : vector<128xf32> to vector<1x128xf32>
    %div3A_44 = arith.constant 1.000000e+04 : f32
    %div3A_45 = vector.broadcast %div3A_44 : f32 to vector<1x128xf32>
    %div3A_46 = arith.divf %broadcast_in_dim3A_43, %div3A_45 : vector<1x128xf32>
    %add3A_47 = arith.constant 9.99999974E-6 : f32
    %add3A_48 = vector.broadcast %add3A_47 : f32 to vector<1x128xf32>
    %add3A_49 = arith.addf %div3A_46, %add3A_48 : vector<1x128xf32>
    %rsqrt3A = math.rsqrt %add3A_49 : vector<1x128xf32>
    %mul3A_50 = vector.broadcast %rsqrt3A : vector<1x128xf32> to vector<10000x128xf32>
    %mul3A_51 = arith.mulf %sub3A_40, %mul3A_50 : vector<10000x128xf32>
    %broadcast_in_dim3A_52 = vector.shape_cast %get3A_32 : vector<128xf32> to vector<1x128xf32>
    %mul3A_53 = vector.broadcast %broadcast_in_dim3A_52 : vector<1x128xf32> to vector<10000x128xf32>
    %mul3A_54 = arith.mulf %mul3A_51, %mul3A_53 : vector<10000x128xf32>
    %broadcast_in_dim3A_55 = vector.shape_cast %get3A_34 : vector<128xf32> to vector<1x128xf32>
    %add3A_56 = vector.broadcast %broadcast_in_dim3A_55 : vector<1x128xf32> to vector<10000x128xf32>
    %add3A_57 = arith.addf %mul3A_54, %add3A_56 : vector<10000x128xf32>
    %max3A = arith.constant 0.000000e+00 : f32
    %max3A_58 = vector.broadcast %max3A : f32 to vector<10000x128xf32>
    %max3A_59 = arith.maximumf %add3A_57, %max3A_58 : vector<10000x128xf32>
    %swap3A = arith.constant 0 : index
    %swap3A_60 = arith.constant 0 : index
    %swap3A_61 = vector.load %arg15[%swap3A, %swap3A_60] : memref<10000x128xf32, #tpu.memory_space<vmem>>, vector<10000x128xf32>
    tpu.vector_store %arg15[%swap3A, %swap3A_60], %max3A_59 {strides = array<i32>} : memref<10000x128xf32, #tpu.memory_space<vmem>>, vector<10000x128xf32>,
    %get3A_62 = arith.constant 0 : index
    %get3A_63 = arith.constant 0 : index
    %get3A_64 = vector.load %arg9[%get3A_62, %get3A_63] : memref<128x128xf32, #tpu.memory_space<vmem>>, vector<128x128xf32>
    %dot_general3A_65 = arith.constant dense<0.000000e+00> : vector<10000x128xf32>
    %dot_general3A_66 = tpu.matmul %max3A_59, %get3A_64, %dot_general3A_65 {dimension_numbers = #tpu.dot_dimension_numbers<[1], [0], [0], [1], [0, 0, 1, 1], [], []>, transpose_lhs_hint = false} : vector<10000x128xf32>, vector<128x128xf32>, vector<10000x128xf32> -> vector<10000x128xf32>
    %get3A_67 = arith.constant 0 : index
    %get3A_68 = vector.load %arg10[%get3A_67] : memref<128xf32, #tpu.memory_space<vmem>>, vector<128xf32>
    %broadcast_in_dim3A_69 = vector.shape_cast %get3A_68 : vector<128xf32> to vector<1x128xf32>
    %add3A_70 = vector.broadcast %broadcast_in_dim3A_69 : vector<1x128xf32> to vector<10000x128xf32>
    %add3A_71 = arith.addf %dot_general3A_66, %add3A_70 : vector<10000x128xf32>
    %get3A_72 = arith.constant 0 : index
    %get3A_73 = vector.load %arg11[%get3A_72] : memref<128xf32, #tpu.memory_space<vmem>>, vector<128xf32>
    %get3A_74 = arith.constant 0 : index
    %get3A_75 = vector.load %arg12[%get3A_74] : memref<128xf32, #tpu.memory_space<vmem>>, vector<128xf32>
    %reduce_sum3A_76 = arith.constant dense<0.000000e+00> : vector<128xf32>
    %reduce_sum3A_77 = vector.multi_reduction <add>, %add3A_71, %reduce_sum3A_76 [0] : vector<10000x128xf32> to vector<128xf32>
    %broadcast_in_dim3A_78 = vector.shape_cast %reduce_sum3A_77 : vector<128xf32> to vector<1x128xf32>
    %div3A_79 = arith.constant 1.000000e+04 : f32
    %div3A_80 = vector.broadcast %div3A_79 : f32 to vector<1x128xf32>
    %div3A_81 = arith.divf %broadcast_in_dim3A_78, %div3A_80 : vector<1x128xf32>
    %sub3A_82 = vector.broadcast %div3A_81 : vector<1x128xf32> to vector<10000x128xf32>
    %sub3A_83 = arith.subf %add3A_71, %sub3A_82 : vector<10000x128xf32>
    %mul3A_84 = arith.mulf %sub3A_83, %sub3A_83 : vector<10000x128xf32>
    %reduce_sum3A_85 = arith.constant dense<0.000000e+00> : vector<128xf32>
    %reduce_sum3A_86 = vector.multi_reduction <add>, %mul3A_84, %reduce_sum3A_85 [0] : vector<10000x128xf32> to vector<128xf32>
    %broadcast_in_dim3A_87 = vector.shape_cast %reduce_sum3A_86 : vector<128xf32> to vector<1x128xf32>
    %div3A_88 = arith.constant 1.000000e+04 : f32
    %div3A_89 = vector.broadcast %div3A_88 : f32 to vector<1x128xf32>
    %div3A_90 = arith.divf %broadcast_in_dim3A_87, %div3A_89 : vector<1x128xf32>
    %add3A_91 = arith.constant 9.99999974E-6 : f32
    %add3A_92 = vector.broadcast %add3A_91 : f32 to vector<1x128xf32>
    %add3A_93 = arith.addf %div3A_90, %add3A_92 : vector<1x128xf32>
    %rsqrt3A_94 = math.rsqrt %add3A_93 : vector<1x128xf32>
    %mul3A_95 = vector.broadcast %rsqrt3A_94 : vector<1x128xf32> to vector<10000x128xf32>
    %mul3A_96 = arith.mulf %sub3A_83, %mul3A_95 : vector<10000x128xf32>
    %broadcast_in_dim3A_97 = vector.shape_cast %get3A_73 : vector<128xf32> to vector<1x128xf32>
    %mul3A_98 = vector.broadcast %broadcast_in_dim3A_97 : vector<1x128xf32> to vector<10000x128xf32>
    %mul3A_99 = arith.mulf %mul3A_96, %mul3A_98 : vector<10000x128xf32>
    %broadcast_in_dim3A_100 = vector.shape_cast %get3A_75 : vector<128xf32> to vector<1x128xf32>
    %add3A_101 = vector.broadcast %broadcast_in_dim3A_100 : vector<1x128xf32> to vector<10000x128xf32>
    %add3A_102 = arith.addf %mul3A_99, %add3A_101 : vector<10000x128xf32>
    %max3A_103 = arith.constant 0.000000e+00 : f32
    %max3A_104 = vector.broadcast %max3A_103 : f32 to vector<10000x128xf32>
    %max3A_105 = arith.maximumf %add3A_102, %max3A_104 : vector<10000x128xf32>
    %get3A_106 = arith.constant 0 : index
    %get3A_107 = arith.constant 0 : index
    %get3A_108 = vector.load %arg13[%get3A_106, %get3A_107] : memref<128x128xf32, #tpu.memory_space<vmem>>, vector<128x128xf32>
    %dot_general3A_109 = arith.constant dense<0.000000e+00> : vector<10000x128xf32>
    %dot_general3A_110 = tpu.matmul %max3A_105, %get3A_108, %dot_general3A_109 {dimension_numbers = #tpu.dot_dimension_numbers<[1], [0], [0], [1], [0, 0, 1, 1], [], []>, transpose_lhs_hint = false} : vector<10000x128xf32>, vector<128x128xf32>, vector<10000x128xf32> -> vector<10000x128xf32>
    %get3A_111 = arith.constant 0 : index
    %get3A_112 = vector.load %arg14[%get3A_111] : memref<128xf32, #tpu.memory_space<vmem>>, vector<128xf32>
    %broadcast_in_dim3A_113 = vector.shape_cast %get3A_112 : vector<128xf32> to vector<1x128xf32>
    %add3A_114 = vector.broadcast %broadcast_in_dim3A_113 : vector<1x128xf32> to vector<10000x128xf32>
    %add3A_115 = arith.addf %dot_general3A_110, %add3A_114 : vector<10000x128xf32>
    %get3A_116 = arith.constant 0 : index
    %get3A_117 = arith.constant 0 : index
    %get3A_118 = vector.load %arg8[%get3A_116, %get3A_117] : memref<10000x1xf32, #tpu.memory_space<vmem>>, vector<10000x1xf32>
    %mul3A_119 = vector.broadcast %get3A_118 : vector<10000x1xf32> to vector<10000x128xf32>
    %mul3A_120 = arith.mulf %add3A_115, %mul3A_119 : vector<10000x128xf32>
    %swap3A_121 = arith.constant 0 : index
    %swap3A_122 = arith.constant 0 : index
    %swap3A_123 = vector.load %arg16[%swap3A_121, %swap3A_122] : memref<10000x128xf32, #tpu.memory_space<vmem>>, vector<10000x128xf32>
    tpu.vector_store %arg16[%swap3A_121, %swap3A_122], %mul3A_120 {strides = array<i32>} : memref<10000x128xf32, #tpu.memory_space<vmem>>, vector<10000x128xf32>,
    return
  }
}

</mosaic_0001>

<sc_bundles>
// kernel: kernel.12.cloned.1.call-start
scs
__scs_entry_jumppad:
0x0: {  	(pc) =	sbr.rel $0x88, $3  }
0x1: {  	(tag) =	ssettag $0x0;
	lr =	simm.s32 $0x1  }
0x2: {  	[smem:$0x3F92] =	sst lr;
	_ =	strace $0xD0000000  }
0x3: {  	_ = 	snop  }
0x4: {  	_ = 	snop  }
0x5: {  	_ = 	snop  }
0x6: {  	_ = 	snop  }
0x7: {  	_ = 	snop  }
__scs_overlays_trampoline_lowered:
0x8: {  	[smem:$0x3FA1] =	sst s0  }
0x9: {  	[smem:$0x3FA2] =	sst s1  }
0xa: {  	[smem:$0x3FA3] =	sst s2  }
0xb: {  	[smem:$0x3FA4] =	sst s3  }
0xc: {  	[smem:$0x3FA5] =	sst s4  }
0xd: {  	[smem:$0x3FA6] =	sst s5  }
0xe: {  	[smem:$0x3FA7] =	sst s6  }
0xf: {  	[smem:$0x3FA8] =	sst s7  }
0x10: {  	[smem:$0x3FA9] =	sst s8  }
0x11: {  	[smem:$0x3FAA] =	sst s9;
	s0 =	simm.s32 @!p0 $0x0  }
0x12: {  	s1 =	sld [smem:$0x3F90];
	s0 =	simm.s32 @p0 $0x1  }
0x13: {  	[smem:$0x3FAB] =	sst s0;
	s0 =	simm.s32 @!p1 $0x0  }
0x14: {  	s2 =	sld [smem:$0x3F8F];
	s0 =	simm.s32 @p1 $0x1  }
0x15: {  	[smem:$0x3FAC] =	sst s0;
	s0 =	simm.s32 @!p2 $0x0  }
0x16: {  	s3 =	sld [smem:$0x3FDB];
	s0 =	simm.s32 @p2 $0x1  }
0x17: {  	s4 =	simm.s32 $0x1BF5;
	[smem:$0x3FAE] =	sst s0  }
0x18: {  	s0 =	sld [smem:$0x3F91];
	_ =	swait.ge [sflag:s4], $0x0  }
0x19: {  	s7 =	sld [smem:$0x3F92]  }
0x1a: {  	s8 =	sadd.s32 $0xFFFFE003, lr  }
0x1b: {  	s9 =	sadd.s32 $0xFFFFFEF7, lr;
	s5 =	simm.s32 $0xFFFFFFFF;
	p2 =	slt.u32 s8, $0xFFFFF086  }
0x1c: {  	p1 =	slt.u32 s9, $0xF7A;
	s5 =	simm.s32 @!p2 $0x0  }
0x1d: {  	s5 =	simm.s32 @p1 $0x1;
	p0 =	seq.s32 s7, s2  }
0x1e: {  	s7 =	smul.u32 @!p0 $0xF7A, s2;
	p2 =	seq.s32 @!p0 s5, $0x0  }
0x1f: {  	s9 =	smul.u32 $0xF7A, s1;
	s8 =	simm.s32 @!p0 $0x1BF5;
	p2 =	por !p2, p0  }
0x20: {  	[sflag:s8] =	ssyncset.s32 @!p0 $0xFFFFF086;
	s6 =	sadd.s32 @!p0 s3, s7;
	s7 =	simm.s32 @!p0 $0x108  }
0x21: {  	s3 =	sadd.s32 s3, s9;
	s6 =	sadd.s32 @!p0 $0x88, s6;
	s7 =	simm.s32 @p2 $0x1082  }
0x22: {  	[simem:s7], [sflag:s8] =	dma.local @!p0 [hbm:s6], $0xF7A  }
0x23: {  	s9 =	sor.u32 $0xD0000000, s2;
	s6 =	simm.s32 $0x108;
	_ =	swait.ge @!p0 [sflag:s8], $0x0  }
0x24: {  	s3 =	sadd.s32 $0x88, s3;
	s6 =	simm.s32 @!p1 $0x1082;
	[sflag:s4] =	ssyncset.s32 $0xFFFFF086  }
0x25: {  	[simem:s6], [sflag:s4] =	dma.local [hbm:s3], $0xF7A  }
0x26: {  	[smem:$0x3F92] =	sst s1;
	(tag) =	ssettag s2;
	_ =	strace s9  }
0x27: {  	s1 =	sld [smem:$0x3FA2]  }
0x28: {  	s2 =	sld [smem:$0x3FA3]  }
0x29: {  	s4 =	sld [smem:$0x3FA5]  }
0x2a: {  	p0 =	seq.s32 s5, $0x0;
	s5 =	sld [smem:$0x3FA6]  }
0x2b: {  	s6 =	sld [smem:$0x3FA7]  }
0x2c: {  	s7 =	sld [smem:$0x3FA8]  }
0x2d: {  	s3 =	simm.s32 $0x108;
	s8 =	sld [smem:$0x3FA9]  }
0x2e: {  	s3 =	simm.s32 @!p0 $0x1082;
	s9 =	sld [smem:$0x3FAA]  }
0x2f: {  	lr =	sadd.s32 s0, s3;
	s0 =	sld [smem:$0x3FA1]  }
0x30: {  	s3 =	sld [smem:$0x3FA4]  }
0x31: {  	[smem:$0x3FAD] =	sst s10  }
0x32: {  	s10 =	sld [smem:$0x3FAB];
	_ =	sdelay $0x3  }
0x33: {  	p0 =	seq.s32 s10, $0x1;
	s10 =	sld [smem:$0x3FAD];
	_ =	sdelay $0x3  }
0x34: {  	[smem:$0x3FAD] =	sst s10  }
0x35: {  	s10 =	sld [smem:$0x3FAC];
	_ =	sdelay $0x3  }
0x36: {  	p1 =	seq.s32 s10, $0x1;
	s10 =	sld [smem:$0x3FAD];
	_ =	sdelay $0x3  }
0x37: {  	[smem:$0x3FAD] =	sst s10  }
0x38: {  	s10 =	sld [smem:$0x3FAE]  }
0x39: {  	_ = 	snop;
	(pc) =	sbr.ind lr, $3  }
0x3a: {  	_ = 	snop  }
0x3b: {  	_ = 	snop  }
0x3c: {  	p2 =	seq.s32 s10, $0x1;
	s10 =	sld [smem:$0x3FAD]  }
0x3d: {  	_ =	shalt  }
0x3e: {  	_ =	shalt  }
0x3f: {  	_ =	shalt  }
0x40: {  	_ =	shalt  }
0x41: {  	_ =	shalt  }
0x42: {  	_ =	shalt  }
0x43: {  	_ =	shalt  }
0x44: {  	_ =	shalt  }
0x45: {  	_ =	shalt  }
0x46: {  	_ =	shalt  }
0x47: {  	_ =	shalt  }
0x48: {  	_ =	shalt  }
0x49: {  	_ =	shalt  }
0x4a: {  	_ =	shalt  }
0x4b: {  	_ =	shalt  }
0x4c: {  	_ =	shalt  }
0x4d: {  	_ =	shalt  }
0x4e: {  	_ =	shalt  }
0x4f: {  	_ =	shalt  }
0x50: {  	_ =	shalt  }
0x51: {  	_ =	shalt  }
0x52: {  	_ =	shalt  }
0x53: {  	_ =	shalt  }
0x54: {  	_ =	shalt  }
0x55: {  	_ =	shalt  }
0x56: {  	_ =	shalt  }
0x57: {  	_ =	shalt  }
0x58: {  	_ =	shalt  }
0x59: {  	_ =	shalt  }
0x5a: {  	_ =	shalt  }
0x5b: {  	_ =	shalt  }
0x5c: {  	_ =	shalt  }
0x5d: {  	_ =	shalt  }
0x5e: {  	_ =	shalt  }
0x5f: {  	_ =	shalt  }
0x60: {  	_ =	shalt  }
0x61: {  	_ =	shalt  }
0x62: {  	_ =	shalt  }
0x63: {  	_ =	shalt  }
0x64: {  	_ =	shalt  }
0x65: {  	_ =	shalt  }
0x66: {  	_ =	shalt  }
0x67: {  	_ =	shalt  }
0x68: {  	_ =	shalt  }
0x69: {  	_ =	shalt  }
0x6a: {  	_ =	shalt  }
0x6b: {  	_ =	shalt  }
0x6c: {  	_ =	shalt  }
0x6d: {  	_ =	shalt  }
0x6e: {  	_ =	shalt  }
0x6f: {  	_ =	shalt  }
0x70: {  	_ =	shalt  }
0x71: {  	_ =	shalt  }
0x72: {  	_ =	shalt  }
0x73: {  	_ =	shalt  }
0x74: {  	_ =	shalt  }
0x75: {  	_ =	shalt  }
0x76: {  	_ =	shalt  }
0x77: {  	_ =	shalt  }
0x78: {  	_ =	shalt  }
0x79: {  	_ =	shalt  }
0x7a: {  	_ =	shalt  }
0x7b: {  	_ =	shalt  }
0x7c: {  	_ =	shalt  }
0x7d: {  	_ =	shalt  }
0x7e: {  	_ =	shalt  }
0x7f: {  	_ =	shalt  }
0x80: {  	_ =	shalt  }
0x81: {  	_ =	shalt  }
0x82: {  	_ =	shalt  }
0x83: {  	_ =	shalt  }
0x84: {  	_ =	shalt  }
0x85: {  	_ =	shalt  }
0x86: {  	_ =	shalt  }
0x87: {  	_ =	shalt  }
.Lfunc_end0:
.L_simem_size_0:
called_computation.1_lowered:
.L_overlay_start_0:
0x88: {  	s2 =	sld [smem:$0x3FD9]  }
0x89: {  	s3 =	sld [smem:$0x3FFE];
	_ =	sdelay $0x1  }
0x8a: {  	s1 =	srdreg.scid  }
0x8b: {  	s0 =	sand.u32 $0x1, s1  }
0x8c: {  	s14 =	sshll.u32 s0, $0xA;
	s2 =	sadd.s32 s3, s2  }
0x8d: {  	s2 =	sadd.s32 s2, s14  }
0x8e: {  	[smem:$0x3FB9] =	sst s2  }
0x8f: {  	_ = 	snop  }
0x90: {  	s2 =	sld [smem:$0x3FD0];
	_ =	sdelay $0x2  }
0x91: {  	s15 =	simm.s32 $0xA;
	s4 =	simm.s32 $0x10  }
0x92: {  	[smem:s4], [sflag:s15] =	dma.local [hbm:s2], $0x1  }
0x93: {  	_ =	swait.eq [sflag:s15], $0x1  }
0x94: {  	s16 =	sld [smem:$0x10];
	[sflag:s15] =	ssyncset.done $0x0  }
0x95: {  	s17 =	sld [smem:$0x11];
	[sflag:s15] =	ssyncadd.s32 $0xFFFFFFFF  }
0x96: {  	s18 =	sld [smem:$0x12];
	(tm) =	ssettm $0x1  }
0x97: {  	s5 =	sld [smem:$0x3FFB];
	_ =	sdelay $0x3  }
0x98: {  	_ =	strace s5  }
0x99: {  	s5 =	sld [smem:$0x3FFC];
	_ =	sdelay $0x3  }
0x9a: {  	_ =	strace s5  }
0x9b: {  	s5 =	sld [smem:$0x3FFD];
	_ =	sdelay $0x3  }
0x9c: {  	_ =	strace s5  }
0x9d: {  	_ =	strace $0x8FFFFFFF  }
0x9e: {  	s19 =	sld [smem:$0x3FDB];
	_ =	sdelay $0x1  }
0x9f: {  	s6 =	simm.s32 $_scs_section_size  }
0xa0: {  	s7 =	simm.s32 $_size__tile_overlayer_lowered;
	s8 =	simm.s32 $_tile_overlayer_lowered  }
0xa1: {  	s22 =	simm.s32 $0x1BFF;
	s21 =	sshll.u32 s8, $0x1;
	s5 =	sadd.s32 s6, s19  }
0xa2: {  	s9 =	simm.s32 $0x0;
	s20 =	sshll.u32 s7, $0x1;
	s7 =	sadd.s32 s21, s5  }
0xa3: {  	[timem:s9], [sflag:s22] =	dma.local [hbm:s7], s20  }
0xa4: {  	_ =	swait.ge [sflag:s22], s20  }
0xa5: {  	s6 =	ssub.s32 $0x0, s20;
	[sflag:s22] =	ssyncset.done $0x0  }
0xa6: {  	[sflag:s22] =	ssyncadd.s32 s6;
	_ =	sdelay $0x1  }
0xa7: {  	s23 =	simm.s32 $0x1B8B  }
0xa8: {  	_ =	swait.ge [sflag:s23], $0x1  }
0xa9: {  	[sflag:s23] =	ssyncset.done $0x0  }
0xaa: {  	s25 =	simm.s32 $0x1B8E;
	s24 =	sld [smem:$0x3FFE];
	[sflag:s23] =	ssyncadd.s32 $0xFFFFFFFF  }
0xab: {  	s26 =	simm.s32 $execute0_lowered;
	[smem:$0x3FD2] =	sst s25  }
0xac: {  	s7 =	sshll.u32 s26, $0x1;
	_ =	strace $0x80000049;
	[dreg:$0x1] =	wrdreg $0xFFFFFFFF  }
0xad: {  	s28 =	simm.s32 $_size_execute0_lowered;
	s5 =	sadd.s32 s5, s7;
	[dreg:$0x0] =	wrdreg $0x0  }
0xae: {  	s7 =	sshll.u32 s28, $0x1;
	[dreg:$0x2] =	wrdreg s5  }
0xaf: {  	[dreg:$0x3] =	wrdreg s7  }
0xb0: {  	[dreg:$0x4] =	wrdreg $0xC0  }
0xb1: {  	_ =	task [dreg:s9], $0x5FFFF  }
0xb2: {  	[dreg:$0x1] =	wrdreg $0xFFFFFFFF  }
0xb3: {  	[dreg:$0x0] =	wrdreg $0x60  }
0xb4: {  	[dreg:$0x2] =	wrdreg s17  }
0xb5: {  	[dreg:$0x3] =	wrdreg s16  }
0xb6: {  	[dreg:$0x4] =	wrdreg s24  }
0xb7: {  	[dreg:$0x5] =	wrdreg s18  }
0xb8: {  	[dreg:$0x6] =	wrdreg $0x90000  }
0xb9: {  	[dreg:$0x7] =	wrdreg $0x9  }
0xba: {  	_ =	task.clear_ibuf [dreg:s9], $0x8FFFF;
	_ =	strace $0x90000049  }
0xbb: {  	s29 =	simm.s32 $0x9;
	_ =	strace $0x8000004B  }
0xbc: {  	_ =	swait.ge [sflag:s29], $0x1  }
0xbd: {  	[sflag:s29] =	ssyncadd.s32 $0xFFFFFFFF  }
0xbe: {  	_ =	strace $0x9000004B  }
0xbf: {  	_ =	sfence  }
0xc0: {  	s30 =	sld [smem:$0x0];
	_ =	sdelay $0x2  }
0xc1: {  	s31 =	sshll.u32 s1, $0xD;
	s1 =	sshrl.u32 s1, $0x2  }
0xc2: {  	s3 =	sand.u32 $0x4000, s31;
	s1 =	sadd.s32 s1, s30  }
0xc3: {  	s0 =	sor.u32 s3, s0;
	s1 =	sshll.u32 s1, $0x11  }
0xc4: {  	s0 =	sor.u32 s1, s0  }
0xc5: {  	s0 =	sadd.s32 $0x8F2B, s0  }
0xc6: {  	[sflag:s0] =	ssyncadd.remote.s32 $0x1  }
0xc7: {  	_ =	sfence.sel $0xFFFF  }
0xc8: {  	[dreg:$0x0] =	wrdreg $0xFFFFFFFF;
	(pc) =	sbr.abs _section_cstart, $3  }
0xc9: {  	[dreg:$0x1] =	wrdreg $0xFFFFFFFF  }
0xca: {  	_ =	task.clear_ibuf [dreg:s9], $0x2FFFF;
	_ =	strace $0x9FFFFFFF  }
0xcb: {  	(tm) =	ssettm $0x7FFFFFFF  }
tec
execute0_lowered:
.L_overlay_start_1:
0x0: {  	(tag) =	ssettag $0x1  }
0x1: {  	s0 =	rddreg [dreg:$0x0]  }
0x2: {  	s1 =	rddreg [dreg:$0x1]  }
0x3: {  	s2 =	rddreg [dreg:$0x2]  }
0x4: {  	s3 =	srdreg.scid;
	s4 =	rddreg [dreg:$0x4]  }
0x5: {  	s10 =	stileid.u32;
	s5 =	simm.s32 $0x0;
	s16 =	simm.s32 $0x7  }
0x6: {  	s20 =	simm.s32 $0x7D;
	s21 =	simm.s32 $0x1000;
	s7 =	smul.u32 $0x14000, s10  }
0x7: {  	s22 =	simm.s32 $0x1;
	s28 =	simm.s32 $0x0;
	s9 =	smul.u32 $0x50000, s10  }
0x8: {  	s3 =	sand.u32 $0x1, s3;
	[smem:$0x7FF] =	sst s5;
	s26 =	smul.u32 $0x5000, s10  }
0x9: {  	s13 =	sadd.s32 $0x4400, s2;
	s23 =	sshll.u32 s10, $0x1;
	s6 =	smul.u32 $0x140000, s3  }
0xa: {  	s29 =	sshll.u32 s10, $0x6;
	_ =	strace $0x8000004A;
	s8 =	ssub.s32 $0x2, s3  }
0xb: {  	s24 =	sshrl.u32 s8, $0x1;
	s25 =	sshrl.u32 s9, $0x2;
	s6 =	sadd.s32 s7, s6  }
0xc: {  	s7 =	sor.u32 s3, s23;
	s12 =	ssub.s32 s8, s24;
	s3 =	smul.u32 $0x2800, s3  }
0xd: {  	s15 =	sadd.s32 s25, s4;
	s23 =	simm.s32 $0x5000;
	s24 =	simm.s32 $0x2  }
0xe: {  	s25 =	simm.s32 $0x3;
	s6 =	sshrl.u32 s6, $0x3;
	s7 =	smul.u32 $0x2800, s7  }
0xf: {  	s12 =	smax.u32 s12, $0x1;
	s15 =	sshrl.u32 s15, $0x3;
	s2 =	sadd.s32 s6, s2  }
.Ltmp0:
0x10: {  	s6 =	sor.u32 $0x1C07, s29;
	s3 =	sadd.s32 s3, s26;
	(pc) =	sbr.rel .LBB2_1-.Ltmp0, $4  }
0x11: {  	s26 =	simm.s32 $0x4;
	s30 =	sshrl.u32 s7, $0x3;
	s3 =	sor.u32 $0x400, s3  }
0x12: {  	s11 =	sadd.s32 $0xE400, s2;
	s7 =	sadd.s32 s1, s30;
	s10 =	sor.u32 $0x80, s30  }
0x13: {  	s8 =	sadd.s32 s13, s30;
	s31 =	sshrl.u32 s3, $0x3;
	s9 =	sadd.s32 s1, s10  }
0x14: {  	s10 =	sadd.s32 s13, s10;
	s13 =	sadd.s32 s31, s13;
	s14 =	sadd.s32 s31, s1  }
.LBB2_3:
0x15: {  	s1 =	sor.u32 $0x800, s3  }
0x16: {  	[spmem:s4] =	stream.indirect.scatter.add.f32 [tilespmem:s23], [sflag:$0x4], $0x80, s1, s20, $0xb8;
	[tilespmem:$0x1D000] =	vst v63  }
.LBB2_5:
0x17: {  	_ =	swait.ge [sflag:s26], $0x3E80  }
0x18: {  	s28 =	sadd.s32 $0x1, s28;
	[sflag:s26] =	ssyncset.done $0x0  }
0x19: {  	p0 =	sne.s32 s28, s12;
	[sflag:s26] =	ssyncadd.s32 $0xFFFFC180  }
.Ltmp1:
0x1a: {  	[bflag:$0x0] =	sbarrier.arrive $0xFFFF;
	(pc) =	sbr.rel @!p0 .LBB2_6-.Ltmp1, $4  }
0x1b: {  	[hbm:s11], [sflag:s6] =	dma.local [spmem:s15], $0x2800  }
0x1c: {  	_ =	swait.ge [sflag:s16], $0x2800  }
0x1d: {  	[sflag:s16] =	ssyncset.done $0x0  }
0x1e: {  	[sflag:s16] =	ssyncadd.s32 $0xFFFFD800  }
.LBB2_1:
0x1f: {  	s1 =	rddreg [dreg:$0x3]  }
0x20: {  	[spmem:s15], [sflag:s6] =	dma.local [hbm:s1], $0x2800  }
0x21: {  	_ =	swait.ge [sflag:s16], $0x2800  }
0x22: {  	[sflag:s16] =	ssyncset.done $0x0  }
0x23: {  	[sflag:s16] =	ssyncadd.s32 $0xFFFFD800  }
0x24: {  	[tilespmem:s5], [sflag:$0x7] =	stream.linear.gather [hbm4b:s7+s5], $0x400, $0x38;
	[tilespmem:$0x1D000] =	vst v63  }
0x25: {  	_ =	swait.ge [sflag:s16], $0x400  }
0x26: {  	[sflag:s16] =	ssyncset.done $0x0  }
0x27: {  	s17 =	simm.s32 $0x800;
	[sflag:s16] =	ssyncadd.s32 $0xFFFFFC00  }
0x28: {  	[tilespmem:s17], [sflag:$0x7] =	stream.linear.gather [hbm4b:s8+s5], $0x400, $0x38;
	[tilespmem:$0x1D000] =	vst v63  }
0x29: {  	_ =	swait.ge [sflag:s16], $0x400  }
0x2a: {  	[sflag:s16] =	ssyncset.done $0x0  }
0x2b: {  	s18 =	simm.s32 $0x400;
	[sflag:s16] =	ssyncadd.s32 $0xFFFFFC00  }
0x2c: {  	[tilespmem:s18], [sflag:$0x6] =	stream.linear.gather [hbm4b:s9+s5], $0x400, $0x38;
	[tilespmem:$0x1D000] =	vst v63  }
0x2d: {  	s19 =	simm.s32 $0xC00;
	s29 =	smov.u32 s14  }
0x2e: {  	[tilespmem:s19], [sflag:$0x6] =	stream.linear.gather [hbm4b:s10+s5], $0x400, $0x38;
	[tilespmem:$0x1D000] =	vst v63  }
0x2f: {  	s30 =	smov.u32 s13;
	s31 =	simm.s32 $0x0;
	[bflag:$0x0] =	sbarrier.arrive $0xFFFF  }
0x30: {  	[tilespmem:s21], [sflag:$0x1] =	stream.indirect.gather [hbm4b:s0+s20], $0x80, s5, s20, $0xb8;
	[tilespmem:$0x1D000] =	vst v63  }
.LBB2_2:
0x31: {  	_ =	swait.ge [sflag:s22], $0x3E80  }
0x32: {  	p0 =	seq.s32 s31, $0x0;
	[sflag:s22] =	ssyncset.done $0x0  }
0x33: {  	s3 =	simm.s32 @!p0 $0x4;
	[sflag:s22] =	ssyncadd.s32 $0xFFFFC180  }
0x34: {  	s1 =	sand.u32 $0x1, s31;
	_ =	swait.ge @!p0 [sflag:s3], $0x3E80  }
0x35: {  	s2 =	sshll.u32 s1, $0xA;
	[sflag:s3] =	ssyncset.done @!p0 $0x0  }
0x36: {  	[sflag:s3] =	ssyncadd.s32 @!p0 $0xFFFFC180;
	s3 =	sor.u32 $0x80, s2  }
0x37: {  	[tilespmem:s23], [sflag:$0x2] =	stream.indirect.gather [hbm4b:s0+s20], $0x80, s3, s20, $0xb8;
	[tilespmem:$0x1D000] =	vst v63  }
0x38: {  	s17 =	sor.u32 $0x800, s2  }
0x39: {  	[spmem:s4] =	stream.indirect.scatter.add.f32 [tilespmem:s21], [sflag:$0x3], $0x80, s17, s20, $0xb8;
	[tilespmem:$0x1D000] =	vst v63  }
0x3a: {  	_ =	swait.ge [sflag:s24], $0x3E80  }
0x3b: {  	[sflag:s24] =	ssyncset.done $0x0  }
0x3c: {  	p1 =	seq.s32 @!p0 s31, $0x9;
	[sflag:s24] =	ssyncadd.s32 $0xFFFFC180  }
0x3d: {  	p0 =	por p1, p0;
	_ =	swait.ge [sflag:s25], $0x3E80  }
0x3e: {  	s19 =	simm.s32 @!p0 $0x0;
	s17 =	sxor.u32 @!p0 $0x1, s1;
	[sflag:s25] =	ssyncset.done $0x0  }
0x3f: {  	s18 =	sadd.s32 @!p0 $0x5, s17;
	s17 =	sshll.u32 @!p0 s17, $0xA;
	[sflag:s25] =	ssyncadd.s32 $0xFFFFC180  }
0x40: {  	[tilespmem:s17], [sflag:s18] =	stream.linear.gather @!p0 [hbm4b:s29+s19], $0x400, $0x38;
	[tilespmem:$0x1D000] =	vst v63  }
0x41: {  	s17 =	sor.u32 @!p0 $0x800, s17  }
0x42: {  	[tilespmem:s17], [sflag:s18] =	stream.linear.gather @!p0 [hbm4b:s30+s19], $0x400, $0x38;
	[tilespmem:$0x1D000] =	vst v63  }
0x43: {  	s19 =	sor.u32 $0x100, s2  }
0x44: {  	[tilespmem:s21], [sflag:$0x1] =	stream.indirect.gather [hbm4b:s0+s20], $0x80, s19, s20, $0xb8;
	[tilespmem:$0x1D000] =	vst v63  }
0x45: {  	s3 =	sor.u32 $0x800, s3  }
0x46: {  	[spmem:s4] =	stream.indirect.scatter.add.f32 [tilespmem:s23], [sflag:$0x4], $0x80, s3, s20, $0xb8;
	[tilespmem:$0x1D000] =	vst v63  }
0x47: {  	_ =	swait.ge [sflag:s22], $0x3E80  }
0x48: {  	[sflag:s22] =	ssyncset.done $0x0  }
0x49: {  	[sflag:s22] =	ssyncadd.s32 $0xFFFFC180  }
0x4a: {  	_ =	swait.ge [sflag:s26], $0x3E80  }
0x4b: {  	[sflag:s26] =	ssyncset.done $0x0  }
0x4c: {  	s18 =	sor.u32 $0x180, s2;
	[sflag:s26] =	ssyncadd.s32 $0xFFFFC180  }
0x4d: {  	[tilespmem:s23], [sflag:$0x2] =	stream.indirect.gather [hbm4b:s0+s20], $0x80, s18, s20, $0xb8;
	[tilespmem:$0x1D000] =	vst v63  }
0x4e: {  	s19 =	sor.u32 $0x900, s2  }
0x4f: {  	[spmem:s4] =	stream.indirect.scatter.add.f32 [tilespmem:s21], [sflag:$0x3], $0x80, s19, s20, $0xb8;
	[tilespmem:$0x1D000] =	vst v63  }
0x50: {  	_ =	swait.ge [sflag:s24], $0x3E80  }
0x51: {  	[sflag:s24] =	ssyncset.done $0x0  }
0x52: {  	[sflag:s24] =	ssyncadd.s32 $0xFFFFC180  }
0x53: {  	_ =	swait.ge [sflag:s25], $0x3E80  }
0x54: {  	[sflag:s25] =	ssyncset.done $0x0  }
0x55: {  	s17 =	sor.u32 $0x200, s2;
	[sflag:s25] =	ssyncadd.s32 $0xFFFFC180  }
0x56: {  	[tilespmem:s21], [sflag:$0x1] =	stream.indirect.gather [hbm4b:s0+s20], $0x80, s17, s20, $0xb8;
	[tilespmem:$0x1D000] =	vst v63  }
0x57: {  	s18 =	sor.u32 $0x980, s2  }
0x58: {  	[spmem:s4] =	stream.indirect.scatter.add.f32 [tilespmem:s23], [sflag:$0x4], $0x80, s18, s20, $0xb8;
	[tilespmem:$0x1D000] =	vst v63  }
0x59: {  	_ =	swait.ge [sflag:s22], $0x3E80  }
0x5a: {  	[sflag:s22] =	ssyncset.done $0x0  }
0x5b: {  	[sflag:s22] =	ssyncadd.s32 $0xFFFFC180  }
0x5c: {  	_ =	swait.ge [sflag:s26], $0x3E80  }
0x5d: {  	[sflag:s26] =	ssyncset.done $0x0  }
0x5e: {  	s19 =	sor.u32 $0x280, s2;
	[sflag:s26] =	ssyncadd.s32 $0xFFFFC180  }
0x5f: {  	[tilespmem:s23], [sflag:$0x2] =	stream.indirect.gather [hbm4b:s0+s20], $0x80, s19, s20, $0xb8;
	[tilespmem:$0x1D000] =	vst v63  }
0x60: {  	s17 =	sor.u32 $0xA00, s2  }
0x61: {  	[spmem:s4] =	stream.indirect.scatter.add.f32 [tilespmem:s21], [sflag:$0x3], $0x80, s17, s20, $0xb8;
	[tilespmem:$0x1D000] =	vst v63  }
0x62: {  	_ =	swait.ge [sflag:s24], $0x3E80  }
0x63: {  	[sflag:s24] =	ssyncset.done $0x0  }
0x64: {  	[sflag:s24] =	ssyncadd.s32 $0xFFFFC180  }
0x65: {  	_ =	swait.ge [sflag:s25], $0x3E80  }
0x66: {  	[sflag:s25] =	ssyncset.done $0x0  }
0x67: {  	s18 =	sor.u32 $0x300, s2;
	[sflag:s25] =	ssyncadd.s32 $0xFFFFC180  }
0x68: {  	[tilespmem:s21], [sflag:$0x1] =	stream.indirect.gather [hbm4b:s0+s20], $0x80, s18, s20, $0xb8;
	[tilespmem:$0x1D000] =	vst v63  }
0x69: {  	s19 =	sor.u32 $0xA80, s2  }
0x6a: {  	[spmem:s4] =	stream.indirect.scatter.add.f32 [tilespmem:s23], [sflag:$0x4], $0x80, s19, s20, $0xb8;
	[tilespmem:$0x1D000] =	vst v63  }
0x6b: {  	_ =	swait.ge [sflag:s22], $0x3E80  }
0x6c: {  	[sflag:s22] =	ssyncset.done $0x0  }
0x6d: {  	[sflag:s22] =	ssyncadd.s32 $0xFFFFC180  }
0x6e: {  	_ =	swait.ge [sflag:s26], $0x3E80  }
0x6f: {  	[sflag:s26] =	ssyncset.done $0x0  }
0x70: {  	s3 =	sor.u32 $0x380, s2;
	[sflag:s26] =	ssyncadd.s32 $0xFFFFC180  }
0x71: {  	[tilespmem:s23], [sflag:$0x2] =	stream.indirect.gather [hbm4b:s0+s20], $0x80, s3, s20, $0xb8;
	[tilespmem:$0x1D000] =	vst v63  }
0x72: {  	s2 =	sor.u32 $0xB00, s2  }
0x73: {  	[spmem:s4] =	stream.indirect.scatter.add.f32 [tilespmem:s21], [sflag:$0x3], $0x80, s2, s20, $0xb8;
	[tilespmem:$0x1D000] =	vst v63  }
0x74: {  	p0 =	sne.s32 s31, $0x9;
	_ =	swait.ge [sflag:s24], $0x3E80  }
.Ltmp2:
0x75: {  	[sflag:s24] =	ssyncset.done $0x0;
	(pc) =	sbr.rel @!p0 .LBB2_3-.Ltmp2, $4  }
0x76: {  	[sflag:s24] =	ssyncadd.s32 $0xFFFFC180  }
0x77: {  	_ =	swait.ge [sflag:s25], $0x3E80  }
0x78: {  	[sflag:s25] =	ssyncset.done $0x0  }
0x79: {  	[sflag:s25] =	ssyncadd.s32 $0xFFFFC180  }
0x7a: {  	s1 =	sxor.u32 $0x1, s1  }
0x7b: {  	s2 =	sadd.s32 $0x5, s1  }
0x7c: {  	_ =	swait.ge [sflag:s2], $0x400  }
0x7d: {  	[sflag:s2] =	ssyncset.done $0x0  }
0x7e: {  	s31 =	sadd.s32 $0x1, s31;
	[sflag:s2] =	ssyncadd.s32 $0xFFFFFC00  }
0x7f: {  	p0 =	sne.s32 s31, $0xA;
	_ =	swait.ge [sflag:s2], $0x400  }
.Ltmp3:
0x80: {  	[sflag:s2] =	ssyncset.done $0x0;
	(pc) =	sbr.rel @p0 .LBB2_2-.Ltmp3, $4  }
.Ltmp4:
0x81: {  	s1 =	sshll.u32 s1, $0xA;
	[sflag:s2] =	ssyncadd.s32 $0xFFFFFC00;
	(pc) =	sbr.rel @!p0 .LBB2_5-.Ltmp4, $4  }
0x82: {  	[tilespmem:s21], [sflag:$0x1] =	stream.indirect.gather [hbm4b:s0+s20], $0x80, s1, s20, $0xb8;
	[tilespmem:$0x1D000] =	vst v63  }
0x83: {  	s19 =	sor.u32 $0x800, s3;
	s30 =	sadd.s32 $0x80, s30;
	s29 =	sadd.s32 $0x80, s29  }
0x84: {  	[spmem:s4] =	stream.indirect.scatter.add.f32 [tilespmem:s23], [sflag:$0x4], $0x80, s19, s20, $0xb8;
	[tilespmem:$0x1D000] =	vst v63  }
0x85: {  	_ = 	snop  }
.LBB2_6:
0x86: {  	_ =	sfence.sel $0x180000  }
0x87: {  	[bflag:$0x0] =	sbarrier.arrive $0xFFFF  }
0x88: {  	_ =	strace $0x9000004A  }
0x89: {  	s0 =	stileid.u32;
	[bflag:$0x2] =	sbarrier.arrive $0xFFFF  }
0x8a: {  	p0 =	sne.s32 s0, $0x0;
	s0 =	rddreg [dreg:$0x5]  }
0x8b: {  	s0 =	sadd.s32 @!p0 $0x100000, s0  }
0x8c: {  	[sflag:s0] =	ssyncadd.tile.s32 @!p0 $0x1;
	_ =	shalt  }
.Lfunc_end2:
_tile_overlayer_lowered:
.L_overlay_start_2:
0x8d: {  	(tag) =	ssettag $0x2  }
0x8e: {  	s0 =	rddreg [dreg:$0x0];
	s2 =	stileid.u32  }
0x8f: {  	s1 =	rddreg [dreg:$0x1];
	p0 =	sne.s32 s2, $0x0  }
0x90: {  	s3 =	rddreg [dreg:$0x2];
	[bflag:$0x3] =	sbarrier.arrive $0xFFFF;
	s2 =	simm.s32 @!p0 $0x1C07  }
0x91: {  	[timem:s3], [sflag:s2] =	dma.local @!p0 [hbm:s0], s1  }
0x92: {  	s0 =	simm.s32 @!p0 $0x7  }
0x93: {  	_ =	swait.ge @!p0 [sflag:s0], s1  }
0x94: {  	s1 =	ssub.s32 @!p0 $0x0, s1;
	[sflag:s0] =	ssyncset.done @!p0 $0x0  }
0x95: {  	[sflag:s0] =	ssyncadd.s32 @!p0 s1  }
0x96: {  	[bflag:$0x3] =	sbarrier.arrive $0xFFFF  }
0x97: {  	_ =	shalt  }

// kernel: kernel.15.cloned.1.call-start
scs
__scs_entry_jumppad:
0x0: {  	(pc) =	sbr.rel $0x88, $3  }
0x1: {  	(tag) =	ssettag $0x0;
	lr =	simm.s32 $0x1  }
0x2: {  	[smem:$0x3F92] =	sst lr;
	_ =	strace $0xD0000000  }
0x3: {  	_ = 	snop  }
0x4: {  	_ = 	snop  }
0x5: {  	_ = 	snop  }
0x6: {  	_ = 	snop  }
0x7: {  	_ = 	snop  }
__scs_overlays_trampoline_lowered:
0x8: {  	[smem:$0x3FA1] =	sst s0  }
0x9: {  	[smem:$0x3FA2] =	sst s1  }
0xa: {  	[smem:$0x3FA3] =	sst s2  }
0xb: {  	[smem:$0x3FA4] =	sst s3  }
0xc: {  	[smem:$0x3FA5] =	sst s4  }
0xd: {  	[smem:$0x3FA6] =	sst s5  }
0xe: {  	[smem:$0x3FA7] =	sst s6  }
0xf: {  	[smem:$0x3FA8] =	sst s7  }
0x10: {  	[smem:$0x3FA9] =	sst s8  }
0x11: {  	[smem:$0x3FAA] =	sst s9;
	s0 =	simm.s32 @!p0 $0x0  }
0x12: {  	s1 =	sld [smem:$0x3F90];
	s0 =	simm.s32 @p0 $0x1  }
0x13: {  	[smem:$0x3FAB] =	sst s0;
	s0 =	simm.s32 @!p1 $0x0  }
0x14: {  	s2 =	sld [smem:$0x3F8F];
	s0 =	simm.s32 @p1 $0x1  }
0x15: {  	[smem:$0x3FAC] =	sst s0;
	s0 =	simm.s32 @!p2 $0x0  }
0x16: {  	s3 =	sld [smem:$0x3FDB];
	s0 =	simm.s32 @p2 $0x1  }
0x17: {  	s4 =	simm.s32 $0x1BF5;
	[smem:$0x3FAE] =	sst s0  }
0x18: {  	s0 =	sld [smem:$0x3F91];
	_ =	swait.ge [sflag:s4], $0x0  }
0x19: {  	s7 =	sld [smem:$0x3F92]  }
0x1a: {  	s8 =	sadd.s32 $0xFFFFE003, lr  }
0x1b: {  	s9 =	sadd.s32 $0xFFFFFEF7, lr;
	s5 =	simm.s32 $0xFFFFFFFF;
	p2 =	slt.u32 s8, $0xFFFFF086  }
0x1c: {  	p1 =	slt.u32 s9, $0xF7A;
	s5 =	simm.s32 @!p2 $0x0  }
0x1d: {  	s5 =	simm.s32 @p1 $0x1;
	p0 =	seq.s32 s7, s2  }
0x1e: {  	s7 =	smul.u32 @!p0 $0xF7A, s2;
	p2 =	seq.s32 @!p0 s5, $0x0  }
0x1f: {  	s9 =	smul.u32 $0xF7A, s1;
	s8 =	simm.s32 @!p0 $0x1BF5;
	p2 =	por !p2, p0  }
0x20: {  	[sflag:s8] =	ssyncset.s32 @!p0 $0xFFFFF086;
	s6 =	sadd.s32 @!p0 s3, s7;
	s7 =	simm.s32 @!p0 $0x108  }
0x21: {  	s3 =	sadd.s32 s3, s9;
	s6 =	sadd.s32 @!p0 $0x88, s6;
	s7 =	simm.s32 @p2 $0x1082  }
0x22: {  	[simem:s7], [sflag:s8] =	dma.local @!p0 [hbm:s6], $0xF7A  }
0x23: {  	s9 =	sor.u32 $0xD0000000, s2;
	s6 =	simm.s32 $0x108;
	_ =	swait.ge @!p0 [sflag:s8], $0x0  }
0x24: {  	s3 =	sadd.s32 $0x88, s3;
	s6 =	simm.s32 @!p1 $0x1082;
	[sflag:s4] =	ssyncset.s32 $0xFFFFF086  }
0x25: {  	[simem:s6], [sflag:s4] =	dma.local [hbm:s3], $0xF7A  }
0x26: {  	[smem:$0x3F92] =	sst s1;
	(tag) =	ssettag s2;
	_ =	strace s9  }
0x27: {  	s1 =	sld [smem:$0x3FA2]  }
0x28: {  	s2 =	sld [smem:$0x3FA3]  }
0x29: {  	s4 =	sld [smem:$0x3FA5]  }
0x2a: {  	p0 =	seq.s32 s5, $0x0;
	s5 =	sld [smem:$0x3FA6]  }
0x2b: {  	s6 =	sld [smem:$0x3FA7]  }
0x2c: {  	s7 =	sld [smem:$0x3FA8]  }
0x2d: {  	s3 =	simm.s32 $0x108;
	s8 =	sld [smem:$0x3FA9]  }
0x2e: {  	s3 =	simm.s32 @!p0 $0x1082;
	s9 =	sld [smem:$0x3FAA]  }
0x2f: {  	lr =	sadd.s32 s0, s3;
	s0 =	sld [smem:$0x3FA1]  }
0x30: {  	s3 =	sld [smem:$0x3FA4]  }
0x31: {  	[smem:$0x3FAD] =	sst s10  }
0x32: {  	s10 =	sld [smem:$0x3FAB];
	_ =	sdelay $0x3  }
0x33: {  	p0 =	seq.s32 s10, $0x1;
	s10 =	sld [smem:$0x3FAD];
	_ =	sdelay $0x3  }
0x34: {  	[smem:$0x3FAD] =	sst s10  }
0x35: {  	s10 =	sld [smem:$0x3FAC];
	_ =	sdelay $0x3  }
0x36: {  	p1 =	seq.s32 s10, $0x1;
	s10 =	sld [smem:$0x3FAD];
	_ =	sdelay $0x3  }
0x37: {  	[smem:$0x3FAD] =	sst s10  }
0x38: {  	s10 =	sld [smem:$0x3FAE]  }
0x39: {  	_ = 	snop;
	(pc) =	sbr.ind lr, $3  }
0x3a: {  	_ = 	snop  }
0x3b: {  	_ = 	snop  }
0x3c: {  	p2 =	seq.s32 s10, $0x1;
	s10 =	sld [smem:$0x3FAD]  }
0x3d: {  	_ =	shalt  }
0x3e: {  	_ =	shalt  }
0x3f: {  	_ =	shalt  }
0x40: {  	_ =	shalt  }
0x41: {  	_ =	shalt  }
0x42: {  	_ =	shalt  }
0x43: {  	_ =	shalt  }
0x44: {  	_ =	shalt  }
0x45: {  	_ =	shalt  }
0x46: {  	_ =	shalt  }
0x47: {  	_ =	shalt  }
0x48: {  	_ =	shalt  }
0x49: {  	_ =	shalt  }
0x4a: {  	_ =	shalt  }
0x4b: {  	_ =	shalt  }
0x4c: {  	_ =	shalt  }
0x4d: {  	_ =	shalt  }
0x4e: {  	_ =	shalt  }
0x4f: {  	_ =	shalt  }
0x50: {  	_ =	shalt  }
0x51: {  	_ =	shalt  }
0x52: {  	_ =	shalt  }
0x53: {  	_ =	shalt  }
0x54: {  	_ =	shalt  }
0x55: {  	_ =	shalt  }
0x56: {  	_ =	shalt  }
0x57: {  	_ =	shalt  }
0x58: {  	_ =	shalt  }
0x59: {  	_ =	shalt  }
0x5a: {  	_ =	shalt  }
0x5b: {  	_ =	shalt  }
0x5c: {  	_ =	shalt  }
0x5d: {  	_ =	shalt  }
0x5e: {  	_ =	shalt  }
0x5f: {  	_ =	shalt  }
0x60: {  	_ =	shalt  }
0x61: {  	_ =	shalt  }
0x62: {  	_ =	shalt  }
0x63: {  	_ =	shalt  }
0x64: {  	_ =	shalt  }
0x65: {  	_ =	shalt  }
0x66: {  	_ =	shalt  }
0x67: {  	_ =	shalt  }
0x68: {  	_ =	shalt  }
0x69: {  	_ =	shalt  }
0x6a: {  	_ =	shalt  }
0x6b: {  	_ =	shalt  }
0x6c: {  	_ =	shalt  }
0x6d: {  	_ =	shalt  }
0x6e: {  	_ =	shalt  }
0x6f: {  	_ =	shalt  }
0x70: {  	_ =	shalt  }
0x71: {  	_ =	shalt  }
0x72: {  	_ =	shalt  }
0x73: {  	_ =	shalt  }
0x74: {  	_ =	shalt  }
0x75: {  	_ =	shalt  }
0x76: {  	_ =	shalt  }
0x77: {  	_ =	shalt  }
0x78: {  	_ =	shalt  }
0x79: {  	_ =	shalt  }
0x7a: {  	_ =	shalt  }
0x7b: {  	_ =	shalt  }
0x7c: {  	_ =	shalt  }
0x7d: {  	_ =	shalt  }
0x7e: {  	_ =	shalt  }
0x7f: {  	_ =	shalt  }
0x80: {  	_ =	shalt  }
0x81: {  	_ =	shalt  }
0x82: {  	_ =	shalt  }
0x83: {  	_ =	shalt  }
0x84: {  	_ =	shalt  }
0x85: {  	_ =	shalt  }
0x86: {  	_ =	shalt  }
0x87: {  	_ =	shalt  }
.Lfunc_end0:
.L_simem_size_0:
called_computation.2_lowered:
.L_overlay_start_0:
0x88: {  	s2 =	sld [smem:$0x3FD9]  }
0x89: {  	s3 =	sld [smem:$0x3FFE];
	_ =	sdelay $0x1  }
0x8a: {  	s1 =	srdreg.scid  }
0x8b: {  	s0 =	sand.u32 $0x1, s1  }
0x8c: {  	s14 =	sshll.u32 s0, $0xA;
	s2 =	sadd.s32 s3, s2  }
0x8d: {  	s2 =	sadd.s32 s2, s14  }
0x8e: {  	[smem:$0x3FB9] =	sst s2  }
0x8f: {  	_ = 	snop  }
0x90: {  	s2 =	sld [smem:$0x3FD0];
	_ =	sdelay $0x2  }
0x91: {  	s15 =	simm.s32 $0xA;
	s4 =	simm.s32 $0x10  }
0x92: {  	[smem:s4], [sflag:s15] =	dma.local [hbm:s2], $0x1  }
0x93: {  	_ =	swait.eq [sflag:s15], $0x1  }
0x94: {  	s16 =	sld [smem:$0x10];
	[sflag:s15] =	ssyncset.done $0x0  }
0x95: {  	s17 =	sld [smem:$0x11];
	[sflag:s15] =	ssyncadd.s32 $0xFFFFFFFF  }
0x96: {  	s18 =	sld [smem:$0x12];
	(tm) =	ssettm $0x1  }
0x97: {  	s5 =	sld [smem:$0x3FFB];
	_ =	sdelay $0x3  }
0x98: {  	_ =	strace s5  }
0x99: {  	s5 =	sld [smem:$0x3FFC];
	_ =	sdelay $0x3  }
0x9a: {  	_ =	strace s5  }
0x9b: {  	s5 =	sld [smem:$0x3FFD];
	_ =	sdelay $0x3  }
0x9c: {  	_ =	strace s5  }
0x9d: {  	_ =	strace $0x8FFFFFFF  }
0x9e: {  	s19 =	sld [smem:$0x3FDB];
	_ =	sdelay $0x1  }
0x9f: {  	s6 =	simm.s32 $_scs_section_size  }
0xa0: {  	s7 =	simm.s32 $_size__tile_overlayer_lowered;
	s8 =	simm.s32 $_tile_overlayer_lowered  }
0xa1: {  	s22 =	simm.s32 $0x1BFF;
	s21 =	sshll.u32 s8, $0x1;
	s5 =	sadd.s32 s6, s19  }
0xa2: {  	s9 =	simm.s32 $0x0;
	s20 =	sshll.u32 s7, $0x1;
	s7 =	sadd.s32 s21, s5  }
0xa3: {  	[timem:s9], [sflag:s22] =	dma.local [hbm:s7], s20  }
0xa4: {  	_ =	swait.ge [sflag:s22], s20  }
0xa5: {  	s6 =	ssub.s32 $0x0, s20;
	[sflag:s22] =	ssyncset.done $0x0  }
0xa6: {  	[sflag:s22] =	ssyncadd.s32 s6;
	_ =	sdelay $0x1  }
0xa7: {  	s23 =	simm.s32 $0x1B8B  }
0xa8: {  	_ =	swait.ge [sflag:s23], $0x1  }
0xa9: {  	[sflag:s23] =	ssyncset.done $0x0  }
0xaa: {  	s25 =	simm.s32 $0x1B8E;
	s24 =	sld [smem:$0x3FFE];
	[sflag:s23] =	ssyncadd.s32 $0xFFFFFFFF  }
0xab: {  	s26 =	simm.s32 $execute0_lowered;
	[smem:$0x3FD2] =	sst s25  }
0xac: {  	s7 =	sshll.u32 s26, $0x1;
	_ =	strace $0x8000004C;
	[dreg:$0x1] =	wrdreg $0xFFFFFFFF  }
0xad: {  	s28 =	simm.s32 $_size_execute0_lowered;
	s5 =	sadd.s32 s5, s7;
	[dreg:$0x0] =	wrdreg $0x0  }
0xae: {  	s7 =	sshll.u32 s28, $0x1;
	[dreg:$0x2] =	wrdreg s5  }
0xaf: {  	[dreg:$0x3] =	wrdreg s7  }
0xb0: {  	[dreg:$0x4] =	wrdreg $0xC0  }
0xb1: {  	_ =	task [dreg:s9], $0x5FFFF  }
0xb2: {  	[dreg:$0x1] =	wrdreg $0xFFFFFFFF  }
0xb3: {  	[dreg:$0x0] =	wrdreg $0x60  }
0xb4: {  	[dreg:$0x2] =	wrdreg s17  }
0xb5: {  	[dreg:$0x3] =	wrdreg s16  }
0xb6: {  	[dreg:$0x4] =	wrdreg s24  }
0xb7: {  	[dreg:$0x5] =	wrdreg s18  }
0xb8: {  	[dreg:$0x6] =	wrdreg $0x90000  }
0xb9: {  	[dreg:$0x7] =	wrdreg $0x9  }
0xba: {  	_ =	task.clear_ibuf [dreg:s9], $0x8FFFF;
	_ =	strace $0x9000004C  }
0xbb: {  	s29 =	simm.s32 $0x9;
	_ =	strace $0x8000004E  }
0xbc: {  	_ =	swait.ge [sflag:s29], $0x1  }
0xbd: {  	[sflag:s29] =	ssyncadd.s32 $0xFFFFFFFF  }
0xbe: {  	_ =	strace $0x9000004E  }
0xbf: {  	_ =	sfence  }
0xc0: {  	s30 =	sld [smem:$0x0];
	_ =	sdelay $0x2  }
0xc1: {  	s31 =	sshll.u32 s1, $0xD;
	s1 =	sshrl.u32 s1, $0x2  }
0xc2: {  	s3 =	sand.u32 $0x4000, s31;
	s1 =	sadd.s32 s1, s30  }
0xc3: {  	s0 =	sor.u32 s3, s0;
	s1 =	sshll.u32 s1, $0x11  }
0xc4: {  	s0 =	sor.u32 s1, s0  }
0xc5: {  	s0 =	sadd.s32 $0x8F2B, s0  }
0xc6: {  	[sflag:s0] =	ssyncadd.remote.s32 $0x1  }
0xc7: {  	_ =	sfence.sel $0xFFFF  }
0xc8: {  	[dreg:$0x0] =	wrdreg $0xFFFFFFFF;
	(pc) =	sbr.abs _section_cstart, $3  }
0xc9: {  	[dreg:$0x1] =	wrdreg $0xFFFFFFFF  }
0xca: {  	_ =	task.clear_ibuf [dreg:s9], $0x2FFFF;
	_ =	strace $0x9FFFFFFF  }
0xcb: {  	(tm) =	ssettm $0x7FFFFFFF  }
tec
execute0_lowered:
.L_overlay_start_1:
0x0: {  	(tag) =	ssettag $0x1  }
0x1: {  	s0 =	rddreg [dreg:$0x0]  }
0x2: {  	s1 =	rddreg [dreg:$0x1]  }
0x3: {  	s2 =	rddreg [dreg:$0x2]  }
0x4: {  	s3 =	srdreg.scid;
	s4 =	rddreg [dreg:$0x4]  }
0x5: {  	s10 =	stileid.u32;
	s5 =	simm.s32 $0x0;
	s16 =	simm.s32 $0x7  }
0x6: {  	s20 =	simm.s32 $0x7D;
	s21 =	simm.s32 $0x1000;
	s7 =	smul.u32 $0x14000, s10  }
0x7: {  	s22 =	simm.s32 $0x1;
	s28 =	simm.s32 $0x0;
	s9 =	smul.u32 $0x50000, s10  }
0x8: {  	s3 =	sand.u32 $0x1, s3;
	[smem:$0x7FF] =	sst s5;
	s26 =	smul.u32 $0x5000, s10  }
0x9: {  	s13 =	sadd.s32 $0x4400, s2;
	s23 =	sshll.u32 s10, $0x1;
	s6 =	smul.u32 $0x140000, s3  }
0xa: {  	s29 =	sshll.u32 s10, $0x6;
	_ =	strace $0x8000004D;
	s8 =	ssub.s32 $0x2, s3  }
0xb: {  	s24 =	sshrl.u32 s8, $0x1;
	s25 =	sshrl.u32 s9, $0x2;
	s6 =	sadd.s32 s7, s6  }
0xc: {  	s7 =	sor.u32 s3, s23;
	s12 =	ssub.s32 s8, s24;
	s3 =	smul.u32 $0x2800, s3  }
0xd: {  	s15 =	sadd.s32 s25, s4;
	s23 =	simm.s32 $0x5000;
	s24 =	simm.s32 $0x2  }
0xe: {  	s25 =	simm.s32 $0x3;
	s6 =	sshrl.u32 s6, $0x3;
	s7 =	smul.u32 $0x2800, s7  }
0xf: {  	s12 =	smax.u32 s12, $0x1;
	s15 =	sshrl.u32 s15, $0x3;
	s2 =	sadd.s32 s6, s2  }
.Ltmp0:
0x10: {  	s6 =	sor.u32 $0x1C07, s29;
	s3 =	sadd.s32 s3, s26;
	(pc) =	sbr.rel .LBB2_1-.Ltmp0, $4  }
0x11: {  	s26 =	simm.s32 $0x4;
	s30 =	sshrl.u32 s7, $0x3;
	s3 =	sor.u32 $0x400, s3  }
0x12: {  	s11 =	sadd.s32 $0xE400, s2;
	s7 =	sadd.s32 s1, s30;
	s10 =	sor.u32 $0x80, s30  }
0x13: {  	s8 =	sadd.s32 s13, s30;
	s31 =	sshrl.u32 s3, $0x3;
	s9 =	sadd.s32 s1, s10  }
0x14: {  	s10 =	sadd.s32 s13, s10;
	s13 =	sadd.s32 s31, s13;
	s14 =	sadd.s32 s31, s1  }
.LBB2_3:
0x15: {  	s1 =	sor.u32 $0x800, s3  }
0x16: {  	[spmem:s4] =	stream.indirect.scatter.add.f32 [tilespmem:s23], [sflag:$0x4], $0x80, s1, s20, $0xb8;
	[tilespmem:$0x1D000] =	vst v63  }
.LBB2_5:
0x17: {  	_ =	swait.ge [sflag:s26], $0x3E80  }
0x18: {  	s28 =	sadd.s32 $0x1, s28;
	[sflag:s26] =	ssyncset.done $0x0  }
0x19: {  	p0 =	sne.s32 s28, s12;
	[sflag:s26] =	ssyncadd.s32 $0xFFFFC180  }
.Ltmp1:
0x1a: {  	[bflag:$0x0] =	sbarrier.arrive $0xFFFF;
	(pc) =	sbr.rel @!p0 .LBB2_6-.Ltmp1, $4  }
0x1b: {  	[hbm:s11], [sflag:s6] =	dma.local [spmem:s15], $0x2800  }
0x1c: {  	_ =	swait.ge [sflag:s16], $0x2800  }
0x1d: {  	[sflag:s16] =	ssyncset.done $0x0  }
0x1e: {  	[sflag:s16] =	ssyncadd.s32 $0xFFFFD800  }
.LBB2_1:
0x1f: {  	s1 =	rddreg [dreg:$0x3]  }
0x20: {  	[spmem:s15], [sflag:s6] =	dma.local [hbm:s1], $0x2800  }
0x21: {  	_ =	swait.ge [sflag:s16], $0x2800  }
0x22: {  	[sflag:s16] =	ssyncset.done $0x0  }
0x23: {  	[sflag:s16] =	ssyncadd.s32 $0xFFFFD800  }
0x24: {  	[tilespmem:s5], [sflag:$0x7] =	stream.linear.gather [hbm4b:s7+s5], $0x400, $0x38;
	[tilespmem:$0x1D000] =	vst v63  }
0x25: {  	_ =	swait.ge [sflag:s16], $0x400  }
0x26: {  	[sflag:s16] =	ssyncset.done $0x0  }
0x27: {  	s17 =	simm.s32 $0x800;
	[sflag:s16] =	ssyncadd.s32 $0xFFFFFC00  }
0x28: {  	[tilespmem:s17], [sflag:$0x7] =	stream.linear.gather [hbm4b:s8+s5], $0x400, $0x38;
	[tilespmem:$0x1D000] =	vst v63  }
0x29: {  	_ =	swait.ge [sflag:s16], $0x400  }
0x2a: {  	[sflag:s16] =	ssyncset.done $0x0  }
0x2b: {  	s18 =	simm.s32 $0x400;
	[sflag:s16] =	ssyncadd.s32 $0xFFFFFC00  }
0x2c: {  	[tilespmem:s18], [sflag:$0x6] =	stream.linear.gather [hbm4b:s9+s5], $0x400, $0x38;
	[tilespmem:$0x1D000] =	vst v63  }
0x2d: {  	s19 =	simm.s32 $0xC00;
	s29 =	smov.u32 s14  }
0x2e: {  	[tilespmem:s19], [sflag:$0x6] =	stream.linear.gather [hbm4b:s10+s5], $0x400, $0x38;
	[tilespmem:$0x1D000] =	vst v63  }
0x2f: {  	s30 =	smov.u32 s13;
	s31 =	simm.s32 $0x0;
	[bflag:$0x0] =	sbarrier.arrive $0xFFFF  }
0x30: {  	[tilespmem:s21], [sflag:$0x1] =	stream.indirect.gather [hbm4b:s0+s20], $0x80, s5, s20, $0xb8;
	[tilespmem:$0x1D000] =	vst v63  }
.LBB2_2:
0x31: {  	_ =	swait.ge [sflag:s22], $0x3E80  }
0x32: {  	p0 =	seq.s32 s31, $0x0;
	[sflag:s22] =	ssyncset.done $0x0  }
0x33: {  	s3 =	simm.s32 @!p0 $0x4;
	[sflag:s22] =	ssyncadd.s32 $0xFFFFC180  }
0x34: {  	s1 =	sand.u32 $0x1, s31;
	_ =	swait.ge @!p0 [sflag:s3], $0x3E80  }
0x35: {  	s2 =	sshll.u32 s1, $0xA;
	[sflag:s3] =	ssyncset.done @!p0 $0x0  }
0x36: {  	[sflag:s3] =	ssyncadd.s32 @!p0 $0xFFFFC180;
	s3 =	sor.u32 $0x80, s2  }
0x37: {  	[tilespmem:s23], [sflag:$0x2] =	stream.indirect.gather [hbm4b:s0+s20], $0x80, s3, s20, $0xb8;
	[tilespmem:$0x1D000] =	vst v63  }
0x38: {  	s17 =	sor.u32 $0x800, s2  }
0x39: {  	[spmem:s4] =	stream.indirect.scatter.add.f32 [tilespmem:s21], [sflag:$0x3], $0x80, s17, s20, $0xb8;
	[tilespmem:$0x1D000] =	vst v63  }
0x3a: {  	_ =	swait.ge [sflag:s24], $0x3E80  }
0x3b: {  	[sflag:s24] =	ssyncset.done $0x0  }
0x3c: {  	p1 =	seq.s32 @!p0 s31, $0x9;
	[sflag:s24] =	ssyncadd.s32 $0xFFFFC180  }
0x3d: {  	p0 =	por p1, p0;
	_ =	swait.ge [sflag:s25], $0x3E80  }
0x3e: {  	s19 =	simm.s32 @!p0 $0x0;
	s17 =	sxor.u32 @!p0 $0x1, s1;
	[sflag:s25] =	ssyncset.done $0x0  }
0x3f: {  	s18 =	sadd.s32 @!p0 $0x5, s17;
	s17 =	sshll.u32 @!p0 s17, $0xA;
	[sflag:s25] =	ssyncadd.s32 $0xFFFFC180  }
0x40: {  	[tilespmem:s17], [sflag:s18] =	stream.linear.gather @!p0 [hbm4b:s29+s19], $0x400, $0x38;
	[tilespmem:$0x1D000] =	vst v63  }
0x41: {  	s17 =	sor.u32 @!p0 $0x800, s17  }
0x42: {  	[tilespmem:s17], [sflag:s18] =	stream.linear.gather @!p0 [hbm4b:s30+s19], $0x400, $0x38;
	[tilespmem:$0x1D000] =	vst v63  }
0x43: {  	s19 =	sor.u32 $0x100, s2  }
0x44: {  	[tilespmem:s21], [sflag:$0x1] =	stream.indirect.gather [hbm4b:s0+s20], $0x80, s19, s20, $0xb8;
	[tilespmem:$0x1D000] =	vst v63  }
0x45: {  	s3 =	sor.u32 $0x800, s3  }
0x46: {  	[spmem:s4] =	stream.indirect.scatter.add.f32 [tilespmem:s23], [sflag:$0x4], $0x80, s3, s20, $0xb8;
	[tilespmem:$0x1D000] =	vst v63  }
0x47: {  	_ =	swait.ge [sflag:s22], $0x3E80  }
0x48: {  	[sflag:s22] =	ssyncset.done $0x0  }
0x49: {  	[sflag:s22] =	ssyncadd.s32 $0xFFFFC180  }
0x4a: {  	_ =	swait.ge [sflag:s26], $0x3E80  }
0x4b: {  	[sflag:s26] =	ssyncset.done $0x0  }
0x4c: {  	s18 =	sor.u32 $0x180, s2;
	[sflag:s26] =	ssyncadd.s32 $0xFFFFC180  }
0x4d: {  	[tilespmem:s23], [sflag:$0x2] =	stream.indirect.gather [hbm4b:s0+s20], $0x80, s18, s20, $0xb8;
	[tilespmem:$0x1D000] =	vst v63  }
0x4e: {  	s19 =	sor.u32 $0x900, s2  }
0x4f: {  	[spmem:s4] =	stream.indirect.scatter.add.f32 [tilespmem:s21], [sflag:$0x3], $0x80, s19, s20, $0xb8;
	[tilespmem:$0x1D000] =	vst v63  }
0x50: {  	_ =	swait.ge [sflag:s24], $0x3E80  }
0x51: {  	[sflag:s24] =	ssyncset.done $0x0  }
0x52: {  	[sflag:s24] =	ssyncadd.s32 $0xFFFFC180  }
0x53: {  	_ =	swait.ge [sflag:s25], $0x3E80  }
0x54: {  	[sflag:s25] =	ssyncset.done $0x0  }
0x55: {  	s17 =	sor.u32 $0x200, s2;
	[sflag:s25] =	ssyncadd.s32 $0xFFFFC180  }
0x56: {  	[tilespmem:s21], [sflag:$0x1] =	stream.indirect.gather [hbm4b:s0+s20], $0x80, s17, s20, $0xb8;
	[tilespmem:$0x1D000] =	vst v63  }
0x57: {  	s18 =	sor.u32 $0x980, s2  }
0x58: {  	[spmem:s4] =	stream.indirect.scatter.add.f32 [tilespmem:s23], [sflag:$0x4], $0x80, s18, s20, $0xb8;
	[tilespmem:$0x1D000] =	vst v63  }
0x59: {  	_ =	swait.ge [sflag:s22], $0x3E80  }
0x5a: {  	[sflag:s22] =	ssyncset.done $0x0  }
0x5b: {  	[sflag:s22] =	ssyncadd.s32 $0xFFFFC180  }
0x5c: {  	_ =	swait.ge [sflag:s26], $0x3E80  }
0x5d: {  	[sflag:s26] =	ssyncset.done $0x0  }
0x5e: {  	s19 =	sor.u32 $0x280, s2;
	[sflag:s26] =	ssyncadd.s32 $0xFFFFC180  }
0x5f: {  	[tilespmem:s23], [sflag:$0x2] =	stream.indirect.gather [hbm4b:s0+s20], $0x80, s19, s20, $0xb8;
	[tilespmem:$0x1D000] =	vst v63  }
0x60: {  	s17 =	sor.u32 $0xA00, s2  }
0x61: {  	[spmem:s4] =	stream.indirect.scatter.add.f32 [tilespmem:s21], [sflag:$0x3], $0x80, s17, s20, $0xb8;
	[tilespmem:$0x1D000] =	vst v63  }
0x62: {  	_ =	swait.ge [sflag:s24], $0x3E80  }
0x63: {  	[sflag:s24] =	ssyncset.done $0x0  }
0x64: {  	[sflag:s24] =	ssyncadd.s32 $0xFFFFC180  }
0x65: {  	_ =	swait.ge [sflag:s25], $0x3E80  }
0x66: {  	[sflag:s25] =	ssyncset.done $0x0  }
0x67: {  	s18 =	sor.u32 $0x300, s2;
	[sflag:s25] =	ssyncadd.s32 $0xFFFFC180  }
0x68: {  	[tilespmem:s21], [sflag:$0x1] =	stream.indirect.gather [hbm4b:s0+s20], $0x80, s18, s20, $0xb8;
	[tilespmem:$0x1D000] =	vst v63  }
0x69: {  	s19 =	sor.u32 $0xA80, s2  }
0x6a: {  	[spmem:s4] =	stream.indirect.scatter.add.f32 [tilespmem:s23], [sflag:$0x4], $0x80, s19, s20, $0xb8;
	[tilespmem:$0x1D000] =	vst v63  }
0x6b: {  	_ =	swait.ge [sflag:s22], $0x3E80  }
0x6c: {  	[sflag:s22] =	ssyncset.done $0x0  }
0x6d: {  	[sflag:s22] =	ssyncadd.s32 $0xFFFFC180  }
0x6e: {  	_ =	swait.ge [sflag:s26], $0x3E80  }
0x6f: {  	[sflag:s26] =	ssyncset.done $0x0  }
0x70: {  	s3 =	sor.u32 $0x380, s2;
	[sflag:s26] =	ssyncadd.s32 $0xFFFFC180  }
0x71: {  	[tilespmem:s23], [sflag:$0x2] =	stream.indirect.gather [hbm4b:s0+s20], $0x80, s3, s20, $0xb8;
	[tilespmem:$0x1D000] =	vst v63  }
0x72: {  	s2 =	sor.u32 $0xB00, s2  }
0x73: {  	[spmem:s4] =	stream.indirect.scatter.add.f32 [tilespmem:s21], [sflag:$0x3], $0x80, s2, s20, $0xb8;
	[tilespmem:$0x1D000] =	vst v63  }
0x74: {  	p0 =	sne.s32 s31, $0x9;
	_ =	swait.ge [sflag:s24], $0x3E80  }
.Ltmp2:
0x75: {  	[sflag:s24] =	ssyncset.done $0x0;
	(pc) =	sbr.rel @!p0 .LBB2_3-.Ltmp2, $4  }
0x76: {  	[sflag:s24] =	ssyncadd.s32 $0xFFFFC180  }
0x77: {  	_ =	swait.ge [sflag:s25], $0x3E80  }
0x78: {  	[sflag:s25] =	ssyncset.done $0x0  }
0x79: {  	[sflag:s25] =	ssyncadd.s32 $0xFFFFC180  }
0x7a: {  	s1 =	sxor.u32 $0x1, s1  }
0x7b: {  	s2 =	sadd.s32 $0x5, s1  }
0x7c: {  	_ =	swait.ge [sflag:s2], $0x400  }
0x7d: {  	[sflag:s2] =	ssyncset.done $0x0  }
0x7e: {  	s31 =	sadd.s32 $0x1, s31;
	[sflag:s2] =	ssyncadd.s32 $0xFFFFFC00  }
0x7f: {  	p0 =	sne.s32 s31, $0xA;
	_ =	swait.ge [sflag:s2], $0x400  }
.Ltmp3:
0x80: {  	[sflag:s2] =	ssyncset.done $0x0;
	(pc) =	sbr.rel @p0 .LBB2_2-.Ltmp3, $4  }
.Ltmp4:
0x81: {  	s1 =	sshll.u32 s1, $0xA;
	[sflag:s2] =	ssyncadd.s32 $0xFFFFFC00;
	(pc) =	sbr.rel @!p0 .LBB2_5-.Ltmp4, $4  }
0x82: {  	[tilespmem:s21], [sflag:$0x1] =	stream.indirect.gather [hbm4b:s0+s20], $0x80, s1, s20, $0xb8;
	[tilespmem:$0x1D000] =	vst v63  }
0x83: {  	s19 =	sor.u32 $0x800, s3;
	s30 =	sadd.s32 $0x80, s30;
	s29 =	sadd.s32 $0x80, s29  }
0x84: {  	[spmem:s4] =	stream.indirect.scatter.add.f32 [tilespmem:s23], [sflag:$0x4], $0x80, s19, s20, $0xb8;
	[tilespmem:$0x1D000] =	vst v63  }
0x85: {  	_ = 	snop  }
.LBB2_6:
0x86: {  	_ =	sfence.sel $0x180000  }
0x87: {  	[bflag:$0x0] =	sbarrier.arrive $0xFFFF  }
0x88: {  	_ =	strace $0x9000004D  }
0x89: {  	s0 =	stileid.u32;
	[bflag:$0x2] =	sbarrier.arrive $0xFFFF  }
0x8a: {  	p0 =	sne.s32 s0, $0x0;
	s0 =	rddreg [dreg:$0x5]  }
0x8b: {  	s0 =	sadd.s32 @!p0 $0x100000, s0  }
0x8c: {  	[sflag:s0] =	ssyncadd.tile.s32 @!p0 $0x1;
	_ =	shalt  }
.Lfunc_end2:
_tile_overlayer_lowered:
.L_overlay_start_2:
0x8d: {  	(tag) =	ssettag $0x2  }
0x8e: {  	s0 =	rddreg [dreg:$0x0];
	s2 =	stileid.u32  }
0x8f: {  	s1 =	rddreg [dreg:$0x1];
	p0 =	sne.s32 s2, $0x0  }
0x90: {  	s3 =	rddreg [dreg:$0x2];
	[bflag:$0x3] =	sbarrier.arrive $0xFFFF;
	s2 =	simm.s32 @!p0 $0x1C07  }
0x91: {  	[timem:s3], [sflag:s2] =	dma.local @!p0 [hbm:s0], s1  }
0x92: {  	s0 =	simm.s32 @!p0 $0x7  }
0x93: {  	_ =	swait.ge @!p0 [sflag:s0], s1  }
0x94: {  	s1 =	ssub.s32 @!p0 $0x0, s1;
	[sflag:s0] =	ssyncset.done @!p0 $0x0  }
0x95: {  	[sflag:s0] =	ssyncadd.s32 @!p0 s1  }
0x96: {  	[bflag:$0x3] =	sbarrier.arrive $0xFFFF  }
0x97: {  	_ =	shalt  }

// kernel: kernel.18.cloned.1.call-start
scs
__scs_entry_jumppad:
0x0: {  	(pc) =	sbr.rel $0x88, $3  }
0x1: {  	(tag) =	ssettag $0x0;
	lr =	simm.s32 $0x1  }
0x2: {  	[smem:$0x3F92] =	sst lr;
	_ =	strace $0xD0000000  }
0x3: {  	_ = 	snop  }
0x4: {  	_ = 	snop  }
0x5: {  	_ = 	snop  }
0x6: {  	_ = 	snop  }
0x7: {  	_ = 	snop  }
__scs_overlays_trampoline_lowered:
0x8: {  	[smem:$0x3FA1] =	sst s0  }
0x9: {  	[smem:$0x3FA2] =	sst s1  }
0xa: {  	[smem:$0x3FA3] =	sst s2  }
0xb: {  	[smem:$0x3FA4] =	sst s3  }
0xc: {  	[smem:$0x3FA5] =	sst s4  }
0xd: {  	[smem:$0x3FA6] =	sst s5  }
0xe: {  	[smem:$0x3FA7] =	sst s6  }
0xf: {  	[smem:$0x3FA8] =	sst s7  }
0x10: {  	[smem:$0x3FA9] =	sst s8  }
0x11: {  	[smem:$0x3FAA] =	sst s9;
	s0 =	simm.s32 @!p0 $0x0  }
0x12: {  	s1 =	sld [smem:$0x3F90];
	s0 =	simm.s32 @p0 $0x1  }
0x13: {  	[smem:$0x3FAB] =	sst s0;
	s0 =	simm.s32 @!p1 $0x0  }
0x14: {  	s2 =	sld [smem:$0x3F8F];
	s0 =	simm.s32 @p1 $0x1  }
0x15: {  	[smem:$0x3FAC] =	sst s0;
	s0 =	simm.s32 @!p2 $0x0  }
0x16: {  	s3 =	sld [smem:$0x3FDB];
	s0 =	simm.s32 @p2 $0x1  }
0x17: {  	s4 =	simm.s32 $0x1BF5;
	[smem:$0x3FAE] =	sst s0  }
0x18: {  	s0 =	sld [smem:$0x3F91];
	_ =	swait.ge [sflag:s4], $0x0  }
0x19: {  	s7 =	sld [smem:$0x3F92]  }
0x1a: {  	s8 =	sadd.s32 $0xFFFFE003, lr  }
0x1b: {  	s9 =	sadd.s32 $0xFFFFFEF7, lr;
	s5 =	simm.s32 $0xFFFFFFFF;
	p2 =	slt.u32 s8, $0xFFFFF086  }
0x1c: {  	p1 =	slt.u32 s9, $0xF7A;
	s5 =	simm.s32 @!p2 $0x0  }
0x1d: {  	s5 =	simm.s32 @p1 $0x1;
	p0 =	seq.s32 s7, s2  }
0x1e: {  	s7 =	smul.u32 @!p0 $0xF7A, s2;
	p2 =	seq.s32 @!p0 s5, $0x0  }
0x1f: {  	s9 =	smul.u32 $0xF7A, s1;
	s8 =	simm.s32 @!p0 $0x1BF5;
	p2 =	por !p2, p0  }
0x20: {  	[sflag:s8] =	ssyncset.s32 @!p0 $0xFFFFF086;
	s6 =	sadd.s32 @!p0 s3, s7;
	s7 =	simm.s32 @!p0 $0x108  }
0x21: {  	s3 =	sadd.s32 s3, s9;
	s6 =	sadd.s32 @!p0 $0x88, s6;
	s7 =	simm.s32 @p2 $0x1082  }
0x22: {  	[simem:s7], [sflag:s8] =	dma.local @!p0 [hbm:s6], $0xF7A  }
0x23: {  	s9 =	sor.u32 $0xD0000000, s2;
	s6 =	simm.s32 $0x108;
	_ =	swait.ge @!p0 [sflag:s8], $0x0  }
0x24: {  	s3 =	sadd.s32 $0x88, s3;
	s6 =	simm.s32 @!p1 $0x1082;
	[sflag:s4] =	ssyncset.s32 $0xFFFFF086  }
0x25: {  	[simem:s6], [sflag:s4] =	dma.local [hbm:s3], $0xF7A  }
0x26: {  	[smem:$0x3F92] =	sst s1;
	(tag) =	ssettag s2;
	_ =	strace s9  }
0x27: {  	s1 =	sld [smem:$0x3FA2]  }
0x28: {  	s2 =	sld [smem:$0x3FA3]  }
0x29: {  	s4 =	sld [smem:$0x3FA5]  }
0x2a: {  	p0 =	seq.s32 s5, $0x0;
	s5 =	sld [smem:$0x3FA6]  }
0x2b: {  	s6 =	sld [smem:$0x3FA7]  }
0x2c: {  	s7 =	sld [smem:$0x3FA8]  }
0x2d: {  	s3 =	simm.s32 $0x108;
	s8 =	sld [smem:$0x3FA9]  }
0x2e: {  	s3 =	simm.s32 @!p0 $0x1082;
	s9 =	sld [smem:$0x3FAA]  }
0x2f: {  	lr =	sadd.s32 s0, s3;
	s0 =	sld [smem:$0x3FA1]  }
0x30: {  	s3 =	sld [smem:$0x3FA4]  }
0x31: {  	[smem:$0x3FAD] =	sst s10  }
0x32: {  	s10 =	sld [smem:$0x3FAB];
	_ =	sdelay $0x3  }
0x33: {  	p0 =	seq.s32 s10, $0x1;
	s10 =	sld [smem:$0x3FAD];
	_ =	sdelay $0x3  }
0x34: {  	[smem:$0x3FAD] =	sst s10  }
0x35: {  	s10 =	sld [smem:$0x3FAC];
	_ =	sdelay $0x3  }
0x36: {  	p1 =	seq.s32 s10, $0x1;
	s10 =	sld [smem:$0x3FAD];
	_ =	sdelay $0x3  }
0x37: {  	[smem:$0x3FAD] =	sst s10  }
0x38: {  	s10 =	sld [smem:$0x3FAE]  }
0x39: {  	_ = 	snop;
	(pc) =	sbr.ind lr, $3  }
0x3a: {  	_ = 	snop  }
0x3b: {  	_ = 	snop  }
0x3c: {  	p2 =	seq.s32 s10, $0x1;
	s10 =	sld [smem:$0x3FAD]  }
0x3d: {  	_ =	shalt  }
0x3e: {  	_ =	shalt  }
0x3f: {  	_ =	shalt  }
0x40: {  	_ =	shalt  }
0x41: {  	_ =	shalt  }
0x42: {  	_ =	shalt  }
0x43: {  	_ =	shalt  }
0x44: {  	_ =	shalt  }
0x45: {  	_ =	shalt  }
0x46: {  	_ =	shalt  }
0x47: {  	_ =	shalt  }
0x48: {  	_ =	shalt  }
0x49: {  	_ =	shalt  }
0x4a: {  	_ =	shalt  }
0x4b: {  	_ =	shalt  }
0x4c: {  	_ =	shalt  }
0x4d: {  	_ =	shalt  }
0x4e: {  	_ =	shalt  }
0x4f: {  	_ =	shalt  }
0x50: {  	_ =	shalt  }
0x51: {  	_ =	shalt  }
0x52: {  	_ =	shalt  }
0x53: {  	_ =	shalt  }
0x54: {  	_ =	shalt  }
0x55: {  	_ =	shalt  }
0x56: {  	_ =	shalt  }
0x57: {  	_ =	shalt  }
0x58: {  	_ =	shalt  }
0x59: {  	_ =	shalt  }
0x5a: {  	_ =	shalt  }
0x5b: {  	_ =	shalt  }
0x5c: {  	_ =	shalt  }
0x5d: {  	_ =	shalt  }
0x5e: {  	_ =	shalt  }
0x5f: {  	_ =	shalt  }
0x60: {  	_ =	shalt  }
0x61: {  	_ =	shalt  }
0x62: {  	_ =	shalt  }
0x63: {  	_ =	shalt  }
0x64: {  	_ =	shalt  }
0x65: {  	_ =	shalt  }
0x66: {  	_ =	shalt  }
0x67: {  	_ =	shalt  }
0x68: {  	_ =	shalt  }
0x69: {  	_ =	shalt  }
0x6a: {  	_ =	shalt  }
0x6b: {  	_ =	shalt  }
0x6c: {  	_ =	shalt  }
0x6d: {  	_ =	shalt  }
0x6e: {  	_ =	shalt  }
0x6f: {  	_ =	shalt  }
0x70: {  	_ =	shalt  }
0x71: {  	_ =	shalt  }
0x72: {  	_ =	shalt  }
0x73: {  	_ =	shalt  }
0x74: {  	_ =	shalt  }
0x75: {  	_ =	shalt  }
0x76: {  	_ =	shalt  }
0x77: {  	_ =	shalt  }
0x78: {  	_ =	shalt  }
0x79: {  	_ =	shalt  }
0x7a: {  	_ =	shalt  }
0x7b: {  	_ =	shalt  }
0x7c: {  	_ =	shalt  }
0x7d: {  	_ =	shalt  }
0x7e: {  	_ =	shalt  }
0x7f: {  	_ =	shalt  }
0x80: {  	_ =	shalt  }
0x81: {  	_ =	shalt  }
0x82: {  	_ =	shalt  }
0x83: {  	_ =	shalt  }
0x84: {  	_ =	shalt  }
0x85: {  	_ =	shalt  }
0x86: {  	_ =	shalt  }
0x87: {  	_ =	shalt  }
.Lfunc_end0:
.L_simem_size_0:
called_computation.3_lowered:
.L_overlay_start_0:
0x88: {  	s2 =	sld [smem:$0x3FD9]  }
0x89: {  	s3 =	sld [smem:$0x3FFE];
	_ =	sdelay $0x1  }
0x8a: {  	s1 =	srdreg.scid  }
0x8b: {  	s0 =	sand.u32 $0x1, s1  }
0x8c: {  	s14 =	sshll.u32 s0, $0xA;
	s2 =	sadd.s32 s3, s2  }
0x8d: {  	s2 =	sadd.s32 s2, s14  }
0x8e: {  	[smem:$0x3FB9] =	sst s2  }
0x8f: {  	_ = 	snop  }
0x90: {  	s2 =	sld [smem:$0x3FD0];
	_ =	sdelay $0x2  }
0x91: {  	s15 =	simm.s32 $0xA;
	s4 =	simm.s32 $0x10  }
0x92: {  	[smem:s4], [sflag:s15] =	dma.local [hbm:s2], $0x1  }
0x93: {  	_ =	swait.eq [sflag:s15], $0x1  }
0x94: {  	[sflag:s15] =	ssyncset.done $0x0  }
0x95: {  	s16 =	sld [smem:$0x10];
	[sflag:s15] =	ssyncadd.s32 $0xFFFFFFFF  }
0x96: {  	s17 =	sld [smem:$0x12];
	(tm) =	ssettm $0x1  }
0x97: {  	s18 =	sld [smem:$0x3FFB];
	_ =	sdelay $0x3  }
0x98: {  	_ =	strace s18  }
0x99: {  	s4 =	sld [smem:$0x3FFC];
	_ =	sdelay $0x3  }
0x9a: {  	_ =	strace s4  }
0x9b: {  	s4 =	sld [smem:$0x3FFD];
	_ =	sdelay $0x3  }
0x9c: {  	_ =	strace s4  }
0x9d: {  	_ =	strace $0x8FFFFFFF  }
0x9e: {  	s19 =	sld [smem:$0x3FDB];
	_ =	sdelay $0x1  }
0x9f: {  	s5 =	simm.s32 $_scs_section_size  }
0xa0: {  	s6 =	simm.s32 $_size__tile_overlayer_lowered;
	s7 =	simm.s32 $_tile_overlayer_lowered  }
0xa1: {  	s22 =	simm.s32 $0x1BFF;
	s21 =	sshll.u32 s7, $0x1;
	s4 =	sadd.s32 s5, s19  }
0xa2: {  	s8 =	simm.s32 $0x0;
	s20 =	sshll.u32 s6, $0x1;
	s6 =	sadd.s32 s21, s4  }
0xa3: {  	[timem:s8], [sflag:s22] =	dma.local [hbm:s6], s20  }
0xa4: {  	_ =	swait.ge [sflag:s22], s20  }
0xa5: {  	s5 =	ssub.s32 $0x0, s20;
	[sflag:s22] =	ssyncset.done $0x0  }
0xa6: {  	[sflag:s22] =	ssyncadd.s32 s5;
	_ =	sdelay $0x1  }
0xa7: {  	s23 =	simm.s32 $0x1B8B  }
0xa8: {  	_ =	swait.ge [sflag:s23], $0x1  }
0xa9: {  	[sflag:s23] =	ssyncset.done $0x0  }
0xaa: {  	s25 =	simm.s32 $0x1B8E;
	s24 =	sld [smem:$0x3FFE];
	[sflag:s23] =	ssyncadd.s32 $0xFFFFFFFF  }
0xab: {  	s26 =	simm.s32 $execute0_lowered;
	[smem:$0x3FD2] =	sst s25  }
0xac: {  	s6 =	sshll.u32 s26, $0x1;
	_ =	strace $0x8000004F;
	[dreg:$0x1] =	wrdreg $0xFFFFFFFF  }
0xad: {  	s28 =	simm.s32 $_size_execute0_lowered;
	s4 =	sadd.s32 s4, s6;
	[dreg:$0x0] =	wrdreg $0x0  }
0xae: {  	s6 =	sshll.u32 s28, $0x1;
	[dreg:$0x2] =	wrdreg s4  }
0xaf: {  	[dreg:$0x3] =	wrdreg s6  }
0xb0: {  	[dreg:$0x4] =	wrdreg $0xC0  }
0xb1: {  	_ =	task [dreg:s8], $0x5FFFF  }
0xb2: {  	[dreg:$0x1] =	wrdreg $0xFFFFFFFF  }
0xb3: {  	[dreg:$0x0] =	wrdreg $0x60  }
0xb4: {  	[dreg:$0x2] =	wrdreg s16  }
0xb5: {  	[dreg:$0x3] =	wrdreg s24  }
0xb6: {  	[dreg:$0x4] =	wrdreg s17  }
0xb7: {  	[dreg:$0x5] =	wrdreg $0x9  }
0xb8: {  	_ =	task.clear_ibuf [dreg:s8], $0x6FFFF;
	_ =	strace $0x9000004F  }
0xb9: {  	s29 =	simm.s32 $0x9;
	_ =	strace $0x80000051  }
0xba: {  	_ =	swait.ge [sflag:s29], $0x1  }
0xbb: {  	[sflag:s29] =	ssyncadd.s32 $0xFFFFFFFF  }
0xbc: {  	_ =	strace $0x90000051  }
0xbd: {  	_ =	sfence  }
0xbe: {  	s30 =	sld [smem:$0x0];
	_ =	sdelay $0x2  }
0xbf: {  	s31 =	sshll.u32 s1, $0xD;
	s1 =	sshrl.u32 s1, $0x2  }
0xc0: {  	s3 =	sand.u32 $0x4000, s31;
	s1 =	sadd.s32 s1, s30  }
0xc1: {  	s0 =	sor.u32 s3, s0;
	s1 =	sshll.u32 s1, $0x11  }
0xc2: {  	s0 =	sor.u32 s1, s0  }
0xc3: {  	s0 =	sadd.s32 $0x8F2B, s0  }
0xc4: {  	[sflag:s0] =	ssyncadd.remote.s32 $0x1  }
0xc5: {  	_ =	sfence.sel $0xFFFF  }
0xc6: {  	[dreg:$0x0] =	wrdreg $0xFFFFFFFF;
	(pc) =	sbr.abs _section_cstart, $3  }
0xc7: {  	[dreg:$0x1] =	wrdreg $0xFFFFFFFF  }
0xc8: {  	_ =	task.clear_ibuf [dreg:s8], $0x2FFFF;
	_ =	strace $0x9FFFFFFF  }
0xc9: {  	(tm) =	ssettm $0x7FFFFFFF  }
tec
execute0_lowered:
.L_overlay_start_1:
0x0: {  	(tag) =	ssettag $0x1  }
0x1: {  	s1 =	rddreg [dreg:$0x0]  }
0x2: {  	s2 =	srdreg.scid;
	s0 =	stileid.u32  }
0x3: {  	s4 =	rddreg [dreg:$0x1];
	s6 =	sand.u32 $0x1, s2;
	s30 =	sshll.u32 s0, $0x1  }
0x4: {  	s9 =	rddreg [dreg:$0x2];
	s3 =	simm.s32 $0x0;
	s10 =	sor.u32 s6, s30  }
0x5: {  	[smem:$0x7FF] =	sst s3;
	s5 =	sshll.u32 s10, $0x4  }
0x6: {  	s2 =	rddreg [dreg:$0x3];
	_ =	strace $0x80000050;
	s4 =	sadd.s32 s5, s4  }
0x7: {  	s11 =	ssub.s32 $0x2, s6;
	s5 =	sadd.s32 $0x5E400, s4;
	s4 =	simm.s32 $0x2  }
0x8: {  	[tilespmem:s3], [sflag:$0x2] =	stream.linear.gather [hbm4b:s5+s3], $0x80, $0x38;
	[tilespmem:$0x1080] =	vst v63  }
0x9: {  	s7 =	simm.s32 $0x80;
	s12 =	sshrl.u32 s11, $0x1;
	_ =	swait.ge [sflag:s4], $0x80  }
0xa: {  	s8 =	simm.s32 $0x1;
	s11 =	ssub.s32 s11, s12;
	[sflag:s4] =	ssyncset.done $0x0  }
0xb: {  	s6 =	simm.s32 $0x20;
	s31 =	smax.u32 s11, $0x1;
	[sflag:s4] =	ssyncadd.s32 $0xFFFFFF80  }
0xc: {  	[tilespmem:s7], [sflag:$0x1] =	stream.indirect.gather [hbm4b:s1+s6], $0x80, s3, s6, $0xb8;
	[tilespmem:$0x1080] =	vst v63  }
0xd: {  	p0 =	sne.s32 s31, $0x1;
	_ =	swait.ge [sflag:s8], $0x1000  }
.Ltmp0:
0xe: {  	s10 =	sshll.u32 s10, $0x9;
	[sflag:s8] =	ssyncset.done $0x0;
	(pc) =	sbr.rel @!p0 .LBB2_2-.Ltmp0, $4  }
0xf: {  	s9 =	sadd.s32 s9, s10;
	[sflag:s8] =	ssyncadd.s32 $0xFFFFF000  }
0x10: {  	[hbm4b:s9+s3] =	stream.linear.scatter [tilespmem:s7], [sflag:$0x2], $0x1000, $0x38;
	[tilespmem:$0x1080] =	vst v63  }
0x11: {  	_ =	swait.ge [sflag:s4], $0x1000  }
0x12: {  	s10 =	sadd.s32 $0xFFFFFFFF, s31;
	[sflag:s4] =	ssyncset.done $0x0  }
.LBB2_1:
0x13: {  	p0 =	sne.s32 s10, $0x1;
	s10 =	sadd.s32 $0xFFFFFFFF, s10;
	[sflag:s4] =	ssyncadd.s32 $0xFFFFF000  }
0x14: {  	[tilespmem:s3], [sflag:$0x2] =	stream.linear.gather [hbm4b:s5+s3], $0x80, $0x38;
	[tilespmem:$0x1080] =	vst v63  }
0x15: {  	_ =	swait.ge [sflag:s4], $0x80  }
0x16: {  	[sflag:s4] =	ssyncset.done $0x0  }
0x17: {  	[sflag:s4] =	ssyncadd.s32 $0xFFFFFF80  }
0x18: {  	[tilespmem:s7], [sflag:$0x1] =	stream.indirect.gather [hbm4b:s1+s6], $0x80, s3, s6, $0xb8;
	[tilespmem:$0x1080] =	vst v63  }
0x19: {  	_ =	swait.ge [sflag:s8], $0x1000  }
.Ltmp1:
0x1a: {  	[sflag:s8] =	ssyncset.done $0x0;
	(pc) =	sbr.rel @p0 .LBB2_1-.Ltmp1, $4  }
0x1b: {  	[sflag:s8] =	ssyncadd.s32 $0xFFFFF000  }
0x1c: {  	[hbm4b:s9+s3] =	stream.linear.scatter [tilespmem:s7], [sflag:$0x2], $0x1000, $0x38;
	[tilespmem:$0x1080] =	vst v63  }
0x1d: {  	_ =	swait.ge [sflag:s4], $0x1000  }
0x1e: {  	[sflag:s4] =	ssyncset.done $0x0  }
.LBB2_2:
0x1f: {  	[sflag:s4] =	ssyncadd.s32 $0xFFFFF000  }
0x20: {  	_ =	sfence.sel $0x180000  }
0x21: {  	[bflag:$0x0] =	sbarrier.arrive $0xFFFF  }
0x22: {  	p0 =	sne.s32 s0, $0x0;
	_ =	strace $0x90000050  }
0x23: {  	s0 =	sadd.s32 @!p0 $0x100000, s2;
	[bflag:$0x2] =	sbarrier.arrive $0xFFFF  }
0x24: {  	[sflag:s0] =	ssyncadd.tile.s32 @!p0 $0x1;
	_ =	shalt  }
.Lfunc_end2:
_tile_overlayer_lowered:
.L_overlay_start_2:
0x25: {  	(tag) =	ssettag $0x2  }
0x26: {  	s0 =	rddreg [dreg:$0x0];
	s2 =	stileid.u32  }
0x27: {  	s1 =	rddreg [dreg:$0x1];
	p0 =	sne.s32 s2, $0x0  }
0x28: {  	s3 =	rddreg [dreg:$0x2];
	[bflag:$0x3] =	sbarrier.arrive $0xFFFF;
	s2 =	simm.s32 @!p0 $0x1C02  }
0x29: {  	[timem:s3], [sflag:s2] =	dma.local @!p0 [hbm:s0], s1  }
0x2a: {  	s0 =	simm.s32 @!p0 $0x2  }
0x2b: {  	_ =	swait.ge @!p0 [sflag:s0], s1  }
0x2c: {  	s1 =	ssub.s32 @!p0 $0x0, s1;
	[sflag:s0] =	ssyncset.done @!p0 $0x0  }
0x2d: {  	[sflag:s0] =	ssyncadd.s32 @!p0 s1  }
0x2e: {  	[bflag:$0x3] =	sbarrier.arrive $0xFFFF  }
0x2f: {  	_ =	shalt  }

// kernel: kernel.9.cloned.1.call-start
scs
__scs_entry_jumppad:
0x0: {  	(pc) =	sbr.rel $0x88, $3  }
0x1: {  	(tag) =	ssettag $0x0;
	lr =	simm.s32 $0x1  }
0x2: {  	[smem:$0x3F92] =	sst lr;
	_ =	strace $0xD0000000  }
0x3: {  	_ = 	snop  }
0x4: {  	_ = 	snop  }
0x5: {  	_ = 	snop  }
0x6: {  	_ = 	snop  }
0x7: {  	_ = 	snop  }
__scs_overlays_trampoline_lowered:
0x8: {  	[smem:$0x3FA1] =	sst s0  }
0x9: {  	[smem:$0x3FA2] =	sst s1  }
0xa: {  	[smem:$0x3FA3] =	sst s2  }
0xb: {  	[smem:$0x3FA4] =	sst s3  }
0xc: {  	[smem:$0x3FA5] =	sst s4  }
0xd: {  	[smem:$0x3FA6] =	sst s5  }
0xe: {  	[smem:$0x3FA7] =	sst s6  }
0xf: {  	[smem:$0x3FA8] =	sst s7  }
0x10: {  	[smem:$0x3FA9] =	sst s8  }
0x11: {  	[smem:$0x3FAA] =	sst s9;
	s0 =	simm.s32 @!p0 $0x0  }
0x12: {  	s1 =	sld [smem:$0x3F90];
	s0 =	simm.s32 @p0 $0x1  }
0x13: {  	[smem:$0x3FAB] =	sst s0;
	s0 =	simm.s32 @!p1 $0x0  }
0x14: {  	s2 =	sld [smem:$0x3F8F];
	s0 =	simm.s32 @p1 $0x1  }
0x15: {  	[smem:$0x3FAC] =	sst s0;
	s0 =	simm.s32 @!p2 $0x0  }
0x16: {  	s3 =	sld [smem:$0x3FDB];
	s0 =	simm.s32 @p2 $0x1  }
0x17: {  	s4 =	simm.s32 $0x1BF5;
	[smem:$0x3FAE] =	sst s0  }
0x18: {  	s0 =	sld [smem:$0x3F91];
	_ =	swait.ge [sflag:s4], $0x0  }
0x19: {  	s7 =	sld [smem:$0x3F92]  }
0x1a: {  	s8 =	sadd.s32 $0xFFFFE003, lr  }
0x1b: {  	s9 =	sadd.s32 $0xFFFFFEF7, lr;
	s5 =	simm.s32 $0xFFFFFFFF;
	p2 =	slt.u32 s8, $0xFFFFF086  }
0x1c: {  	p1 =	slt.u32 s9, $0xF7A;
	s5 =	simm.s32 @!p2 $0x0  }
0x1d: {  	s5 =	simm.s32 @p1 $0x1;
	p0 =	seq.s32 s7, s2  }
0x1e: {  	s7 =	smul.u32 @!p0 $0xF7A, s2;
	p2 =	seq.s32 @!p0 s5, $0x0  }
0x1f: {  	s9 =	smul.u32 $0xF7A, s1;
	s8 =	simm.s32 @!p0 $0x1BF5;
	p2 =	por !p2, p0  }
0x20: {  	[sflag:s8] =	ssyncset.s32 @!p0 $0xFFFFF086;
	s6 =	sadd.s32 @!p0 s3, s7;
	s7 =	simm.s32 @!p0 $0x108  }
0x21: {  	s3 =	sadd.s32 s3, s9;
	s6 =	sadd.s32 @!p0 $0x88, s6;
	s7 =	simm.s32 @p2 $0x1082  }
0x22: {  	[simem:s7], [sflag:s8] =	dma.local @!p0 [hbm:s6], $0xF7A  }
0x23: {  	s9 =	sor.u32 $0xD0000000, s2;
	s6 =	simm.s32 $0x108;
	_ =	swait.ge @!p0 [sflag:s8], $0x0  }
0x24: {  	s3 =	sadd.s32 $0x88, s3;
	s6 =	simm.s32 @!p1 $0x1082;
	[sflag:s4] =	ssyncset.s32 $0xFFFFF086  }
0x25: {  	[simem:s6], [sflag:s4] =	dma.local [hbm:s3], $0xF7A  }
0x26: {  	[smem:$0x3F92] =	sst s1;
	(tag) =	ssettag s2;
	_ =	strace s9  }
0x27: {  	s1 =	sld [smem:$0x3FA2]  }
0x28: {  	s2 =	sld [smem:$0x3FA3]  }
0x29: {  	s4 =	sld [smem:$0x3FA5]  }
0x2a: {  	p0 =	seq.s32 s5, $0x0;
	s5 =	sld [smem:$0x3FA6]  }
0x2b: {  	s6 =	sld [smem:$0x3FA7]  }
0x2c: {  	s7 =	sld [smem:$0x3FA8]  }
0x2d: {  	s3 =	simm.s32 $0x108;
	s8 =	sld [smem:$0x3FA9]  }
0x2e: {  	s3 =	simm.s32 @!p0 $0x1082;
	s9 =	sld [smem:$0x3FAA]  }
0x2f: {  	lr =	sadd.s32 s0, s3;
	s0 =	sld [smem:$0x3FA1]  }
0x30: {  	s3 =	sld [smem:$0x3FA4]  }
0x31: {  	[smem:$0x3FAD] =	sst s10  }
0x32: {  	s10 =	sld [smem:$0x3FAB];
	_ =	sdelay $0x3  }
0x33: {  	p0 =	seq.s32 s10, $0x1;
	s10 =	sld [smem:$0x3FAD];
	_ =	sdelay $0x3  }
0x34: {  	[smem:$0x3FAD] =	sst s10  }
0x35: {  	s10 =	sld [smem:$0x3FAC];
	_ =	sdelay $0x3  }
0x36: {  	p1 =	seq.s32 s10, $0x1;
	s10 =	sld [smem:$0x3FAD];
	_ =	sdelay $0x3  }
0x37: {  	[smem:$0x3FAD] =	sst s10  }
0x38: {  	s10 =	sld [smem:$0x3FAE]  }
0x39: {  	_ = 	snop;
	(pc) =	sbr.ind lr, $3  }
0x3a: {  	_ = 	snop  }
0x3b: {  	_ = 	snop  }
0x3c: {  	p2 =	seq.s32 s10, $0x1;
	s10 =	sld [smem:$0x3FAD]  }
0x3d: {  	_ =	shalt  }
0x3e: {  	_ =	shalt  }
0x3f: {  	_ =	shalt  }
0x40: {  	_ =	shalt  }
0x41: {  	_ =	shalt  }
0x42: {  	_ =	shalt  }
0x43: {  	_ =	shalt  }
0x44: {  	_ =	shalt  }
0x45: {  	_ =	shalt  }
0x46: {  	_ =	shalt  }
0x47: {  	_ =	shalt  }
0x48: {  	_ =	shalt  }
0x49: {  	_ =	shalt  }
0x4a: {  	_ =	shalt  }
0x4b: {  	_ =	shalt  }
0x4c: {  	_ =	shalt  }
0x4d: {  	_ =	shalt  }
0x4e: {  	_ =	shalt  }
0x4f: {  	_ =	shalt  }
0x50: {  	_ =	shalt  }
0x51: {  	_ =	shalt  }
0x52: {  	_ =	shalt  }
0x53: {  	_ =	shalt  }
0x54: {  	_ =	shalt  }
0x55: {  	_ =	shalt  }
0x56: {  	_ =	shalt  }
0x57: {  	_ =	shalt  }
0x58: {  	_ =	shalt  }
0x59: {  	_ =	shalt  }
0x5a: {  	_ =	shalt  }
0x5b: {  	_ =	shalt  }
0x5c: {  	_ =	shalt  }
0x5d: {  	_ =	shalt  }
0x5e: {  	_ =	shalt  }
0x5f: {  	_ =	shalt  }
0x60: {  	_ =	shalt  }
0x61: {  	_ =	shalt  }
0x62: {  	_ =	shalt  }
0x63: {  	_ =	shalt  }
0x64: {  	_ =	shalt  }
0x65: {  	_ =	shalt  }
0x66: {  	_ =	shalt  }
0x67: {  	_ =	shalt  }
0x68: {  	_ =	shalt  }
0x69: {  	_ =	shalt  }
0x6a: {  	_ =	shalt  }
0x6b: {  	_ =	shalt  }
0x6c: {  	_ =	shalt  }
0x6d: {  	_ =	shalt  }
0x6e: {  	_ =	shalt  }
0x6f: {  	_ =	shalt  }
0x70: {  	_ =	shalt  }
0x71: {  	_ =	shalt  }
0x72: {  	_ =	shalt  }
0x73: {  	_ =	shalt  }
0x74: {  	_ =	shalt  }
0x75: {  	_ =	shalt  }
0x76: {  	_ =	shalt  }
0x77: {  	_ =	shalt  }
0x78: {  	_ =	shalt  }
0x79: {  	_ =	shalt  }
0x7a: {  	_ =	shalt  }
0x7b: {  	_ =	shalt  }
0x7c: {  	_ =	shalt  }
0x7d: {  	_ =	shalt  }
0x7e: {  	_ =	shalt  }
0x7f: {  	_ =	shalt  }
0x80: {  	_ =	shalt  }
0x81: {  	_ =	shalt  }
0x82: {  	_ =	shalt  }
0x83: {  	_ =	shalt  }
0x84: {  	_ =	shalt  }
0x85: {  	_ =	shalt  }
0x86: {  	_ =	shalt  }
0x87: {  	_ =	shalt  }
.Lfunc_end0:
.L_simem_size_0:
called_computation_lowered:
.L_overlay_start_0:
0x88: {  	s2 =	sld [smem:$0x3FD9]  }
0x89: {  	s3 =	sld [smem:$0x3FFE];
	_ =	sdelay $0x1  }
0x8a: {  	s1 =	srdreg.scid  }
0x8b: {  	s0 =	sand.u32 $0x1, s1  }
0x8c: {  	s14 =	sshll.u32 s0, $0xA;
	s2 =	sadd.s32 s3, s2  }
0x8d: {  	s2 =	sadd.s32 s2, s14  }
0x8e: {  	[smem:$0x3FB9] =	sst s2  }
0x8f: {  	_ = 	snop  }
0x90: {  	s2 =	sld [smem:$0x3FD0];
	_ =	sdelay $0x2  }
0x91: {  	s4 =	simm.s32 $0xA;
	s5 =	simm.s32 $0x10;
	s15 =	sld [smem:$0x3FC9]  }
0x92: {  	[smem:s5], [sflag:s4] =	dma.local [hbm:s2], $0x1  }
0x93: {  	_ =	swait.eq [sflag:s4], $0x1  }
0x94: {  	s16 =	sld [smem:$0x10];
	[sflag:s4] =	ssyncset.done $0x0  }
0x95: {  	s17 =	sld [smem:$0x11];
	[sflag:s4] =	ssyncadd.s32 $0xFFFFFFFF  }
0x96: {  	s18 =	sld [smem:$0x12];
	(tm) =	ssettm $0x1  }
0x97: {  	s6 =	sld [smem:$0x3FFB];
	_ =	sdelay $0x3  }
0x98: {  	_ =	strace s6  }
0x99: {  	s6 =	sld [smem:$0x3FFC];
	_ =	sdelay $0x3  }
0x9a: {  	_ =	strace s6  }
0x9b: {  	s6 =	sld [smem:$0x3FFD];
	_ =	sdelay $0x3  }
0x9c: {  	_ =	strace s6  }
0x9d: {  	_ =	strace $0x8FFFFFFF  }
0x9e: {  	s19 =	sld [smem:$0x3FDB];
	_ =	sdelay $0x1  }
0x9f: {  	s7 =	simm.s32 $_scs_section_size  }
0xa0: {  	s8 =	simm.s32 $_size__tile_overlayer_lowered;
	s9 =	simm.s32 $_tile_overlayer_lowered  }
0xa1: {  	s22 =	simm.s32 $0x1BFF;
	s21 =	sshll.u32 s9, $0x1;
	s6 =	sadd.s32 s7, s19  }
0xa2: {  	s10 =	simm.s32 $0x0;
	s20 =	sshll.u32 s8, $0x1;
	s8 =	sadd.s32 s21, s6  }
0xa3: {  	[timem:s10], [sflag:s22] =	dma.local [hbm:s8], s20  }
0xa4: {  	_ =	swait.ge [sflag:s22], s20  }
0xa5: {  	s7 =	ssub.s32 $0x0, s20;
	[sflag:s22] =	ssyncset.done $0x0  }
0xa6: {  	[sflag:s22] =	ssyncadd.s32 s7;
	_ =	sdelay $0x1  }
0xa7: {  	s23 =	simm.s32 $0x1B8B  }
0xa8: {  	_ =	swait.ge [sflag:s23], $0x1  }
0xa9: {  	[sflag:s23] =	ssyncset.done $0x0  }
0xaa: {  	s25 =	simm.s32 $0x1B8E;
	s24 =	sld [smem:$0x3FFE];
	[sflag:s23] =	ssyncadd.s32 $0xFFFFFFFF  }
0xab: {  	s26 =	simm.s32 $execute0_lowered;
	[smem:$0x3FD2] =	sst s25  }
0xac: {  	s8 =	sshll.u32 s26, $0x1;
	_ =	strace $0x80000046;
	[dreg:$0x1] =	wrdreg $0xFFFFFFFF  }
0xad: {  	s28 =	simm.s32 $_size_execute0_lowered;
	s6 =	sadd.s32 s6, s8;
	[dreg:$0x0] =	wrdreg $0x0  }
0xae: {  	s8 =	sshll.u32 s28, $0x1;
	[dreg:$0x2] =	wrdreg s6  }
0xaf: {  	[dreg:$0x3] =	wrdreg s8  }
0xb0: {  	[dreg:$0x4] =	wrdreg $0xC0  }
0xb1: {  	_ =	task [dreg:s10], $0x5FFFF  }
0xb2: {  	[dreg:$0x1] =	wrdreg $0xFFFFFFFF  }
0xb3: {  	[dreg:$0x0] =	wrdreg $0x60  }
0xb4: {  	[dreg:$0x2] =	wrdreg s15  }
0xb5: {  	[dreg:$0x3] =	wrdreg s16  }
0xb6: {  	[dreg:$0x4] =	wrdreg s24  }
0xb7: {  	[dreg:$0x5] =	wrdreg s18  }
0xb8: {  	[dreg:$0x6] =	wrdreg s17  }
0xb9: {  	[dreg:$0x7] =	wrdreg $0x90800  }
0xba: {  	[dreg:$0x8] =	wrdreg $0x1D0800  }
0xbb: {  	[dreg:$0x9] =	wrdreg $0x9  }
0xbc: {  	_ =	task.clear_ibuf [dreg:s10], $0xAFFFF;
	_ =	strace $0x90000046  }
0xbd: {  	s29 =	simm.s32 $0x9;
	_ =	strace $0x80000048  }
0xbe: {  	_ =	swait.ge [sflag:s29], $0x1  }
0xbf: {  	[sflag:s29] =	ssyncadd.s32 $0xFFFFFFFF  }
0xc0: {  	_ =	strace $0x90000048  }
0xc1: {  	_ =	sfence  }
0xc2: {  	s30 =	sld [smem:$0x0];
	_ =	sdelay $0x2  }
0xc3: {  	s31 =	sshll.u32 s1, $0xD;
	s1 =	sshrl.u32 s1, $0x2  }
0xc4: {  	s3 =	sand.u32 $0x4000, s31;
	s1 =	sadd.s32 s1, s30  }
0xc5: {  	s0 =	sor.u32 s3, s0;
	s1 =	sshll.u32 s1, $0x11  }
0xc6: {  	s0 =	sor.u32 s1, s0  }
0xc7: {  	s0 =	sadd.s32 $0x8F2B, s0  }
0xc8: {  	[sflag:s0] =	ssyncadd.remote.s32 $0x1  }
0xc9: {  	_ =	sfence.sel $0xFFFF  }
0xca: {  	[dreg:$0x0] =	wrdreg $0xFFFFFFFF;
	(pc) =	sbr.abs _section_cstart, $3  }
0xcb: {  	[dreg:$0x1] =	wrdreg $0xFFFFFFFF  }
0xcc: {  	_ =	task.clear_ibuf [dreg:s10], $0x2FFFF;
	_ =	strace $0x9FFFFFFF  }
0xcd: {  	(tm) =	ssettm $0x7FFFFFFF  }
tec
execute0_lowered:
.L_overlay_start_1:
0x0: {  	(tag) =	ssettag $0x1  }
0x1: {  	s0 =	rddreg [dreg:$0x0]  }
0x2: {  	s1 =	rddreg [dreg:$0x1]  }
0x3: {  	s2 =	rddreg [dreg:$0x2]  }
0x4: {  	s5 =	rddreg [dreg:$0x4]  }
0x5: {  	s3 =	rddreg [dreg:$0x5]  }
0x6: {  	s4 =	rddreg [dreg:$0x6];
	s6 =	srdreg.scid  }
0x7: {  	s16 =	stileid.u32;
	s28 =	simm.s32 $0x1000;
	s29 =	simm.s32 $0x1  }
0x8: {  	s30 =	simm.s32 $0x5000;
	s31 =	simm.s32 $0x2;
	s9 =	smul.u32 $0x14000, s16  }
0x9: {  	s7 =	sand.u32 $0x1, s6;
	s6 =	simm.s32 $0x0;
	s12 =	smul.u32 $0x50000, s16  }
0xa: {  	s10 =	sadd.s32 $0x4400, s2;
	s11 =	sadd.s32 $0xE400, s2;
	s19 =	smul.u32 $0xA00, s16  }
0xb: {  	s23 =	sadd.s32 $0xE600, s2;
	s17 =	sshll.u32 s16, $0x1;
	s15 =	smul.u32 $0x500, s16  }
0xc: {  	s13 =	sshll.u32 s16, $0x6;
	s8 =	smul.u32 $0x140000, s7;
	[smem:$0x7FF] =	sst s6  }
0xd: {  	s24 =	ssub.s32 $0x2, s7;
	_ =	strace $0x80000047;
	[dreg:$0x8] =	wrdreg s11  }
0xe: {  	s16 =	smul.u32 $0x5000, s16;
	[dreg:$0x9] =	wrdreg s23;
	s25 =	sshrl.u32 s24, $0x1  }
0xf: {  	s18 =	sshrl.u32 s12, $0x2;
	s12 =	sshrl.u32 s19, $0x2;
	s8 =	sadd.s32 s9, s8  }
0x10: {  	s26 =	ssub.s32 s24, s25;
	s9 =	sor.u32 s7, s17;
	s11 =	sadd.s32 s18, s3  }
0x11: {  	s12 =	sadd.s32 s12, s4;
	s17 =	smul.u32 $0x2800, s7;
	s7 =	sshll.u32 s7, $0x7  }
0x12: {  	s8 =	sshrl.u32 s8, $0x3;
	s14 =	smul.u32 $0x2800, s9;
	s9 =	sor.u32 $0x1C07, s13  }
0x13: {  	[dreg:$0xa] =	wrdreg s12;
	s7 =	sor.u32 s7, s15;
	s2 =	sadd.s32 s8, s2  }
0x14: {  	s16 =	sadd.s32 s17, s16;
	s24 =	sshrl.u32 s7, $0x3;
	s17 =	smax.u32 s26, $0x1  }
0x15: {  	s20 =	sshrl.u32 s14, $0x3;
	s2 =	sadd.s32 $0xE800, s2;
	s25 =	sor.u32 $0x400, s16  }
0x16: {  	s16 =	sadd.s32 s5, s24;
	s5 =	simm.s32 $0x4;
	s24 =	simm.s32 $0x0  }
0x17: {  	s21 =	sadd.s32 s1, s20;
	s14 =	sor.u32 $0x80, s20;
	[dreg:$0xf] =	wrdreg s2  }
0x18: {  	s12 =	sadd.s32 s10, s20;
	s26 =	sshrl.u32 s25, $0x3;
	[dreg:$0xb] =	wrdreg s21  }
0x19: {  	s20 =	sshrl.u32 s11, $0x3;
	[dreg:$0xc] =	wrdreg s12;
	s22 =	sadd.s32 s1, s14  }
0x1a: {  	s23 =	sadd.s32 s10, s14;
	s7 =	sadd.s32 s26, s10;
	s19 =	sadd.s32 s26, s1  }
0x1b: {  	s21 =	simm.s32 $0x7;
	s26 =	simm.s32 $0x7D;
	[dreg:$0xd] =	wrdreg s22  }
0x1c: {  	s1 =	simm.s32 $0x3;
	[dreg:$0xe] =	wrdreg s23;
	s22 =	simm.s32 $0x9000  }
.LBB2_1:
0x1d: {  	s2 =	rddreg [dreg:$0x3]  }
0x1e: {  	[spmem:s20], [sflag:s9] =	dma.local [hbm:s2], $0x2800  }
0x1f: {  	_ =	swait.ge [sflag:s21], $0x2800  }
0x20: {  	[sflag:s21] =	ssyncset.done $0x0;
	s13 =	rddreg [dreg:$0xa]  }
0x21: {  	s14 =	rddreg [dreg:$0x8];
	[sflag:s21] =	ssyncadd.s32 $0xFFFFD800;
	s25 =	sshrl.u32 s13, $0x3  }
0x22: {  	[spmem:s25], [sflag:s9] =	dma.local [hbm:s14], $0x50  }
0x23: {  	_ =	swait.ge [sflag:s21], $0x50  }
0x24: {  	[sflag:s21] =	ssyncset.done $0x0  }
0x25: {  	s15 =	rddreg [dreg:$0x9];
	[sflag:s21] =	ssyncadd.s32 $0xFFFFFFB0  }
0x26: {  	[tilespmem:s22], [sflag:$0x7] =	stream.linear.gather [hbm4b:s15+s6], $0x80, $0x38;
	[tilespmem:$0x1D300] =	vst v63  }
0x27: {  	_ =	swait.ge [sflag:s21], $0x80  }
0x28: {  	[sflag:s21] =	ssyncset.done $0x0  }
0x29: {  	s18 =	rddreg [dreg:$0xb];
	[sflag:s21] =	ssyncadd.s32 $0xFFFFFF80  }
0x2a: {  	[tilespmem:s6], [sflag:$0x7] =	stream.linear.gather [hbm4b:s18+s6], $0x400, $0x38;
	[tilespmem:$0x1D300] =	vst v63  }
0x2b: {  	_ =	swait.ge [sflag:s21], $0x400  }
0x2c: {  	[sflag:s21] =	ssyncset.done $0x0  }
0x2d: {  	s8 =	simm.s32 $0x800;
	s23 =	rddreg [dreg:$0xc];
	[sflag:s21] =	ssyncadd.s32 $0xFFFFFC00  }
0x2e: {  	[tilespmem:s8], [sflag:$0x7] =	stream.linear.gather [hbm4b:s23+s6], $0x400, $0x38;
	[tilespmem:$0x1D300] =	vst v63  }
0x2f: {  	_ =	swait.ge [sflag:s21], $0x400  }
0x30: {  	[sflag:s21] =	ssyncset.done $0x0  }
0x31: {  	s10 =	simm.s32 $0x400;
	s8 =	rddreg [dreg:$0xd];
	[sflag:s21] =	ssyncadd.s32 $0xFFFFFC00  }
0x32: {  	[tilespmem:s10], [sflag:$0x6] =	stream.linear.gather [hbm4b:s8+s6], $0x400, $0x38;
	[tilespmem:$0x1D300] =	vst v63  }
0x33: {  	s12 =	simm.s32 $0xC00;
	s11 =	rddreg [dreg:$0xe]  }
0x34: {  	[tilespmem:s12], [sflag:$0x6] =	stream.linear.gather [hbm4b:s11+s6], $0x400, $0x38;
	[tilespmem:$0x1D300] =	vst v63  }
0x35: {  	[bflag:$0x0] =	sbarrier.arrive $0xFFFF  }
0x36: {  	[tilespmem:s28], [sflag:$0x1] =	stream.indirect.gather [hbm4b:s0+s26], $0x80, s6, s26, $0xb8;
	[tilespmem:$0x1D300] =	vst v63  }
0x37: {  	_ =	swait.ge [sflag:s29], $0x3E80  }
0x38: {  	p0 =	por $0x1, $0x1;
	[sflag:s29] =	ssyncset.done $0x0  }
0x39: {  	s10 =	simm.s32 @!p0 $0x4;
	[sflag:s29] =	ssyncadd.s32 $0xFFFFC180  }
0x3a: {  	s2 =	sand.u32 $0x1, s6;
	_ =	swait.ge @!p0 [sflag:s10], $0x3E80  }
0x3b: {  	s8 =	sshll.u32 s2, $0xA;
	[sflag:s10] =	ssyncset.done @!p0 $0x0  }
0x3c: {  	s13 =	sor.u32 $0x80, s8;
	[sflag:s10] =	ssyncadd.s32 @!p0 $0xFFFFC180  }
0x3d: {  	[tilespmem:s30], [sflag:$0x2] =	stream.indirect.gather [hbm4b:s0+s26], $0x80, s13, s26, $0xb8;
	[tilespmem:$0x1D300] =	vst v63  }
0x3e: {  	s11 =	sor.u32 $0x800, s8  }
0x3f: {  	[spmem:s3] =	stream.indirect.scatter.add.f32 [tilespmem:s28], [sflag:$0x3], $0x80, s11, s26, $0xb8;
	[tilespmem:$0x1D300] =	vst v63  }
0x40: {  	_ = 	snop  }
0x41: {  	[spmem:s4] =	stream.indirect.scatter.add.f32 [tilespmem:s22], [sflag:$0x7], $0x1, s11, s26, $0xb8;
	[tilespmem:$0x1D300] =	vst v63  }
0x42: {  	_ =	swait.ge [sflag:s21], $0x7D  }
0x43: {  	[sflag:s21] =	ssyncset.done $0x0  }
0x44: {  	[sflag:s21] =	ssyncadd.s32 $0xFFFFFF83  }
0x45: {  	_ =	swait.ge [sflag:s31], $0x3E80  }
0x46: {  	[sflag:s31] =	ssyncset.done $0x0  }
0x47: {  	p1 =	por @!p0 $0x0, $0x0;
	[sflag:s31] =	ssyncadd.s32 $0xFFFFC180  }
0x48: {  	p0 =	por p1, p0;
	_ =	swait.ge [sflag:s1], $0x3E80  }
0x49: {  	s18 =	simm.s32 @!p0 $0x0;
	s11 =	sxor.u32 @!p0 $0x1, s2;
	[sflag:s1] =	ssyncset.done $0x0  }
0x4a: {  	s23 =	sadd.s32 @!p0 $0x5, s11;
	s11 =	sshll.u32 @!p0 s11, $0xA;
	[sflag:s1] =	ssyncadd.s32 $0xFFFFC180  }
0x4b: {  	[tilespmem:s11], [sflag:s23] =	stream.linear.gather @!p0 [hbm4b:s19+s18], $0x400, $0x38;
	[tilespmem:$0x1D300] =	vst v63  }
0x4c: {  	s11 =	sor.u32 @!p0 $0x800, s11  }
0x4d: {  	[tilespmem:s11], [sflag:s23] =	stream.linear.gather @!p0 [hbm4b:s7+s18], $0x400, $0x38;
	[tilespmem:$0x1D300] =	vst v63  }
0x4e: {  	s14 =	sor.u32 $0x100, s8  }
0x4f: {  	[tilespmem:s28], [sflag:$0x1] =	stream.indirect.gather [hbm4b:s0+s26], $0x80, s14, s26, $0xb8;
	[tilespmem:$0x1D300] =	vst v63  }
0x50: {  	s10 =	sor.u32 $0x800, s13  }
0x51: {  	[spmem:s3] =	stream.indirect.scatter.add.f32 [tilespmem:s30], [sflag:$0x4], $0x80, s10, s26, $0xb8;
	[tilespmem:$0x1D300] =	vst v63  }
0x52: {  	_ = 	snop  }
0x53: {  	[spmem:s4] =	stream.indirect.scatter.add.f32 [tilespmem:s22], [sflag:$0x7], $0x1, s10, s26, $0xb8;
	[tilespmem:$0x1D300] =	vst v63  }
0x54: {  	_ =	swait.ge [sflag:s21], $0x7D  }
0x55: {  	[sflag:s21] =	ssyncset.done $0x0  }
0x56: {  	[sflag:s21] =	ssyncadd.s32 $0xFFFFFF83  }
0x57: {  	_ =	swait.ge [sflag:s29], $0x3E80  }
0x58: {  	[sflag:s29] =	ssyncset.done $0x0  }
0x59: {  	[sflag:s29] =	ssyncadd.s32 $0xFFFFC180  }
0x5a: {  	_ =	swait.ge [sflag:s5], $0x3E80  }
0x5b: {  	[sflag:s5] =	ssyncset.done $0x0  }
0x5c: {  	s15 =	sor.u32 $0x180, s8;
	[sflag:s5] =	ssyncadd.s32 $0xFFFFC180  }
0x5d: {  	[tilespmem:s30], [sflag:$0x2] =	stream.indirect.gather [hbm4b:s0+s26], $0x80, s15, s26, $0xb8;
	[tilespmem:$0x1D300] =	vst v63  }
0x5e: {  	s18 =	sor.u32 $0x900, s8  }
0x5f: {  	[spmem:s3] =	stream.indirect.scatter.add.f32 [tilespmem:s28], [sflag:$0x3], $0x80, s18, s26, $0xb8;
	[tilespmem:$0x1D300] =	vst v63  }
0x60: {  	_ = 	snop  }
0x61: {  	[spmem:s4] =	stream.indirect.scatter.add.f32 [tilespmem:s22], [sflag:$0x7], $0x1, s18, s26, $0xb8;
	[tilespmem:$0x1D300] =	vst v63  }
0x62: {  	_ =	swait.ge [sflag:s21], $0x7D  }
0x63: {  	[sflag:s21] =	ssyncset.done $0x0  }
0x64: {  	[sflag:s21] =	ssyncadd.s32 $0xFFFFFF83  }
0x65: {  	_ =	swait.ge [sflag:s31], $0x3E80  }
0x66: {  	[sflag:s31] =	ssyncset.done $0x0  }
0x67: {  	[sflag:s31] =	ssyncadd.s32 $0xFFFFC180  }
0x68: {  	_ =	swait.ge [sflag:s1], $0x3E80  }
0x69: {  	[sflag:s1] =	ssyncset.done $0x0  }
0x6a: {  	s23 =	sor.u32 $0x200, s8;
	[sflag:s1] =	ssyncadd.s32 $0xFFFFC180  }
0x6b: {  	[tilespmem:s28], [sflag:$0x1] =	stream.indirect.gather [hbm4b:s0+s26], $0x80, s23, s26, $0xb8;
	[tilespmem:$0x1D300] =	vst v63  }
0x6c: {  	s11 =	sor.u32 $0x980, s8  }
0x6d: {  	[spmem:s3] =	stream.indirect.scatter.add.f32 [tilespmem:s30], [sflag:$0x4], $0x80, s11, s26, $0xb8;
	[tilespmem:$0x1D300] =	vst v63  }
0x6e: {  	_ = 	snop  }
0x6f: {  	[spmem:s4] =	stream.indirect.scatter.add.f32 [tilespmem:s22], [sflag:$0x7], $0x1, s11, s26, $0xb8;
	[tilespmem:$0x1D300] =	vst v63  }
0x70: {  	_ =	swait.ge [sflag:s21], $0x7D  }
0x71: {  	[sflag:s21] =	ssyncset.done $0x0  }
0x72: {  	[sflag:s21] =	ssyncadd.s32 $0xFFFFFF83  }
0x73: {  	_ =	swait.ge [sflag:s29], $0x3E80  }
0x74: {  	[sflag:s29] =	ssyncset.done $0x0  }
0x75: {  	[sflag:s29] =	ssyncadd.s32 $0xFFFFC180  }
0x76: {  	_ =	swait.ge [sflag:s5], $0x3E80  }
0x77: {  	[sflag:s5] =	ssyncset.done $0x0  }
0x78: {  	s12 =	sor.u32 $0x280, s8;
	[sflag:s5] =	ssyncadd.s32 $0xFFFFC180  }
0x79: {  	[tilespmem:s30], [sflag:$0x2] =	stream.indirect.gather [hbm4b:s0+s26], $0x80, s12, s26, $0xb8;
	[tilespmem:$0x1D300] =	vst v63  }
0x7a: {  	s13 =	sor.u32 $0xA00, s8  }
0x7b: {  	[spmem:s3] =	stream.indirect.scatter.add.f32 [tilespmem:s28], [sflag:$0x3], $0x80, s13, s26, $0xb8;
	[tilespmem:$0x1D300] =	vst v63  }
0x7c: {  	_ = 	snop  }
0x7d: {  	[spmem:s4] =	stream.indirect.scatter.add.f32 [tilespmem:s22], [sflag:$0x7], $0x1, s13, s26, $0xb8;
	[tilespmem:$0x1D300] =	vst v63  }
0x7e: {  	_ =	swait.ge [sflag:s21], $0x7D  }
0x7f: {  	[sflag:s21] =	ssyncset.done $0x0  }
0x80: {  	[sflag:s21] =	ssyncadd.s32 $0xFFFFFF83  }
0x81: {  	_ =	swait.ge [sflag:s31], $0x3E80  }
0x82: {  	[sflag:s31] =	ssyncset.done $0x0  }
0x83: {  	[sflag:s31] =	ssyncadd.s32 $0xFFFFC180  }
0x84: {  	_ =	swait.ge [sflag:s1], $0x3E80  }
0x85: {  	[sflag:s1] =	ssyncset.done $0x0  }
0x86: {  	s14 =	sor.u32 $0x300, s8;
	[sflag:s1] =	ssyncadd.s32 $0xFFFFC180  }
0x87: {  	[tilespmem:s28], [sflag:$0x1] =	stream.indirect.gather [hbm4b:s0+s26], $0x80, s14, s26, $0xb8;
	[tilespmem:$0x1D300] =	vst v63  }
0x88: {  	s15 =	sor.u32 $0xA80, s8  }
0x89: {  	[spmem:s3] =	stream.indirect.scatter.add.f32 [tilespmem:s30], [sflag:$0x4], $0x80, s15, s26, $0xb8;
	[tilespmem:$0x1D300] =	vst v63  }
0x8a: {  	_ = 	snop  }
0x8b: {  	[spmem:s4] =	stream.indirect.scatter.add.f32 [tilespmem:s22], [sflag:$0x7], $0x1, s15, s26, $0xb8;
	[tilespmem:$0x1D300] =	vst v63  }
0x8c: {  	_ =	swait.ge [sflag:s21], $0x7D  }
0x8d: {  	[sflag:s21] =	ssyncset.done $0x0  }
0x8e: {  	[sflag:s21] =	ssyncadd.s32 $0xFFFFFF83  }
0x8f: {  	_ =	swait.ge [sflag:s29], $0x3E80  }
0x90: {  	[sflag:s29] =	ssyncset.done $0x0  }
0x91: {  	[sflag:s29] =	ssyncadd.s32 $0xFFFFC180  }
0x92: {  	_ =	swait.ge [sflag:s5], $0x3E80  }
0x93: {  	[sflag:s5] =	ssyncset.done $0x0  }
0x94: {  	s18 =	sor.u32 $0x380, s8;
	[sflag:s5] =	ssyncadd.s32 $0xFFFFC180  }
0x95: {  	[tilespmem:s30], [sflag:$0x2] =	stream.indirect.gather [hbm4b:s0+s26], $0x80, s18, s26, $0xb8;
	[tilespmem:$0x1D300] =	vst v63  }
0x96: {  	s8 =	sor.u32 $0xB00, s8  }
0x97: {  	[spmem:s3] =	stream.indirect.scatter.add.f32 [tilespmem:s28], [sflag:$0x3], $0x80, s8, s26, $0xb8;
	[tilespmem:$0x1D300] =	vst v63  }
0x98: {  	_ = 	snop  }
0x99: {  	[spmem:s4] =	stream.indirect.scatter.add.f32 [tilespmem:s22], [sflag:$0x7], $0x1, s8, s26, $0xb8;
	[tilespmem:$0x1D300] =	vst v63  }
0x9a: {  	_ =	swait.ge [sflag:s21], $0x7D  }
0x9b: {  	[sflag:s21] =	ssyncset.done $0x0  }
0x9c: {  	[sflag:s21] =	ssyncadd.s32 $0xFFFFFF83  }
0x9d: {  	_ =	swait.ge [sflag:s31], $0x3E80  }
0x9e: {  	[sflag:s31] =	ssyncset.done $0x0  }
0x9f: {  	[sflag:s31] =	ssyncadd.s32 $0xFFFFC180  }
0xa0: {  	p0 =	por $0x0, $0x0;
	_ =	swait.ge [sflag:s1], $0x3E80  }
0xa1: {  	s2 =	sxor.u32 @!p0 $0x1, s2;
	[sflag:s1] =	ssyncset.done $0x0  }
0xa2: {  	s8 =	sadd.s32 @!p0 $0x5, s2;
	[sflag:s1] =	ssyncadd.s32 $0xFFFFC180  }
0xa3: {  	_ =	swait.ge @!p0 [sflag:s8], $0x400  }
0xa4: {  	[sflag:s8] =	ssyncset.done @!p0 $0x0  }
0xa5: {  	[sflag:s8] =	ssyncadd.s32 @!p0 $0xFFFFFC00  }
0xa6: {  	_ =	swait.ge @!p0 [sflag:s8], $0x400  }
0xa7: {  	s11 =	simm.s32 @!p0 $0x1000;
	[sflag:s8] =	ssyncset.done @!p0 $0x0  }
0xa8: {  	s2 =	sshll.u32 @!p0 s2, $0xA;
	[sflag:s8] =	ssyncadd.s32 @!p0 $0xFFFFFC00;
	s8 =	simm.s32 @!p0 $0x7D  }
0xa9: {  	[tilespmem:s11], [sflag:$0x1] =	stream.indirect.gather @!p0 [hbm4b:s0+s8], $0x80, s2, s8, $0xb8;
	[tilespmem:$0x1D300] =	vst v63  }
0xaa: {  	s23 =	sor.u32 $0x800, s18  }
0xab: {  	[spmem:s3] =	stream.indirect.scatter.add.f32 [tilespmem:s30], [sflag:$0x4], $0x80, s23, s26, $0xb8;
	[tilespmem:$0x1D300] =	vst v63  }
0xac: {  	_ = 	snop  }
0xad: {  	[spmem:s4] =	stream.indirect.scatter.add.f32 [tilespmem:s22], [sflag:$0x7], $0x1, s23, s26, $0xb8;
	[tilespmem:$0x1D300] =	vst v63  }
0xae: {  	s18 =	smov.u32 s7;
	_ =	swait.ge [sflag:s21], $0x7D  }
0xaf: {  	s2 =	simm.s32 $0x1;
	s23 =	sadd.s32 $0x80, s19;
	[sflag:s21] =	ssyncset.done $0x0  }
.LBB2_2:
0xb0: {  	[sflag:s21] =	ssyncadd.s32 $0xFFFFFF83  }
0xb1: {  	s18 =	sadd.s32 $0x80, s18;
	s8 =	smov.u32 s2;
	s2 =	sadd.s32 $0x1, s2  }
0xb2: {  	p0 =	sne.s32 s2, $0xA  }
0xb3: {  	_ =	swait.ge [sflag:s29], $0x3E80  }
0xb4: {  	p2 =	seq.s32 s8, $0x0;
	[sflag:s29] =	ssyncset.done $0x0  }
0xb5: {  	s12 =	simm.s32 @!p2 $0x4;
	p3 =	seq.s32 @!p2 s8, $0x9;
	[sflag:s29] =	ssyncadd.s32 $0xFFFFC180  }
0xb6: {  	s13 =	sand.u32 $0x1, s8;
	p1 =	seq.s32 s8, $0x9;
	_ =	swait.ge @!p2 [sflag:s12], $0x3E80  }
0xb7: {  	s11 =	sshll.u32 s13, $0xA;
	s10 =	sxor.u32 @!p1 $0x1, s13;
	[sflag:s12] =	ssyncset.done @!p2 $0x0  }
0xb8: {  	s8 =	sshll.u32 @!p1 s10, $0xA;
	[sflag:s12] =	ssyncadd.s32 @!p2 $0xFFFFC180;
	s12 =	sor.u32 $0x80, s11  }
0xb9: {  	[tilespmem:s30], [sflag:$0x2] =	stream.indirect.gather [hbm4b:s0+s26], $0x80, s12, s26, $0xb8;
	[tilespmem:$0x1D300] =	vst v63  }
0xba: {  	s14 =	sor.u32 $0x800, s11  }
0xbb: {  	[spmem:s3] =	stream.indirect.scatter.add.f32 [tilespmem:s28], [sflag:$0x3], $0x80, s14, s26, $0xb8;
	[tilespmem:$0x1D300] =	vst v63  }
0xbc: {  	_ = 	snop  }
0xbd: {  	[spmem:s4] =	stream.indirect.scatter.add.f32 [tilespmem:s22], [sflag:$0x7], $0x1, s14, s26, $0xb8;
	[tilespmem:$0x1D300] =	vst v63  }
0xbe: {  	_ =	swait.ge [sflag:s21], $0x7D  }
0xbf: {  	[sflag:s21] =	ssyncset.done $0x0  }
0xc0: {  	[sflag:s21] =	ssyncadd.s32 $0xFFFFFF83  }
0xc1: {  	_ =	swait.ge [sflag:s31], $0x3E80  }
0xc2: {  	[sflag:s31] =	ssyncset.done $0x0  }
0xc3: {  	[sflag:s31] =	ssyncadd.s32 $0xFFFFC180  }
0xc4: {  	p2 =	por p3, p2;
	_ =	swait.ge [sflag:s1], $0x3E80  }
0xc5: {  	s13 =	sxor.u32 @!p2 $0x1, s13;
	s14 =	simm.s32 @!p2 $0x0;
	[sflag:s1] =	ssyncset.done $0x0  }
0xc6: {  	s15 =	sadd.s32 @!p2 $0x5, s13;
	s13 =	sshll.u32 @!p2 s13, $0xA;
	[sflag:s1] =	ssyncadd.s32 $0xFFFFC180  }
0xc7: {  	[tilespmem:s13], [sflag:s15] =	stream.linear.gather @!p2 [hbm4b:s23+s14], $0x400, $0x38;
	[tilespmem:$0x1D300] =	vst v63  }
0xc8: {  	s13 =	sor.u32 @!p2 $0x800, s13  }
0xc9: {  	[tilespmem:s13], [sflag:s15] =	stream.linear.gather @!p2 [hbm4b:s18+s14], $0x400, $0x38;
	[tilespmem:$0x1D300] =	vst v63  }
0xca: {  	s13 =	sor.u32 $0x100, s11  }
0xcb: {  	[tilespmem:s28], [sflag:$0x1] =	stream.indirect.gather [hbm4b:s0+s26], $0x80, s13, s26, $0xb8;
	[tilespmem:$0x1D300] =	vst v63  }
0xcc: {  	s12 =	sor.u32 $0x800, s12  }
0xcd: {  	[spmem:s3] =	stream.indirect.scatter.add.f32 [tilespmem:s30], [sflag:$0x4], $0x80, s12, s26, $0xb8;
	[tilespmem:$0x1D300] =	vst v63  }
0xce: {  	_ = 	snop  }
0xcf: {  	[spmem:s4] =	stream.indirect.scatter.add.f32 [tilespmem:s22], [sflag:$0x7], $0x1, s12, s26, $0xb8;
	[tilespmem:$0x1D300] =	vst v63  }
0xd0: {  	_ =	swait.ge [sflag:s21], $0x7D  }
0xd1: {  	[sflag:s21] =	ssyncset.done $0x0  }
0xd2: {  	[sflag:s21] =	ssyncadd.s32 $0xFFFFFF83  }
0xd3: {  	_ =	swait.ge [sflag:s29], $0x3E80  }
0xd4: {  	[sflag:s29] =	ssyncset.done $0x0  }
0xd5: {  	[sflag:s29] =	ssyncadd.s32 $0xFFFFC180  }
0xd6: {  	_ =	swait.ge [sflag:s5], $0x3E80  }
0xd7: {  	[sflag:s5] =	ssyncset.done $0x0  }
0xd8: {  	s12 =	sor.u32 $0x180, s11;
	[sflag:s5] =	ssyncadd.s32 $0xFFFFC180  }
0xd9: {  	[tilespmem:s30], [sflag:$0x2] =	stream.indirect.gather [hbm4b:s0+s26], $0x80, s12, s26, $0xb8;
	[tilespmem:$0x1D300] =	vst v63  }
0xda: {  	s12 =	sor.u32 $0x900, s11  }
0xdb: {  	[spmem:s3] =	stream.indirect.scatter.add.f32 [tilespmem:s28], [sflag:$0x3], $0x80, s12, s26, $0xb8;
	[tilespmem:$0x1D300] =	vst v63  }
0xdc: {  	_ = 	snop  }
0xdd: {  	[spmem:s4] =	stream.indirect.scatter.add.f32 [tilespmem:s22], [sflag:$0x7], $0x1, s12, s26, $0xb8;
	[tilespmem:$0x1D300] =	vst v63  }
0xde: {  	_ =	swait.ge [sflag:s21], $0x7D  }
0xdf: {  	[sflag:s21] =	ssyncset.done $0x0  }
0xe0: {  	[sflag:s21] =	ssyncadd.s32 $0xFFFFFF83  }
0xe1: {  	_ =	swait.ge [sflag:s31], $0x3E80  }
0xe2: {  	[sflag:s31] =	ssyncset.done $0x0  }
0xe3: {  	[sflag:s31] =	ssyncadd.s32 $0xFFFFC180  }
0xe4: {  	_ =	swait.ge [sflag:s1], $0x3E80  }
0xe5: {  	[sflag:s1] =	ssyncset.done $0x0  }
0xe6: {  	s12 =	sor.u32 $0x200, s11;
	[sflag:s1] =	ssyncadd.s32 $0xFFFFC180  }
0xe7: {  	[tilespmem:s28], [sflag:$0x1] =	stream.indirect.gather [hbm4b:s0+s26], $0x80, s12, s26, $0xb8;
	[tilespmem:$0x1D300] =	vst v63  }
0xe8: {  	s12 =	sor.u32 $0x980, s11  }
0xe9: {  	[spmem:s3] =	stream.indirect.scatter.add.f32 [tilespmem:s30], [sflag:$0x4], $0x80, s12, s26, $0xb8;
	[tilespmem:$0x1D300] =	vst v63  }
0xea: {  	_ = 	snop  }
0xeb: {  	[spmem:s4] =	stream.indirect.scatter.add.f32 [tilespmem:s22], [sflag:$0x7], $0x1, s12, s26, $0xb8;
	[tilespmem:$0x1D300] =	vst v63  }
0xec: {  	_ =	swait.ge [sflag:s21], $0x7D  }
0xed: {  	[sflag:s21] =	ssyncset.done $0x0  }
0xee: {  	[sflag:s21] =	ssyncadd.s32 $0xFFFFFF83  }
0xef: {  	_ =	swait.ge [sflag:s29], $0x3E80  }
0xf0: {  	[sflag:s29] =	ssyncset.done $0x0  }
0xf1: {  	[sflag:s29] =	ssyncadd.s32 $0xFFFFC180  }
0xf2: {  	_ =	swait.ge [sflag:s5], $0x3E80  }
0xf3: {  	[sflag:s5] =	ssyncset.done $0x0  }
0xf4: {  	s12 =	sor.u32 $0x280, s11;
	[sflag:s5] =	ssyncadd.s32 $0xFFFFC180  }
0xf5: {  	[tilespmem:s30], [sflag:$0x2] =	stream.indirect.gather [hbm4b:s0+s26], $0x80, s12, s26, $0xb8;
	[tilespmem:$0x1D300] =	vst v63  }
0xf6: {  	s12 =	sor.u32 $0xA00, s11  }
0xf7: {  	[spmem:s3] =	stream.indirect.scatter.add.f32 [tilespmem:s28], [sflag:$0x3], $0x80, s12, s26, $0xb8;
	[tilespmem:$0x1D300] =	vst v63  }
0xf8: {  	_ = 	snop  }
0xf9: {  	[spmem:s4] =	stream.indirect.scatter.add.f32 [tilespmem:s22], [sflag:$0x7], $0x1, s12, s26, $0xb8;
	[tilespmem:$0x1D300] =	vst v63  }
0xfa: {  	_ =	swait.ge [sflag:s21], $0x7D  }
0xfb: {  	[sflag:s21] =	ssyncset.done $0x0  }
0xfc: {  	[sflag:s21] =	ssyncadd.s32 $0xFFFFFF83  }
0xfd: {  	_ =	swait.ge [sflag:s31], $0x3E80  }
0xfe: {  	[sflag:s31] =	ssyncset.done $0x0  }
0xff: {  	[sflag:s31] =	ssyncadd.s32 $0xFFFFC180  }
0x100: {  	_ =	swait.ge [sflag:s1], $0x3E80  }
0x101: {  	[sflag:s1] =	ssyncset.done $0x0  }
0x102: {  	s12 =	sor.u32 $0x300, s11;
	[sflag:s1] =	ssyncadd.s32 $0xFFFFC180  }
0x103: {  	[tilespmem:s28], [sflag:$0x1] =	stream.indirect.gather [hbm4b:s0+s26], $0x80, s12, s26, $0xb8;
	[tilespmem:$0x1D300] =	vst v63  }
0x104: {  	s12 =	sor.u32 $0xA80, s11  }
0x105: {  	[spmem:s3] =	stream.indirect.scatter.add.f32 [tilespmem:s30], [sflag:$0x4], $0x80, s12, s26, $0xb8;
	[tilespmem:$0x1D300] =	vst v63  }
0x106: {  	_ = 	snop  }
0x107: {  	[spmem:s4] =	stream.indirect.scatter.add.f32 [tilespmem:s22], [sflag:$0x7], $0x1, s12, s26, $0xb8;
	[tilespmem:$0x1D300] =	vst v63  }
0x108: {  	_ =	swait.ge [sflag:s21], $0x7D  }
0x109: {  	[sflag:s21] =	ssyncset.done $0x0  }
0x10a: {  	[sflag:s21] =	ssyncadd.s32 $0xFFFFFF83  }
0x10b: {  	_ =	swait.ge [sflag:s29], $0x3E80  }
0x10c: {  	[sflag:s29] =	ssyncset.done $0x0  }
0x10d: {  	[sflag:s29] =	ssyncadd.s32 $0xFFFFC180  }
0x10e: {  	_ =	swait.ge [sflag:s5], $0x3E80  }
0x10f: {  	[sflag:s5] =	ssyncset.done $0x0  }
0x110: {  	s12 =	sor.u32 $0x380, s11;
	[sflag:s5] =	ssyncadd.s32 $0xFFFFC180  }
0x111: {  	[tilespmem:s30], [sflag:$0x2] =	stream.indirect.gather [hbm4b:s0+s26], $0x80, s12, s26, $0xb8;
	[tilespmem:$0x1D300] =	vst v63  }
0x112: {  	s11 =	sor.u32 $0xB00, s11  }
0x113: {  	[spmem:s3] =	stream.indirect.scatter.add.f32 [tilespmem:s28], [sflag:$0x3], $0x80, s11, s26, $0xb8;
	[tilespmem:$0x1D300] =	vst v63  }
0x114: {  	_ = 	snop  }
0x115: {  	[spmem:s4] =	stream.indirect.scatter.add.f32 [tilespmem:s22], [sflag:$0x7], $0x1, s11, s26, $0xb8;
	[tilespmem:$0x1D300] =	vst v63  }
0x116: {  	_ =	swait.ge [sflag:s21], $0x7D  }
0x117: {  	[sflag:s21] =	ssyncset.done $0x0  }
0x118: {  	[sflag:s21] =	ssyncadd.s32 $0xFFFFFF83  }
0x119: {  	_ =	swait.ge [sflag:s31], $0x3E80  }
0x11a: {  	[sflag:s31] =	ssyncset.done $0x0  }
0x11b: {  	[sflag:s31] =	ssyncadd.s32 $0xFFFFC180  }
0x11c: {  	_ =	swait.ge [sflag:s1], $0x3E80  }
0x11d: {  	[sflag:s1] =	ssyncset.done $0x0  }
0x11e: {  	s10 =	sadd.s32 @!p1 $0x5, s10;
	[sflag:s1] =	ssyncadd.s32 $0xFFFFC180  }
0x11f: {  	_ =	swait.ge @!p1 [sflag:s10], $0x400  }
0x120: {  	[sflag:s10] =	ssyncset.done @!p1 $0x0  }
0x121: {  	[sflag:s10] =	ssyncadd.s32 @!p1 $0xFFFFFC00  }
0x122: {  	_ =	swait.ge @!p1 [sflag:s10], $0x400  }
0x123: {  	[sflag:s10] =	ssyncset.done @!p1 $0x0  }
0x124: {  	s11 =	simm.s32 @!p1 $0x1000;
	[sflag:s10] =	ssyncadd.s32 @!p1 $0xFFFFFC00;
	s10 =	simm.s32 @!p1 $0x7D  }
0x125: {  	[tilespmem:s11], [sflag:$0x1] =	stream.indirect.gather @!p1 [hbm4b:s0+s10], $0x80, s8, s10, $0xb8;
	[tilespmem:$0x1D300] =	vst v63  }
0x126: {  	s8 =	sor.u32 $0x800, s12  }
0x127: {  	[spmem:s3] =	stream.indirect.scatter.add.f32 [tilespmem:s30], [sflag:$0x4], $0x80, s8, s26, $0xb8;
	[tilespmem:$0x1D300] =	vst v63  }
.Ltmp0:
0x128: {  	_ = 	snop;
	(pc) =	sbr.rel @p0 .LBB2_2-.Ltmp0, $4  }
0x129: {  	_ = 	snop  }
0x12a: {  	[spmem:s4] =	stream.indirect.scatter.add.f32 [tilespmem:s22], [sflag:$0x7], $0x1, s8, s26, $0xb8;
	[tilespmem:$0x1D300] =	vst v63  }
0x12b: {  	_ =	swait.ge [sflag:s21], $0x7D  }
0x12c: {  	s23 =	sadd.s32 $0x80, s23;
	[sflag:s21] =	ssyncset.done $0x0  }
0x12d: {  	[sflag:s21] =	ssyncadd.s32 $0xFFFFFF83  }
0x12e: {  	_ =	swait.ge [sflag:s5], $0x3E80  }
0x12f: {  	[sflag:s5] =	ssyncset.done $0x0  }
0x130: {  	[sflag:s5] =	ssyncadd.s32 $0xFFFFC180  }
0x131: {  	[bflag:$0x0] =	sbarrier.arrive $0xFFFF  }
0x132: {  	s2 =	rddreg [dreg:$0xf]  }
0x133: {  	[hbm:s2], [sflag:s9] =	dma.local [spmem:s20], $0x2800  }
0x134: {  	s24 =	sadd.s32 $0x1, s24;
	_ =	swait.ge [sflag:s21], $0x2800  }
0x135: {  	s23 =	simm.s32 $0x20;
	p0 =	sne.s32 s24, s17;
	[sflag:s21] =	ssyncset.done $0x0  }
.Ltmp1:
0x136: {  	s8 =	simm.s32 $0x10;
	[sflag:s21] =	ssyncadd.s32 $0xFFFFD800;
	(pc) =	sbr.rel @p0 .LBB2_1-.Ltmp1, $4  }
0x137: {  	[hbm:s16@s23], [sflag:s9] =	dma.strided [spmem:s25@s8], $0x50, s29, $0x10   }
0x138: {  	_ =	swait.ge [sflag:s21], $0x50  }
0x139: {  	[sflag:s21] =	ssyncset.done $0x0  }
0x13a: {  	[sflag:s21] =	ssyncadd.s32 $0xFFFFFFB0  }
0x13b: {  	_ =	sfence.sel $0x180000  }
0x13c: {  	[bflag:$0x0] =	sbarrier.arrive $0xFFFF  }
0x13d: {  	_ =	strace $0x90000047  }
0x13e: {  	s0 =	stileid.u32;
	[bflag:$0x2] =	sbarrier.arrive $0xFFFF  }
0x13f: {  	p0 =	sne.s32 s0, $0x0;
	s0 =	rddreg [dreg:$0x7]  }
0x140: {  	s0 =	sadd.s32 @!p0 $0x100000, s0  }
0x141: {  	[sflag:s0] =	ssyncadd.tile.s32 @!p0 $0x1;
	_ =	shalt  }
.Lfunc_end2:
_tile_overlayer_lowered:
.L_overlay_start_2:
0x142: {  	(tag) =	ssettag $0x2  }
0x143: {  	s0 =	rddreg [dreg:$0x0];
	s2 =	stileid.u32  }
0x144: {  	s1 =	rddreg [dreg:$0x1];
	p0 =	sne.s32 s2, $0x0  }
0x145: {  	s3 =	rddreg [dreg:$0x2];
	[bflag:$0x3] =	sbarrier.arrive $0xFFFF;
	s2 =	simm.s32 @!p0 $0x1C07  }
0x146: {  	[timem:s3], [sflag:s2] =	dma.local @!p0 [hbm:s0], s1  }
0x147: {  	s0 =	simm.s32 @!p0 $0x7  }
0x148: {  	_ =	swait.ge @!p0 [sflag:s0], s1  }
0x149: {  	s1 =	ssub.s32 @!p0 $0x0, s1;
	[sflag:s0] =	ssyncset.done @!p0 $0x0  }
0x14a: {  	[sflag:s0] =	ssyncadd.s32 @!p0 s1  }
0x14b: {  	[bflag:$0x3] =	sbarrier.arrive $0xFFFF  }
0x14c: {  	_ =	shalt  }

</sc_bundles>
